<compile_context>
chip_gen: v7x
topology: tpu7x:2x2x1
jax: 0.10.2.dev20260603
libtpu: 0.0.44.dev20260713+nightly
codegen_flags: <defaults>
</compile_context>

<pallas_src>
import jax
import jax.numpy as jnp
from jax import lax
from jax.experimental import pallas as pl
from jax.experimental.pallas import tpu as pltpu
from jax.experimental.pallas import tpu_sc as plsc

NN = 10000
EE = 320000
DD = 128
NC, NS, LANES = 2, 16, 16
NW = NC * NS
CHUNK = 128
GC = 8
EP = 327680
NGR = EP // (GC * CHUNK)
PAIRG = NGR // NS
G0_BIG = 15
G0_SMALL = 11
NP = 10112
RPS = NP // NS
_WB = (128, 128, 128, 128, 120)


def _sc_aggregate(h, srcp, dstp, df, g0):
    mesh = plsc.VectorSubcoreMesh(core_axis_name="c", subcore_axis_name="s")
    g1 = PAIRG - g0
    kb = 8 if df == 16 else 2

    def body(h_ref, src_ref, dst_ref, part_ref, src_v, dst_v, rows_v, acc, sem):
        c = lax.axis_index("c")
        s = lax.axis_index("s")
        zv = jnp.zeros((LANES,), jnp.float32)

        @pl.loop(0, CHUNK)
        def _fill(i):
            for j in range(df // LANES):
                rows_v[i, pl.ds(j * LANES, LANES)] = zv

        base = s * RPS
        off = 0
        for sz in _WB:
            pltpu.sync_copy(rows_v.at[pl.ds(0, sz)], acc.at[pl.ds(base + off, sz)])
            off += sz
        plsc.subcore_barrier()

        cnt = jnp.where(c == 0, g0, g1)
        gbase = jnp.where(c == 0, s * g0, NS * g0 + s * g1)

        @pl.loop(0, cnt)
        def _blk(t):
            pltpu.sync_copy(src_ref.at[gbase + t], src_v)
            pltpu.sync_copy(dst_ref.at[gbase + t], dst_v)

            @pl.loop(0, GC // kb)
            def _chunk(g):
                gd = [pltpu.async_copy(h_ref.at[src_v.at[g * kb + b]],
                                       rows_v.at[pl.ds(b * CHUNK, CHUNK)], sem)
                      for b in range(kb)]
                for d in gd:
                    d.wait()
                sd = [pltpu.async_copy(rows_v.at[pl.ds(b * CHUNK, CHUNK)],
                                       acc.at[dst_v.at[g * kb + b]], sem,
                                       add=True)
                      for b in range(kb)]
                for d in sd:
                    d.wait()

        plsc.subcore_barrier()
        off = 0
        for sz in _WB:
            pltpu.sync_copy(acc.at[pl.ds(base + off, sz)], rows_v.at[pl.ds(0, sz)])
            pltpu.sync_copy(rows_v.at[pl.ds(0, sz)],
                            part_ref.at[c, pl.ds(base + off, sz)])
            off += sz

    fn = pl.kernel(
        body,
        out_type=jax.ShapeDtypeStruct((NC, NP, df), jnp.float32),
        mesh=mesh,
        scratch_types=(
            pltpu.VMEM((GC, CHUNK), jnp.int32),
            pltpu.VMEM((GC, CHUNK), jnp.int32),
            pltpu.VMEM((kb * CHUNK, df), jnp.float32),
            pltpu.VMEM_SHARED((NP, df), jnp.float32),
            pltpu.SemaphoreType.DMA,
        ),
        compiler_params=pltpu.CompilerParams(
            use_tc_tiling_on_sc=(df % 128 == 0)),
    )
    return fn(h, srcp, dstp)


def _gelu(x):
    return 0.5 * x * (1.0 + lax.erf(x * 0.7071067811865476))


def _ln(x, g, b):
    mu = jnp.mean(x, axis=-1, keepdims=True)
    xc = x - mu
    var = jnp.mean(xc * xc, axis=-1, keepdims=True)
    return xc * lax.rsqrt(var + 1e-5) * g + b


_R = 2000


def _tc_layer1(x, p, W, b, g, be):
    def body(h_ref, p_ref, W_ref, b_ref, g_ref, be_ref, o_ref, inv_ref):
        d = p_ref[0, :, DD:DD + 1] + p_ref[1, :, DD:DD + 1]
        inv = 1.0 / jnp.maximum(d, 1.0)
        neigh = (p_ref[0, :, :DD] + p_ref[1, :, :DD]) * inv
        W_ = W_ref[...]
        z = (jnp.dot(h_ref[...], W_[:DD], preferred_element_type=jnp.float32)
             + jnp.dot(neigh, W_[DD:], preferred_element_type=jnp.float32)
             + b_ref[...])
        o_ref[...] = _ln(_gelu(z), g_ref[...], be_ref[...])
        inv_ref[...] = inv

    vec = pl.BlockSpec((1, DD), lambda i: (0, 0))
    return pl.pallas_call(
        body,
        grid=(NN // _R,),
        in_specs=[
            pl.BlockSpec((_R, DD), lambda i: (i, 0)),
            pl.BlockSpec((NC, _R, DD + 16), lambda i: (0, i, 0)),
            pl.BlockSpec((2 * DD, DD), lambda i: (0, 0)),
            vec, vec, vec,
        ],
        out_specs=[pl.BlockSpec((_R, DD), lambda i: (i, 0)),
                   pl.BlockSpec((_R, 1), lambda i: (i, 0))],
        out_shape=[jax.ShapeDtypeStruct((NN, DD), jnp.float32),
                   jax.ShapeDtypeStruct((NN, 1), jnp.float32)],
    )(x, p, W, b.reshape(1, DD), g.reshape(1, DD), be.reshape(1, DD))


def _tc_layer2(h1, p, inv, W, b, g, be, W3, b3):
    def body(h_ref, p_ref, inv_ref, W_ref, b_ref, g_ref, be_ref, w3_ref,
             b3_ref, z3b_ref, a3_ref):
        neigh = (p_ref[0] + p_ref[1]) * inv_ref[...]
        W_ = W_ref[...]
        z = (jnp.dot(h_ref[...], W_[:DD], preferred_element_type=jnp.float32)
             + jnp.dot(neigh, W_[DD:], preferred_element_type=jnp.float32)
             + b_ref[...])
        h2 = _ln(_gelu(z), g_ref[...], be_ref[...])
        w3 = w3_ref[...]
        z3 = jnp.sum(h2 * w3[:, DD:], axis=-1, keepdims=True)
        z3b_ref[...] = jnp.broadcast_to(z3, (_R, 16))
        a3_ref[...] = (jnp.sum(h2 * w3[:, :DD], axis=-1, keepdims=True)
                       + b3_ref[...])

    vec = pl.BlockSpec((1, DD), lambda i: (0, 0))
    return pl.pallas_call(
        body,
        grid=(NN // _R,),
        in_specs=[
            pl.BlockSpec((_R, DD), lambda i: (i, 0)),
            pl.BlockSpec((NC, _R, DD), lambda i: (0, i, 0)),
            pl.BlockSpec((_R, 1), lambda i: (i, 0)),
            pl.BlockSpec((2 * DD, DD), lambda i: (0, 0)),
            vec, vec, vec,
            pl.BlockSpec((1, 2 * DD), lambda i: (0, 0)),
            pl.BlockSpec((1, 1), lambda i: (0, 0)),
        ],
        out_specs=[pl.BlockSpec((_R, 16), lambda i: (i, 0)),
                   pl.BlockSpec((_R, 1), lambda i: (i, 0))],
        out_shape=[jax.ShapeDtypeStruct((NN, 16), jnp.float32),
                   jax.ShapeDtypeStruct((NN, 1), jnp.float32)],
    )(h1, p, inv, W, b.reshape(1, DD), g.reshape(1, DD), be.reshape(1, DD),
      W3.reshape(2 * DD, 1).T, b3.reshape(1, 1))


def _tc_final(a3, p3, inv):
    def body(a3_ref, p3_ref, inv_ref, o_ref):
        sblk = p3_ref[0, :, 0:1] + p3_ref[1, :, 0:1]
        o_ref[...] = a3_ref[...] + sblk * inv_ref[...]

    return pl.pallas_call(
        body,
        grid=(NN // _R,),
        in_specs=[
            pl.BlockSpec((_R, 1), lambda i: (i, 0)),
            pl.BlockSpec((NC, _R, 16), lambda i: (0, i, 0)),
            pl.BlockSpec((_R, 1), lambda i: (i, 0)),
        ],
        out_specs=pl.BlockSpec((_R, 1), lambda i: (i, 0)),
        out_shape=jax.ShapeDtypeStruct((NN, 1), jnp.float32),
    )(a3, p3, inv)


def kernel(x, edge_index, W1, b1, g1, be1, W2, b2, g2, be2, W3, b3):
    src = edge_index[0].astype(jnp.int32)
    dst = edge_index[1].astype(jnp.int32)
    pad = EP - EE
    srcp = jnp.concatenate([src, jnp.zeros((pad,), jnp.int32)]
                           ).reshape(NGR, GC, CHUNK)
    dstp = jnp.concatenate([dst, jnp.full((pad,), NN, jnp.int32)]
                           ).reshape(NGR, GC, CHUNK)

    xt = jnp.concatenate([x, jnp.ones((NN, 16), jnp.float32)], axis=1)
    p1 = _sc_aggregate(xt, srcp, dstp, DD + 16, G0_BIG)
    h1, inv = _tc_layer1(x, p1, W1, b1, g1, be1)
    p2 = _sc_aggregate(h1, srcp, dstp, DD, G0_BIG)
    z3b, a3 = _tc_layer2(h1, p2, inv, W2, b2, g2, be2, W3, b3)
    p3 = _sc_aggregate(z3b, srcp, dstp, 16, G0_SMALL)
    return _tc_final(a3, p3, inv)

# --- scband reference (transcript-rebuilt; emitter-appended) ---
"""Pipeline reference for scband-hetero-graph-sage-11656541241917 (READ-ONLY COPY).

The authoritative reference and input builder live on the scoring server;
editing this copy changes nothing except your own understanding.
"""

import jax, jax.numpy as jnp
import numpy as np

N_NODES = 10000
N_EDGES = 320000
D = 128


def _layer_norm(x, gamma, beta, eps=1e-5):
    mu = jnp.mean(x, axis=-1, keepdims=True)
    var = jnp.mean((x - mu) ** 2, axis=-1, keepdims=True)
    return (x - mu) / jnp.sqrt(var + eps) * gamma + beta


def setup_inputs(seed: int = 0) -> dict:
    key = jax.random.key(seed)
    ks = jax.random.split(key, 12)
    x = jax.random.normal(ks[0], (N_NODES, D), dtype=jnp.float32)
    edge_index = jax.random.randint(ks[1], (2, N_EDGES), 0, N_NODES, dtype=jnp.int64)
    # SAGEConv fc: in = in_src + in_dst, weights stored as [in, out]
    W1 = jax.random.normal(ks[2], (2 * D, D), dtype=jnp.float32) * 0.02
    b1 = jnp.zeros((D,), dtype=jnp.float32)
    g1 = jnp.ones((D,), dtype=jnp.float32)
    be1 = jnp.zeros((D,), dtype=jnp.float32)
    W2 = jax.random.normal(ks[3], (2 * D, D), dtype=jnp.float32) * 0.02
    b2 = jnp.zeros((D,), dtype=jnp.float32)
    g2 = jnp.ones((D,), dtype=jnp.float32)
    be2 = jnp.zeros((D,), dtype=jnp.float32)
    W3 = jax.random.normal(ks[4], (2 * D, 1), dtype=jnp.float32) * 0.02
    b3 = jnp.zeros((1,), dtype=jnp.float32)
    return {"x": x, "edge_index": edge_index,
            "W1": W1, "b1": b1, "g1": g1, "be1": be1,
            "W2": W2, "b2": b2, "g2": g2, "be2": be2,
            "W3": W3, "b3": b3}


def reference(x, edge_index, W1, b1, g1, be1, W2, b2, g2, be2, W3, b3):
    src = edge_index[0]
    dst = edge_index[1]
    n = x.shape[0]
    deg = jax.ops.segment_sum(jnp.ones((src.shape[0],), jnp.float32), dst, num_segments=n)
    deg = jnp.maximum(deg, 1.0)[:, None]

    def sage(h, W, b, gamma, beta, use_act):
        # message: gather src feats; reduce: mean over mailbox
        m = h[src]
        neigh = jax.ops.segment_sum(m, dst, num_segments=n) / deg
        hcat = jnp.concatenate([h, neigh], axis=-1)  # (h_dst, h_neigh)
        out = hcat @ W + b
        if use_act:
            out = jax.nn.gelu(out, approximate=False)
            out = _layer_norm(out, gamma, beta)
        return out

    h = sage(x, W1, b1, g1, be1, True)   # conv1: gelu + LN
    h = sage(h, W2, b2, g2, be2, True)   # conv2: gelu + LN
    h = sage(h, W3, b3, None, None, False)  # conv3: no activation, no norm
    return h

if __name__ == "__main__":
    import jax
    _d = setup_inputs()
    print(jax.jit(kernel)(*tuple(_d.values())))

</pallas_src>

<mosaic_0001>
#map = affine_map<(d0, d1) -> (0, 0)>
#map1 = affine_map<(d0, d1) -> (0, 0, 0)>
module attributes {stable_mosaic.version = 14 : i64} {
  func.func @body(%arg0: i32, %arg1: i32, %arg2: memref<10000x128xf32, #tpu.memory_space<hbm>>, %arg3: memref<320x8x128xi32, #tpu.memory_space<hbm>>, %arg4: memref<320x8x128xi32, #tpu.memory_space<hbm>>, %arg5: memref<2x10112x128xf32, #tpu.memory_space<hbm>>, %arg6: memref<8x128xi32, #tpu.memory_space<vmem>>, %arg7: memref<8x128xi32, #tpu.memory_space<vmem>>, %arg8: memref<256x128xf32, #tpu.memory_space<vmem>>, %arg9: memref<10112x128xf32, #tpu.memory_space<vmem_shared>>, %arg10: memref<!tpu.dma_semaphore, #tpu.memory_space<semaphore_mem>>) attributes {dimension_semantics = [#tpu.dimension_semantics<core_parallel>, #tpu.dimension_semantics<subcore_parallel>], iteration_bounds = array<i64: 2, 16>, scalar_prefetch = 0 : i64, scratch_operands = 5 : i64, tpu.core_type = #tpu.core_type<sc_vector_subcore>, window_params = [{transform_indices = #map}, {transform_indices = #map1}, {transform_indices = #map1}, {transform_indices = #map1}]} {
    %broadcast_in_dim3A = arith.constant 0.000000e+00 : f32
    %broadcast_in_dim3A_0 = vector.broadcast %broadcast_in_dim3A : f32 to vector<16xf32>
    %scan3A = arith.constant 0 : i32
    %scan3A_1 = arith.constant 128 : i32
    %scan3A_2 = arith.addi %scan3A, %scan3A_1 : i32
    %scan3A_3 = arith.constant 1 : i32
    scf.for %scan3A_63 = %scan3A to %scan3A_2 step %scan3A_3  : i32 {
      %mul3A_64 = arith.constant 1 : i32
      %mul3A_65 = arith.muli %scan3A_63, %mul3A_64 : i32
      %add3A_66 = arith.constant 0 : i32
      %add3A_67 = arith.addi %add3A_66, %mul3A_65 : i32
      %swap3A = arith.index_cast %add3A_67 : i32 to index
      %swap3A_68 = arith.constant 0 : index
      %swap3A_69 = tpu.vector_load %arg8[%swap3A, %swap3A_68] {strides = array<i32>} : memref<256x128xf32, #tpu.memory_space<vmem>>, vector<1x16xf32>,
      %swap3A_70 = vector.shape_cast %swap3A_69 : vector<1x16xf32> to vector<16xf32>
      %swap3A_71 = vector.shape_cast %broadcast_in_dim3A_0 : vector<16xf32> to vector<1x16xf32>
      tpu.vector_store %arg8[%swap3A, %swap3A_68], %swap3A_71 {strides = array<i32>} : memref<256x128xf32, #tpu.memory_space<vmem>>, vector<1x16xf32>,
      %swap3A_72 = arith.index_cast %add3A_67 : i32 to index
      %swap3A_73 = arith.constant 16 : index
      %swap3A_74 = tpu.vector_load %arg8[%swap3A_72, %swap3A_73] {strides = array<i32>} : memref<256x128xf32, #tpu.memory_space<vmem>>, vector<1x16xf32>,
      %swap3A_75 = vector.shape_cast %swap3A_74 : vector<1x16xf32> to vector<16xf32>
      %swap3A_76 = vector.shape_cast %broadcast_in_dim3A_0 : vector<16xf32> to vector<1x16xf32>
      tpu.vector_store %arg8[%swap3A_72, %swap3A_73], %swap3A_76 {strides = array<i32>} : memref<256x128xf32, #tpu.memory_space<vmem>>, vector<1x16xf32>,
      %swap3A_77 = arith.index_cast %add3A_67 : i32 to index
      %swap3A_78 = arith.constant 32 : index
      %swap3A_79 = tpu.vector_load %arg8[%swap3A_77, %swap3A_78] {strides = array<i32>} : memref<256x128xf32, #tpu.memory_space<vmem>>, vector<1x16xf32>,
      %swap3A_80 = vector.shape_cast %swap3A_79 : vector<1x16xf32> to vector<16xf32>
      %swap3A_81 = vector.shape_cast %broadcast_in_dim3A_0 : vector<16xf32> to vector<1x16xf32>
      tpu.vector_store %arg8[%swap3A_77, %swap3A_78], %swap3A_81 {strides = array<i32>} : memref<256x128xf32, #tpu.memory_space<vmem>>, vector<1x16xf32>,
      %swap3A_82 = arith.index_cast %add3A_67 : i32 to index
      %swap3A_83 = arith.constant 48 : index
      %swap3A_84 = tpu.vector_load %arg8[%swap3A_82, %swap3A_83] {strides = array<i32>} : memref<256x128xf32, #tpu.memory_space<vmem>>, vector<1x16xf32>,
      %swap3A_85 = vector.shape_cast %swap3A_84 : vector<1x16xf32> to vector<16xf32>
      %swap3A_86 = vector.shape_cast %broadcast_in_dim3A_0 : vector<16xf32> to vector<1x16xf32>
      tpu.vector_store %arg8[%swap3A_82, %swap3A_83], %swap3A_86 {strides = array<i32>} : memref<256x128xf32, #tpu.memory_space<vmem>>, vector<1x16xf32>,
      %swap3A_87 = arith.index_cast %add3A_67 : i32 to index
      %swap3A_88 = arith.constant 64 : index
      %swap3A_89 = tpu.vector_load %arg8[%swap3A_87, %swap3A_88] {strides = array<i32>} : memref<256x128xf32, #tpu.memory_space<vmem>>, vector<1x16xf32>,
      %swap3A_90 = vector.shape_cast %swap3A_89 : vector<1x16xf32> to vector<16xf32>
      %swap3A_91 = vector.shape_cast %broadcast_in_dim3A_0 : vector<16xf32> to vector<1x16xf32>
      tpu.vector_store %arg8[%swap3A_87, %swap3A_88], %swap3A_91 {strides = array<i32>} : memref<256x128xf32, #tpu.memory_space<vmem>>, vector<1x16xf32>,
      %swap3A_92 = arith.index_cast %add3A_67 : i32 to index
      %swap3A_93 = arith.constant 80 : index
      %swap3A_94 = tpu.vector_load %arg8[%swap3A_92, %swap3A_93] {strides = array<i32>} : memref<256x128xf32, #tpu.memory_space<vmem>>, vector<1x16xf32>,
      %swap3A_95 = vector.shape_cast %swap3A_94 : vector<1x16xf32> to vector<16xf32>
      %swap3A_96 = vector.shape_cast %broadcast_in_dim3A_0 : vector<16xf32> to vector<1x16xf32>
      tpu.vector_store %arg8[%swap3A_92, %swap3A_93], %swap3A_96 {strides = array<i32>} : memref<256x128xf32, #tpu.memory_space<vmem>>, vector<1x16xf32>,
      %swap3A_97 = arith.index_cast %add3A_67 : i32 to index
      %swap3A_98 = arith.constant 96 : index
      %swap3A_99 = tpu.vector_load %arg8[%swap3A_97, %swap3A_98] {strides = array<i32>} : memref<256x128xf32, #tpu.memory_space<vmem>>, vector<1x16xf32>,
      %swap3A_100 = vector.shape_cast %swap3A_99 : vector<1x16xf32> to vector<16xf32>
      %swap3A_101 = vector.shape_cast %broadcast_in_dim3A_0 : vector<16xf32> to vector<1x16xf32>
      tpu.vector_store %arg8[%swap3A_97, %swap3A_98], %swap3A_101 {strides = array<i32>} : memref<256x128xf32, #tpu.memory_space<vmem>>, vector<1x16xf32>,
      %swap3A_102 = arith.index_cast %add3A_67 : i32 to index
      %swap3A_103 = arith.constant 112 : index
      %swap3A_104 = tpu.vector_load %arg8[%swap3A_102, %swap3A_103] {strides = array<i32>} : memref<256x128xf32, #tpu.memory_space<vmem>>, vector<1x16xf32>,
      %swap3A_105 = vector.shape_cast %swap3A_104 : vector<1x16xf32> to vector<16xf32>
      %swap3A_106 = vector.shape_cast %broadcast_in_dim3A_0 : vector<16xf32> to vector<1x16xf32>
      tpu.vector_store %arg8[%swap3A_102, %swap3A_103], %swap3A_106 {strides = array<i32>} : memref<256x128xf32, #tpu.memory_space<vmem>>, vector<1x16xf32>,
    }
    %scan3A_4 = arith.constant 128 : i32
    %mul3A = arith.constant 632 : i32
    %mul3A_5 = arith.muli %arg1, %mul3A : i32
    %add3A = arith.constant 0 : i32
    %add3A_6 = arith.addi %mul3A_5, %add3A : i32
    "tpu.region"() ({
      %run_scoped3A = tpu.sem_alloc : memref<!tpu.dma_semaphore, #tpu.memory_space<semaphore_mem>>
      %dma_start3A = arith.constant 0 : i32
      %dma_start3A_63 = arith.constant 0 : i32
      %dma_start3A_64 = tpu.memref_slice %arg8[%dma_start3A, %dma_start3A_63] : memref<256x128xf32, #tpu.memory_space<vmem>> -> memref<128x128xf32, #tpu.memory_space<vmem>>
      %dma_start3A_65 = arith.constant 0 : i32
      %dma_start3A_66 = tpu.memref_slice %arg9[%add3A_6, %dma_start3A_65] : memref<10112x128xf32, #tpu.memory_space<vmem_shared>> -> memref<128x128xf32, #tpu.memory_space<vmem_shared>>
      %dma_start3A_67 = arith.constant 0 : i32
      %dma_start3A_68 = tpu.memref_slice %arg9[%add3A_6, %dma_start3A_67] : memref<10112x128xf32, #tpu.memory_space<vmem_shared>> -> memref<128x128xf32, #tpu.memory_space<vmem_shared>>
      %dma_start3A_69 = arith.constant 0 : i32
      %dma_start3A_70 = arith.constant 0 : i32
      %dma_start3A_71 = tpu.memref_slice %arg8[%dma_start3A_69, %dma_start3A_70] : memref<256x128xf32, #tpu.memory_space<vmem>> -> memref<128x128xf32, #tpu.memory_space<vmem>>
      tpu.enqueue_dma source(%dma_start3A_71 : memref<128x128xf32, #tpu.memory_space<vmem>>) target(%dma_start3A_68 : memref<128x128xf32, #tpu.memory_space<vmem_shared>>) target_semaphore(%run_scoped3A : memref<!tpu.dma_semaphore, #tpu.memory_space<semaphore_mem>>)
      %dma_wait3A = arith.constant 0 : i32
      %dma_wait3A_72 = arith.constant 0 : i32
      %dma_wait3A_73 = tpu.memref_slice %arg8[%dma_wait3A, %dma_wait3A_72] : memref<256x128xf32, #tpu.memory_space<vmem>> -> memref<128x128xf32, #tpu.memory_space<vmem>>
      %dma_wait3A_74 = arith.constant 0 : i32
      %dma_wait3A_75 = tpu.memref_slice %arg9[%add3A_6, %dma_wait3A_74] : memref<10112x128xf32, #tpu.memory_space<vmem_shared>> -> memref<128x128xf32, #tpu.memory_space<vmem_shared>>
      %dma_wait3A_76 = arith.constant 0 : i32
      %dma_wait3A_77 = tpu.memref_slice %arg9[%add3A_6, %dma_wait3A_76] : memref<10112x128xf32, #tpu.memory_space<vmem_shared>> -> memref<128x128xf32, #tpu.memory_space<vmem_shared>>
      %dma_wait3A_78 = arith.constant 0 : i32
      %dma_wait3A_79 = arith.constant 0 : i32
      %dma_wait3A_80 = tpu.memref_slice %arg8[%dma_wait3A_78, %dma_wait3A_79] : memref<256x128xf32, #tpu.memory_space<vmem>> -> memref<128x128xf32, #tpu.memory_space<vmem>>
      tpu.wait_dma2 semaphore(%run_scoped3A : memref<!tpu.dma_semaphore, #tpu.memory_space<semaphore_mem>>) src(%dma_wait3A_80 : memref<128x128xf32, #tpu.memory_space<vmem>>) dst(%dma_wait3A_77 : memref<128x128xf32, #tpu.memory_space<vmem_shared>>)
      tpu.yield
    }) : () -> ()
    %add3A_7 = arith.constant 128 : i32
    %add3A_8 = arith.addi %mul3A_5, %add3A_7 : i32
    "tpu.region"() ({
      %run_scoped3A = tpu.sem_alloc : memref<!tpu.dma_semaphore, #tpu.memory_space<semaphore_mem>>
      %dma_start3A = arith.constant 0 : i32
      %dma_start3A_63 = arith.constant 0 : i32
      %dma_start3A_64 = tpu.memref_slice %arg8[%dma_start3A, %dma_start3A_63] : memref<256x128xf32, #tpu.memory_space<vmem>> -> memref<128x128xf32, #tpu.memory_space<vmem>>
      %dma_start3A_65 = arith.constant 0 : i32
      %dma_start3A_66 = tpu.memref_slice %arg9[%add3A_8, %dma_start3A_65] : memref<10112x128xf32, #tpu.memory_space<vmem_shared>> -> memref<128x128xf32, #tpu.memory_space<vmem_shared>>
      %dma_start3A_67 = arith.constant 0 : i32
      %dma_start3A_68 = tpu.memref_slice %arg9[%add3A_8, %dma_start3A_67] : memref<10112x128xf32, #tpu.memory_space<vmem_shared>> -> memref<128x128xf32, #tpu.memory_space<vmem_shared>>
      %dma_start3A_69 = arith.constant 0 : i32
      %dma_start3A_70 = arith.constant 0 : i32
      %dma_start3A_71 = tpu.memref_slice %arg8[%dma_start3A_69, %dma_start3A_70] : memref<256x128xf32, #tpu.memory_space<vmem>> -> memref<128x128xf32, #tpu.memory_space<vmem>>
      tpu.enqueue_dma source(%dma_start3A_71 : memref<128x128xf32, #tpu.memory_space<vmem>>) target(%dma_start3A_68 : memref<128x128xf32, #tpu.memory_space<vmem_shared>>) target_semaphore(%run_scoped3A : memref<!tpu.dma_semaphore, #tpu.memory_space<semaphore_mem>>)
      %dma_wait3A = arith.constant 0 : i32
      %dma_wait3A_72 = arith.constant 0 : i32
      %dma_wait3A_73 = tpu.memref_slice %arg8[%dma_wait3A, %dma_wait3A_72] : memref<256x128xf32, #tpu.memory_space<vmem>> -> memref<128x128xf32, #tpu.memory_space<vmem>>
      %dma_wait3A_74 = arith.constant 0 : i32
      %dma_wait3A_75 = tpu.memref_slice %arg9[%add3A_8, %dma_wait3A_74] : memref<10112x128xf32, #tpu.memory_space<vmem_shared>> -> memref<128x128xf32, #tpu.memory_space<vmem_shared>>
      %dma_wait3A_76 = arith.constant 0 : i32
      %dma_wait3A_77 = tpu.memref_slice %arg9[%add3A_8, %dma_wait3A_76] : memref<10112x128xf32, #tpu.memory_space<vmem_shared>> -> memref<128x128xf32, #tpu.memory_space<vmem_shared>>
      %dma_wait3A_78 = arith.constant 0 : i32
      %dma_wait3A_79 = arith.constant 0 : i32
      %dma_wait3A_80 = tpu.memref_slice %arg8[%dma_wait3A_78, %dma_wait3A_79] : memref<256x128xf32, #tpu.memory_space<vmem>> -> memref<128x128xf32, #tpu.memory_space<vmem>>
      tpu.wait_dma2 semaphore(%run_scoped3A : memref<!tpu.dma_semaphore, #tpu.memory_space<semaphore_mem>>) src(%dma_wait3A_80 : memref<128x128xf32, #tpu.memory_space<vmem>>) dst(%dma_wait3A_77 : memref<128x128xf32, #tpu.memory_space<vmem_shared>>)
      tpu.yield
    }) : () -> ()
    %add3A_9 = arith.constant 256 : i32
    %add3A_10 = arith.addi %mul3A_5, %add3A_9 : i32
    "tpu.region"() ({
      %run_scoped3A = tpu.sem_alloc : memref<!tpu.dma_semaphore, #tpu.memory_space<semaphore_mem>>
      %dma_start3A = arith.constant 0 : i32
      %dma_start3A_63 = arith.constant 0 : i32
      %dma_start3A_64 = tpu.memref_slice %arg8[%dma_start3A, %dma_start3A_63] : memref<256x128xf32, #tpu.memory_space<vmem>> -> memref<128x128xf32, #tpu.memory_space<vmem>>
      %dma_start3A_65 = arith.constant 0 : i32
      %dma_start3A_66 = tpu.memref_slice %arg9[%add3A_10, %dma_start3A_65] : memref<10112x128xf32, #tpu.memory_space<vmem_shared>> -> memref<128x128xf32, #tpu.memory_space<vmem_shared>>
      %dma_start3A_67 = arith.constant 0 : i32
      %dma_start3A_68 = tpu.memref_slice %arg9[%add3A_10, %dma_start3A_67] : memref<10112x128xf32, #tpu.memory_space<vmem_shared>> -> memref<128x128xf32, #tpu.memory_space<vmem_shared>>
      %dma_start3A_69 = arith.constant 0 : i32
      %dma_start3A_70 = arith.constant 0 : i32
      %dma_start3A_71 = tpu.memref_slice %arg8[%dma_start3A_69, %dma_start3A_70] : memref<256x128xf32, #tpu.memory_space<vmem>> -> memref<128x128xf32, #tpu.memory_space<vmem>>
      tpu.enqueue_dma source(%dma_start3A_71 : memref<128x128xf32, #tpu.memory_space<vmem>>) target(%dma_start3A_68 : memref<128x128xf32, #tpu.memory_space<vmem_shared>>) target_semaphore(%run_scoped3A : memref<!tpu.dma_semaphore, #tpu.memory_space<semaphore_mem>>)
      %dma_wait3A = arith.constant 0 : i32
      %dma_wait3A_72 = arith.constant 0 : i32
      %dma_wait3A_73 = tpu.memref_slice %arg8[%dma_wait3A, %dma_wait3A_72] : memref<256x128xf32, #tpu.memory_space<vmem>> -> memref<128x128xf32, #tpu.memory_space<vmem>>
      %dma_wait3A_74 = arith.constant 0 : i32
      %dma_wait3A_75 = tpu.memref_slice %arg9[%add3A_10, %dma_wait3A_74] : memref<10112x128xf32, #tpu.memory_space<vmem_shared>> -> memref<128x128xf32, #tpu.memory_space<vmem_shared>>
      %dma_wait3A_76 = arith.constant 0 : i32
      %dma_wait3A_77 = tpu.memref_slice %arg9[%add3A_10, %dma_wait3A_76] : memref<10112x128xf32, #tpu.memory_space<vmem_shared>> -> memref<128x128xf32, #tpu.memory_space<vmem_shared>>
      %dma_wait3A_78 = arith.constant 0 : i32
      %dma_wait3A_79 = arith.constant 0 : i32
      %dma_wait3A_80 = tpu.memref_slice %arg8[%dma_wait3A_78, %dma_wait3A_79] : memref<256x128xf32, #tpu.memory_space<vmem>> -> memref<128x128xf32, #tpu.memory_space<vmem>>
      tpu.wait_dma2 semaphore(%run_scoped3A : memref<!tpu.dma_semaphore, #tpu.memory_space<semaphore_mem>>) src(%dma_wait3A_80 : memref<128x128xf32, #tpu.memory_space<vmem>>) dst(%dma_wait3A_77 : memref<128x128xf32, #tpu.memory_space<vmem_shared>>)
      tpu.yield
    }) : () -> ()
    %add3A_11 = arith.constant 384 : i32
    %add3A_12 = arith.addi %mul3A_5, %add3A_11 : i32
    "tpu.region"() ({
      %run_scoped3A = tpu.sem_alloc : memref<!tpu.dma_semaphore, #tpu.memory_space<semaphore_mem>>
      %dma_start3A = arith.constant 0 : i32
      %dma_start3A_63 = arith.constant 0 : i32
      %dma_start3A_64 = tpu.memref_slice %arg8[%dma_start3A, %dma_start3A_63] : memref<256x128xf32, #tpu.memory_space<vmem>> -> memref<128x128xf32, #tpu.memory_space<vmem>>
      %dma_start3A_65 = arith.constant 0 : i32
      %dma_start3A_66 = tpu.memref_slice %arg9[%add3A_12, %dma_start3A_65] : memref<10112x128xf32, #tpu.memory_space<vmem_shared>> -> memref<128x128xf32, #tpu.memory_space<vmem_shared>>
      %dma_start3A_67 = arith.constant 0 : i32
      %dma_start3A_68 = tpu.memref_slice %arg9[%add3A_12, %dma_start3A_67] : memref<10112x128xf32, #tpu.memory_space<vmem_shared>> -> memref<128x128xf32, #tpu.memory_space<vmem_shared>>
      %dma_start3A_69 = arith.constant 0 : i32
      %dma_start3A_70 = arith.constant 0 : i32
      %dma_start3A_71 = tpu.memref_slice %arg8[%dma_start3A_69, %dma_start3A_70] : memref<256x128xf32, #tpu.memory_space<vmem>> -> memref<128x128xf32, #tpu.memory_space<vmem>>
      tpu.enqueue_dma source(%dma_start3A_71 : memref<128x128xf32, #tpu.memory_space<vmem>>) target(%dma_start3A_68 : memref<128x128xf32, #tpu.memory_space<vmem_shared>>) target_semaphore(%run_scoped3A : memref<!tpu.dma_semaphore, #tpu.memory_space<semaphore_mem>>)
      %dma_wait3A = arith.constant 0 : i32
      %dma_wait3A_72 = arith.constant 0 : i32
      %dma_wait3A_73 = tpu.memref_slice %arg8[%dma_wait3A, %dma_wait3A_72] : memref<256x128xf32, #tpu.memory_space<vmem>> -> memref<128x128xf32, #tpu.memory_space<vmem>>
      %dma_wait3A_74 = arith.constant 0 : i32
      %dma_wait3A_75 = tpu.memref_slice %arg9[%add3A_12, %dma_wait3A_74] : memref<10112x128xf32, #tpu.memory_space<vmem_shared>> -> memref<128x128xf32, #tpu.memory_space<vmem_shared>>
      %dma_wait3A_76 = arith.constant 0 : i32
      %dma_wait3A_77 = tpu.memref_slice %arg9[%add3A_12, %dma_wait3A_76] : memref<10112x128xf32, #tpu.memory_space<vmem_shared>> -> memref<128x128xf32, #tpu.memory_space<vmem_shared>>
      %dma_wait3A_78 = arith.constant 0 : i32
      %dma_wait3A_79 = arith.constant 0 : i32
      %dma_wait3A_80 = tpu.memref_slice %arg8[%dma_wait3A_78, %dma_wait3A_79] : memref<256x128xf32, #tpu.memory_space<vmem>> -> memref<128x128xf32, #tpu.memory_space<vmem>>
      tpu.wait_dma2 semaphore(%run_scoped3A : memref<!tpu.dma_semaphore, #tpu.memory_space<semaphore_mem>>) src(%dma_wait3A_80 : memref<128x128xf32, #tpu.memory_space<vmem>>) dst(%dma_wait3A_77 : memref<128x128xf32, #tpu.memory_space<vmem_shared>>)
      tpu.yield
    }) : () -> ()
    %add3A_13 = arith.constant 512 : i32
    %add3A_14 = arith.addi %mul3A_5, %add3A_13 : i32
    "tpu.region"() ({
      %run_scoped3A = tpu.sem_alloc : memref<!tpu.dma_semaphore, #tpu.memory_space<semaphore_mem>>
      %dma_start3A = arith.constant 0 : i32
      %dma_start3A_63 = arith.constant 0 : i32
      %dma_start3A_64 = tpu.memref_slice %arg8[%dma_start3A, %dma_start3A_63] : memref<256x128xf32, #tpu.memory_space<vmem>> -> memref<120x128xf32, #tpu.memory_space<vmem>>
      %dma_start3A_65 = arith.constant 0 : i32
      %dma_start3A_66 = tpu.memref_slice %arg9[%add3A_14, %dma_start3A_65] : memref<10112x128xf32, #tpu.memory_space<vmem_shared>> -> memref<120x128xf32, #tpu.memory_space<vmem_shared>>
      %dma_start3A_67 = arith.constant 0 : i32
      %dma_start3A_68 = tpu.memref_slice %arg9[%add3A_14, %dma_start3A_67] : memref<10112x128xf32, #tpu.memory_space<vmem_shared>> -> memref<120x128xf32, #tpu.memory_space<vmem_shared>>
      %dma_start3A_69 = arith.constant 0 : i32
      %dma_start3A_70 = arith.constant 0 : i32
      %dma_start3A_71 = tpu.memref_slice %arg8[%dma_start3A_69, %dma_start3A_70] : memref<256x128xf32, #tpu.memory_space<vmem>> -> memref<120x128xf32, #tpu.memory_space<vmem>>
      tpu.enqueue_dma source(%dma_start3A_71 : memref<120x128xf32, #tpu.memory_space<vmem>>) target(%dma_start3A_68 : memref<120x128xf32, #tpu.memory_space<vmem_shared>>) target_semaphore(%run_scoped3A : memref<!tpu.dma_semaphore, #tpu.memory_space<semaphore_mem>>)
      %dma_wait3A = arith.constant 0 : i32
      %dma_wait3A_72 = arith.constant 0 : i32
      %dma_wait3A_73 = tpu.memref_slice %arg8[%dma_wait3A, %dma_wait3A_72] : memref<256x128xf32, #tpu.memory_space<vmem>> -> memref<120x128xf32, #tpu.memory_space<vmem>>
      %dma_wait3A_74 = arith.constant 0 : i32
      %dma_wait3A_75 = tpu.memref_slice %arg9[%add3A_14, %dma_wait3A_74] : memref<10112x128xf32, #tpu.memory_space<vmem_shared>> -> memref<120x128xf32, #tpu.memory_space<vmem_shared>>
      %dma_wait3A_76 = arith.constant 0 : i32
      %dma_wait3A_77 = tpu.memref_slice %arg9[%add3A_14, %dma_wait3A_76] : memref<10112x128xf32, #tpu.memory_space<vmem_shared>> -> memref<120x128xf32, #tpu.memory_space<vmem_shared>>
      %dma_wait3A_78 = arith.constant 0 : i32
      %dma_wait3A_79 = arith.constant 0 : i32
      %dma_wait3A_80 = tpu.memref_slice %arg8[%dma_wait3A_78, %dma_wait3A_79] : memref<256x128xf32, #tpu.memory_space<vmem>> -> memref<120x128xf32, #tpu.memory_space<vmem>>
      tpu.wait_dma2 semaphore(%run_scoped3A : memref<!tpu.dma_semaphore, #tpu.memory_space<semaphore_mem>>) src(%dma_wait3A_80 : memref<120x128xf32, #tpu.memory_space<vmem>>) dst(%dma_wait3A_77 : memref<120x128xf32, #tpu.memory_space<vmem_shared>>)
      tpu.yield
    }) : () -> ()
    %barrier3A = arith.constant 0 : index
    tpu.barrier barrier_id(%barrier3A)
    %eq3A = arith.constant 0 : i32
    %eq3A_15 = arith.cmpi eq, %arg0, %eq3A : i32
    %jit3A = arith.constant 15 : i32
    %jit3A_16 = arith.constant 5 : i32
    %select_n3A = arith.select %eq3A_15, %jit3A, %jit3A_16 : i32
    %eq3A_17 = arith.constant 0 : i32
    %eq3A_18 = arith.cmpi eq, %arg0, %eq3A_17 : i32
    %mul3A_19 = arith.constant 15 : i32
    %mul3A_20 = arith.muli %arg1, %mul3A_19 : i32
    %mul3A_21 = arith.constant 5 : i32
    %mul3A_22 = arith.muli %arg1, %mul3A_21 : i32
    %add3A_23 = arith.constant 240 : i32
    %add3A_24 = arith.addi %add3A_23, %mul3A_22 : i32
    %select_n3A_25 = arith.select %eq3A_18, %mul3A_20, %add3A_24 : i32
    %sub3A = arith.constant 0 : i32
    %sub3A_26 = arith.subi %select_n3A, %sub3A : i32
    %sub3A_27 = arith.constant 1 : i32
    %sub3A_28 = arith.constant 1 : i32
    %sub3A_29 = arith.subi %sub3A_27, %sub3A_28 : i32
    %add3A_30 = arith.addi %sub3A_26, %sub3A_29 : i32
    %div3A = arith.constant 1 : i32
    %div3A_31 = arith.divsi %add3A_30, %div3A : i32
    %while3A = arith.constant 1 : i32
    %while3A_32 = arith.constant 0 : i32
    %while3A_33 = arith.constant 0 : i32
    %while3A_34 = arith.subi %div3A_31, %while3A_33 : i32
    %while3A_35 = arith.addi %while3A_33, %while3A_34 : i32
    %while3A_36 = arith.constant 1 : i32
    %while3A_37 = arith.divsi %while3A_34, %while3A_36 : i32
    %while3A_38 = arith.muli %while3A_37, %while3A_36 : i32
    %while3A_39 = arith.addi %while3A_33, %while3A_38 : i32
    %while3A_40 = arith.constant 1 : i32
    scf.for %while3A_63 = %while3A_33 to %while3A_39 step %while3A_40  : i32 {
      %mul3A_64 = arith.muli %while3A_63, %while3A : i32
      %add3A_65 = arith.addi %while3A_32, %mul3A_64 : i32
      %add3A_66 = arith.addi %select_n3A_25, %add3A_65 : i32
      "tpu.region"() ({
        %run_scoped3A = tpu.sem_alloc : memref<!tpu.dma_semaphore, #tpu.memory_space<semaphore_mem>>
        %dma_start3A = arith.constant 0 : i32
        %dma_start3A_73 = arith.constant 0 : i32
        %dma_start3A_74 = tpu.memref_slice %arg3[%add3A_66, %dma_start3A, %dma_start3A_73] : memref<320x8x128xi32, #tpu.memory_space<hbm>> -> memref<1x8x128xi32, #tpu.memory_space<hbm>>
        %dma_start3A_75 = tpu.memref_squeeze %dma_start3A_74 : memref<1x8x128xi32, #tpu.memory_space<hbm>> -> memref<8x128xi32, #tpu.memory_space<hbm>>
        %dma_start3A_76 = arith.constant 0 : i32
        %dma_start3A_77 = arith.constant 0 : i32
        %dma_start3A_78 = tpu.memref_slice %arg3[%add3A_66, %dma_start3A_76, %dma_start3A_77] : memref<320x8x128xi32, #tpu.memory_space<hbm>> -> memref<1x8x128xi32, #tpu.memory_space<hbm>>
        %dma_start3A_79 = tpu.memref_squeeze %dma_start3A_78 : memref<1x8x128xi32, #tpu.memory_space<hbm>> -> memref<8x128xi32, #tpu.memory_space<hbm>>
        tpu.enqueue_dma source(%dma_start3A_79 : memref<8x128xi32, #tpu.memory_space<hbm>>) target(%arg6 : memref<8x128xi32, #tpu.memory_space<vmem>>) target_semaphore(%run_scoped3A : memref<!tpu.dma_semaphore, #tpu.memory_space<semaphore_mem>>)
        %dma_wait3A = arith.constant 0 : i32
        %dma_wait3A_80 = arith.constant 0 : i32
        %dma_wait3A_81 = tpu.memref_slice %arg3[%add3A_66, %dma_wait3A, %dma_wait3A_80] : memref<320x8x128xi32, #tpu.memory_space<hbm>> -> memref<1x8x128xi32, #tpu.memory_space<hbm>>
        %dma_wait3A_82 = tpu.memref_squeeze %dma_wait3A_81 : memref<1x8x128xi32, #tpu.memory_space<hbm>> -> memref<8x128xi32, #tpu.memory_space<hbm>>
        %dma_wait3A_83 = arith.constant 0 : i32
        %dma_wait3A_84 = arith.constant 0 : i32
        %dma_wait3A_85 = tpu.memref_slice %arg3[%add3A_66, %dma_wait3A_83, %dma_wait3A_84] : memref<320x8x128xi32, #tpu.memory_space<hbm>> -> memref<1x8x128xi32, #tpu.memory_space<hbm>>
        %dma_wait3A_86 = tpu.memref_squeeze %dma_wait3A_85 : memref<1x8x128xi32, #tpu.memory_space<hbm>> -> memref<8x128xi32, #tpu.memory_space<hbm>>
        tpu.wait_dma2 semaphore(%run_scoped3A : memref<!tpu.dma_semaphore, #tpu.memory_space<semaphore_mem>>) src(%dma_wait3A_86 : memref<8x128xi32, #tpu.memory_space<hbm>>) dst(%arg6 : memref<8x128xi32, #tpu.memory_space<vmem>>)
        tpu.yield
      }) : () -> ()
      %add3A_67 = arith.addi %select_n3A_25, %add3A_65 : i32
      "tpu.region"() ({
        %run_scoped3A = tpu.sem_alloc : memref<!tpu.dma_semaphore, #tpu.memory_space<semaphore_mem>>
        %dma_start3A = arith.constant 0 : i32
        %dma_start3A_73 = arith.constant 0 : i32
        %dma_start3A_74 = tpu.memref_slice %arg4[%add3A_67, %dma_start3A, %dma_start3A_73] : memref<320x8x128xi32, #tpu.memory_space<hbm>> -> memref<1x8x128xi32, #tpu.memory_space<hbm>>
        %dma_start3A_75 = tpu.memref_squeeze %dma_start3A_74 : memref<1x8x128xi32, #tpu.memory_space<hbm>> -> memref<8x128xi32, #tpu.memory_space<hbm>>
        %dma_start3A_76 = arith.constant 0 : i32
        %dma_start3A_77 = arith.constant 0 : i32
        %dma_start3A_78 = tpu.memref_slice %arg4[%add3A_67, %dma_start3A_76, %dma_start3A_77] : memref<320x8x128xi32, #tpu.memory_space<hbm>> -> memref<1x8x128xi32, #tpu.memory_space<hbm>>
        %dma_start3A_79 = tpu.memref_squeeze %dma_start3A_78 : memref<1x8x128xi32, #tpu.memory_space<hbm>> -> memref<8x128xi32, #tpu.memory_space<hbm>>
        tpu.enqueue_dma source(%dma_start3A_79 : memref<8x128xi32, #tpu.memory_space<hbm>>) target(%arg7 : memref<8x128xi32, #tpu.memory_space<vmem>>) target_semaphore(%run_scoped3A : memref<!tpu.dma_semaphore, #tpu.memory_space<semaphore_mem>>)
        %dma_wait3A = arith.constant 0 : i32
        %dma_wait3A_80 = arith.constant 0 : i32
        %dma_wait3A_81 = tpu.memref_slice %arg4[%add3A_67, %dma_wait3A, %dma_wait3A_80] : memref<320x8x128xi32, #tpu.memory_space<hbm>> -> memref<1x8x128xi32, #tpu.memory_space<hbm>>
        %dma_wait3A_82 = tpu.memref_squeeze %dma_wait3A_81 : memref<1x8x128xi32, #tpu.memory_space<hbm>> -> memref<8x128xi32, #tpu.memory_space<hbm>>
        %dma_wait3A_83 = arith.constant 0 : i32
        %dma_wait3A_84 = arith.constant 0 : i32
        %dma_wait3A_85 = tpu.memref_slice %arg4[%add3A_67, %dma_wait3A_83, %dma_wait3A_84] : memref<320x8x128xi32, #tpu.memory_space<hbm>> -> memref<1x8x128xi32, #tpu.memory_space<hbm>>
        %dma_wait3A_86 = tpu.memref_squeeze %dma_wait3A_85 : memref<1x8x128xi32, #tpu.memory_space<hbm>> -> memref<8x128xi32, #tpu.memory_space<hbm>>
        tpu.wait_dma2 semaphore(%run_scoped3A : memref<!tpu.dma_semaphore, #tpu.memory_space<semaphore_mem>>) src(%dma_wait3A_86 : memref<8x128xi32, #tpu.memory_space<hbm>>) dst(%arg7 : memref<8x128xi32, #tpu.memory_space<vmem>>)
        tpu.yield
      }) : () -> ()
      %scan3A_68 = arith.constant 0 : i32
      %scan3A_69 = arith.constant 4 : i32
      %scan3A_70 = arith.addi %scan3A_68, %scan3A_69 : i32
      %scan3A_71 = arith.constant 1 : i32
      scf.for %scan3A_73 = %scan3A_68 to %scan3A_70 step %scan3A_71  : i32 {
        %mul3A_74 = arith.constant 1 : i32
        %mul3A_75 = arith.muli %scan3A_73, %mul3A_74 : i32
        %add3A_76 = arith.constant 0 : i32
        %add3A_77 = arith.addi %add3A_76, %mul3A_75 : i32
        %mul3A_78 = arith.constant 2 : i32
        %mul3A_79 = arith.muli %add3A_77, %mul3A_78 : i32
        %add3A_80 = arith.constant 0 : i32
        %add3A_81 = arith.addi %mul3A_79, %add3A_80 : i32
        %dma_start3A = arith.constant 0 : i32
        %dma_start3A_82 = arith.constant 0 : i32
        %dma_start3A_83 = tpu.memref_slice %arg8[%dma_start3A, %dma_start3A_82] : memref<256x128xf32, #tpu.memory_space<vmem>> -> memref<128x128xf32, #tpu.memory_space<vmem>>
        %dma_start3A_84 = arith.constant 0 : i32
        %dma_start3A_85 = tpu.memref_slice %arg6[%add3A_81, %dma_start3A_84] : memref<8x128xi32, #tpu.memory_space<vmem>> -> memref<1x128xi32, #tpu.memory_space<vmem>>
        %dma_start3A_86 = tpu.memref_squeeze %dma_start3A_85 : memref<1x128xi32, #tpu.memory_space<vmem>> -> memref<128xi32, #tpu.memory_space<vmem>>
        %dma_start3A_87 = arith.constant 0 : i32
        %dma_start3A_88 = arith.constant 0 : i32
        %dma_start3A_89 = tpu.memref_slice %arg2[%dma_start3A_87, %dma_start3A_88] : memref<10000x128xf32, #tpu.memory_space<hbm>> -> memref<10000x128xf32, #tpu.memory_space<hbm>>
        tpu.enqueue_indirect_dma source(%dma_start3A_89 : memref<10000x128xf32, #tpu.memory_space<hbm>>) target(%dma_start3A_83 : memref<128x128xf32, #tpu.memory_space<vmem>>) offsets(%dma_start3A_86 : memref<128xi32, #tpu.memory_space<vmem>>) semaphore(%arg10 : memref<!tpu.dma_semaphore, #tpu.memory_space<semaphore_mem>>)
        %mul3A_90 = arith.constant 2 : i32
        %mul3A_91 = arith.muli %add3A_77, %mul3A_90 : i32
        %add3A_92 = arith.constant 1 : i32
        %add3A_93 = arith.addi %mul3A_91, %add3A_92 : i32
        %dma_start3A_94 = arith.constant 128 : i32
        %dma_start3A_95 = arith.constant 0 : i32
        %dma_start3A_96 = tpu.memref_slice %arg8[%dma_start3A_94, %dma_start3A_95] : memref<256x128xf32, #tpu.memory_space<vmem>> -> memref<128x128xf32, #tpu.memory_space<vmem>>
        %dma_start3A_97 = arith.constant 0 : i32
        %dma_start3A_98 = tpu.memref_slice %arg6[%add3A_93, %dma_start3A_97] : memref<8x128xi32, #tpu.memory_space<vmem>> -> memref<1x128xi32, #tpu.memory_space<vmem>>
        %dma_start3A_99 = tpu.memref_squeeze %dma_start3A_98 : memref<1x128xi32, #tpu.memory_space<vmem>> -> memref<128xi32, #tpu.memory_space<vmem>>
        %dma_start3A_100 = arith.constant 0 : i32
        %dma_start3A_101 = arith.constant 0 : i32
        %dma_start3A_102 = tpu.memref_slice %arg2[%dma_start3A_100, %dma_start3A_101] : memref<10000x128xf32, #tpu.memory_space<hbm>> -> memref<10000x128xf32, #tpu.memory_space<hbm>>
        tpu.enqueue_indirect_dma source(%dma_start3A_102 : memref<10000x128xf32, #tpu.memory_space<hbm>>) target(%dma_start3A_96 : memref<128x128xf32, #tpu.memory_space<vmem>>) offsets(%dma_start3A_99 : memref<128xi32, #tpu.memory_space<vmem>>) semaphore(%arg10 : memref<!tpu.dma_semaphore, #tpu.memory_space<semaphore_mem>>)
        %dma_wait3A = arith.constant 0 : i32
        %dma_wait3A_103 = arith.constant 0 : i32
        %dma_wait3A_104 = tpu.memref_slice %arg8[%dma_wait3A, %dma_wait3A_103] : memref<256x128xf32, #tpu.memory_space<vmem>> -> memref<128x128xf32, #tpu.memory_space<vmem>>
        %dma_wait3A_105 = arith.constant 0 : i32
        %dma_wait3A_106 = tpu.memref_slice %arg6[%add3A_81, %dma_wait3A_105] : memref<8x128xi32, #tpu.memory_space<vmem>> -> memref<1x128xi32, #tpu.memory_space<vmem>>
        %dma_wait3A_107 = tpu.memref_squeeze %dma_wait3A_106 : memref<1x128xi32, #tpu.memory_space<vmem>> -> memref<128xi32, #tpu.memory_space<vmem>>
        %dma_wait3A_108 = arith.constant 0 : i32
        %dma_wait3A_109 = arith.constant 0 : i32
        %dma_wait3A_110 = tpu.memref_slice %arg2[%dma_wait3A_108, %dma_wait3A_109] : memref<10000x128xf32, #tpu.memory_space<hbm>> -> memref<10000x128xf32, #tpu.memory_space<hbm>>
        tpu.wait_indirect_dma semaphore(%arg10 : memref<!tpu.dma_semaphore, #tpu.memory_space<semaphore_mem>>) src(%dma_wait3A_110 : memref<10000x128xf32, #tpu.memory_space<hbm>>) dst(%dma_wait3A_104 : memref<128x128xf32, #tpu.memory_space<vmem>>)
        %dma_wait3A_111 = arith.constant 128 : i32
        %dma_wait3A_112 = arith.constant 0 : i32
        %dma_wait3A_113 = tpu.memref_slice %arg8[%dma_wait3A_111, %dma_wait3A_112] : memref<256x128xf32, #tpu.memory_space<vmem>> -> memref<128x128xf32, #tpu.memory_space<vmem>>
        %dma_wait3A_114 = arith.constant 0 : i32
        %dma_wait3A_115 = tpu.memref_slice %arg6[%add3A_93, %dma_wait3A_114] : memref<8x128xi32, #tpu.memory_space<vmem>> -> memref<1x128xi32, #tpu.memory_space<vmem>>
        %dma_wait3A_116 = tpu.memref_squeeze %dma_wait3A_115 : memref<1x128xi32, #tpu.memory_space<vmem>> -> memref<128xi32, #tpu.memory_space<vmem>>
        %dma_wait3A_117 = arith.constant 0 : i32
        %dma_wait3A_118 = arith.constant 0 : i32
        %dma_wait3A_119 = tpu.memref_slice %arg2[%dma_wait3A_117, %dma_wait3A_118] : memref<10000x128xf32, #tpu.memory_space<hbm>> -> memref<10000x128xf32, #tpu.memory_space<hbm>>
        tpu.wait_indirect_dma semaphore(%arg10 : memref<!tpu.dma_semaphore, #tpu.memory_space<semaphore_mem>>) src(%dma_wait3A_119 : memref<10000x128xf32, #tpu.memory_space<hbm>>) dst(%dma_wait3A_113 : memref<128x128xf32, #tpu.memory_space<vmem>>)
        %mul3A_120 = arith.constant 2 : i32
        %mul3A_121 = arith.muli %add3A_77, %mul3A_120 : i32
        %add3A_122 = arith.constant 0 : i32
        %add3A_123 = arith.addi %mul3A_121, %add3A_122 : i32
        %dma_start3A_124 = arith.constant 0 : i32
        %dma_start3A_125 = arith.constant 0 : i32
        %dma_start3A_126 = tpu.memref_slice %arg8[%dma_start3A_124, %dma_start3A_125] : memref<256x128xf32, #tpu.memory_space<vmem>> -> memref<128x128xf32, #tpu.memory_space<vmem>>
        %dma_start3A_127 = arith.constant 0 : i32
        %dma_start3A_128 = tpu.memref_slice %arg7[%add3A_123, %dma_start3A_127] : memref<8x128xi32, #tpu.memory_space<vmem>> -> memref<1x128xi32, #tpu.memory_space<vmem>>
        %dma_start3A_129 = tpu.memref_squeeze %dma_start3A_128 : memref<1x128xi32, #tpu.memory_space<vmem>> -> memref<128xi32, #tpu.memory_space<vmem>>
        %dma_start3A_130 = arith.constant 0 : i32
        %dma_start3A_131 = arith.constant 0 : i32
        %dma_start3A_132 = tpu.memref_slice %arg9[%dma_start3A_130, %dma_start3A_131] : memref<10112x128xf32, #tpu.memory_space<vmem_shared>> -> memref<10112x128xf32, #tpu.memory_space<vmem_shared>>
        tpu.enqueue_indirect_dma source(%dma_start3A_126 : memref<128x128xf32, #tpu.memory_space<vmem>>) target(%dma_start3A_132 : memref<10112x128xf32, #tpu.memory_space<vmem_shared>>) offsets(%dma_start3A_129 : memref<128xi32, #tpu.memory_space<vmem>>) semaphore(%arg10 : memref<!tpu.dma_semaphore, #tpu.memory_space<semaphore_mem>>) {add = true}
        %mul3A_133 = arith.constant 2 : i32
        %mul3A_134 = arith.muli %add3A_77, %mul3A_133 : i32
        %add3A_135 = arith.constant 1 : i32
        %add3A_136 = arith.addi %mul3A_134, %add3A_135 : i32
        %dma_start3A_137 = arith.constant 128 : i32
        %dma_start3A_138 = arith.constant 0 : i32
        %dma_start3A_139 = tpu.memref_slice %arg8[%dma_start3A_137, %dma_start3A_138] : memref<256x128xf32, #tpu.memory_space<vmem>> -> memref<128x128xf32, #tpu.memory_space<vmem>>
        %dma_start3A_140 = arith.constant 0 : i32
        %dma_start3A_141 = tpu.memref_slice %arg7[%add3A_136, %dma_start3A_140] : memref<8x128xi32, #tpu.memory_space<vmem>> -> memref<1x128xi32, #tpu.memory_space<vmem>>
        %dma_start3A_142 = tpu.memref_squeeze %dma_start3A_141 : memref<1x128xi32, #tpu.memory_space<vmem>> -> memref<128xi32, #tpu.memory_space<vmem>>
        %dma_start3A_143 = arith.constant 0 : i32
        %dma_start3A_144 = arith.constant 0 : i32
        %dma_start3A_145 = tpu.memref_slice %arg9[%dma_start3A_143, %dma_start3A_144] : memref<10112x128xf32, #tpu.memory_space<vmem_shared>> -> memref<10112x128xf32, #tpu.memory_space<vmem_shared>>
        tpu.enqueue_indirect_dma source(%dma_start3A_139 : memref<128x128xf32, #tpu.memory_space<vmem>>) target(%dma_start3A_145 : memref<10112x128xf32, #tpu.memory_space<vmem_shared>>) offsets(%dma_start3A_142 : memref<128xi32, #tpu.memory_space<vmem>>) semaphore(%arg10 : memref<!tpu.dma_semaphore, #tpu.memory_space<semaphore_mem>>) {add = true}
        %dma_wait3A_146 = arith.constant 0 : i32
        %dma_wait3A_147 = arith.constant 0 : i32
        %dma_wait3A_148 = tpu.memref_slice %arg8[%dma_wait3A_146, %dma_wait3A_147] : memref<256x128xf32, #tpu.memory_space<vmem>> -> memref<128x128xf32, #tpu.memory_space<vmem>>
        %dma_wait3A_149 = arith.constant 0 : i32
        %dma_wait3A_150 = tpu.memref_slice %arg7[%add3A_123, %dma_wait3A_149] : memref<8x128xi32, #tpu.memory_space<vmem>> -> memref<1x128xi32, #tpu.memory_space<vmem>>
        %dma_wait3A_151 = tpu.memref_squeeze %dma_wait3A_150 : memref<1x128xi32, #tpu.memory_space<vmem>> -> memref<128xi32, #tpu.memory_space<vmem>>
        %dma_wait3A_152 = arith.constant 0 : i32
        %dma_wait3A_153 = arith.constant 0 : i32
        %dma_wait3A_154 = tpu.memref_slice %arg9[%dma_wait3A_152, %dma_wait3A_153] : memref<10112x128xf32, #tpu.memory_space<vmem_shared>> -> memref<10112x128xf32, #tpu.memory_space<vmem_shared>>
        tpu.wait_indirect_dma semaphore(%arg10 : memref<!tpu.dma_semaphore, #tpu.memory_space<semaphore_mem>>) src(%dma_wait3A_148 : memref<128x128xf32, #tpu.memory_space<vmem>>) dst(%dma_wait3A_154 : memref<10112x128xf32, #tpu.memory_space<vmem_shared>>)
        %dma_wait3A_155 = arith.constant 128 : i32
        %dma_wait3A_156 = arith.constant 0 : i32
        %dma_wait3A_157 = tpu.memref_slice %arg8[%dma_wait3A_155, %dma_wait3A_156] : memref<256x128xf32, #tpu.memory_space<vmem>> -> memref<128x128xf32, #tpu.memory_space<vmem>>
        %dma_wait3A_158 = arith.constant 0 : i32
        %dma_wait3A_159 = tpu.memref_slice %arg7[%add3A_136, %dma_wait3A_158] : memref<8x128xi32, #tpu.memory_space<vmem>> -> memref<1x128xi32, #tpu.memory_space<vmem>>
        %dma_wait3A_160 = tpu.memref_squeeze %dma_wait3A_159 : memref<1x128xi32, #tpu.memory_space<vmem>> -> memref<128xi32, #tpu.memory_space<vmem>>
        %dma_wait3A_161 = arith.constant 0 : i32
        %dma_wait3A_162 = arith.constant 0 : i32
        %dma_wait3A_163 = tpu.memref_slice %arg9[%dma_wait3A_161, %dma_wait3A_162] : memref<10112x128xf32, #tpu.memory_space<vmem_shared>> -> memref<10112x128xf32, #tpu.memory_space<vmem_shared>>
        tpu.wait_indirect_dma semaphore(%arg10 : memref<!tpu.dma_semaphore, #tpu.memory_space<semaphore_mem>>) src(%dma_wait3A_157 : memref<128x128xf32, #tpu.memory_space<vmem>>) dst(%dma_wait3A_163 : memref<10112x128xf32, #tpu.memory_space<vmem_shared>>)
      }
      %scan3A_72 = arith.constant 4 : i32
    }
    %while3A_41 = arith.constant 1 : i32
    scf.for %while3A_63 = %while3A_39 to %while3A_35 step %while3A_41  : i32 {
      %mul3A_64 = arith.muli %while3A_63, %while3A : i32
      %add3A_65 = arith.addi %while3A_32, %mul3A_64 : i32
      %add3A_66 = arith.addi %select_n3A_25, %add3A_65 : i32
      "tpu.region"() ({
        %run_scoped3A = tpu.sem_alloc : memref<!tpu.dma_semaphore, #tpu.memory_space<semaphore_mem>>
        %dma_start3A = arith.constant 0 : i32
        %dma_start3A_73 = arith.constant 0 : i32
        %dma_start3A_74 = tpu.memref_slice %arg3[%add3A_66, %dma_start3A, %dma_start3A_73] : memref<320x8x128xi32, #tpu.memory_space<hbm>> -> memref<1x8x128xi32, #tpu.memory_space<hbm>>
        %dma_start3A_75 = tpu.memref_squeeze %dma_start3A_74 : memref<1x8x128xi32, #tpu.memory_space<hbm>> -> memref<8x128xi32, #tpu.memory_space<hbm>>
        %dma_start3A_76 = arith.constant 0 : i32
        %dma_start3A_77 = arith.constant 0 : i32
        %dma_start3A_78 = tpu.memref_slice %arg3[%add3A_66, %dma_start3A_76, %dma_start3A_77] : memref<320x8x128xi32, #tpu.memory_space<hbm>> -> memref<1x8x128xi32, #tpu.memory_space<hbm>>
        %dma_start3A_79 = tpu.memref_squeeze %dma_start3A_78 : memref<1x8x128xi32, #tpu.memory_space<hbm>> -> memref<8x128xi32, #tpu.memory_space<hbm>>
        tpu.enqueue_dma source(%dma_start3A_79 : memref<8x128xi32, #tpu.memory_space<hbm>>) target(%arg6 : memref<8x128xi32, #tpu.memory_space<vmem>>) target_semaphore(%run_scoped3A : memref<!tpu.dma_semaphore, #tpu.memory_space<semaphore_mem>>)
        %dma_wait3A = arith.constant 0 : i32
        %dma_wait3A_80 = arith.constant 0 : i32
        %dma_wait3A_81 = tpu.memref_slice %arg3[%add3A_66, %dma_wait3A, %dma_wait3A_80] : memref<320x8x128xi32, #tpu.memory_space<hbm>> -> memref<1x8x128xi32, #tpu.memory_space<hbm>>
        %dma_wait3A_82 = tpu.memref_squeeze %dma_wait3A_81 : memref<1x8x128xi32, #tpu.memory_space<hbm>> -> memref<8x128xi32, #tpu.memory_space<hbm>>
        %dma_wait3A_83 = arith.constant 0 : i32
        %dma_wait3A_84 = arith.constant 0 : i32
        %dma_wait3A_85 = tpu.memref_slice %arg3[%add3A_66, %dma_wait3A_83, %dma_wait3A_84] : memref<320x8x128xi32, #tpu.memory_space<hbm>> -> memref<1x8x128xi32, #tpu.memory_space<hbm>>
        %dma_wait3A_86 = tpu.memref_squeeze %dma_wait3A_85 : memref<1x8x128xi32, #tpu.memory_space<hbm>> -> memref<8x128xi32, #tpu.memory_space<hbm>>
        tpu.wait_dma2 semaphore(%run_scoped3A : memref<!tpu.dma_semaphore, #tpu.memory_space<semaphore_mem>>) src(%dma_wait3A_86 : memref<8x128xi32, #tpu.memory_space<hbm>>) dst(%arg6 : memref<8x128xi32, #tpu.memory_space<vmem>>)
        tpu.yield
      }) : () -> ()
      %add3A_67 = arith.addi %select_n3A_25, %add3A_65 : i32
      "tpu.region"() ({
        %run_scoped3A = tpu.sem_alloc : memref<!tpu.dma_semaphore, #tpu.memory_space<semaphore_mem>>
        %dma_start3A = arith.constant 0 : i32
        %dma_start3A_73 = arith.constant 0 : i32
        %dma_start3A_74 = tpu.memref_slice %arg4[%add3A_67, %dma_start3A, %dma_start3A_73] : memref<320x8x128xi32, #tpu.memory_space<hbm>> -> memref<1x8x128xi32, #tpu.memory_space<hbm>>
        %dma_start3A_75 = tpu.memref_squeeze %dma_start3A_74 : memref<1x8x128xi32, #tpu.memory_space<hbm>> -> memref<8x128xi32, #tpu.memory_space<hbm>>
        %dma_start3A_76 = arith.constant 0 : i32
        %dma_start3A_77 = arith.constant 0 : i32
        %dma_start3A_78 = tpu.memref_slice %arg4[%add3A_67, %dma_start3A_76, %dma_start3A_77] : memref<320x8x128xi32, #tpu.memory_space<hbm>> -> memref<1x8x128xi32, #tpu.memory_space<hbm>>
        %dma_start3A_79 = tpu.memref_squeeze %dma_start3A_78 : memref<1x8x128xi32, #tpu.memory_space<hbm>> -> memref<8x128xi32, #tpu.memory_space<hbm>>
        tpu.enqueue_dma source(%dma_start3A_79 : memref<8x128xi32, #tpu.memory_space<hbm>>) target(%arg7 : memref<8x128xi32, #tpu.memory_space<vmem>>) target_semaphore(%run_scoped3A : memref<!tpu.dma_semaphore, #tpu.memory_space<semaphore_mem>>)
        %dma_wait3A = arith.constant 0 : i32
        %dma_wait3A_80 = arith.constant 0 : i32
        %dma_wait3A_81 = tpu.memref_slice %arg4[%add3A_67, %dma_wait3A, %dma_wait3A_80] : memref<320x8x128xi32, #tpu.memory_space<hbm>> -> memref<1x8x128xi32, #tpu.memory_space<hbm>>
        %dma_wait3A_82 = tpu.memref_squeeze %dma_wait3A_81 : memref<1x8x128xi32, #tpu.memory_space<hbm>> -> memref<8x128xi32, #tpu.memory_space<hbm>>
        %dma_wait3A_83 = arith.constant 0 : i32
        %dma_wait3A_84 = arith.constant 0 : i32
        %dma_wait3A_85 = tpu.memref_slice %arg4[%add3A_67, %dma_wait3A_83, %dma_wait3A_84] : memref<320x8x128xi32, #tpu.memory_space<hbm>> -> memref<1x8x128xi32, #tpu.memory_space<hbm>>
        %dma_wait3A_86 = tpu.memref_squeeze %dma_wait3A_85 : memref<1x8x128xi32, #tpu.memory_space<hbm>> -> memref<8x128xi32, #tpu.memory_space<hbm>>
        tpu.wait_dma2 semaphore(%run_scoped3A : memref<!tpu.dma_semaphore, #tpu.memory_space<semaphore_mem>>) src(%dma_wait3A_86 : memref<8x128xi32, #tpu.memory_space<hbm>>) dst(%arg7 : memref<8x128xi32, #tpu.memory_space<vmem>>)
        tpu.yield
      }) : () -> ()
      %scan3A_68 = arith.constant 0 : i32
      %scan3A_69 = arith.constant 4 : i32
      %scan3A_70 = arith.addi %scan3A_68, %scan3A_69 : i32
      %scan3A_71 = arith.constant 1 : i32
      scf.for %scan3A_73 = %scan3A_68 to %scan3A_70 step %scan3A_71  : i32 {
        %mul3A_74 = arith.constant 1 : i32
        %mul3A_75 = arith.muli %scan3A_73, %mul3A_74 : i32
        %add3A_76 = arith.constant 0 : i32
        %add3A_77 = arith.addi %add3A_76, %mul3A_75 : i32
        %mul3A_78 = arith.constant 2 : i32
        %mul3A_79 = arith.muli %add3A_77, %mul3A_78 : i32
        %add3A_80 = arith.constant 0 : i32
        %add3A_81 = arith.addi %mul3A_79, %add3A_80 : i32
        %dma_start3A = arith.constant 0 : i32
        %dma_start3A_82 = arith.constant 0 : i32
        %dma_start3A_83 = tpu.memref_slice %arg8[%dma_start3A, %dma_start3A_82] : memref<256x128xf32, #tpu.memory_space<vmem>> -> memref<128x128xf32, #tpu.memory_space<vmem>>
        %dma_start3A_84 = arith.constant 0 : i32
        %dma_start3A_85 = tpu.memref_slice %arg6[%add3A_81, %dma_start3A_84] : memref<8x128xi32, #tpu.memory_space<vmem>> -> memref<1x128xi32, #tpu.memory_space<vmem>>
        %dma_start3A_86 = tpu.memref_squeeze %dma_start3A_85 : memref<1x128xi32, #tpu.memory_space<vmem>> -> memref<128xi32, #tpu.memory_space<vmem>>
        %dma_start3A_87 = arith.constant 0 : i32
        %dma_start3A_88 = arith.constant 0 : i32
        %dma_start3A_89 = tpu.memref_slice %arg2[%dma_start3A_87, %dma_start3A_88] : memref<10000x128xf32, #tpu.memory_space<hbm>> -> memref<10000x128xf32, #tpu.memory_space<hbm>>
        tpu.enqueue_indirect_dma source(%dma_start3A_89 : memref<10000x128xf32, #tpu.memory_space<hbm>>) target(%dma_start3A_83 : memref<128x128xf32, #tpu.memory_space<vmem>>) offsets(%dma_start3A_86 : memref<128xi32, #tpu.memory_space<vmem>>) semaphore(%arg10 : memref<!tpu.dma_semaphore, #tpu.memory_space<semaphore_mem>>)
        %mul3A_90 = arith.constant 2 : i32
        %mul3A_91 = arith.muli %add3A_77, %mul3A_90 : i32
        %add3A_92 = arith.constant 1 : i32
        %add3A_93 = arith.addi %mul3A_91, %add3A_92 : i32
        %dma_start3A_94 = arith.constant 128 : i32
        %dma_start3A_95 = arith.constant 0 : i32
        %dma_start3A_96 = tpu.memref_slice %arg8[%dma_start3A_94, %dma_start3A_95] : memref<256x128xf32, #tpu.memory_space<vmem>> -> memref<128x128xf32, #tpu.memory_space<vmem>>
        %dma_start3A_97 = arith.constant 0 : i32
        %dma_start3A_98 = tpu.memref_slice %arg6[%add3A_93, %dma_start3A_97] : memref<8x128xi32, #tpu.memory_space<vmem>> -> memref<1x128xi32, #tpu.memory_space<vmem>>
        %dma_start3A_99 = tpu.memref_squeeze %dma_start3A_98 : memref<1x128xi32, #tpu.memory_space<vmem>> -> memref<128xi32, #tpu.memory_space<vmem>>
        %dma_start3A_100 = arith.constant 0 : i32
        %dma_start3A_101 = arith.constant 0 : i32
        %dma_start3A_102 = tpu.memref_slice %arg2[%dma_start3A_100, %dma_start3A_101] : memref<10000x128xf32, #tpu.memory_space<hbm>> -> memref<10000x128xf32, #tpu.memory_space<hbm>>
        tpu.enqueue_indirect_dma source(%dma_start3A_102 : memref<10000x128xf32, #tpu.memory_space<hbm>>) target(%dma_start3A_96 : memref<128x128xf32, #tpu.memory_space<vmem>>) offsets(%dma_start3A_99 : memref<128xi32, #tpu.memory_space<vmem>>) semaphore(%arg10 : memref<!tpu.dma_semaphore, #tpu.memory_space<semaphore_mem>>)
        %dma_wait3A = arith.constant 0 : i32
        %dma_wait3A_103 = arith.constant 0 : i32
        %dma_wait3A_104 = tpu.memref_slice %arg8[%dma_wait3A, %dma_wait3A_103] : memref<256x128xf32, #tpu.memory_space<vmem>> -> memref<128x128xf32, #tpu.memory_space<vmem>>
        %dma_wait3A_105 = arith.constant 0 : i32
        %dma_wait3A_106 = tpu.memref_slice %arg6[%add3A_81, %dma_wait3A_105] : memref<8x128xi32, #tpu.memory_space<vmem>> -> memref<1x128xi32, #tpu.memory_space<vmem>>
        %dma_wait3A_107 = tpu.memref_squeeze %dma_wait3A_106 : memref<1x128xi32, #tpu.memory_space<vmem>> -> memref<128xi32, #tpu.memory_space<vmem>>
        %dma_wait3A_108 = arith.constant 0 : i32
        %dma_wait3A_109 = arith.constant 0 : i32
        %dma_wait3A_110 = tpu.memref_slice %arg2[%dma_wait3A_108, %dma_wait3A_109] : memref<10000x128xf32, #tpu.memory_space<hbm>> -> memref<10000x128xf32, #tpu.memory_space<hbm>>
        tpu.wait_indirect_dma semaphore(%arg10 : memref<!tpu.dma_semaphore, #tpu.memory_space<semaphore_mem>>) src(%dma_wait3A_110 : memref<10000x128xf32, #tpu.memory_space<hbm>>) dst(%dma_wait3A_104 : memref<128x128xf32, #tpu.memory_space<vmem>>)
        %dma_wait3A_111 = arith.constant 128 : i32
        %dma_wait3A_112 = arith.constant 0 : i32
        %dma_wait3A_113 = tpu.memref_slice %arg8[%dma_wait3A_111, %dma_wait3A_112] : memref<256x128xf32, #tpu.memory_space<vmem>> -> memref<128x128xf32, #tpu.memory_space<vmem>>
        %dma_wait3A_114 = arith.constant 0 : i32
        %dma_wait3A_115 = tpu.memref_slice %arg6[%add3A_93, %dma_wait3A_114] : memref<8x128xi32, #tpu.memory_space<vmem>> -> memref<1x128xi32, #tpu.memory_space<vmem>>
        %dma_wait3A_116 = tpu.memref_squeeze %dma_wait3A_115 : memref<1x128xi32, #tpu.memory_space<vmem>> -> memref<128xi32, #tpu.memory_space<vmem>>
        %dma_wait3A_117 = arith.constant 0 : i32
        %dma_wait3A_118 = arith.constant 0 : i32
        %dma_wait3A_119 = tpu.memref_slice %arg2[%dma_wait3A_117, %dma_wait3A_118] : memref<10000x128xf32, #tpu.memory_space<hbm>> -> memref<10000x128xf32, #tpu.memory_space<hbm>>
        tpu.wait_indirect_dma semaphore(%arg10 : memref<!tpu.dma_semaphore, #tpu.memory_space<semaphore_mem>>) src(%dma_wait3A_119 : memref<10000x128xf32, #tpu.memory_space<hbm>>) dst(%dma_wait3A_113 : memref<128x128xf32, #tpu.memory_space<vmem>>)
        %mul3A_120 = arith.constant 2 : i32
        %mul3A_121 = arith.muli %add3A_77, %mul3A_120 : i32
        %add3A_122 = arith.constant 0 : i32
        %add3A_123 = arith.addi %mul3A_121, %add3A_122 : i32
        %dma_start3A_124 = arith.constant 0 : i32
        %dma_start3A_125 = arith.constant 0 : i32
        %dma_start3A_126 = tpu.memref_slice %arg8[%dma_start3A_124, %dma_start3A_125] : memref<256x128xf32, #tpu.memory_space<vmem>> -> memref<128x128xf32, #tpu.memory_space<vmem>>
        %dma_start3A_127 = arith.constant 0 : i32
        %dma_start3A_128 = tpu.memref_slice %arg7[%add3A_123, %dma_start3A_127] : memref<8x128xi32, #tpu.memory_space<vmem>> -> memref<1x128xi32, #tpu.memory_space<vmem>>
        %dma_start3A_129 = tpu.memref_squeeze %dma_start3A_128 : memref<1x128xi32, #tpu.memory_space<vmem>> -> memref<128xi32, #tpu.memory_space<vmem>>
        %dma_start3A_130 = arith.constant 0 : i32
        %dma_start3A_131 = arith.constant 0 : i32
        %dma_start3A_132 = tpu.memref_slice %arg9[%dma_start3A_130, %dma_start3A_131] : memref<10112x128xf32, #tpu.memory_space<vmem_shared>> -> memref<10112x128xf32, #tpu.memory_space<vmem_shared>>
        tpu.enqueue_indirect_dma source(%dma_start3A_126 : memref<128x128xf32, #tpu.memory_space<vmem>>) target(%dma_start3A_132 : memref<10112x128xf32, #tpu.memory_space<vmem_shared>>) offsets(%dma_start3A_129 : memref<128xi32, #tpu.memory_space<vmem>>) semaphore(%arg10 : memref<!tpu.dma_semaphore, #tpu.memory_space<semaphore_mem>>) {add = true}
        %mul3A_133 = arith.constant 2 : i32
        %mul3A_134 = arith.muli %add3A_77, %mul3A_133 : i32
        %add3A_135 = arith.constant 1 : i32
        %add3A_136 = arith.addi %mul3A_134, %add3A_135 : i32
        %dma_start3A_137 = arith.constant 128 : i32
        %dma_start3A_138 = arith.constant 0 : i32
        %dma_start3A_139 = tpu.memref_slice %arg8[%dma_start3A_137, %dma_start3A_138] : memref<256x128xf32, #tpu.memory_space<vmem>> -> memref<128x128xf32, #tpu.memory_space<vmem>>
        %dma_start3A_140 = arith.constant 0 : i32
        %dma_start3A_141 = tpu.memref_slice %arg7[%add3A_136, %dma_start3A_140] : memref<8x128xi32, #tpu.memory_space<vmem>> -> memref<1x128xi32, #tpu.memory_space<vmem>>
        %dma_start3A_142 = tpu.memref_squeeze %dma_start3A_141 : memref<1x128xi32, #tpu.memory_space<vmem>> -> memref<128xi32, #tpu.memory_space<vmem>>
        %dma_start3A_143 = arith.constant 0 : i32
        %dma_start3A_144 = arith.constant 0 : i32
        %dma_start3A_145 = tpu.memref_slice %arg9[%dma_start3A_143, %dma_start3A_144] : memref<10112x128xf32, #tpu.memory_space<vmem_shared>> -> memref<10112x128xf32, #tpu.memory_space<vmem_shared>>
        tpu.enqueue_indirect_dma source(%dma_start3A_139 : memref<128x128xf32, #tpu.memory_space<vmem>>) target(%dma_start3A_145 : memref<10112x128xf32, #tpu.memory_space<vmem_shared>>) offsets(%dma_start3A_142 : memref<128xi32, #tpu.memory_space<vmem>>) semaphore(%arg10 : memref<!tpu.dma_semaphore, #tpu.memory_space<semaphore_mem>>) {add = true}
        %dma_wait3A_146 = arith.constant 0 : i32
        %dma_wait3A_147 = arith.constant 0 : i32
        %dma_wait3A_148 = tpu.memref_slice %arg8[%dma_wait3A_146, %dma_wait3A_147] : memref<256x128xf32, #tpu.memory_space<vmem>> -> memref<128x128xf32, #tpu.memory_space<vmem>>
        %dma_wait3A_149 = arith.constant 0 : i32
        %dma_wait3A_150 = tpu.memref_slice %arg7[%add3A_123, %dma_wait3A_149] : memref<8x128xi32, #tpu.memory_space<vmem>> -> memref<1x128xi32, #tpu.memory_space<vmem>>
        %dma_wait3A_151 = tpu.memref_squeeze %dma_wait3A_150 : memref<1x128xi32, #tpu.memory_space<vmem>> -> memref<128xi32, #tpu.memory_space<vmem>>
        %dma_wait3A_152 = arith.constant 0 : i32
        %dma_wait3A_153 = arith.constant 0 : i32
        %dma_wait3A_154 = tpu.memref_slice %arg9[%dma_wait3A_152, %dma_wait3A_153] : memref<10112x128xf32, #tpu.memory_space<vmem_shared>> -> memref<10112x128xf32, #tpu.memory_space<vmem_shared>>
        tpu.wait_indirect_dma semaphore(%arg10 : memref<!tpu.dma_semaphore, #tpu.memory_space<semaphore_mem>>) src(%dma_wait3A_148 : memref<128x128xf32, #tpu.memory_space<vmem>>) dst(%dma_wait3A_154 : memref<10112x128xf32, #tpu.memory_space<vmem_shared>>)
        %dma_wait3A_155 = arith.constant 128 : i32
        %dma_wait3A_156 = arith.constant 0 : i32
        %dma_wait3A_157 = tpu.memref_slice %arg8[%dma_wait3A_155, %dma_wait3A_156] : memref<256x128xf32, #tpu.memory_space<vmem>> -> memref<128x128xf32, #tpu.memory_space<vmem>>
        %dma_wait3A_158 = arith.constant 0 : i32
        %dma_wait3A_159 = tpu.memref_slice %arg7[%add3A_136, %dma_wait3A_158] : memref<8x128xi32, #tpu.memory_space<vmem>> -> memref<1x128xi32, #tpu.memory_space<vmem>>
        %dma_wait3A_160 = tpu.memref_squeeze %dma_wait3A_159 : memref<1x128xi32, #tpu.memory_space<vmem>> -> memref<128xi32, #tpu.memory_space<vmem>>
        %dma_wait3A_161 = arith.constant 0 : i32
        %dma_wait3A_162 = arith.constant 0 : i32
        %dma_wait3A_163 = tpu.memref_slice %arg9[%dma_wait3A_161, %dma_wait3A_162] : memref<10112x128xf32, #tpu.memory_space<vmem_shared>> -> memref<10112x128xf32, #tpu.memory_space<vmem_shared>>
        tpu.wait_indirect_dma semaphore(%arg10 : memref<!tpu.dma_semaphore, #tpu.memory_space<semaphore_mem>>) src(%dma_wait3A_157 : memref<128x128xf32, #tpu.memory_space<vmem>>) dst(%dma_wait3A_163 : memref<10112x128xf32, #tpu.memory_space<vmem_shared>>)
      }
      %scan3A_72 = arith.constant 4 : i32
    }
    %barrier3A_42 = arith.constant 0 : index
    tpu.barrier barrier_id(%barrier3A_42)
    %add3A_43 = arith.constant 0 : i32
    %add3A_44 = arith.addi %mul3A_5, %add3A_43 : i32
    "tpu.region"() ({
      %run_scoped3A = tpu.sem_alloc : memref<!tpu.dma_semaphore, #tpu.memory_space<semaphore_mem>>
      %dma_start3A = arith.constant 0 : i32
      %dma_start3A_63 = arith.constant 0 : i32
      %dma_start3A_64 = tpu.memref_slice %arg8[%dma_start3A, %dma_start3A_63] : memref<256x128xf32, #tpu.memory_space<vmem>> -> memref<128x128xf32, #tpu.memory_space<vmem>>
      %dma_start3A_65 = arith.constant 0 : i32
      %dma_start3A_66 = tpu.memref_slice %arg9[%add3A_44, %dma_start3A_65] : memref<10112x128xf32, #tpu.memory_space<vmem_shared>> -> memref<128x128xf32, #tpu.memory_space<vmem_shared>>
      %dma_start3A_67 = arith.constant 0 : i32
      %dma_start3A_68 = arith.constant 0 : i32
      %dma_start3A_69 = tpu.memref_slice %arg8[%dma_start3A_67, %dma_start3A_68] : memref<256x128xf32, #tpu.memory_space<vmem>> -> memref<128x128xf32, #tpu.memory_space<vmem>>
      %dma_start3A_70 = arith.constant 0 : i32
      %dma_start3A_71 = tpu.memref_slice %arg9[%add3A_44, %dma_start3A_70] : memref<10112x128xf32, #tpu.memory_space<vmem_shared>> -> memref<128x128xf32, #tpu.memory_space<vmem_shared>>
      tpu.enqueue_dma source(%dma_start3A_71 : memref<128x128xf32, #tpu.memory_space<vmem_shared>>) target(%dma_start3A_69 : memref<128x128xf32, #tpu.memory_space<vmem>>) target_semaphore(%run_scoped3A : memref<!tpu.dma_semaphore, #tpu.memory_space<semaphore_mem>>)
      %dma_wait3A = arith.constant 0 : i32
      %dma_wait3A_72 = arith.constant 0 : i32
      %dma_wait3A_73 = tpu.memref_slice %arg8[%dma_wait3A, %dma_wait3A_72] : memref<256x128xf32, #tpu.memory_space<vmem>> -> memref<128x128xf32, #tpu.memory_space<vmem>>
      %dma_wait3A_74 = arith.constant 0 : i32
      %dma_wait3A_75 = tpu.memref_slice %arg9[%add3A_44, %dma_wait3A_74] : memref<10112x128xf32, #tpu.memory_space<vmem_shared>> -> memref<128x128xf32, #tpu.memory_space<vmem_shared>>
      %dma_wait3A_76 = arith.constant 0 : i32
      %dma_wait3A_77 = arith.constant 0 : i32
      %dma_wait3A_78 = tpu.memref_slice %arg8[%dma_wait3A_76, %dma_wait3A_77] : memref<256x128xf32, #tpu.memory_space<vmem>> -> memref<128x128xf32, #tpu.memory_space<vmem>>
      %dma_wait3A_79 = arith.constant 0 : i32
      %dma_wait3A_80 = tpu.memref_slice %arg9[%add3A_44, %dma_wait3A_79] : memref<10112x128xf32, #tpu.memory_space<vmem_shared>> -> memref<128x128xf32, #tpu.memory_space<vmem_shared>>
      tpu.wait_dma2 semaphore(%run_scoped3A : memref<!tpu.dma_semaphore, #tpu.memory_space<semaphore_mem>>) src(%dma_wait3A_80 : memref<128x128xf32, #tpu.memory_space<vmem_shared>>) dst(%dma_wait3A_78 : memref<128x128xf32, #tpu.memory_space<vmem>>)
      tpu.yield
    }) : () -> ()
    %add3A_45 = arith.constant 0 : i32
    %add3A_46 = arith.addi %mul3A_5, %add3A_45 : i32
    "tpu.region"() ({
      %run_scoped3A = tpu.sem_alloc : memref<!tpu.dma_semaphore, #tpu.memory_space<semaphore_mem>>
      %dma_start3A = arith.constant 0 : i32
      %dma_start3A_63 = arith.constant 0 : i32
      %dma_start3A_64 = tpu.memref_slice %arg8[%dma_start3A, %dma_start3A_63] : memref<256x128xf32, #tpu.memory_space<vmem>> -> memref<128x128xf32, #tpu.memory_space<vmem>>
      %dma_start3A_65 = arith.constant 0 : i32
      %dma_start3A_66 = tpu.memref_slice %arg5[%arg0, %add3A_46, %dma_start3A_65] : memref<2x10112x128xf32, #tpu.memory_space<hbm>> -> memref<1x128x128xf32, #tpu.memory_space<hbm>>
      %dma_start3A_67 = tpu.memref_squeeze %dma_start3A_66 : memref<1x128x128xf32, #tpu.memory_space<hbm>> -> memref<128x128xf32, #tpu.memory_space<hbm>>
      %dma_start3A_68 = arith.constant 0 : i32
      %dma_start3A_69 = tpu.memref_slice %arg5[%arg0, %add3A_46, %dma_start3A_68] : memref<2x10112x128xf32, #tpu.memory_space<hbm>> -> memref<1x128x128xf32, #tpu.memory_space<hbm>>
      %dma_start3A_70 = tpu.memref_squeeze %dma_start3A_69 : memref<1x128x128xf32, #tpu.memory_space<hbm>> -> memref<128x128xf32, #tpu.memory_space<hbm>>
      %dma_start3A_71 = arith.constant 0 : i32
      %dma_start3A_72 = arith.constant 0 : i32
      %dma_start3A_73 = tpu.memref_slice %arg8[%dma_start3A_71, %dma_start3A_72] : memref<256x128xf32, #tpu.memory_space<vmem>> -> memref<128x128xf32, #tpu.memory_space<vmem>>
      tpu.enqueue_dma source(%dma_start3A_73 : memref<128x128xf32, #tpu.memory_space<vmem>>) target(%dma_start3A_70 : memref<128x128xf32, #tpu.memory_space<hbm>>) target_semaphore(%run_scoped3A : memref<!tpu.dma_semaphore, #tpu.memory_space<semaphore_mem>>)
      %dma_wait3A = arith.constant 0 : i32
      %dma_wait3A_74 = arith.constant 0 : i32
      %dma_wait3A_75 = tpu.memref_slice %arg8[%dma_wait3A, %dma_wait3A_74] : memref<256x128xf32, #tpu.memory_space<vmem>> -> memref<128x128xf32, #tpu.memory_space<vmem>>
      %dma_wait3A_76 = arith.constant 0 : i32
      %dma_wait3A_77 = tpu.memref_slice %arg5[%arg0, %add3A_46, %dma_wait3A_76] : memref<2x10112x128xf32, #tpu.memory_space<hbm>> -> memref<1x128x128xf32, #tpu.memory_space<hbm>>
      %dma_wait3A_78 = tpu.memref_squeeze %dma_wait3A_77 : memref<1x128x128xf32, #tpu.memory_space<hbm>> -> memref<128x128xf32, #tpu.memory_space<hbm>>
      %dma_wait3A_79 = arith.constant 0 : i32
      %dma_wait3A_80 = tpu.memref_slice %arg5[%arg0, %add3A_46, %dma_wait3A_79] : memref<2x10112x128xf32, #tpu.memory_space<hbm>> -> memref<1x128x128xf32, #tpu.memory_space<hbm>>
      %dma_wait3A_81 = tpu.memref_squeeze %dma_wait3A_80 : memref<1x128x128xf32, #tpu.memory_space<hbm>> -> memref<128x128xf32, #tpu.memory_space<hbm>>
      %dma_wait3A_82 = arith.constant 0 : i32
      %dma_wait3A_83 = arith.constant 0 : i32
      %dma_wait3A_84 = tpu.memref_slice %arg8[%dma_wait3A_82, %dma_wait3A_83] : memref<256x128xf32, #tpu.memory_space<vmem>> -> memref<128x128xf32, #tpu.memory_space<vmem>>
      tpu.wait_dma2 semaphore(%run_scoped3A : memref<!tpu.dma_semaphore, #tpu.memory_space<semaphore_mem>>) src(%dma_wait3A_84 : memref<128x128xf32, #tpu.memory_space<vmem>>) dst(%dma_wait3A_81 : memref<128x128xf32, #tpu.memory_space<hbm>>)
      tpu.yield
    }) : () -> ()
    %add3A_47 = arith.constant 128 : i32
    %add3A_48 = arith.addi %mul3A_5, %add3A_47 : i32
    "tpu.region"() ({
      %run_scoped3A = tpu.sem_alloc : memref<!tpu.dma_semaphore, #tpu.memory_space<semaphore_mem>>
      %dma_start3A = arith.constant 0 : i32
      %dma_start3A_63 = arith.constant 0 : i32
      %dma_start3A_64 = tpu.memref_slice %arg8[%dma_start3A, %dma_start3A_63] : memref<256x128xf32, #tpu.memory_space<vmem>> -> memref<128x128xf32, #tpu.memory_space<vmem>>
      %dma_start3A_65 = arith.constant 0 : i32
      %dma_start3A_66 = tpu.memref_slice %arg9[%add3A_48, %dma_start3A_65] : memref<10112x128xf32, #tpu.memory_space<vmem_shared>> -> memref<128x128xf32, #tpu.memory_space<vmem_shared>>
      %dma_start3A_67 = arith.constant 0 : i32
      %dma_start3A_68 = arith.constant 0 : i32
      %dma_start3A_69 = tpu.memref_slice %arg8[%dma_start3A_67, %dma_start3A_68] : memref<256x128xf32, #tpu.memory_space<vmem>> -> memref<128x128xf32, #tpu.memory_space<vmem>>
      %dma_start3A_70 = arith.constant 0 : i32
      %dma_start3A_71 = tpu.memref_slice %arg9[%add3A_48, %dma_start3A_70] : memref<10112x128xf32, #tpu.memory_space<vmem_shared>> -> memref<128x128xf32, #tpu.memory_space<vmem_shared>>
      tpu.enqueue_dma source(%dma_start3A_71 : memref<128x128xf32, #tpu.memory_space<vmem_shared>>) target(%dma_start3A_69 : memref<128x128xf32, #tpu.memory_space<vmem>>) target_semaphore(%run_scoped3A : memref<!tpu.dma_semaphore, #tpu.memory_space<semaphore_mem>>)
      %dma_wait3A = arith.constant 0 : i32
      %dma_wait3A_72 = arith.constant 0 : i32
      %dma_wait3A_73 = tpu.memref_slice %arg8[%dma_wait3A, %dma_wait3A_72] : memref<256x128xf32, #tpu.memory_space<vmem>> -> memref<128x128xf32, #tpu.memory_space<vmem>>
      %dma_wait3A_74 = arith.constant 0 : i32
      %dma_wait3A_75 = tpu.memref_slice %arg9[%add3A_48, %dma_wait3A_74] : memref<10112x128xf32, #tpu.memory_space<vmem_shared>> -> memref<128x128xf32, #tpu.memory_space<vmem_shared>>
      %dma_wait3A_76 = arith.constant 0 : i32
      %dma_wait3A_77 = arith.constant 0 : i32
      %dma_wait3A_78 = tpu.memref_slice %arg8[%dma_wait3A_76, %dma_wait3A_77] : memref<256x128xf32, #tpu.memory_space<vmem>> -> memref<128x128xf32, #tpu.memory_space<vmem>>
      %dma_wait3A_79 = arith.constant 0 : i32
      %dma_wait3A_80 = tpu.memref_slice %arg9[%add3A_48, %dma_wait3A_79] : memref<10112x128xf32, #tpu.memory_space<vmem_shared>> -> memref<128x128xf32, #tpu.memory_space<vmem_shared>>
      tpu.wait_dma2 semaphore(%run_scoped3A : memref<!tpu.dma_semaphore, #tpu.memory_space<semaphore_mem>>) src(%dma_wait3A_80 : memref<128x128xf32, #tpu.memory_space<vmem_shared>>) dst(%dma_wait3A_78 : memref<128x128xf32, #tpu.memory_space<vmem>>)
      tpu.yield
    }) : () -> ()
    %add3A_49 = arith.constant 128 : i32
    %add3A_50 = arith.addi %mul3A_5, %add3A_49 : i32
    "tpu.region"() ({
      %run_scoped3A = tpu.sem_alloc : memref<!tpu.dma_semaphore, #tpu.memory_space<semaphore_mem>>
      %dma_start3A = arith.constant 0 : i32
      %dma_start3A_63 = arith.constant 0 : i32
      %dma_start3A_64 = tpu.memref_slice %arg8[%dma_start3A, %dma_start3A_63] : memref<256x128xf32, #tpu.memory_space<vmem>> -> memref<128x128xf32, #tpu.memory_space<vmem>>
      %dma_start3A_65 = arith.constant 0 : i32
      %dma_start3A_66 = tpu.memref_slice %arg5[%arg0, %add3A_50, %dma_start3A_65] : memref<2x10112x128xf32, #tpu.memory_space<hbm>> -> memref<1x128x128xf32, #tpu.memory_space<hbm>>
      %dma_start3A_67 = tpu.memref_squeeze %dma_start3A_66 : memref<1x128x128xf32, #tpu.memory_space<hbm>> -> memref<128x128xf32, #tpu.memory_space<hbm>>
      %dma_start3A_68 = arith.constant 0 : i32
      %dma_start3A_69 = tpu.memref_slice %arg5[%arg0, %add3A_50, %dma_start3A_68] : memref<2x10112x128xf32, #tpu.memory_space<hbm>> -> memref<1x128x128xf32, #tpu.memory_space<hbm>>
      %dma_start3A_70 = tpu.memref_squeeze %dma_start3A_69 : memref<1x128x128xf32, #tpu.memory_space<hbm>> -> memref<128x128xf32, #tpu.memory_space<hbm>>
      %dma_start3A_71 = arith.constant 0 : i32
      %dma_start3A_72 = arith.constant 0 : i32
      %dma_start3A_73 = tpu.memref_slice %arg8[%dma_start3A_71, %dma_start3A_72] : memref<256x128xf32, #tpu.memory_space<vmem>> -> memref<128x128xf32, #tpu.memory_space<vmem>>
      tpu.enqueue_dma source(%dma_start3A_73 : memref<128x128xf32, #tpu.memory_space<vmem>>) target(%dma_start3A_70 : memref<128x128xf32, #tpu.memory_space<hbm>>) target_semaphore(%run_scoped3A : memref<!tpu.dma_semaphore, #tpu.memory_space<semaphore_mem>>)
      %dma_wait3A = arith.constant 0 : i32
      %dma_wait3A_74 = arith.constant 0 : i32
      %dma_wait3A_75 = tpu.memref_slice %arg8[%dma_wait3A, %dma_wait3A_74] : memref<256x128xf32, #tpu.memory_space<vmem>> -> memref<128x128xf32, #tpu.memory_space<vmem>>
      %dma_wait3A_76 = arith.constant 0 : i32
      %dma_wait3A_77 = tpu.memref_slice %arg5[%arg0, %add3A_50, %dma_wait3A_76] : memref<2x10112x128xf32, #tpu.memory_space<hbm>> -> memref<1x128x128xf32, #tpu.memory_space<hbm>>
      %dma_wait3A_78 = tpu.memref_squeeze %dma_wait3A_77 : memref<1x128x128xf32, #tpu.memory_space<hbm>> -> memref<128x128xf32, #tpu.memory_space<hbm>>
      %dma_wait3A_79 = arith.constant 0 : i32
      %dma_wait3A_80 = tpu.memref_slice %arg5[%arg0, %add3A_50, %dma_wait3A_79] : memref<2x10112x128xf32, #tpu.memory_space<hbm>> -> memref<1x128x128xf32, #tpu.memory_space<hbm>>
      %dma_wait3A_81 = tpu.memref_squeeze %dma_wait3A_80 : memref<1x128x128xf32, #tpu.memory_space<hbm>> -> memref<128x128xf32, #tpu.memory_space<hbm>>
      %dma_wait3A_82 = arith.constant 0 : i32
      %dma_wait3A_83 = arith.constant 0 : i32
      %dma_wait3A_84 = tpu.memref_slice %arg8[%dma_wait3A_82, %dma_wait3A_83] : memref<256x128xf32, #tpu.memory_space<vmem>> -> memref<128x128xf32, #tpu.memory_space<vmem>>
      tpu.wait_dma2 semaphore(%run_scoped3A : memref<!tpu.dma_semaphore, #tpu.memory_space<semaphore_mem>>) src(%dma_wait3A_84 : memref<128x128xf32, #tpu.memory_space<vmem>>) dst(%dma_wait3A_81 : memref<128x128xf32, #tpu.memory_space<hbm>>)
      tpu.yield
    }) : () -> ()
    %add3A_51 = arith.constant 256 : i32
    %add3A_52 = arith.addi %mul3A_5, %add3A_51 : i32
    "tpu.region"() ({
      %run_scoped3A = tpu.sem_alloc : memref<!tpu.dma_semaphore, #tpu.memory_space<semaphore_mem>>
      %dma_start3A = arith.constant 0 : i32
      %dma_start3A_63 = arith.constant 0 : i32
      %dma_start3A_64 = tpu.memref_slice %arg8[%dma_start3A, %dma_start3A_63] : memref<256x128xf32, #tpu.memory_space<vmem>> -> memref<128x128xf32, #tpu.memory_space<vmem>>
      %dma_start3A_65 = arith.constant 0 : i32
      %dma_start3A_66 = tpu.memref_slice %arg9[%add3A_52, %dma_start3A_65] : memref<10112x128xf32, #tpu.memory_space<vmem_shared>> -> memref<128x128xf32, #tpu.memory_space<vmem_shared>>
      %dma_start3A_67 = arith.constant 0 : i32
      %dma_start3A_68 = arith.constant 0 : i32
      %dma_start3A_69 = tpu.memref_slice %arg8[%dma_start3A_67, %dma_start3A_68] : memref<256x128xf32, #tpu.memory_space<vmem>> -> memref<128x128xf32, #tpu.memory_space<vmem>>
      %dma_start3A_70 = arith.constant 0 : i32
      %dma_start3A_71 = tpu.memref_slice %arg9[%add3A_52, %dma_start3A_70] : memref<10112x128xf32, #tpu.memory_space<vmem_shared>> -> memref<128x128xf32, #tpu.memory_space<vmem_shared>>
      tpu.enqueue_dma source(%dma_start3A_71 : memref<128x128xf32, #tpu.memory_space<vmem_shared>>) target(%dma_start3A_69 : memref<128x128xf32, #tpu.memory_space<vmem>>) target_semaphore(%run_scoped3A : memref<!tpu.dma_semaphore, #tpu.memory_space<semaphore_mem>>)
      %dma_wait3A = arith.constant 0 : i32
      %dma_wait3A_72 = arith.constant 0 : i32
      %dma_wait3A_73 = tpu.memref_slice %arg8[%dma_wait3A, %dma_wait3A_72] : memref<256x128xf32, #tpu.memory_space<vmem>> -> memref<128x128xf32, #tpu.memory_space<vmem>>
      %dma_wait3A_74 = arith.constant 0 : i32
      %dma_wait3A_75 = tpu.memref_slice %arg9[%add3A_52, %dma_wait3A_74] : memref<10112x128xf32, #tpu.memory_space<vmem_shared>> -> memref<128x128xf32, #tpu.memory_space<vmem_shared>>
      %dma_wait3A_76 = arith.constant 0 : i32
      %dma_wait3A_77 = arith.constant 0 : i32
      %dma_wait3A_78 = tpu.memref_slice %arg8[%dma_wait3A_76, %dma_wait3A_77] : memref<256x128xf32, #tpu.memory_space<vmem>> -> memref<128x128xf32, #tpu.memory_space<vmem>>
      %dma_wait3A_79 = arith.constant 0 : i32
      %dma_wait3A_80 = tpu.memref_slice %arg9[%add3A_52, %dma_wait3A_79] : memref<10112x128xf32, #tpu.memory_space<vmem_shared>> -> memref<128x128xf32, #tpu.memory_space<vmem_shared>>
      tpu.wait_dma2 semaphore(%run_scoped3A : memref<!tpu.dma_semaphore, #tpu.memory_space<semaphore_mem>>) src(%dma_wait3A_80 : memref<128x128xf32, #tpu.memory_space<vmem_shared>>) dst(%dma_wait3A_78 : memref<128x128xf32, #tpu.memory_space<vmem>>)
      tpu.yield
    }) : () -> ()
    %add3A_53 = arith.constant 256 : i32
    %add3A_54 = arith.addi %mul3A_5, %add3A_53 : i32
    "tpu.region"() ({
      %run_scoped3A = tpu.sem_alloc : memref<!tpu.dma_semaphore, #tpu.memory_space<semaphore_mem>>
      %dma_start3A = arith.constant 0 : i32
      %dma_start3A_63 = arith.constant 0 : i32
      %dma_start3A_64 = tpu.memref_slice %arg8[%dma_start3A, %dma_start3A_63] : memref<256x128xf32, #tpu.memory_space<vmem>> -> memref<128x128xf32, #tpu.memory_space<vmem>>
      %dma_start3A_65 = arith.constant 0 : i32
      %dma_start3A_66 = tpu.memref_slice %arg5[%arg0, %add3A_54, %dma_start3A_65] : memref<2x10112x128xf32, #tpu.memory_space<hbm>> -> memref<1x128x128xf32, #tpu.memory_space<hbm>>
      %dma_start3A_67 = tpu.memref_squeeze %dma_start3A_66 : memref<1x128x128xf32, #tpu.memory_space<hbm>> -> memref<128x128xf32, #tpu.memory_space<hbm>>
      %dma_start3A_68 = arith.constant 0 : i32
      %dma_start3A_69 = tpu.memref_slice %arg5[%arg0, %add3A_54, %dma_start3A_68] : memref<2x10112x128xf32, #tpu.memory_space<hbm>> -> memref<1x128x128xf32, #tpu.memory_space<hbm>>
      %dma_start3A_70 = tpu.memref_squeeze %dma_start3A_69 : memref<1x128x128xf32, #tpu.memory_space<hbm>> -> memref<128x128xf32, #tpu.memory_space<hbm>>
      %dma_start3A_71 = arith.constant 0 : i32
      %dma_start3A_72 = arith.constant 0 : i32
      %dma_start3A_73 = tpu.memref_slice %arg8[%dma_start3A_71, %dma_start3A_72] : memref<256x128xf32, #tpu.memory_space<vmem>> -> memref<128x128xf32, #tpu.memory_space<vmem>>
      tpu.enqueue_dma source(%dma_start3A_73 : memref<128x128xf32, #tpu.memory_space<vmem>>) target(%dma_start3A_70 : memref<128x128xf32, #tpu.memory_space<hbm>>) target_semaphore(%run_scoped3A : memref<!tpu.dma_semaphore, #tpu.memory_space<semaphore_mem>>)
      %dma_wait3A = arith.constant 0 : i32
      %dma_wait3A_74 = arith.constant 0 : i32
      %dma_wait3A_75 = tpu.memref_slice %arg8[%dma_wait3A, %dma_wait3A_74] : memref<256x128xf32, #tpu.memory_space<vmem>> -> memref<128x128xf32, #tpu.memory_space<vmem>>
      %dma_wait3A_76 = arith.constant 0 : i32
      %dma_wait3A_77 = tpu.memref_slice %arg5[%arg0, %add3A_54, %dma_wait3A_76] : memref<2x10112x128xf32, #tpu.memory_space<hbm>> -> memref<1x128x128xf32, #tpu.memory_space<hbm>>
      %dma_wait3A_78 = tpu.memref_squeeze %dma_wait3A_77 : memref<1x128x128xf32, #tpu.memory_space<hbm>> -> memref<128x128xf32, #tpu.memory_space<hbm>>
      %dma_wait3A_79 = arith.constant 0 : i32
      %dma_wait3A_80 = tpu.memref_slice %arg5[%arg0, %add3A_54, %dma_wait3A_79] : memref<2x10112x128xf32, #tpu.memory_space<hbm>> -> memref<1x128x128xf32, #tpu.memory_space<hbm>>
      %dma_wait3A_81 = tpu.memref_squeeze %dma_wait3A_80 : memref<1x128x128xf32, #tpu.memory_space<hbm>> -> memref<128x128xf32, #tpu.memory_space<hbm>>
      %dma_wait3A_82 = arith.constant 0 : i32
      %dma_wait3A_83 = arith.constant 0 : i32
      %dma_wait3A_84 = tpu.memref_slice %arg8[%dma_wait3A_82, %dma_wait3A_83] : memref<256x128xf32, #tpu.memory_space<vmem>> -> memref<128x128xf32, #tpu.memory_space<vmem>>
      tpu.wait_dma2 semaphore(%run_scoped3A : memref<!tpu.dma_semaphore, #tpu.memory_space<semaphore_mem>>) src(%dma_wait3A_84 : memref<128x128xf32, #tpu.memory_space<vmem>>) dst(%dma_wait3A_81 : memref<128x128xf32, #tpu.memory_space<hbm>>)
      tpu.yield
    }) : () -> ()
    %add3A_55 = arith.constant 384 : i32
    %add3A_56 = arith.addi %mul3A_5, %add3A_55 : i32
    "tpu.region"() ({
      %run_scoped3A = tpu.sem_alloc : memref<!tpu.dma_semaphore, #tpu.memory_space<semaphore_mem>>
      %dma_start3A = arith.constant 0 : i32
      %dma_start3A_63 = arith.constant 0 : i32
      %dma_start3A_64 = tpu.memref_slice %arg8[%dma_start3A, %dma_start3A_63] : memref<256x128xf32, #tpu.memory_space<vmem>> -> memref<128x128xf32, #tpu.memory_space<vmem>>
      %dma_start3A_65 = arith.constant 0 : i32
      %dma_start3A_66 = tpu.memref_slice %arg9[%add3A_56, %dma_start3A_65] : memref<10112x128xf32, #tpu.memory_space<vmem_shared>> -> memref<128x128xf32, #tpu.memory_space<vmem_shared>>
      %dma_start3A_67 = arith.constant 0 : i32
      %dma_start3A_68 = arith.constant 0 : i32
      %dma_start3A_69 = tpu.memref_slice %arg8[%dma_start3A_67, %dma_start3A_68] : memref<256x128xf32, #tpu.memory_space<vmem>> -> memref<128x128xf32, #tpu.memory_space<vmem>>
      %dma_start3A_70 = arith.constant 0 : i32
      %dma_start3A_71 = tpu.memref_slice %arg9[%add3A_56, %dma_start3A_70] : memref<10112x128xf32, #tpu.memory_space<vmem_shared>> -> memref<128x128xf32, #tpu.memory_space<vmem_shared>>
      tpu.enqueue_dma source(%dma_start3A_71 : memref<128x128xf32, #tpu.memory_space<vmem_shared>>) target(%dma_start3A_69 : memref<128x128xf32, #tpu.memory_space<vmem>>) target_semaphore(%run_scoped3A : memref<!tpu.dma_semaphore, #tpu.memory_space<semaphore_mem>>)
      %dma_wait3A = arith.constant 0 : i32
      %dma_wait3A_72 = arith.constant 0 : i32
      %dma_wait3A_73 = tpu.memref_slice %arg8[%dma_wait3A, %dma_wait3A_72] : memref<256x128xf32, #tpu.memory_space<vmem>> -> memref<128x128xf32, #tpu.memory_space<vmem>>
      %dma_wait3A_74 = arith.constant 0 : i32
      %dma_wait3A_75 = tpu.memref_slice %arg9[%add3A_56, %dma_wait3A_74] : memref<10112x128xf32, #tpu.memory_space<vmem_shared>> -> memref<128x128xf32, #tpu.memory_space<vmem_shared>>
      %dma_wait3A_76 = arith.constant 0 : i32
      %dma_wait3A_77 = arith.constant 0 : i32
      %dma_wait3A_78 = tpu.memref_slice %arg8[%dma_wait3A_76, %dma_wait3A_77] : memref<256x128xf32, #tpu.memory_space<vmem>> -> memref<128x128xf32, #tpu.memory_space<vmem>>
      %dma_wait3A_79 = arith.constant 0 : i32
      %dma_wait3A_80 = tpu.memref_slice %arg9[%add3A_56, %dma_wait3A_79] : memref<10112x128xf32, #tpu.memory_space<vmem_shared>> -> memref<128x128xf32, #tpu.memory_space<vmem_shared>>
      tpu.wait_dma2 semaphore(%run_scoped3A : memref<!tpu.dma_semaphore, #tpu.memory_space<semaphore_mem>>) src(%dma_wait3A_80 : memref<128x128xf32, #tpu.memory_space<vmem_shared>>) dst(%dma_wait3A_78 : memref<128x128xf32, #tpu.memory_space<vmem>>)
      tpu.yield
    }) : () -> ()
    %add3A_57 = arith.constant 384 : i32
    %add3A_58 = arith.addi %mul3A_5, %add3A_57 : i32
    "tpu.region"() ({
      %run_scoped3A = tpu.sem_alloc : memref<!tpu.dma_semaphore, #tpu.memory_space<semaphore_mem>>
      %dma_start3A = arith.constant 0 : i32
      %dma_start3A_63 = arith.constant 0 : i32
      %dma_start3A_64 = tpu.memref_slice %arg8[%dma_start3A, %dma_start3A_63] : memref<256x128xf32, #tpu.memory_space<vmem>> -> memref<128x128xf32, #tpu.memory_space<vmem>>
      %dma_start3A_65 = arith.constant 0 : i32
      %dma_start3A_66 = tpu.memref_slice %arg5[%arg0, %add3A_58, %dma_start3A_65] : memref<2x10112x128xf32, #tpu.memory_space<hbm>> -> memref<1x128x128xf32, #tpu.memory_space<hbm>>
      %dma_start3A_67 = tpu.memref_squeeze %dma_start3A_66 : memref<1x128x128xf32, #tpu.memory_space<hbm>> -> memref<128x128xf32, #tpu.memory_space<hbm>>
      %dma_start3A_68 = arith.constant 0 : i32
      %dma_start3A_69 = tpu.memref_slice %arg5[%arg0, %add3A_58, %dma_start3A_68] : memref<2x10112x128xf32, #tpu.memory_space<hbm>> -> memref<1x128x128xf32, #tpu.memory_space<hbm>>
      %dma_start3A_70 = tpu.memref_squeeze %dma_start3A_69 : memref<1x128x128xf32, #tpu.memory_space<hbm>> -> memref<128x128xf32, #tpu.memory_space<hbm>>
      %dma_start3A_71 = arith.constant 0 : i32
      %dma_start3A_72 = arith.constant 0 : i32
      %dma_start3A_73 = tpu.memref_slice %arg8[%dma_start3A_71, %dma_start3A_72] : memref<256x128xf32, #tpu.memory_space<vmem>> -> memref<128x128xf32, #tpu.memory_space<vmem>>
      tpu.enqueue_dma source(%dma_start3A_73 : memref<128x128xf32, #tpu.memory_space<vmem>>) target(%dma_start3A_70 : memref<128x128xf32, #tpu.memory_space<hbm>>) target_semaphore(%run_scoped3A : memref<!tpu.dma_semaphore, #tpu.memory_space<semaphore_mem>>)
      %dma_wait3A = arith.constant 0 : i32
      %dma_wait3A_74 = arith.constant 0 : i32
      %dma_wait3A_75 = tpu.memref_slice %arg8[%dma_wait3A, %dma_wait3A_74] : memref<256x128xf32, #tpu.memory_space<vmem>> -> memref<128x128xf32, #tpu.memory_space<vmem>>
      %dma_wait3A_76 = arith.constant 0 : i32
      %dma_wait3A_77 = tpu.memref_slice %arg5[%arg0, %add3A_58, %dma_wait3A_76] : memref<2x10112x128xf32, #tpu.memory_space<hbm>> -> memref<1x128x128xf32, #tpu.memory_space<hbm>>
      %dma_wait3A_78 = tpu.memref_squeeze %dma_wait3A_77 : memref<1x128x128xf32, #tpu.memory_space<hbm>> -> memref<128x128xf32, #tpu.memory_space<hbm>>
      %dma_wait3A_79 = arith.constant 0 : i32
      %dma_wait3A_80 = tpu.memref_slice %arg5[%arg0, %add3A_58, %dma_wait3A_79] : memref<2x10112x128xf32, #tpu.memory_space<hbm>> -> memref<1x128x128xf32, #tpu.memory_space<hbm>>
      %dma_wait3A_81 = tpu.memref_squeeze %dma_wait3A_80 : memref<1x128x128xf32, #tpu.memory_space<hbm>> -> memref<128x128xf32, #tpu.memory_space<hbm>>
      %dma_wait3A_82 = arith.constant 0 : i32
      %dma_wait3A_83 = arith.constant 0 : i32
      %dma_wait3A_84 = tpu.memref_slice %arg8[%dma_wait3A_82, %dma_wait3A_83] : memref<256x128xf32, #tpu.memory_space<vmem>> -> memref<128x128xf32, #tpu.memory_space<vmem>>
      tpu.wait_dma2 semaphore(%run_scoped3A : memref<!tpu.dma_semaphore, #tpu.memory_space<semaphore_mem>>) src(%dma_wait3A_84 : memref<128x128xf32, #tpu.memory_space<vmem>>) dst(%dma_wait3A_81 : memref<128x128xf32, #tpu.memory_space<hbm>>)
      tpu.yield
    }) : () -> ()
    %add3A_59 = arith.constant 512 : i32
    %add3A_60 = arith.addi %mul3A_5, %add3A_59 : i32
    "tpu.region"() ({
      %run_scoped3A = tpu.sem_alloc : memref<!tpu.dma_semaphore, #tpu.memory_space<semaphore_mem>>
      %dma_start3A = arith.constant 0 : i32
      %dma_start3A_63 = arith.constant 0 : i32
      %dma_start3A_64 = tpu.memref_slice %arg8[%dma_start3A, %dma_start3A_63] : memref<256x128xf32, #tpu.memory_space<vmem>> -> memref<120x128xf32, #tpu.memory_space<vmem>>
      %dma_start3A_65 = arith.constant 0 : i32
      %dma_start3A_66 = tpu.memref_slice %arg9[%add3A_60, %dma_start3A_65] : memref<10112x128xf32, #tpu.memory_space<vmem_shared>> -> memref<120x128xf32, #tpu.memory_space<vmem_shared>>
      %dma_start3A_67 = arith.constant 0 : i32
      %dma_start3A_68 = arith.constant 0 : i32
      %dma_start3A_69 = tpu.memref_slice %arg8[%dma_start3A_67, %dma_start3A_68] : memref<256x128xf32, #tpu.memory_space<vmem>> -> memref<120x128xf32, #tpu.memory_space<vmem>>
      %dma_start3A_70 = arith.constant 0 : i32
      %dma_start3A_71 = tpu.memref_slice %arg9[%add3A_60, %dma_start3A_70] : memref<10112x128xf32, #tpu.memory_space<vmem_shared>> -> memref<120x128xf32, #tpu.memory_space<vmem_shared>>
      tpu.enqueue_dma source(%dma_start3A_71 : memref<120x128xf32, #tpu.memory_space<vmem_shared>>) target(%dma_start3A_69 : memref<120x128xf32, #tpu.memory_space<vmem>>) target_semaphore(%run_scoped3A : memref<!tpu.dma_semaphore, #tpu.memory_space<semaphore_mem>>)
      %dma_wait3A = arith.constant 0 : i32
      %dma_wait3A_72 = arith.constant 0 : i32
      %dma_wait3A_73 = tpu.memref_slice %arg8[%dma_wait3A, %dma_wait3A_72] : memref<256x128xf32, #tpu.memory_space<vmem>> -> memref<120x128xf32, #tpu.memory_space<vmem>>
      %dma_wait3A_74 = arith.constant 0 : i32
      %dma_wait3A_75 = tpu.memref_slice %arg9[%add3A_60, %dma_wait3A_74] : memref<10112x128xf32, #tpu.memory_space<vmem_shared>> -> memref<120x128xf32, #tpu.memory_space<vmem_shared>>
      %dma_wait3A_76 = arith.constant 0 : i32
      %dma_wait3A_77 = arith.constant 0 : i32
      %dma_wait3A_78 = tpu.memref_slice %arg8[%dma_wait3A_76, %dma_wait3A_77] : memref<256x128xf32, #tpu.memory_space<vmem>> -> memref<120x128xf32, #tpu.memory_space<vmem>>
      %dma_wait3A_79 = arith.constant 0 : i32
      %dma_wait3A_80 = tpu.memref_slice %arg9[%add3A_60, %dma_wait3A_79] : memref<10112x128xf32, #tpu.memory_space<vmem_shared>> -> memref<120x128xf32, #tpu.memory_space<vmem_shared>>
      tpu.wait_dma2 semaphore(%run_scoped3A : memref<!tpu.dma_semaphore, #tpu.memory_space<semaphore_mem>>) src(%dma_wait3A_80 : memref<120x128xf32, #tpu.memory_space<vmem_shared>>) dst(%dma_wait3A_78 : memref<120x128xf32, #tpu.memory_space<vmem>>)
      tpu.yield
    }) : () -> ()
    %add3A_61 = arith.constant 512 : i32
    %add3A_62 = arith.addi %mul3A_5, %add3A_61 : i32
    "tpu.region"() ({
      %run_scoped3A = tpu.sem_alloc : memref<!tpu.dma_semaphore, #tpu.memory_space<semaphore_mem>>
      %dma_start3A = arith.constant 0 : i32
      %dma_start3A_63 = arith.constant 0 : i32
      %dma_start3A_64 = tpu.memref_slice %arg8[%dma_start3A, %dma_start3A_63] : memref<256x128xf32, #tpu.memory_space<vmem>> -> memref<120x128xf32, #tpu.memory_space<vmem>>
      %dma_start3A_65 = arith.constant 0 : i32
      %dma_start3A_66 = tpu.memref_slice %arg5[%arg0, %add3A_62, %dma_start3A_65] : memref<2x10112x128xf32, #tpu.memory_space<hbm>> -> memref<1x120x128xf32, #tpu.memory_space<hbm>>
      %dma_start3A_67 = tpu.memref_squeeze %dma_start3A_66 : memref<1x120x128xf32, #tpu.memory_space<hbm>> -> memref<120x128xf32, #tpu.memory_space<hbm>>
      %dma_start3A_68 = arith.constant 0 : i32
      %dma_start3A_69 = tpu.memref_slice %arg5[%arg0, %add3A_62, %dma_start3A_68] : memref<2x10112x128xf32, #tpu.memory_space<hbm>> -> memref<1x120x128xf32, #tpu.memory_space<hbm>>
      %dma_start3A_70 = tpu.memref_squeeze %dma_start3A_69 : memref<1x120x128xf32, #tpu.memory_space<hbm>> -> memref<120x128xf32, #tpu.memory_space<hbm>>
      %dma_start3A_71 = arith.constant 0 : i32
      %dma_start3A_72 = arith.constant 0 : i32
      %dma_start3A_73 = tpu.memref_slice %arg8[%dma_start3A_71, %dma_start3A_72] : memref<256x128xf32, #tpu.memory_space<vmem>> -> memref<120x128xf32, #tpu.memory_space<vmem>>
      tpu.enqueue_dma source(%dma_start3A_73 : memref<120x128xf32, #tpu.memory_space<vmem>>) target(%dma_start3A_70 : memref<120x128xf32, #tpu.memory_space<hbm>>) target_semaphore(%run_scoped3A : memref<!tpu.dma_semaphore, #tpu.memory_space<semaphore_mem>>)
      %dma_wait3A = arith.constant 0 : i32
      %dma_wait3A_74 = arith.constant 0 : i32
      %dma_wait3A_75 = tpu.memref_slice %arg8[%dma_wait3A, %dma_wait3A_74] : memref<256x128xf32, #tpu.memory_space<vmem>> -> memref<120x128xf32, #tpu.memory_space<vmem>>
      %dma_wait3A_76 = arith.constant 0 : i32
      %dma_wait3A_77 = tpu.memref_slice %arg5[%arg0, %add3A_62, %dma_wait3A_76] : memref<2x10112x128xf32, #tpu.memory_space<hbm>> -> memref<1x120x128xf32, #tpu.memory_space<hbm>>
      %dma_wait3A_78 = tpu.memref_squeeze %dma_wait3A_77 : memref<1x120x128xf32, #tpu.memory_space<hbm>> -> memref<120x128xf32, #tpu.memory_space<hbm>>
      %dma_wait3A_79 = arith.constant 0 : i32
      %dma_wait3A_80 = tpu.memref_slice %arg5[%arg0, %add3A_62, %dma_wait3A_79] : memref<2x10112x128xf32, #tpu.memory_space<hbm>> -> memref<1x120x128xf32, #tpu.memory_space<hbm>>
      %dma_wait3A_81 = tpu.memref_squeeze %dma_wait3A_80 : memref<1x120x128xf32, #tpu.memory_space<hbm>> -> memref<120x128xf32, #tpu.memory_space<hbm>>
      %dma_wait3A_82 = arith.constant 0 : i32
      %dma_wait3A_83 = arith.constant 0 : i32
      %dma_wait3A_84 = tpu.memref_slice %arg8[%dma_wait3A_82, %dma_wait3A_83] : memref<256x128xf32, #tpu.memory_space<vmem>> -> memref<120x128xf32, #tpu.memory_space<vmem>>
      tpu.wait_dma2 semaphore(%run_scoped3A : memref<!tpu.dma_semaphore, #tpu.memory_space<semaphore_mem>>) src(%dma_wait3A_84 : memref<120x128xf32, #tpu.memory_space<vmem>>) dst(%dma_wait3A_81 : memref<120x128xf32, #tpu.memory_space<hbm>>)
      tpu.yield
    }) : () -> ()
    return
  }
}

#map = affine_map<(d0, d1) -> (0, 0)>
#map1 = affine_map<(d0, d1) -> (0, 0, 0)>
module attributes {stable_mosaic.version = 14 : i64} {
  func.func @body(%arg0: i32, %arg1: i32, %arg2: memref<10000x144xf32, #tpu.memory_space<hbm>>, %arg3: memref<320x8x128xi32, #tpu.memory_space<hbm>>, %arg4: memref<320x8x128xi32, #tpu.memory_space<hbm>>, %arg5: memref<2x10112x144xf32, #tpu.memory_space<hbm>>, %arg6: memref<8x128xi32, #tpu.memory_space<vmem>>, %arg7: memref<8x128xi32, #tpu.memory_space<vmem>>, %arg8: memref<256x144xf32, #tpu.memory_space<vmem>>, %arg9: memref<10112x144xf32, #tpu.memory_space<vmem_shared>>, %arg10: memref<!tpu.dma_semaphore, #tpu.memory_space<semaphore_mem>>) attributes {dimension_semantics = [#tpu.dimension_semantics<core_parallel>, #tpu.dimension_semantics<subcore_parallel>], iteration_bounds = array<i64: 2, 16>, scalar_prefetch = 0 : i64, scratch_operands = 5 : i64, tpu.core_type = #tpu.core_type<sc_vector_subcore>, window_params = [{transform_indices = #map}, {transform_indices = #map1}, {transform_indices = #map1}, {transform_indices = #map1}]} {
    %broadcast_in_dim3A = arith.constant 0.000000e+00 : f32
    %broadcast_in_dim3A_0 = vector.broadcast %broadcast_in_dim3A : f32 to vector<16xf32>
    %scan3A = arith.constant 0 : i32
    %scan3A_1 = arith.constant 128 : i32
    %scan3A_2 = arith.addi %scan3A, %scan3A_1 : i32
    %scan3A_3 = arith.constant 1 : i32
    scf.for %scan3A_63 = %scan3A to %scan3A_2 step %scan3A_3  : i32 {
      %mul3A_64 = arith.constant 1 : i32
      %mul3A_65 = arith.muli %scan3A_63, %mul3A_64 : i32
      %add3A_66 = arith.constant 0 : i32
      %add3A_67 = arith.addi %add3A_66, %mul3A_65 : i32
      %swap3A = arith.index_cast %add3A_67 : i32 to index
      %swap3A_68 = arith.constant 0 : index
      %swap3A_69 = tpu.vector_load %arg8[%swap3A, %swap3A_68] {strides = array<i32>} : memref<256x144xf32, #tpu.memory_space<vmem>>, vector<1x16xf32>,
      %swap3A_70 = vector.shape_cast %swap3A_69 : vector<1x16xf32> to vector<16xf32>
      %swap3A_71 = vector.shape_cast %broadcast_in_dim3A_0 : vector<16xf32> to vector<1x16xf32>
      tpu.vector_store %arg8[%swap3A, %swap3A_68], %swap3A_71 {strides = array<i32>} : memref<256x144xf32, #tpu.memory_space<vmem>>, vector<1x16xf32>,
      %swap3A_72 = arith.index_cast %add3A_67 : i32 to index
      %swap3A_73 = arith.constant 16 : index
      %swap3A_74 = tpu.vector_load %arg8[%swap3A_72, %swap3A_73] {strides = array<i32>} : memref<256x144xf32, #tpu.memory_space<vmem>>, vector<1x16xf32>,
      %swap3A_75 = vector.shape_cast %swap3A_74 : vector<1x16xf32> to vector<16xf32>
      %swap3A_76 = vector.shape_cast %broadcast_in_dim3A_0 : vector<16xf32> to vector<1x16xf32>
      tpu.vector_store %arg8[%swap3A_72, %swap3A_73], %swap3A_76 {strides = array<i32>} : memref<256x144xf32, #tpu.memory_space<vmem>>, vector<1x16xf32>,
      %swap3A_77 = arith.index_cast %add3A_67 : i32 to index
      %swap3A_78 = arith.constant 32 : index
      %swap3A_79 = tpu.vector_load %arg8[%swap3A_77, %swap3A_78] {strides = array<i32>} : memref<256x144xf32, #tpu.memory_space<vmem>>, vector<1x16xf32>,
      %swap3A_80 = vector.shape_cast %swap3A_79 : vector<1x16xf32> to vector<16xf32>
      %swap3A_81 = vector.shape_cast %broadcast_in_dim3A_0 : vector<16xf32> to vector<1x16xf32>
      tpu.vector_store %arg8[%swap3A_77, %swap3A_78], %swap3A_81 {strides = array<i32>} : memref<256x144xf32, #tpu.memory_space<vmem>>, vector<1x16xf32>,
      %swap3A_82 = arith.index_cast %add3A_67 : i32 to index
      %swap3A_83 = arith.constant 48 : index
      %swap3A_84 = tpu.vector_load %arg8[%swap3A_82, %swap3A_83] {strides = array<i32>} : memref<256x144xf32, #tpu.memory_space<vmem>>, vector<1x16xf32>,
      %swap3A_85 = vector.shape_cast %swap3A_84 : vector<1x16xf32> to vector<16xf32>
      %swap3A_86 = vector.shape_cast %broadcast_in_dim3A_0 : vector<16xf32> to vector<1x16xf32>
      tpu.vector_store %arg8[%swap3A_82, %swap3A_83], %swap3A_86 {strides = array<i32>} : memref<256x144xf32, #tpu.memory_space<vmem>>, vector<1x16xf32>,
      %swap3A_87 = arith.index_cast %add3A_67 : i32 to index
      %swap3A_88 = arith.constant 64 : index
      %swap3A_89 = tpu.vector_load %arg8[%swap3A_87, %swap3A_88] {strides = array<i32>} : memref<256x144xf32, #tpu.memory_space<vmem>>, vector<1x16xf32>,
      %swap3A_90 = vector.shape_cast %swap3A_89 : vector<1x16xf32> to vector<16xf32>
      %swap3A_91 = vector.shape_cast %broadcast_in_dim3A_0 : vector<16xf32> to vector<1x16xf32>
      tpu.vector_store %arg8[%swap3A_87, %swap3A_88], %swap3A_91 {strides = array<i32>} : memref<256x144xf32, #tpu.memory_space<vmem>>, vector<1x16xf32>,
      %swap3A_92 = arith.index_cast %add3A_67 : i32 to index
      %swap3A_93 = arith.constant 80 : index
      %swap3A_94 = tpu.vector_load %arg8[%swap3A_92, %swap3A_93] {strides = array<i32>} : memref<256x144xf32, #tpu.memory_space<vmem>>, vector<1x16xf32>,
      %swap3A_95 = vector.shape_cast %swap3A_94 : vector<1x16xf32> to vector<16xf32>
      %swap3A_96 = vector.shape_cast %broadcast_in_dim3A_0 : vector<16xf32> to vector<1x16xf32>
      tpu.vector_store %arg8[%swap3A_92, %swap3A_93], %swap3A_96 {strides = array<i32>} : memref<256x144xf32, #tpu.memory_space<vmem>>, vector<1x16xf32>,
      %swap3A_97 = arith.index_cast %add3A_67 : i32 to index
      %swap3A_98 = arith.constant 96 : index
      %swap3A_99 = tpu.vector_load %arg8[%swap3A_97, %swap3A_98] {strides = array<i32>} : memref<256x144xf32, #tpu.memory_space<vmem>>, vector<1x16xf32>,
      %swap3A_100 = vector.shape_cast %swap3A_99 : vector<1x16xf32> to vector<16xf32>
      %swap3A_101 = vector.shape_cast %broadcast_in_dim3A_0 : vector<16xf32> to vector<1x16xf32>
      tpu.vector_store %arg8[%swap3A_97, %swap3A_98], %swap3A_101 {strides = array<i32>} : memref<256x144xf32, #tpu.memory_space<vmem>>, vector<1x16xf32>,
      %swap3A_102 = arith.index_cast %add3A_67 : i32 to index
      %swap3A_103 = arith.constant 112 : index
      %swap3A_104 = tpu.vector_load %arg8[%swap3A_102, %swap3A_103] {strides = array<i32>} : memref<256x144xf32, #tpu.memory_space<vmem>>, vector<1x16xf32>,
      %swap3A_105 = vector.shape_cast %swap3A_104 : vector<1x16xf32> to vector<16xf32>
      %swap3A_106 = vector.shape_cast %broadcast_in_dim3A_0 : vector<16xf32> to vector<1x16xf32>
      tpu.vector_store %arg8[%swap3A_102, %swap3A_103], %swap3A_106 {strides = array<i32>} : memref<256x144xf32, #tpu.memory_space<vmem>>, vector<1x16xf32>,
      %swap3A_107 = arith.index_cast %add3A_67 : i32 to index
      %swap3A_108 = arith.constant 128 : index
      %swap3A_109 = tpu.vector_load %arg8[%swap3A_107, %swap3A_108] {strides = array<i32>} : memref<256x144xf32, #tpu.memory_space<vmem>>, vector<1x16xf32>,
      %swap3A_110 = vector.shape_cast %swap3A_109 : vector<1x16xf32> to vector<16xf32>
      %swap3A_111 = vector.shape_cast %broadcast_in_dim3A_0 : vector<16xf32> to vector<1x16xf32>
      tpu.vector_store %arg8[%swap3A_107, %swap3A_108], %swap3A_111 {strides = array<i32>} : memref<256x144xf32, #tpu.memory_space<vmem>>, vector<1x16xf32>,
    }
    %scan3A_4 = arith.constant 128 : i32
    %mul3A = arith.constant 632 : i32
    %mul3A_5 = arith.muli %arg1, %mul3A : i32
    %add3A = arith.constant 0 : i32
    %add3A_6 = arith.addi %mul3A_5, %add3A : i32
    "tpu.region"() ({
      %run_scoped3A = tpu.sem_alloc : memref<!tpu.dma_semaphore, #tpu.memory_space<semaphore_mem>>
      %dma_start3A = arith.constant 0 : i32
      %dma_start3A_63 = arith.constant 0 : i32
      %dma_start3A_64 = tpu.memref_slice %arg8[%dma_start3A, %dma_start3A_63] : memref<256x144xf32, #tpu.memory_space<vmem>> -> memref<128x144xf32, #tpu.memory_space<vmem>>
      %dma_start3A_65 = arith.constant 0 : i32
      %dma_start3A_66 = tpu.memref_slice %arg9[%add3A_6, %dma_start3A_65] : memref<10112x144xf32, #tpu.memory_space<vmem_shared>> -> memref<128x144xf32, #tpu.memory_space<vmem_shared>>
      %dma_start3A_67 = arith.constant 0 : i32
      %dma_start3A_68 = tpu.memref_slice %arg9[%add3A_6, %dma_start3A_67] : memref<10112x144xf32, #tpu.memory_space<vmem_shared>> -> memref<128x144xf32, #tpu.memory_space<vmem_shared>>
      %dma_start3A_69 = arith.constant 0 : i32
      %dma_start3A_70 = arith.constant 0 : i32
      %dma_start3A_71 = tpu.memref_slice %arg8[%dma_start3A_69, %dma_start3A_70] : memref<256x144xf32, #tpu.memory_space<vmem>> -> memref<128x144xf32, #tpu.memory_space<vmem>>
      tpu.enqueue_dma source(%dma_start3A_71 : memref<128x144xf32, #tpu.memory_space<vmem>>) target(%dma_start3A_68 : memref<128x144xf32, #tpu.memory_space<vmem_shared>>) target_semaphore(%run_scoped3A : memref<!tpu.dma_semaphore, #tpu.memory_space<semaphore_mem>>)
      %dma_wait3A = arith.constant 0 : i32
      %dma_wait3A_72 = arith.constant 0 : i32
      %dma_wait3A_73 = tpu.memref_slice %arg8[%dma_wait3A, %dma_wait3A_72] : memref<256x144xf32, #tpu.memory_space<vmem>> -> memref<128x144xf32, #tpu.memory_space<vmem>>
      %dma_wait3A_74 = arith.constant 0 : i32
      %dma_wait3A_75 = tpu.memref_slice %arg9[%add3A_6, %dma_wait3A_74] : memref<10112x144xf32, #tpu.memory_space<vmem_shared>> -> memref<128x144xf32, #tpu.memory_space<vmem_shared>>
      %dma_wait3A_76 = arith.constant 0 : i32
      %dma_wait3A_77 = tpu.memref_slice %arg9[%add3A_6, %dma_wait3A_76] : memref<10112x144xf32, #tpu.memory_space<vmem_shared>> -> memref<128x144xf32, #tpu.memory_space<vmem_shared>>
      %dma_wait3A_78 = arith.constant 0 : i32
      %dma_wait3A_79 = arith.constant 0 : i32
      %dma_wait3A_80 = tpu.memref_slice %arg8[%dma_wait3A_78, %dma_wait3A_79] : memref<256x144xf32, #tpu.memory_space<vmem>> -> memref<128x144xf32, #tpu.memory_space<vmem>>
      tpu.wait_dma2 semaphore(%run_scoped3A : memref<!tpu.dma_semaphore, #tpu.memory_space<semaphore_mem>>) src(%dma_wait3A_80 : memref<128x144xf32, #tpu.memory_space<vmem>>) dst(%dma_wait3A_77 : memref<128x144xf32, #tpu.memory_space<vmem_shared>>)
      tpu.yield
    }) : () -> ()
    %add3A_7 = arith.constant 128 : i32
    %add3A_8 = arith.addi %mul3A_5, %add3A_7 : i32
    "tpu.region"() ({
      %run_scoped3A = tpu.sem_alloc : memref<!tpu.dma_semaphore, #tpu.memory_space<semaphore_mem>>
      %dma_start3A = arith.constant 0 : i32
      %dma_start3A_63 = arith.constant 0 : i32
      %dma_start3A_64 = tpu.memref_slice %arg8[%dma_start3A, %dma_start3A_63] : memref<256x144xf32, #tpu.memory_space<vmem>> -> memref<128x144xf32, #tpu.memory_space<vmem>>
      %dma_start3A_65 = arith.constant 0 : i32
      %dma_start3A_66 = tpu.memref_slice %arg9[%add3A_8, %dma_start3A_65] : memref<10112x144xf32, #tpu.memory_space<vmem_shared>> -> memref<128x144xf32, #tpu.memory_space<vmem_shared>>
      %dma_start3A_67 = arith.constant 0 : i32
      %dma_start3A_68 = tpu.memref_slice %arg9[%add3A_8, %dma_start3A_67] : memref<10112x144xf32, #tpu.memory_space<vmem_shared>> -> memref<128x144xf32, #tpu.memory_space<vmem_shared>>
      %dma_start3A_69 = arith.constant 0 : i32
      %dma_start3A_70 = arith.constant 0 : i32
      %dma_start3A_71 = tpu.memref_slice %arg8[%dma_start3A_69, %dma_start3A_70] : memref<256x144xf32, #tpu.memory_space<vmem>> -> memref<128x144xf32, #tpu.memory_space<vmem>>
      tpu.enqueue_dma source(%dma_start3A_71 : memref<128x144xf32, #tpu.memory_space<vmem>>) target(%dma_start3A_68 : memref<128x144xf32, #tpu.memory_space<vmem_shared>>) target_semaphore(%run_scoped3A : memref<!tpu.dma_semaphore, #tpu.memory_space<semaphore_mem>>)
      %dma_wait3A = arith.constant 0 : i32
      %dma_wait3A_72 = arith.constant 0 : i32
      %dma_wait3A_73 = tpu.memref_slice %arg8[%dma_wait3A, %dma_wait3A_72] : memref<256x144xf32, #tpu.memory_space<vmem>> -> memref<128x144xf32, #tpu.memory_space<vmem>>
      %dma_wait3A_74 = arith.constant 0 : i32
      %dma_wait3A_75 = tpu.memref_slice %arg9[%add3A_8, %dma_wait3A_74] : memref<10112x144xf32, #tpu.memory_space<vmem_shared>> -> memref<128x144xf32, #tpu.memory_space<vmem_shared>>
      %dma_wait3A_76 = arith.constant 0 : i32
      %dma_wait3A_77 = tpu.memref_slice %arg9[%add3A_8, %dma_wait3A_76] : memref<10112x144xf32, #tpu.memory_space<vmem_shared>> -> memref<128x144xf32, #tpu.memory_space<vmem_shared>>
      %dma_wait3A_78 = arith.constant 0 : i32
      %dma_wait3A_79 = arith.constant 0 : i32
      %dma_wait3A_80 = tpu.memref_slice %arg8[%dma_wait3A_78, %dma_wait3A_79] : memref<256x144xf32, #tpu.memory_space<vmem>> -> memref<128x144xf32, #tpu.memory_space<vmem>>
      tpu.wait_dma2 semaphore(%run_scoped3A : memref<!tpu.dma_semaphore, #tpu.memory_space<semaphore_mem>>) src(%dma_wait3A_80 : memref<128x144xf32, #tpu.memory_space<vmem>>) dst(%dma_wait3A_77 : memref<128x144xf32, #tpu.memory_space<vmem_shared>>)
      tpu.yield
    }) : () -> ()
    %add3A_9 = arith.constant 256 : i32
    %add3A_10 = arith.addi %mul3A_5, %add3A_9 : i32
    "tpu.region"() ({
      %run_scoped3A = tpu.sem_alloc : memref<!tpu.dma_semaphore, #tpu.memory_space<semaphore_mem>>
      %dma_start3A = arith.constant 0 : i32
      %dma_start3A_63 = arith.constant 0 : i32
      %dma_start3A_64 = tpu.memref_slice %arg8[%dma_start3A, %dma_start3A_63] : memref<256x144xf32, #tpu.memory_space<vmem>> -> memref<128x144xf32, #tpu.memory_space<vmem>>
      %dma_start3A_65 = arith.constant 0 : i32
      %dma_start3A_66 = tpu.memref_slice %arg9[%add3A_10, %dma_start3A_65] : memref<10112x144xf32, #tpu.memory_space<vmem_shared>> -> memref<128x144xf32, #tpu.memory_space<vmem_shared>>
      %dma_start3A_67 = arith.constant 0 : i32
      %dma_start3A_68 = tpu.memref_slice %arg9[%add3A_10, %dma_start3A_67] : memref<10112x144xf32, #tpu.memory_space<vmem_shared>> -> memref<128x144xf32, #tpu.memory_space<vmem_shared>>
      %dma_start3A_69 = arith.constant 0 : i32
      %dma_start3A_70 = arith.constant 0 : i32
      %dma_start3A_71 = tpu.memref_slice %arg8[%dma_start3A_69, %dma_start3A_70] : memref<256x144xf32, #tpu.memory_space<vmem>> -> memref<128x144xf32, #tpu.memory_space<vmem>>
      tpu.enqueue_dma source(%dma_start3A_71 : memref<128x144xf32, #tpu.memory_space<vmem>>) target(%dma_start3A_68 : memref<128x144xf32, #tpu.memory_space<vmem_shared>>) target_semaphore(%run_scoped3A : memref<!tpu.dma_semaphore, #tpu.memory_space<semaphore_mem>>)
      %dma_wait3A = arith.constant 0 : i32
      %dma_wait3A_72 = arith.constant 0 : i32
      %dma_wait3A_73 = tpu.memref_slice %arg8[%dma_wait3A, %dma_wait3A_72] : memref<256x144xf32, #tpu.memory_space<vmem>> -> memref<128x144xf32, #tpu.memory_space<vmem>>
      %dma_wait3A_74 = arith.constant 0 : i32
      %dma_wait3A_75 = tpu.memref_slice %arg9[%add3A_10, %dma_wait3A_74] : memref<10112x144xf32, #tpu.memory_space<vmem_shared>> -> memref<128x144xf32, #tpu.memory_space<vmem_shared>>
      %dma_wait3A_76 = arith.constant 0 : i32
      %dma_wait3A_77 = tpu.memref_slice %arg9[%add3A_10, %dma_wait3A_76] : memref<10112x144xf32, #tpu.memory_space<vmem_shared>> -> memref<128x144xf32, #tpu.memory_space<vmem_shared>>
      %dma_wait3A_78 = arith.constant 0 : i32
      %dma_wait3A_79 = arith.constant 0 : i32
      %dma_wait3A_80 = tpu.memref_slice %arg8[%dma_wait3A_78, %dma_wait3A_79] : memref<256x144xf32, #tpu.memory_space<vmem>> -> memref<128x144xf32, #tpu.memory_space<vmem>>
      tpu.wait_dma2 semaphore(%run_scoped3A : memref<!tpu.dma_semaphore, #tpu.memory_space<semaphore_mem>>) src(%dma_wait3A_80 : memref<128x144xf32, #tpu.memory_space<vmem>>) dst(%dma_wait3A_77 : memref<128x144xf32, #tpu.memory_space<vmem_shared>>)
      tpu.yield
    }) : () -> ()
    %add3A_11 = arith.constant 384 : i32
    %add3A_12 = arith.addi %mul3A_5, %add3A_11 : i32
    "tpu.region"() ({
      %run_scoped3A = tpu.sem_alloc : memref<!tpu.dma_semaphore, #tpu.memory_space<semaphore_mem>>
      %dma_start3A = arith.constant 0 : i32
      %dma_start3A_63 = arith.constant 0 : i32
      %dma_start3A_64 = tpu.memref_slice %arg8[%dma_start3A, %dma_start3A_63] : memref<256x144xf32, #tpu.memory_space<vmem>> -> memref<128x144xf32, #tpu.memory_space<vmem>>
      %dma_start3A_65 = arith.constant 0 : i32
      %dma_start3A_66 = tpu.memref_slice %arg9[%add3A_12, %dma_start3A_65] : memref<10112x144xf32, #tpu.memory_space<vmem_shared>> -> memref<128x144xf32, #tpu.memory_space<vmem_shared>>
      %dma_start3A_67 = arith.constant 0 : i32
      %dma_start3A_68 = tpu.memref_slice %arg9[%add3A_12, %dma_start3A_67] : memref<10112x144xf32, #tpu.memory_space<vmem_shared>> -> memref<128x144xf32, #tpu.memory_space<vmem_shared>>
      %dma_start3A_69 = arith.constant 0 : i32
      %dma_start3A_70 = arith.constant 0 : i32
      %dma_start3A_71 = tpu.memref_slice %arg8[%dma_start3A_69, %dma_start3A_70] : memref<256x144xf32, #tpu.memory_space<vmem>> -> memref<128x144xf32, #tpu.memory_space<vmem>>
      tpu.enqueue_dma source(%dma_start3A_71 : memref<128x144xf32, #tpu.memory_space<vmem>>) target(%dma_start3A_68 : memref<128x144xf32, #tpu.memory_space<vmem_shared>>) target_semaphore(%run_scoped3A : memref<!tpu.dma_semaphore, #tpu.memory_space<semaphore_mem>>)
      %dma_wait3A = arith.constant 0 : i32
      %dma_wait3A_72 = arith.constant 0 : i32
      %dma_wait3A_73 = tpu.memref_slice %arg8[%dma_wait3A, %dma_wait3A_72] : memref<256x144xf32, #tpu.memory_space<vmem>> -> memref<128x144xf32, #tpu.memory_space<vmem>>
      %dma_wait3A_74 = arith.constant 0 : i32
      %dma_wait3A_75 = tpu.memref_slice %arg9[%add3A_12, %dma_wait3A_74] : memref<10112x144xf32, #tpu.memory_space<vmem_shared>> -> memref<128x144xf32, #tpu.memory_space<vmem_shared>>
      %dma_wait3A_76 = arith.constant 0 : i32
      %dma_wait3A_77 = tpu.memref_slice %arg9[%add3A_12, %dma_wait3A_76] : memref<10112x144xf32, #tpu.memory_space<vmem_shared>> -> memref<128x144xf32, #tpu.memory_space<vmem_shared>>
      %dma_wait3A_78 = arith.constant 0 : i32
      %dma_wait3A_79 = arith.constant 0 : i32
      %dma_wait3A_80 = tpu.memref_slice %arg8[%dma_wait3A_78, %dma_wait3A_79] : memref<256x144xf32, #tpu.memory_space<vmem>> -> memref<128x144xf32, #tpu.memory_space<vmem>>
      tpu.wait_dma2 semaphore(%run_scoped3A : memref<!tpu.dma_semaphore, #tpu.memory_space<semaphore_mem>>) src(%dma_wait3A_80 : memref<128x144xf32, #tpu.memory_space<vmem>>) dst(%dma_wait3A_77 : memref<128x144xf32, #tpu.memory_space<vmem_shared>>)
      tpu.yield
    }) : () -> ()
    %add3A_13 = arith.constant 512 : i32
    %add3A_14 = arith.addi %mul3A_5, %add3A_13 : i32
    "tpu.region"() ({
      %run_scoped3A = tpu.sem_alloc : memref<!tpu.dma_semaphore, #tpu.memory_space<semaphore_mem>>
      %dma_start3A = arith.constant 0 : i32
      %dma_start3A_63 = arith.constant 0 : i32
      %dma_start3A_64 = tpu.memref_slice %arg8[%dma_start3A, %dma_start3A_63] : memref<256x144xf32, #tpu.memory_space<vmem>> -> memref<120x144xf32, #tpu.memory_space<vmem>>
      %dma_start3A_65 = arith.constant 0 : i32
      %dma_start3A_66 = tpu.memref_slice %arg9[%add3A_14, %dma_start3A_65] : memref<10112x144xf32, #tpu.memory_space<vmem_shared>> -> memref<120x144xf32, #tpu.memory_space<vmem_shared>>
      %dma_start3A_67 = arith.constant 0 : i32
      %dma_start3A_68 = tpu.memref_slice %arg9[%add3A_14, %dma_start3A_67] : memref<10112x144xf32, #tpu.memory_space<vmem_shared>> -> memref<120x144xf32, #tpu.memory_space<vmem_shared>>
      %dma_start3A_69 = arith.constant 0 : i32
      %dma_start3A_70 = arith.constant 0 : i32
      %dma_start3A_71 = tpu.memref_slice %arg8[%dma_start3A_69, %dma_start3A_70] : memref<256x144xf32, #tpu.memory_space<vmem>> -> memref<120x144xf32, #tpu.memory_space<vmem>>
      tpu.enqueue_dma source(%dma_start3A_71 : memref<120x144xf32, #tpu.memory_space<vmem>>) target(%dma_start3A_68 : memref<120x144xf32, #tpu.memory_space<vmem_shared>>) target_semaphore(%run_scoped3A : memref<!tpu.dma_semaphore, #tpu.memory_space<semaphore_mem>>)
      %dma_wait3A = arith.constant 0 : i32
      %dma_wait3A_72 = arith.constant 0 : i32
      %dma_wait3A_73 = tpu.memref_slice %arg8[%dma_wait3A, %dma_wait3A_72] : memref<256x144xf32, #tpu.memory_space<vmem>> -> memref<120x144xf32, #tpu.memory_space<vmem>>
      %dma_wait3A_74 = arith.constant 0 : i32
      %dma_wait3A_75 = tpu.memref_slice %arg9[%add3A_14, %dma_wait3A_74] : memref<10112x144xf32, #tpu.memory_space<vmem_shared>> -> memref<120x144xf32, #tpu.memory_space<vmem_shared>>
      %dma_wait3A_76 = arith.constant 0 : i32
      %dma_wait3A_77 = tpu.memref_slice %arg9[%add3A_14, %dma_wait3A_76] : memref<10112x144xf32, #tpu.memory_space<vmem_shared>> -> memref<120x144xf32, #tpu.memory_space<vmem_shared>>
      %dma_wait3A_78 = arith.constant 0 : i32
      %dma_wait3A_79 = arith.constant 0 : i32
      %dma_wait3A_80 = tpu.memref_slice %arg8[%dma_wait3A_78, %dma_wait3A_79] : memref<256x144xf32, #tpu.memory_space<vmem>> -> memref<120x144xf32, #tpu.memory_space<vmem>>
      tpu.wait_dma2 semaphore(%run_scoped3A : memref<!tpu.dma_semaphore, #tpu.memory_space<semaphore_mem>>) src(%dma_wait3A_80 : memref<120x144xf32, #tpu.memory_space<vmem>>) dst(%dma_wait3A_77 : memref<120x144xf32, #tpu.memory_space<vmem_shared>>)
      tpu.yield
    }) : () -> ()
    %barrier3A = arith.constant 0 : index
    tpu.barrier barrier_id(%barrier3A)
    %eq3A = arith.constant 0 : i32
    %eq3A_15 = arith.cmpi eq, %arg0, %eq3A : i32
    %jit3A = arith.constant 15 : i32
    %jit3A_16 = arith.constant 5 : i32
    %select_n3A = arith.select %eq3A_15, %jit3A, %jit3A_16 : i32
    %eq3A_17 = arith.constant 0 : i32
    %eq3A_18 = arith.cmpi eq, %arg0, %eq3A_17 : i32
    %mul3A_19 = arith.constant 15 : i32
    %mul3A_20 = arith.muli %arg1, %mul3A_19 : i32
    %mul3A_21 = arith.constant 5 : i32
    %mul3A_22 = arith.muli %arg1, %mul3A_21 : i32
    %add3A_23 = arith.constant 240 : i32
    %add3A_24 = arith.addi %add3A_23, %mul3A_22 : i32
    %select_n3A_25 = arith.select %eq3A_18, %mul3A_20, %add3A_24 : i32
    %sub3A = arith.constant 0 : i32
    %sub3A_26 = arith.subi %select_n3A, %sub3A : i32
    %sub3A_27 = arith.constant 1 : i32
    %sub3A_28 = arith.constant 1 : i32
    %sub3A_29 = arith.subi %sub3A_27, %sub3A_28 : i32
    %add3A_30 = arith.addi %sub3A_26, %sub3A_29 : i32
    %div3A = arith.constant 1 : i32
    %div3A_31 = arith.divsi %add3A_30, %div3A : i32
    %while3A = arith.constant 1 : i32
    %while3A_32 = arith.constant 0 : i32
    %while3A_33 = arith.constant 0 : i32
    %while3A_34 = arith.subi %div3A_31, %while3A_33 : i32
    %while3A_35 = arith.addi %while3A_33, %while3A_34 : i32
    %while3A_36 = arith.constant 1 : i32
    %while3A_37 = arith.divsi %while3A_34, %while3A_36 : i32
    %while3A_38 = arith.muli %while3A_37, %while3A_36 : i32
    %while3A_39 = arith.addi %while3A_33, %while3A_38 : i32
    %while3A_40 = arith.constant 1 : i32
    scf.for %while3A_63 = %while3A_33 to %while3A_39 step %while3A_40  : i32 {
      %mul3A_64 = arith.muli %while3A_63, %while3A : i32
      %add3A_65 = arith.addi %while3A_32, %mul3A_64 : i32
      %add3A_66 = arith.addi %select_n3A_25, %add3A_65 : i32
      "tpu.region"() ({
        %run_scoped3A = tpu.sem_alloc : memref<!tpu.dma_semaphore, #tpu.memory_space<semaphore_mem>>
        %dma_start3A = arith.constant 0 : i32
        %dma_start3A_73 = arith.constant 0 : i32
        %dma_start3A_74 = tpu.memref_slice %arg3[%add3A_66, %dma_start3A, %dma_start3A_73] : memref<320x8x128xi32, #tpu.memory_space<hbm>> -> memref<1x8x128xi32, #tpu.memory_space<hbm>>
        %dma_start3A_75 = tpu.memref_squeeze %dma_start3A_74 : memref<1x8x128xi32, #tpu.memory_space<hbm>> -> memref<8x128xi32, #tpu.memory_space<hbm>>
        %dma_start3A_76 = arith.constant 0 : i32
        %dma_start3A_77 = arith.constant 0 : i32
        %dma_start3A_78 = tpu.memref_slice %arg3[%add3A_66, %dma_start3A_76, %dma_start3A_77] : memref<320x8x128xi32, #tpu.memory_space<hbm>> -> memref<1x8x128xi32, #tpu.memory_space<hbm>>
        %dma_start3A_79 = tpu.memref_squeeze %dma_start3A_78 : memref<1x8x128xi32, #tpu.memory_space<hbm>> -> memref<8x128xi32, #tpu.memory_space<hbm>>
        tpu.enqueue_dma source(%dma_start3A_79 : memref<8x128xi32, #tpu.memory_space<hbm>>) target(%arg6 : memref<8x128xi32, #tpu.memory_space<vmem>>) target_semaphore(%run_scoped3A : memref<!tpu.dma_semaphore, #tpu.memory_space<semaphore_mem>>)
        %dma_wait3A = arith.constant 0 : i32
        %dma_wait3A_80 = arith.constant 0 : i32
        %dma_wait3A_81 = tpu.memref_slice %arg3[%add3A_66, %dma_wait3A, %dma_wait3A_80] : memref<320x8x128xi32, #tpu.memory_space<hbm>> -> memref<1x8x128xi32, #tpu.memory_space<hbm>>
        %dma_wait3A_82 = tpu.memref_squeeze %dma_wait3A_81 : memref<1x8x128xi32, #tpu.memory_space<hbm>> -> memref<8x128xi32, #tpu.memory_space<hbm>>
        %dma_wait3A_83 = arith.constant 0 : i32
        %dma_wait3A_84 = arith.constant 0 : i32
        %dma_wait3A_85 = tpu.memref_slice %arg3[%add3A_66, %dma_wait3A_83, %dma_wait3A_84] : memref<320x8x128xi32, #tpu.memory_space<hbm>> -> memref<1x8x128xi32, #tpu.memory_space<hbm>>
        %dma_wait3A_86 = tpu.memref_squeeze %dma_wait3A_85 : memref<1x8x128xi32, #tpu.memory_space<hbm>> -> memref<8x128xi32, #tpu.memory_space<hbm>>
        tpu.wait_dma2 semaphore(%run_scoped3A : memref<!tpu.dma_semaphore, #tpu.memory_space<semaphore_mem>>) src(%dma_wait3A_86 : memref<8x128xi32, #tpu.memory_space<hbm>>) dst(%arg6 : memref<8x128xi32, #tpu.memory_space<vmem>>)
        tpu.yield
      }) : () -> ()
      %add3A_67 = arith.addi %select_n3A_25, %add3A_65 : i32
      "tpu.region"() ({
        %run_scoped3A = tpu.sem_alloc : memref<!tpu.dma_semaphore, #tpu.memory_space<semaphore_mem>>
        %dma_start3A = arith.constant 0 : i32
        %dma_start3A_73 = arith.constant 0 : i32
        %dma_start3A_74 = tpu.memref_slice %arg4[%add3A_67, %dma_start3A, %dma_start3A_73] : memref<320x8x128xi32, #tpu.memory_space<hbm>> -> memref<1x8x128xi32, #tpu.memory_space<hbm>>
        %dma_start3A_75 = tpu.memref_squeeze %dma_start3A_74 : memref<1x8x128xi32, #tpu.memory_space<hbm>> -> memref<8x128xi32, #tpu.memory_space<hbm>>
        %dma_start3A_76 = arith.constant 0 : i32
        %dma_start3A_77 = arith.constant 0 : i32
        %dma_start3A_78 = tpu.memref_slice %arg4[%add3A_67, %dma_start3A_76, %dma_start3A_77] : memref<320x8x128xi32, #tpu.memory_space<hbm>> -> memref<1x8x128xi32, #tpu.memory_space<hbm>>
        %dma_start3A_79 = tpu.memref_squeeze %dma_start3A_78 : memref<1x8x128xi32, #tpu.memory_space<hbm>> -> memref<8x128xi32, #tpu.memory_space<hbm>>
        tpu.enqueue_dma source(%dma_start3A_79 : memref<8x128xi32, #tpu.memory_space<hbm>>) target(%arg7 : memref<8x128xi32, #tpu.memory_space<vmem>>) target_semaphore(%run_scoped3A : memref<!tpu.dma_semaphore, #tpu.memory_space<semaphore_mem>>)
        %dma_wait3A = arith.constant 0 : i32
        %dma_wait3A_80 = arith.constant 0 : i32
        %dma_wait3A_81 = tpu.memref_slice %arg4[%add3A_67, %dma_wait3A, %dma_wait3A_80] : memref<320x8x128xi32, #tpu.memory_space<hbm>> -> memref<1x8x128xi32, #tpu.memory_space<hbm>>
        %dma_wait3A_82 = tpu.memref_squeeze %dma_wait3A_81 : memref<1x8x128xi32, #tpu.memory_space<hbm>> -> memref<8x128xi32, #tpu.memory_space<hbm>>
        %dma_wait3A_83 = arith.constant 0 : i32
        %dma_wait3A_84 = arith.constant 0 : i32
        %dma_wait3A_85 = tpu.memref_slice %arg4[%add3A_67, %dma_wait3A_83, %dma_wait3A_84] : memref<320x8x128xi32, #tpu.memory_space<hbm>> -> memref<1x8x128xi32, #tpu.memory_space<hbm>>
        %dma_wait3A_86 = tpu.memref_squeeze %dma_wait3A_85 : memref<1x8x128xi32, #tpu.memory_space<hbm>> -> memref<8x128xi32, #tpu.memory_space<hbm>>
        tpu.wait_dma2 semaphore(%run_scoped3A : memref<!tpu.dma_semaphore, #tpu.memory_space<semaphore_mem>>) src(%dma_wait3A_86 : memref<8x128xi32, #tpu.memory_space<hbm>>) dst(%arg7 : memref<8x128xi32, #tpu.memory_space<vmem>>)
        tpu.yield
      }) : () -> ()
      %scan3A_68 = arith.constant 0 : i32
      %scan3A_69 = arith.constant 4 : i32
      %scan3A_70 = arith.addi %scan3A_68, %scan3A_69 : i32
      %scan3A_71 = arith.constant 1 : i32
      scf.for %scan3A_73 = %scan3A_68 to %scan3A_70 step %scan3A_71  : i32 {
        %mul3A_74 = arith.constant 1 : i32
        %mul3A_75 = arith.muli %scan3A_73, %mul3A_74 : i32
        %add3A_76 = arith.constant 0 : i32
        %add3A_77 = arith.addi %add3A_76, %mul3A_75 : i32
        %mul3A_78 = arith.constant 2 : i32
        %mul3A_79 = arith.muli %add3A_77, %mul3A_78 : i32
        %add3A_80 = arith.constant 0 : i32
        %add3A_81 = arith.addi %mul3A_79, %add3A_80 : i32
        %dma_start3A = arith.constant 0 : i32
        %dma_start3A_82 = arith.constant 0 : i32
        %dma_start3A_83 = tpu.memref_slice %arg8[%dma_start3A, %dma_start3A_82] : memref<256x144xf32, #tpu.memory_space<vmem>> -> memref<128x144xf32, #tpu.memory_space<vmem>>
        %dma_start3A_84 = arith.constant 0 : i32
        %dma_start3A_85 = tpu.memref_slice %arg6[%add3A_81, %dma_start3A_84] : memref<8x128xi32, #tpu.memory_space<vmem>> -> memref<1x128xi32, #tpu.memory_space<vmem>>
        %dma_start3A_86 = tpu.memref_squeeze %dma_start3A_85 : memref<1x128xi32, #tpu.memory_space<vmem>> -> memref<128xi32, #tpu.memory_space<vmem>>
        %dma_start3A_87 = arith.constant 0 : i32
        %dma_start3A_88 = arith.constant 0 : i32
        %dma_start3A_89 = tpu.memref_slice %arg2[%dma_start3A_87, %dma_start3A_88] : memref<10000x144xf32, #tpu.memory_space<hbm>> -> memref<10000x144xf32, #tpu.memory_space<hbm>>
        tpu.enqueue_indirect_dma source(%dma_start3A_89 : memref<10000x144xf32, #tpu.memory_space<hbm>>) target(%dma_start3A_83 : memref<128x144xf32, #tpu.memory_space<vmem>>) offsets(%dma_start3A_86 : memref<128xi32, #tpu.memory_space<vmem>>) semaphore(%arg10 : memref<!tpu.dma_semaphore, #tpu.memory_space<semaphore_mem>>)
        %mul3A_90 = arith.constant 2 : i32
        %mul3A_91 = arith.muli %add3A_77, %mul3A_90 : i32
        %add3A_92 = arith.constant 1 : i32
        %add3A_93 = arith.addi %mul3A_91, %add3A_92 : i32
        %dma_start3A_94 = arith.constant 128 : i32
        %dma_start3A_95 = arith.constant 0 : i32
        %dma_start3A_96 = tpu.memref_slice %arg8[%dma_start3A_94, %dma_start3A_95] : memref<256x144xf32, #tpu.memory_space<vmem>> -> memref<128x144xf32, #tpu.memory_space<vmem>>
        %dma_start3A_97 = arith.constant 0 : i32
        %dma_start3A_98 = tpu.memref_slice %arg6[%add3A_93, %dma_start3A_97] : memref<8x128xi32, #tpu.memory_space<vmem>> -> memref<1x128xi32, #tpu.memory_space<vmem>>
        %dma_start3A_99 = tpu.memref_squeeze %dma_start3A_98 : memref<1x128xi32, #tpu.memory_space<vmem>> -> memref<128xi32, #tpu.memory_space<vmem>>
        %dma_start3A_100 = arith.constant 0 : i32
        %dma_start3A_101 = arith.constant 0 : i32
        %dma_start3A_102 = tpu.memref_slice %arg2[%dma_start3A_100, %dma_start3A_101] : memref<10000x144xf32, #tpu.memory_space<hbm>> -> memref<10000x144xf32, #tpu.memory_space<hbm>>
        tpu.enqueue_indirect_dma source(%dma_start3A_102 : memref<10000x144xf32, #tpu.memory_space<hbm>>) target(%dma_start3A_96 : memref<128x144xf32, #tpu.memory_space<vmem>>) offsets(%dma_start3A_99 : memref<128xi32, #tpu.memory_space<vmem>>) semaphore(%arg10 : memref<!tpu.dma_semaphore, #tpu.memory_space<semaphore_mem>>)
        %dma_wait3A = arith.constant 0 : i32
        %dma_wait3A_103 = arith.constant 0 : i32
        %dma_wait3A_104 = tpu.memref_slice %arg8[%dma_wait3A, %dma_wait3A_103] : memref<256x144xf32, #tpu.memory_space<vmem>> -> memref<128x144xf32, #tpu.memory_space<vmem>>
        %dma_wait3A_105 = arith.constant 0 : i32
        %dma_wait3A_106 = tpu.memref_slice %arg6[%add3A_81, %dma_wait3A_105] : memref<8x128xi32, #tpu.memory_space<vmem>> -> memref<1x128xi32, #tpu.memory_space<vmem>>
        %dma_wait3A_107 = tpu.memref_squeeze %dma_wait3A_106 : memref<1x128xi32, #tpu.memory_space<vmem>> -> memref<128xi32, #tpu.memory_space<vmem>>
        %dma_wait3A_108 = arith.constant 0 : i32
        %dma_wait3A_109 = arith.constant 0 : i32
        %dma_wait3A_110 = tpu.memref_slice %arg2[%dma_wait3A_108, %dma_wait3A_109] : memref<10000x144xf32, #tpu.memory_space<hbm>> -> memref<10000x144xf32, #tpu.memory_space<hbm>>
        tpu.wait_indirect_dma semaphore(%arg10 : memref<!tpu.dma_semaphore, #tpu.memory_space<semaphore_mem>>) src(%dma_wait3A_110 : memref<10000x144xf32, #tpu.memory_space<hbm>>) dst(%dma_wait3A_104 : memref<128x144xf32, #tpu.memory_space<vmem>>)
        %dma_wait3A_111 = arith.constant 128 : i32
        %dma_wait3A_112 = arith.constant 0 : i32
        %dma_wait3A_113 = tpu.memref_slice %arg8[%dma_wait3A_111, %dma_wait3A_112] : memref<256x144xf32, #tpu.memory_space<vmem>> -> memref<128x144xf32, #tpu.memory_space<vmem>>
        %dma_wait3A_114 = arith.constant 0 : i32
        %dma_wait3A_115 = tpu.memref_slice %arg6[%add3A_93, %dma_wait3A_114] : memref<8x128xi32, #tpu.memory_space<vmem>> -> memref<1x128xi32, #tpu.memory_space<vmem>>
        %dma_wait3A_116 = tpu.memref_squeeze %dma_wait3A_115 : memref<1x128xi32, #tpu.memory_space<vmem>> -> memref<128xi32, #tpu.memory_space<vmem>>
        %dma_wait3A_117 = arith.constant 0 : i32
        %dma_wait3A_118 = arith.constant 0 : i32
        %dma_wait3A_119 = tpu.memref_slice %arg2[%dma_wait3A_117, %dma_wait3A_118] : memref<10000x144xf32, #tpu.memory_space<hbm>> -> memref<10000x144xf32, #tpu.memory_space<hbm>>
        tpu.wait_indirect_dma semaphore(%arg10 : memref<!tpu.dma_semaphore, #tpu.memory_space<semaphore_mem>>) src(%dma_wait3A_119 : memref<10000x144xf32, #tpu.memory_space<hbm>>) dst(%dma_wait3A_113 : memref<128x144xf32, #tpu.memory_space<vmem>>)
        %mul3A_120 = arith.constant 2 : i32
        %mul3A_121 = arith.muli %add3A_77, %mul3A_120 : i32
        %add3A_122 = arith.constant 0 : i32
        %add3A_123 = arith.addi %mul3A_121, %add3A_122 : i32
        %dma_start3A_124 = arith.constant 0 : i32
        %dma_start3A_125 = arith.constant 0 : i32
        %dma_start3A_126 = tpu.memref_slice %arg8[%dma_start3A_124, %dma_start3A_125] : memref<256x144xf32, #tpu.memory_space<vmem>> -> memref<128x144xf32, #tpu.memory_space<vmem>>
        %dma_start3A_127 = arith.constant 0 : i32
        %dma_start3A_128 = tpu.memref_slice %arg7[%add3A_123, %dma_start3A_127] : memref<8x128xi32, #tpu.memory_space<vmem>> -> memref<1x128xi32, #tpu.memory_space<vmem>>
        %dma_start3A_129 = tpu.memref_squeeze %dma_start3A_128 : memref<1x128xi32, #tpu.memory_space<vmem>> -> memref<128xi32, #tpu.memory_space<vmem>>
        %dma_start3A_130 = arith.constant 0 : i32
        %dma_start3A_131 = arith.constant 0 : i32
        %dma_start3A_132 = tpu.memref_slice %arg9[%dma_start3A_130, %dma_start3A_131] : memref<10112x144xf32, #tpu.memory_space<vmem_shared>> -> memref<10112x144xf32, #tpu.memory_space<vmem_shared>>
        tpu.enqueue_indirect_dma source(%dma_start3A_126 : memref<128x144xf32, #tpu.memory_space<vmem>>) target(%dma_start3A_132 : memref<10112x144xf32, #tpu.memory_space<vmem_shared>>) offsets(%dma_start3A_129 : memref<128xi32, #tpu.memory_space<vmem>>) semaphore(%arg10 : memref<!tpu.dma_semaphore, #tpu.memory_space<semaphore_mem>>) {add = true}
        %mul3A_133 = arith.constant 2 : i32
        %mul3A_134 = arith.muli %add3A_77, %mul3A_133 : i32
        %add3A_135 = arith.constant 1 : i32
        %add3A_136 = arith.addi %mul3A_134, %add3A_135 : i32
        %dma_start3A_137 = arith.constant 128 : i32
        %dma_start3A_138 = arith.constant 0 : i32
        %dma_start3A_139 = tpu.memref_slice %arg8[%dma_start3A_137, %dma_start3A_138] : memref<256x144xf32, #tpu.memory_space<vmem>> -> memref<128x144xf32, #tpu.memory_space<vmem>>
        %dma_start3A_140 = arith.constant 0 : i32
        %dma_start3A_141 = tpu.memref_slice %arg7[%add3A_136, %dma_start3A_140] : memref<8x128xi32, #tpu.memory_space<vmem>> -> memref<1x128xi32, #tpu.memory_space<vmem>>
        %dma_start3A_142 = tpu.memref_squeeze %dma_start3A_141 : memref<1x128xi32, #tpu.memory_space<vmem>> -> memref<128xi32, #tpu.memory_space<vmem>>
        %dma_start3A_143 = arith.constant 0 : i32
        %dma_start3A_144 = arith.constant 0 : i32
        %dma_start3A_145 = tpu.memref_slice %arg9[%dma_start3A_143, %dma_start3A_144] : memref<10112x144xf32, #tpu.memory_space<vmem_shared>> -> memref<10112x144xf32, #tpu.memory_space<vmem_shared>>
        tpu.enqueue_indirect_dma source(%dma_start3A_139 : memref<128x144xf32, #tpu.memory_space<vmem>>) target(%dma_start3A_145 : memref<10112x144xf32, #tpu.memory_space<vmem_shared>>) offsets(%dma_start3A_142 : memref<128xi32, #tpu.memory_space<vmem>>) semaphore(%arg10 : memref<!tpu.dma_semaphore, #tpu.memory_space<semaphore_mem>>) {add = true}
        %dma_wait3A_146 = arith.constant 0 : i32
        %dma_wait3A_147 = arith.constant 0 : i32
        %dma_wait3A_148 = tpu.memref_slice %arg8[%dma_wait3A_146, %dma_wait3A_147] : memref<256x144xf32, #tpu.memory_space<vmem>> -> memref<128x144xf32, #tpu.memory_space<vmem>>
        %dma_wait3A_149 = arith.constant 0 : i32
        %dma_wait3A_150 = tpu.memref_slice %arg7[%add3A_123, %dma_wait3A_149] : memref<8x128xi32, #tpu.memory_space<vmem>> -> memref<1x128xi32, #tpu.memory_space<vmem>>
        %dma_wait3A_151 = tpu.memref_squeeze %dma_wait3A_150 : memref<1x128xi32, #tpu.memory_space<vmem>> -> memref<128xi32, #tpu.memory_space<vmem>>
        %dma_wait3A_152 = arith.constant 0 : i32
        %dma_wait3A_153 = arith.constant 0 : i32
        %dma_wait3A_154 = tpu.memref_slice %arg9[%dma_wait3A_152, %dma_wait3A_153] : memref<10112x144xf32, #tpu.memory_space<vmem_shared>> -> memref<10112x144xf32, #tpu.memory_space<vmem_shared>>
        tpu.wait_indirect_dma semaphore(%arg10 : memref<!tpu.dma_semaphore, #tpu.memory_space<semaphore_mem>>) src(%dma_wait3A_148 : memref<128x144xf32, #tpu.memory_space<vmem>>) dst(%dma_wait3A_154 : memref<10112x144xf32, #tpu.memory_space<vmem_shared>>)
        %dma_wait3A_155 = arith.constant 128 : i32
        %dma_wait3A_156 = arith.constant 0 : i32
        %dma_wait3A_157 = tpu.memref_slice %arg8[%dma_wait3A_155, %dma_wait3A_156] : memref<256x144xf32, #tpu.memory_space<vmem>> -> memref<128x144xf32, #tpu.memory_space<vmem>>
        %dma_wait3A_158 = arith.constant 0 : i32
        %dma_wait3A_159 = tpu.memref_slice %arg7[%add3A_136, %dma_wait3A_158] : memref<8x128xi32, #tpu.memory_space<vmem>> -> memref<1x128xi32, #tpu.memory_space<vmem>>
        %dma_wait3A_160 = tpu.memref_squeeze %dma_wait3A_159 : memref<1x128xi32, #tpu.memory_space<vmem>> -> memref<128xi32, #tpu.memory_space<vmem>>
        %dma_wait3A_161 = arith.constant 0 : i32
        %dma_wait3A_162 = arith.constant 0 : i32
        %dma_wait3A_163 = tpu.memref_slice %arg9[%dma_wait3A_161, %dma_wait3A_162] : memref<10112x144xf32, #tpu.memory_space<vmem_shared>> -> memref<10112x144xf32, #tpu.memory_space<vmem_shared>>
        tpu.wait_indirect_dma semaphore(%arg10 : memref<!tpu.dma_semaphore, #tpu.memory_space<semaphore_mem>>) src(%dma_wait3A_157 : memref<128x144xf32, #tpu.memory_space<vmem>>) dst(%dma_wait3A_163 : memref<10112x144xf32, #tpu.memory_space<vmem_shared>>)
      }
      %scan3A_72 = arith.constant 4 : i32
    }
    %while3A_41 = arith.constant 1 : i32
    scf.for %while3A_63 = %while3A_39 to %while3A_35 step %while3A_41  : i32 {
      %mul3A_64 = arith.muli %while3A_63, %while3A : i32
      %add3A_65 = arith.addi %while3A_32, %mul3A_64 : i32
      %add3A_66 = arith.addi %select_n3A_25, %add3A_65 : i32
      "tpu.region"() ({
        %run_scoped3A = tpu.sem_alloc : memref<!tpu.dma_semaphore, #tpu.memory_space<semaphore_mem>>
        %dma_start3A = arith.constant 0 : i32
        %dma_start3A_73 = arith.constant 0 : i32
        %dma_start3A_74 = tpu.memref_slice %arg3[%add3A_66, %dma_start3A, %dma_start3A_73] : memref<320x8x128xi32, #tpu.memory_space<hbm>> -> memref<1x8x128xi32, #tpu.memory_space<hbm>>
        %dma_start3A_75 = tpu.memref_squeeze %dma_start3A_74 : memref<1x8x128xi32, #tpu.memory_space<hbm>> -> memref<8x128xi32, #tpu.memory_space<hbm>>
        %dma_start3A_76 = arith.constant 0 : i32
        %dma_start3A_77 = arith.constant 0 : i32
        %dma_start3A_78 = tpu.memref_slice %arg3[%add3A_66, %dma_start3A_76, %dma_start3A_77] : memref<320x8x128xi32, #tpu.memory_space<hbm>> -> memref<1x8x128xi32, #tpu.memory_space<hbm>>
        %dma_start3A_79 = tpu.memref_squeeze %dma_start3A_78 : memref<1x8x128xi32, #tpu.memory_space<hbm>> -> memref<8x128xi32, #tpu.memory_space<hbm>>
        tpu.enqueue_dma source(%dma_start3A_79 : memref<8x128xi32, #tpu.memory_space<hbm>>) target(%arg6 : memref<8x128xi32, #tpu.memory_space<vmem>>) target_semaphore(%run_scoped3A : memref<!tpu.dma_semaphore, #tpu.memory_space<semaphore_mem>>)
        %dma_wait3A = arith.constant 0 : i32
        %dma_wait3A_80 = arith.constant 0 : i32
        %dma_wait3A_81 = tpu.memref_slice %arg3[%add3A_66, %dma_wait3A, %dma_wait3A_80] : memref<320x8x128xi32, #tpu.memory_space<hbm>> -> memref<1x8x128xi32, #tpu.memory_space<hbm>>
        %dma_wait3A_82 = tpu.memref_squeeze %dma_wait3A_81 : memref<1x8x128xi32, #tpu.memory_space<hbm>> -> memref<8x128xi32, #tpu.memory_space<hbm>>
        %dma_wait3A_83 = arith.constant 0 : i32
        %dma_wait3A_84 = arith.constant 0 : i32
        %dma_wait3A_85 = tpu.memref_slice %arg3[%add3A_66, %dma_wait3A_83, %dma_wait3A_84] : memref<320x8x128xi32, #tpu.memory_space<hbm>> -> memref<1x8x128xi32, #tpu.memory_space<hbm>>
        %dma_wait3A_86 = tpu.memref_squeeze %dma_wait3A_85 : memref<1x8x128xi32, #tpu.memory_space<hbm>> -> memref<8x128xi32, #tpu.memory_space<hbm>>
        tpu.wait_dma2 semaphore(%run_scoped3A : memref<!tpu.dma_semaphore, #tpu.memory_space<semaphore_mem>>) src(%dma_wait3A_86 : memref<8x128xi32, #tpu.memory_space<hbm>>) dst(%arg6 : memref<8x128xi32, #tpu.memory_space<vmem>>)
        tpu.yield
      }) : () -> ()
      %add3A_67 = arith.addi %select_n3A_25, %add3A_65 : i32
      "tpu.region"() ({
        %run_scoped3A = tpu.sem_alloc : memref<!tpu.dma_semaphore, #tpu.memory_space<semaphore_mem>>
        %dma_start3A = arith.constant 0 : i32
        %dma_start3A_73 = arith.constant 0 : i32
        %dma_start3A_74 = tpu.memref_slice %arg4[%add3A_67, %dma_start3A, %dma_start3A_73] : memref<320x8x128xi32, #tpu.memory_space<hbm>> -> memref<1x8x128xi32, #tpu.memory_space<hbm>>
        %dma_start3A_75 = tpu.memref_squeeze %dma_start3A_74 : memref<1x8x128xi32, #tpu.memory_space<hbm>> -> memref<8x128xi32, #tpu.memory_space<hbm>>
        %dma_start3A_76 = arith.constant 0 : i32
        %dma_start3A_77 = arith.constant 0 : i32
        %dma_start3A_78 = tpu.memref_slice %arg4[%add3A_67, %dma_start3A_76, %dma_start3A_77] : memref<320x8x128xi32, #tpu.memory_space<hbm>> -> memref<1x8x128xi32, #tpu.memory_space<hbm>>
        %dma_start3A_79 = tpu.memref_squeeze %dma_start3A_78 : memref<1x8x128xi32, #tpu.memory_space<hbm>> -> memref<8x128xi32, #tpu.memory_space<hbm>>
        tpu.enqueue_dma source(%dma_start3A_79 : memref<8x128xi32, #tpu.memory_space<hbm>>) target(%arg7 : memref<8x128xi32, #tpu.memory_space<vmem>>) target_semaphore(%run_scoped3A : memref<!tpu.dma_semaphore, #tpu.memory_space<semaphore_mem>>)
        %dma_wait3A = arith.constant 0 : i32
        %dma_wait3A_80 = arith.constant 0 : i32
        %dma_wait3A_81 = tpu.memref_slice %arg4[%add3A_67, %dma_wait3A, %dma_wait3A_80] : memref<320x8x128xi32, #tpu.memory_space<hbm>> -> memref<1x8x128xi32, #tpu.memory_space<hbm>>
        %dma_wait3A_82 = tpu.memref_squeeze %dma_wait3A_81 : memref<1x8x128xi32, #tpu.memory_space<hbm>> -> memref<8x128xi32, #tpu.memory_space<hbm>>
        %dma_wait3A_83 = arith.constant 0 : i32
        %dma_wait3A_84 = arith.constant 0 : i32
        %dma_wait3A_85 = tpu.memref_slice %arg4[%add3A_67, %dma_wait3A_83, %dma_wait3A_84] : memref<320x8x128xi32, #tpu.memory_space<hbm>> -> memref<1x8x128xi32, #tpu.memory_space<hbm>>
        %dma_wait3A_86 = tpu.memref_squeeze %dma_wait3A_85 : memref<1x8x128xi32, #tpu.memory_space<hbm>> -> memref<8x128xi32, #tpu.memory_space<hbm>>
        tpu.wait_dma2 semaphore(%run_scoped3A : memref<!tpu.dma_semaphore, #tpu.memory_space<semaphore_mem>>) src(%dma_wait3A_86 : memref<8x128xi32, #tpu.memory_space<hbm>>) dst(%arg7 : memref<8x128xi32, #tpu.memory_space<vmem>>)
        tpu.yield
      }) : () -> ()
      %scan3A_68 = arith.constant 0 : i32
      %scan3A_69 = arith.constant 4 : i32
      %scan3A_70 = arith.addi %scan3A_68, %scan3A_69 : i32
      %scan3A_71 = arith.constant 1 : i32
      scf.for %scan3A_73 = %scan3A_68 to %scan3A_70 step %scan3A_71  : i32 {
        %mul3A_74 = arith.constant 1 : i32
        %mul3A_75 = arith.muli %scan3A_73, %mul3A_74 : i32
        %add3A_76 = arith.constant 0 : i32
        %add3A_77 = arith.addi %add3A_76, %mul3A_75 : i32
        %mul3A_78 = arith.constant 2 : i32
        %mul3A_79 = arith.muli %add3A_77, %mul3A_78 : i32
        %add3A_80 = arith.constant 0 : i32
        %add3A_81 = arith.addi %mul3A_79, %add3A_80 : i32
        %dma_start3A = arith.constant 0 : i32
        %dma_start3A_82 = arith.constant 0 : i32
        %dma_start3A_83 = tpu.memref_slice %arg8[%dma_start3A, %dma_start3A_82] : memref<256x144xf32, #tpu.memory_space<vmem>> -> memref<128x144xf32, #tpu.memory_space<vmem>>
        %dma_start3A_84 = arith.constant 0 : i32
        %dma_start3A_85 = tpu.memref_slice %arg6[%add3A_81, %dma_start3A_84] : memref<8x128xi32, #tpu.memory_space<vmem>> -> memref<1x128xi32, #tpu.memory_space<vmem>>
        %dma_start3A_86 = tpu.memref_squeeze %dma_start3A_85 : memref<1x128xi32, #tpu.memory_space<vmem>> -> memref<128xi32, #tpu.memory_space<vmem>>
        %dma_start3A_87 = arith.constant 0 : i32
        %dma_start3A_88 = arith.constant 0 : i32
        %dma_start3A_89 = tpu.memref_slice %arg2[%dma_start3A_87, %dma_start3A_88] : memref<10000x144xf32, #tpu.memory_space<hbm>> -> memref<10000x144xf32, #tpu.memory_space<hbm>>
        tpu.enqueue_indirect_dma source(%dma_start3A_89 : memref<10000x144xf32, #tpu.memory_space<hbm>>) target(%dma_start3A_83 : memref<128x144xf32, #tpu.memory_space<vmem>>) offsets(%dma_start3A_86 : memref<128xi32, #tpu.memory_space<vmem>>) semaphore(%arg10 : memref<!tpu.dma_semaphore, #tpu.memory_space<semaphore_mem>>)
        %mul3A_90 = arith.constant 2 : i32
        %mul3A_91 = arith.muli %add3A_77, %mul3A_90 : i32
        %add3A_92 = arith.constant 1 : i32
        %add3A_93 = arith.addi %mul3A_91, %add3A_92 : i32
        %dma_start3A_94 = arith.constant 128 : i32
        %dma_start3A_95 = arith.constant 0 : i32
        %dma_start3A_96 = tpu.memref_slice %arg8[%dma_start3A_94, %dma_start3A_95] : memref<256x144xf32, #tpu.memory_space<vmem>> -> memref<128x144xf32, #tpu.memory_space<vmem>>
        %dma_start3A_97 = arith.constant 0 : i32
        %dma_start3A_98 = tpu.memref_slice %arg6[%add3A_93, %dma_start3A_97] : memref<8x128xi32, #tpu.memory_space<vmem>> -> memref<1x128xi32, #tpu.memory_space<vmem>>
        %dma_start3A_99 = tpu.memref_squeeze %dma_start3A_98 : memref<1x128xi32, #tpu.memory_space<vmem>> -> memref<128xi32, #tpu.memory_space<vmem>>
        %dma_start3A_100 = arith.constant 0 : i32
        %dma_start3A_101 = arith.constant 0 : i32
        %dma_start3A_102 = tpu.memref_slice %arg2[%dma_start3A_100, %dma_start3A_101] : memref<10000x144xf32, #tpu.memory_space<hbm>> -> memref<10000x144xf32, #tpu.memory_space<hbm>>
        tpu.enqueue_indirect_dma source(%dma_start3A_102 : memref<10000x144xf32, #tpu.memory_space<hbm>>) target(%dma_start3A_96 : memref<128x144xf32, #tpu.memory_space<vmem>>) offsets(%dma_start3A_99 : memref<128xi32, #tpu.memory_space<vmem>>) semaphore(%arg10 : memref<!tpu.dma_semaphore, #tpu.memory_space<semaphore_mem>>)
        %dma_wait3A = arith.constant 0 : i32
        %dma_wait3A_103 = arith.constant 0 : i32
        %dma_wait3A_104 = tpu.memref_slice %arg8[%dma_wait3A, %dma_wait3A_103] : memref<256x144xf32, #tpu.memory_space<vmem>> -> memref<128x144xf32, #tpu.memory_space<vmem>>
        %dma_wait3A_105 = arith.constant 0 : i32
        %dma_wait3A_106 = tpu.memref_slice %arg6[%add3A_81, %dma_wait3A_105] : memref<8x128xi32, #tpu.memory_space<vmem>> -> memref<1x128xi32, #tpu.memory_space<vmem>>
        %dma_wait3A_107 = tpu.memref_squeeze %dma_wait3A_106 : memref<1x128xi32, #tpu.memory_space<vmem>> -> memref<128xi32, #tpu.memory_space<vmem>>
        %dma_wait3A_108 = arith.constant 0 : i32
        %dma_wait3A_109 = arith.constant 0 : i32
        %dma_wait3A_110 = tpu.memref_slice %arg2[%dma_wait3A_108, %dma_wait3A_109] : memref<10000x144xf32, #tpu.memory_space<hbm>> -> memref<10000x144xf32, #tpu.memory_space<hbm>>
        tpu.wait_indirect_dma semaphore(%arg10 : memref<!tpu.dma_semaphore, #tpu.memory_space<semaphore_mem>>) src(%dma_wait3A_110 : memref<10000x144xf32, #tpu.memory_space<hbm>>) dst(%dma_wait3A_104 : memref<128x144xf32, #tpu.memory_space<vmem>>)
        %dma_wait3A_111 = arith.constant 128 : i32
        %dma_wait3A_112 = arith.constant 0 : i32
        %dma_wait3A_113 = tpu.memref_slice %arg8[%dma_wait3A_111, %dma_wait3A_112] : memref<256x144xf32, #tpu.memory_space<vmem>> -> memref<128x144xf32, #tpu.memory_space<vmem>>
        %dma_wait3A_114 = arith.constant 0 : i32
        %dma_wait3A_115 = tpu.memref_slice %arg6[%add3A_93, %dma_wait3A_114] : memref<8x128xi32, #tpu.memory_space<vmem>> -> memref<1x128xi32, #tpu.memory_space<vmem>>
        %dma_wait3A_116 = tpu.memref_squeeze %dma_wait3A_115 : memref<1x128xi32, #tpu.memory_space<vmem>> -> memref<128xi32, #tpu.memory_space<vmem>>
        %dma_wait3A_117 = arith.constant 0 : i32
        %dma_wait3A_118 = arith.constant 0 : i32
        %dma_wait3A_119 = tpu.memref_slice %arg2[%dma_wait3A_117, %dma_wait3A_118] : memref<10000x144xf32, #tpu.memory_space<hbm>> -> memref<10000x144xf32, #tpu.memory_space<hbm>>
        tpu.wait_indirect_dma semaphore(%arg10 : memref<!tpu.dma_semaphore, #tpu.memory_space<semaphore_mem>>) src(%dma_wait3A_119 : memref<10000x144xf32, #tpu.memory_space<hbm>>) dst(%dma_wait3A_113 : memref<128x144xf32, #tpu.memory_space<vmem>>)
        %mul3A_120 = arith.constant 2 : i32
        %mul3A_121 = arith.muli %add3A_77, %mul3A_120 : i32
        %add3A_122 = arith.constant 0 : i32
        %add3A_123 = arith.addi %mul3A_121, %add3A_122 : i32
        %dma_start3A_124 = arith.constant 0 : i32
        %dma_start3A_125 = arith.constant 0 : i32
        %dma_start3A_126 = tpu.memref_slice %arg8[%dma_start3A_124, %dma_start3A_125] : memref<256x144xf32, #tpu.memory_space<vmem>> -> memref<128x144xf32, #tpu.memory_space<vmem>>
        %dma_start3A_127 = arith.constant 0 : i32
        %dma_start3A_128 = tpu.memref_slice %arg7[%add3A_123, %dma_start3A_127] : memref<8x128xi32, #tpu.memory_space<vmem>> -> memref<1x128xi32, #tpu.memory_space<vmem>>
        %dma_start3A_129 = tpu.memref_squeeze %dma_start3A_128 : memref<1x128xi32, #tpu.memory_space<vmem>> -> memref<128xi32, #tpu.memory_space<vmem>>
        %dma_start3A_130 = arith.constant 0 : i32
        %dma_start3A_131 = arith.constant 0 : i32
        %dma_start3A_132 = tpu.memref_slice %arg9[%dma_start3A_130, %dma_start3A_131] : memref<10112x144xf32, #tpu.memory_space<vmem_shared>> -> memref<10112x144xf32, #tpu.memory_space<vmem_shared>>
        tpu.enqueue_indirect_dma source(%dma_start3A_126 : memref<128x144xf32, #tpu.memory_space<vmem>>) target(%dma_start3A_132 : memref<10112x144xf32, #tpu.memory_space<vmem_shared>>) offsets(%dma_start3A_129 : memref<128xi32, #tpu.memory_space<vmem>>) semaphore(%arg10 : memref<!tpu.dma_semaphore, #tpu.memory_space<semaphore_mem>>) {add = true}
        %mul3A_133 = arith.constant 2 : i32
        %mul3A_134 = arith.muli %add3A_77, %mul3A_133 : i32
        %add3A_135 = arith.constant 1 : i32
        %add3A_136 = arith.addi %mul3A_134, %add3A_135 : i32
        %dma_start3A_137 = arith.constant 128 : i32
        %dma_start3A_138 = arith.constant 0 : i32
        %dma_start3A_139 = tpu.memref_slice %arg8[%dma_start3A_137, %dma_start3A_138] : memref<256x144xf32, #tpu.memory_space<vmem>> -> memref<128x144xf32, #tpu.memory_space<vmem>>
        %dma_start3A_140 = arith.constant 0 : i32
        %dma_start3A_141 = tpu.memref_slice %arg7[%add3A_136, %dma_start3A_140] : memref<8x128xi32, #tpu.memory_space<vmem>> -> memref<1x128xi32, #tpu.memory_space<vmem>>
        %dma_start3A_142 = tpu.memref_squeeze %dma_start3A_141 : memref<1x128xi32, #tpu.memory_space<vmem>> -> memref<128xi32, #tpu.memory_space<vmem>>
        %dma_start3A_143 = arith.constant 0 : i32
        %dma_start3A_144 = arith.constant 0 : i32
        %dma_start3A_145 = tpu.memref_slice %arg9[%dma_start3A_143, %dma_start3A_144] : memref<10112x144xf32, #tpu.memory_space<vmem_shared>> -> memref<10112x144xf32, #tpu.memory_space<vmem_shared>>
        tpu.enqueue_indirect_dma source(%dma_start3A_139 : memref<128x144xf32, #tpu.memory_space<vmem>>) target(%dma_start3A_145 : memref<10112x144xf32, #tpu.memory_space<vmem_shared>>) offsets(%dma_start3A_142 : memref<128xi32, #tpu.memory_space<vmem>>) semaphore(%arg10 : memref<!tpu.dma_semaphore, #tpu.memory_space<semaphore_mem>>) {add = true}
        %dma_wait3A_146 = arith.constant 0 : i32
        %dma_wait3A_147 = arith.constant 0 : i32
        %dma_wait3A_148 = tpu.memref_slice %arg8[%dma_wait3A_146, %dma_wait3A_147] : memref<256x144xf32, #tpu.memory_space<vmem>> -> memref<128x144xf32, #tpu.memory_space<vmem>>
        %dma_wait3A_149 = arith.constant 0 : i32
        %dma_wait3A_150 = tpu.memref_slice %arg7[%add3A_123, %dma_wait3A_149] : memref<8x128xi32, #tpu.memory_space<vmem>> -> memref<1x128xi32, #tpu.memory_space<vmem>>
        %dma_wait3A_151 = tpu.memref_squeeze %dma_wait3A_150 : memref<1x128xi32, #tpu.memory_space<vmem>> -> memref<128xi32, #tpu.memory_space<vmem>>
        %dma_wait3A_152 = arith.constant 0 : i32
        %dma_wait3A_153 = arith.constant 0 : i32
        %dma_wait3A_154 = tpu.memref_slice %arg9[%dma_wait3A_152, %dma_wait3A_153] : memref<10112x144xf32, #tpu.memory_space<vmem_shared>> -> memref<10112x144xf32, #tpu.memory_space<vmem_shared>>
        tpu.wait_indirect_dma semaphore(%arg10 : memref<!tpu.dma_semaphore, #tpu.memory_space<semaphore_mem>>) src(%dma_wait3A_148 : memref<128x144xf32, #tpu.memory_space<vmem>>) dst(%dma_wait3A_154 : memref<10112x144xf32, #tpu.memory_space<vmem_shared>>)
        %dma_wait3A_155 = arith.constant 128 : i32
        %dma_wait3A_156 = arith.constant 0 : i32
        %dma_wait3A_157 = tpu.memref_slice %arg8[%dma_wait3A_155, %dma_wait3A_156] : memref<256x144xf32, #tpu.memory_space<vmem>> -> memref<128x144xf32, #tpu.memory_space<vmem>>
        %dma_wait3A_158 = arith.constant 0 : i32
        %dma_wait3A_159 = tpu.memref_slice %arg7[%add3A_136, %dma_wait3A_158] : memref<8x128xi32, #tpu.memory_space<vmem>> -> memref<1x128xi32, #tpu.memory_space<vmem>>
        %dma_wait3A_160 = tpu.memref_squeeze %dma_wait3A_159 : memref<1x128xi32, #tpu.memory_space<vmem>> -> memref<128xi32, #tpu.memory_space<vmem>>
        %dma_wait3A_161 = arith.constant 0 : i32
        %dma_wait3A_162 = arith.constant 0 : i32
        %dma_wait3A_163 = tpu.memref_slice %arg9[%dma_wait3A_161, %dma_wait3A_162] : memref<10112x144xf32, #tpu.memory_space<vmem_shared>> -> memref<10112x144xf32, #tpu.memory_space<vmem_shared>>
        tpu.wait_indirect_dma semaphore(%arg10 : memref<!tpu.dma_semaphore, #tpu.memory_space<semaphore_mem>>) src(%dma_wait3A_157 : memref<128x144xf32, #tpu.memory_space<vmem>>) dst(%dma_wait3A_163 : memref<10112x144xf32, #tpu.memory_space<vmem_shared>>)
      }
      %scan3A_72 = arith.constant 4 : i32
    }
    %barrier3A_42 = arith.constant 0 : index
    tpu.barrier barrier_id(%barrier3A_42)
    %add3A_43 = arith.constant 0 : i32
    %add3A_44 = arith.addi %mul3A_5, %add3A_43 : i32
    "tpu.region"() ({
      %run_scoped3A = tpu.sem_alloc : memref<!tpu.dma_semaphore, #tpu.memory_space<semaphore_mem>>
      %dma_start3A = arith.constant 0 : i32
      %dma_start3A_63 = arith.constant 0 : i32
      %dma_start3A_64 = tpu.memref_slice %arg8[%dma_start3A, %dma_start3A_63] : memref<256x144xf32, #tpu.memory_space<vmem>> -> memref<128x144xf32, #tpu.memory_space<vmem>>
      %dma_start3A_65 = arith.constant 0 : i32
      %dma_start3A_66 = tpu.memref_slice %arg9[%add3A_44, %dma_start3A_65] : memref<10112x144xf32, #tpu.memory_space<vmem_shared>> -> memref<128x144xf32, #tpu.memory_space<vmem_shared>>
      %dma_start3A_67 = arith.constant 0 : i32
      %dma_start3A_68 = arith.constant 0 : i32
      %dma_start3A_69 = tpu.memref_slice %arg8[%dma_start3A_67, %dma_start3A_68] : memref<256x144xf32, #tpu.memory_space<vmem>> -> memref<128x144xf32, #tpu.memory_space<vmem>>
      %dma_start3A_70 = arith.constant 0 : i32
      %dma_start3A_71 = tpu.memref_slice %arg9[%add3A_44, %dma_start3A_70] : memref<10112x144xf32, #tpu.memory_space<vmem_shared>> -> memref<128x144xf32, #tpu.memory_space<vmem_shared>>
      tpu.enqueue_dma source(%dma_start3A_71 : memref<128x144xf32, #tpu.memory_space<vmem_shared>>) target(%dma_start3A_69 : memref<128x144xf32, #tpu.memory_space<vmem>>) target_semaphore(%run_scoped3A : memref<!tpu.dma_semaphore, #tpu.memory_space<semaphore_mem>>)
      %dma_wait3A = arith.constant 0 : i32
      %dma_wait3A_72 = arith.constant 0 : i32
      %dma_wait3A_73 = tpu.memref_slice %arg8[%dma_wait3A, %dma_wait3A_72] : memref<256x144xf32, #tpu.memory_space<vmem>> -> memref<128x144xf32, #tpu.memory_space<vmem>>
      %dma_wait3A_74 = arith.constant 0 : i32
      %dma_wait3A_75 = tpu.memref_slice %arg9[%add3A_44, %dma_wait3A_74] : memref<10112x144xf32, #tpu.memory_space<vmem_shared>> -> memref<128x144xf32, #tpu.memory_space<vmem_shared>>
      %dma_wait3A_76 = arith.constant 0 : i32
      %dma_wait3A_77 = arith.constant 0 : i32
      %dma_wait3A_78 = tpu.memref_slice %arg8[%dma_wait3A_76, %dma_wait3A_77] : memref<256x144xf32, #tpu.memory_space<vmem>> -> memref<128x144xf32, #tpu.memory_space<vmem>>
      %dma_wait3A_79 = arith.constant 0 : i32
      %dma_wait3A_80 = tpu.memref_slice %arg9[%add3A_44, %dma_wait3A_79] : memref<10112x144xf32, #tpu.memory_space<vmem_shared>> -> memref<128x144xf32, #tpu.memory_space<vmem_shared>>
      tpu.wait_dma2 semaphore(%run_scoped3A : memref<!tpu.dma_semaphore, #tpu.memory_space<semaphore_mem>>) src(%dma_wait3A_80 : memref<128x144xf32, #tpu.memory_space<vmem_shared>>) dst(%dma_wait3A_78 : memref<128x144xf32, #tpu.memory_space<vmem>>)
      tpu.yield
    }) : () -> ()
    %add3A_45 = arith.constant 0 : i32
    %add3A_46 = arith.addi %mul3A_5, %add3A_45 : i32
    "tpu.region"() ({
      %run_scoped3A = tpu.sem_alloc : memref<!tpu.dma_semaphore, #tpu.memory_space<semaphore_mem>>
      %dma_start3A = arith.constant 0 : i32
      %dma_start3A_63 = arith.constant 0 : i32
      %dma_start3A_64 = tpu.memref_slice %arg8[%dma_start3A, %dma_start3A_63] : memref<256x144xf32, #tpu.memory_space<vmem>> -> memref<128x144xf32, #tpu.memory_space<vmem>>
      %dma_start3A_65 = arith.constant 0 : i32
      %dma_start3A_66 = tpu.memref_slice %arg5[%arg0, %add3A_46, %dma_start3A_65] : memref<2x10112x144xf32, #tpu.memory_space<hbm>> -> memref<1x128x144xf32, #tpu.memory_space<hbm>>
      %dma_start3A_67 = tpu.memref_squeeze %dma_start3A_66 : memref<1x128x144xf32, #tpu.memory_space<hbm>> -> memref<128x144xf32, #tpu.memory_space<hbm>>
      %dma_start3A_68 = arith.constant 0 : i32
      %dma_start3A_69 = tpu.memref_slice %arg5[%arg0, %add3A_46, %dma_start3A_68] : memref<2x10112x144xf32, #tpu.memory_space<hbm>> -> memref<1x128x144xf32, #tpu.memory_space<hbm>>
      %dma_start3A_70 = tpu.memref_squeeze %dma_start3A_69 : memref<1x128x144xf32, #tpu.memory_space<hbm>> -> memref<128x144xf32, #tpu.memory_space<hbm>>
      %dma_start3A_71 = arith.constant 0 : i32
      %dma_start3A_72 = arith.constant 0 : i32
      %dma_start3A_73 = tpu.memref_slice %arg8[%dma_start3A_71, %dma_start3A_72] : memref<256x144xf32, #tpu.memory_space<vmem>> -> memref<128x144xf32, #tpu.memory_space<vmem>>
      tpu.enqueue_dma source(%dma_start3A_73 : memref<128x144xf32, #tpu.memory_space<vmem>>) target(%dma_start3A_70 : memref<128x144xf32, #tpu.memory_space<hbm>>) target_semaphore(%run_scoped3A : memref<!tpu.dma_semaphore, #tpu.memory_space<semaphore_mem>>)
      %dma_wait3A = arith.constant 0 : i32
      %dma_wait3A_74 = arith.constant 0 : i32
      %dma_wait3A_75 = tpu.memref_slice %arg8[%dma_wait3A, %dma_wait3A_74] : memref<256x144xf32, #tpu.memory_space<vmem>> -> memref<128x144xf32, #tpu.memory_space<vmem>>
      %dma_wait3A_76 = arith.constant 0 : i32
      %dma_wait3A_77 = tpu.memref_slice %arg5[%arg0, %add3A_46, %dma_wait3A_76] : memref<2x10112x144xf32, #tpu.memory_space<hbm>> -> memref<1x128x144xf32, #tpu.memory_space<hbm>>
      %dma_wait3A_78 = tpu.memref_squeeze %dma_wait3A_77 : memref<1x128x144xf32, #tpu.memory_space<hbm>> -> memref<128x144xf32, #tpu.memory_space<hbm>>
      %dma_wait3A_79 = arith.constant 0 : i32
      %dma_wait3A_80 = tpu.memref_slice %arg5[%arg0, %add3A_46, %dma_wait3A_79] : memref<2x10112x144xf32, #tpu.memory_space<hbm>> -> memref<1x128x144xf32, #tpu.memory_space<hbm>>
      %dma_wait3A_81 = tpu.memref_squeeze %dma_wait3A_80 : memref<1x128x144xf32, #tpu.memory_space<hbm>> -> memref<128x144xf32, #tpu.memory_space<hbm>>
      %dma_wait3A_82 = arith.constant 0 : i32
      %dma_wait3A_83 = arith.constant 0 : i32
      %dma_wait3A_84 = tpu.memref_slice %arg8[%dma_wait3A_82, %dma_wait3A_83] : memref<256x144xf32, #tpu.memory_space<vmem>> -> memref<128x144xf32, #tpu.memory_space<vmem>>
      tpu.wait_dma2 semaphore(%run_scoped3A : memref<!tpu.dma_semaphore, #tpu.memory_space<semaphore_mem>>) src(%dma_wait3A_84 : memref<128x144xf32, #tpu.memory_space<vmem>>) dst(%dma_wait3A_81 : memref<128x144xf32, #tpu.memory_space<hbm>>)
      tpu.yield
    }) : () -> ()
    %add3A_47 = arith.constant 128 : i32
    %add3A_48 = arith.addi %mul3A_5, %add3A_47 : i32
    "tpu.region"() ({
      %run_scoped3A = tpu.sem_alloc : memref<!tpu.dma_semaphore, #tpu.memory_space<semaphore_mem>>
      %dma_start3A = arith.constant 0 : i32
      %dma_start3A_63 = arith.constant 0 : i32
      %dma_start3A_64 = tpu.memref_slice %arg8[%dma_start3A, %dma_start3A_63] : memref<256x144xf32, #tpu.memory_space<vmem>> -> memref<128x144xf32, #tpu.memory_space<vmem>>
      %dma_start3A_65 = arith.constant 0 : i32
      %dma_start3A_66 = tpu.memref_slice %arg9[%add3A_48, %dma_start3A_65] : memref<10112x144xf32, #tpu.memory_space<vmem_shared>> -> memref<128x144xf32, #tpu.memory_space<vmem_shared>>
      %dma_start3A_67 = arith.constant 0 : i32
      %dma_start3A_68 = arith.constant 0 : i32
      %dma_start3A_69 = tpu.memref_slice %arg8[%dma_start3A_67, %dma_start3A_68] : memref<256x144xf32, #tpu.memory_space<vmem>> -> memref<128x144xf32, #tpu.memory_space<vmem>>
      %dma_start3A_70 = arith.constant 0 : i32
      %dma_start3A_71 = tpu.memref_slice %arg9[%add3A_48, %dma_start3A_70] : memref<10112x144xf32, #tpu.memory_space<vmem_shared>> -> memref<128x144xf32, #tpu.memory_space<vmem_shared>>
      tpu.enqueue_dma source(%dma_start3A_71 : memref<128x144xf32, #tpu.memory_space<vmem_shared>>) target(%dma_start3A_69 : memref<128x144xf32, #tpu.memory_space<vmem>>) target_semaphore(%run_scoped3A : memref<!tpu.dma_semaphore, #tpu.memory_space<semaphore_mem>>)
      %dma_wait3A = arith.constant 0 : i32
      %dma_wait3A_72 = arith.constant 0 : i32
      %dma_wait3A_73 = tpu.memref_slice %arg8[%dma_wait3A, %dma_wait3A_72] : memref<256x144xf32, #tpu.memory_space<vmem>> -> memref<128x144xf32, #tpu.memory_space<vmem>>
      %dma_wait3A_74 = arith.constant 0 : i32
      %dma_wait3A_75 = tpu.memref_slice %arg9[%add3A_48, %dma_wait3A_74] : memref<10112x144xf32, #tpu.memory_space<vmem_shared>> -> memref<128x144xf32, #tpu.memory_space<vmem_shared>>
      %dma_wait3A_76 = arith.constant 0 : i32
      %dma_wait3A_77 = arith.constant 0 : i32
      %dma_wait3A_78 = tpu.memref_slice %arg8[%dma_wait3A_76, %dma_wait3A_77] : memref<256x144xf32, #tpu.memory_space<vmem>> -> memref<128x144xf32, #tpu.memory_space<vmem>>
      %dma_wait3A_79 = arith.constant 0 : i32
      %dma_wait3A_80 = tpu.memref_slice %arg9[%add3A_48, %dma_wait3A_79] : memref<10112x144xf32, #tpu.memory_space<vmem_shared>> -> memref<128x144xf32, #tpu.memory_space<vmem_shared>>
      tpu.wait_dma2 semaphore(%run_scoped3A : memref<!tpu.dma_semaphore, #tpu.memory_space<semaphore_mem>>) src(%dma_wait3A_80 : memref<128x144xf32, #tpu.memory_space<vmem_shared>>) dst(%dma_wait3A_78 : memref<128x144xf32, #tpu.memory_space<vmem>>)
      tpu.yield
    }) : () -> ()
    %add3A_49 = arith.constant 128 : i32
    %add3A_50 = arith.addi %mul3A_5, %add3A_49 : i32
    "tpu.region"() ({
      %run_scoped3A = tpu.sem_alloc : memref<!tpu.dma_semaphore, #tpu.memory_space<semaphore_mem>>
      %dma_start3A = arith.constant 0 : i32
      %dma_start3A_63 = arith.constant 0 : i32
      %dma_start3A_64 = tpu.memref_slice %arg8[%dma_start3A, %dma_start3A_63] : memref<256x144xf32, #tpu.memory_space<vmem>> -> memref<128x144xf32, #tpu.memory_space<vmem>>
      %dma_start3A_65 = arith.constant 0 : i32
      %dma_start3A_66 = tpu.memref_slice %arg5[%arg0, %add3A_50, %dma_start3A_65] : memref<2x10112x144xf32, #tpu.memory_space<hbm>> -> memref<1x128x144xf32, #tpu.memory_space<hbm>>
      %dma_start3A_67 = tpu.memref_squeeze %dma_start3A_66 : memref<1x128x144xf32, #tpu.memory_space<hbm>> -> memref<128x144xf32, #tpu.memory_space<hbm>>
      %dma_start3A_68 = arith.constant 0 : i32
      %dma_start3A_69 = tpu.memref_slice %arg5[%arg0, %add3A_50, %dma_start3A_68] : memref<2x10112x144xf32, #tpu.memory_space<hbm>> -> memref<1x128x144xf32, #tpu.memory_space<hbm>>
      %dma_start3A_70 = tpu.memref_squeeze %dma_start3A_69 : memref<1x128x144xf32, #tpu.memory_space<hbm>> -> memref<128x144xf32, #tpu.memory_space<hbm>>
      %dma_start3A_71 = arith.constant 0 : i32
      %dma_start3A_72 = arith.constant 0 : i32
      %dma_start3A_73 = tpu.memref_slice %arg8[%dma_start3A_71, %dma_start3A_72] : memref<256x144xf32, #tpu.memory_space<vmem>> -> memref<128x144xf32, #tpu.memory_space<vmem>>
      tpu.enqueue_dma source(%dma_start3A_73 : memref<128x144xf32, #tpu.memory_space<vmem>>) target(%dma_start3A_70 : memref<128x144xf32, #tpu.memory_space<hbm>>) target_semaphore(%run_scoped3A : memref<!tpu.dma_semaphore, #tpu.memory_space<semaphore_mem>>)
      %dma_wait3A = arith.constant 0 : i32
      %dma_wait3A_74 = arith.constant 0 : i32
      %dma_wait3A_75 = tpu.memref_slice %arg8[%dma_wait3A, %dma_wait3A_74] : memref<256x144xf32, #tpu.memory_space<vmem>> -> memref<128x144xf32, #tpu.memory_space<vmem>>
      %dma_wait3A_76 = arith.constant 0 : i32
      %dma_wait3A_77 = tpu.memref_slice %arg5[%arg0, %add3A_50, %dma_wait3A_76] : memref<2x10112x144xf32, #tpu.memory_space<hbm>> -> memref<1x128x144xf32, #tpu.memory_space<hbm>>
      %dma_wait3A_78 = tpu.memref_squeeze %dma_wait3A_77 : memref<1x128x144xf32, #tpu.memory_space<hbm>> -> memref<128x144xf32, #tpu.memory_space<hbm>>
      %dma_wait3A_79 = arith.constant 0 : i32
      %dma_wait3A_80 = tpu.memref_slice %arg5[%arg0, %add3A_50, %dma_wait3A_79] : memref<2x10112x144xf32, #tpu.memory_space<hbm>> -> memref<1x128x144xf32, #tpu.memory_space<hbm>>
      %dma_wait3A_81 = tpu.memref_squeeze %dma_wait3A_80 : memref<1x128x144xf32, #tpu.memory_space<hbm>> -> memref<128x144xf32, #tpu.memory_space<hbm>>
      %dma_wait3A_82 = arith.constant 0 : i32
      %dma_wait3A_83 = arith.constant 0 : i32
      %dma_wait3A_84 = tpu.memref_slice %arg8[%dma_wait3A_82, %dma_wait3A_83] : memref<256x144xf32, #tpu.memory_space<vmem>> -> memref<128x144xf32, #tpu.memory_space<vmem>>
      tpu.wait_dma2 semaphore(%run_scoped3A : memref<!tpu.dma_semaphore, #tpu.memory_space<semaphore_mem>>) src(%dma_wait3A_84 : memref<128x144xf32, #tpu.memory_space<vmem>>) dst(%dma_wait3A_81 : memref<128x144xf32, #tpu.memory_space<hbm>>)
      tpu.yield
    }) : () -> ()
    %add3A_51 = arith.constant 256 : i32
    %add3A_52 = arith.addi %mul3A_5, %add3A_51 : i32
    "tpu.region"() ({
      %run_scoped3A = tpu.sem_alloc : memref<!tpu.dma_semaphore, #tpu.memory_space<semaphore_mem>>
      %dma_start3A = arith.constant 0 : i32
      %dma_start3A_63 = arith.constant 0 : i32
      %dma_start3A_64 = tpu.memref_slice %arg8[%dma_start3A, %dma_start3A_63] : memref<256x144xf32, #tpu.memory_space<vmem>> -> memref<128x144xf32, #tpu.memory_space<vmem>>
      %dma_start3A_65 = arith.constant 0 : i32
      %dma_start3A_66 = tpu.memref_slice %arg9[%add3A_52, %dma_start3A_65] : memref<10112x144xf32, #tpu.memory_space<vmem_shared>> -> memref<128x144xf32, #tpu.memory_space<vmem_shared>>
      %dma_start3A_67 = arith.constant 0 : i32
      %dma_start3A_68 = arith.constant 0 : i32
      %dma_start3A_69 = tpu.memref_slice %arg8[%dma_start3A_67, %dma_start3A_68] : memref<256x144xf32, #tpu.memory_space<vmem>> -> memref<128x144xf32, #tpu.memory_space<vmem>>
      %dma_start3A_70 = arith.constant 0 : i32
      %dma_start3A_71 = tpu.memref_slice %arg9[%add3A_52, %dma_start3A_70] : memref<10112x144xf32, #tpu.memory_space<vmem_shared>> -> memref<128x144xf32, #tpu.memory_space<vmem_shared>>
      tpu.enqueue_dma source(%dma_start3A_71 : memref<128x144xf32, #tpu.memory_space<vmem_shared>>) target(%dma_start3A_69 : memref<128x144xf32, #tpu.memory_space<vmem>>) target_semaphore(%run_scoped3A : memref<!tpu.dma_semaphore, #tpu.memory_space<semaphore_mem>>)
      %dma_wait3A = arith.constant 0 : i32
      %dma_wait3A_72 = arith.constant 0 : i32
      %dma_wait3A_73 = tpu.memref_slice %arg8[%dma_wait3A, %dma_wait3A_72] : memref<256x144xf32, #tpu.memory_space<vmem>> -> memref<128x144xf32, #tpu.memory_space<vmem>>
      %dma_wait3A_74 = arith.constant 0 : i32
      %dma_wait3A_75 = tpu.memref_slice %arg9[%add3A_52, %dma_wait3A_74] : memref<10112x144xf32, #tpu.memory_space<vmem_shared>> -> memref<128x144xf32, #tpu.memory_space<vmem_shared>>
      %dma_wait3A_76 = arith.constant 0 : i32
      %dma_wait3A_77 = arith.constant 0 : i32
      %dma_wait3A_78 = tpu.memref_slice %arg8[%dma_wait3A_76, %dma_wait3A_77] : memref<256x144xf32, #tpu.memory_space<vmem>> -> memref<128x144xf32, #tpu.memory_space<vmem>>
      %dma_wait3A_79 = arith.constant 0 : i32
      %dma_wait3A_80 = tpu.memref_slice %arg9[%add3A_52, %dma_wait3A_79] : memref<10112x144xf32, #tpu.memory_space<vmem_shared>> -> memref<128x144xf32, #tpu.memory_space<vmem_shared>>
      tpu.wait_dma2 semaphore(%run_scoped3A : memref<!tpu.dma_semaphore, #tpu.memory_space<semaphore_mem>>) src(%dma_wait3A_80 : memref<128x144xf32, #tpu.memory_space<vmem_shared>>) dst(%dma_wait3A_78 : memref<128x144xf32, #tpu.memory_space<vmem>>)
      tpu.yield
    }) : () -> ()
    %add3A_53 = arith.constant 256 : i32
    %add3A_54 = arith.addi %mul3A_5, %add3A_53 : i32
    "tpu.region"() ({
      %run_scoped3A = tpu.sem_alloc : memref<!tpu.dma_semaphore, #tpu.memory_space<semaphore_mem>>
      %dma_start3A = arith.constant 0 : i32
      %dma_start3A_63 = arith.constant 0 : i32
      %dma_start3A_64 = tpu.memref_slice %arg8[%dma_start3A, %dma_start3A_63] : memref<256x144xf32, #tpu.memory_space<vmem>> -> memref<128x144xf32, #tpu.memory_space<vmem>>
      %dma_start3A_65 = arith.constant 0 : i32
      %dma_start3A_66 = tpu.memref_slice %arg5[%arg0, %add3A_54, %dma_start3A_65] : memref<2x10112x144xf32, #tpu.memory_space<hbm>> -> memref<1x128x144xf32, #tpu.memory_space<hbm>>
      %dma_start3A_67 = tpu.memref_squeeze %dma_start3A_66 : memref<1x128x144xf32, #tpu.memory_space<hbm>> -> memref<128x144xf32, #tpu.memory_space<hbm>>
      %dma_start3A_68 = arith.constant 0 : i32
      %dma_start3A_69 = tpu.memref_slice %arg5[%arg0, %add3A_54, %dma_start3A_68] : memref<2x10112x144xf32, #tpu.memory_space<hbm>> -> memref<1x128x144xf32, #tpu.memory_space<hbm>>
      %dma_start3A_70 = tpu.memref_squeeze %dma_start3A_69 : memref<1x128x144xf32, #tpu.memory_space<hbm>> -> memref<128x144xf32, #tpu.memory_space<hbm>>
      %dma_start3A_71 = arith.constant 0 : i32
      %dma_start3A_72 = arith.constant 0 : i32
      %dma_start3A_73 = tpu.memref_slice %arg8[%dma_start3A_71, %dma_start3A_72] : memref<256x144xf32, #tpu.memory_space<vmem>> -> memref<128x144xf32, #tpu.memory_space<vmem>>
      tpu.enqueue_dma source(%dma_start3A_73 : memref<128x144xf32, #tpu.memory_space<vmem>>) target(%dma_start3A_70 : memref<128x144xf32, #tpu.memory_space<hbm>>) target_semaphore(%run_scoped3A : memref<!tpu.dma_semaphore, #tpu.memory_space<semaphore_mem>>)
      %dma_wait3A = arith.constant 0 : i32
      %dma_wait3A_74 = arith.constant 0 : i32
      %dma_wait3A_75 = tpu.memref_slice %arg8[%dma_wait3A, %dma_wait3A_74] : memref<256x144xf32, #tpu.memory_space<vmem>> -> memref<128x144xf32, #tpu.memory_space<vmem>>
      %dma_wait3A_76 = arith.constant 0 : i32
      %dma_wait3A_77 = tpu.memref_slice %arg5[%arg0, %add3A_54, %dma_wait3A_76] : memref<2x10112x144xf32, #tpu.memory_space<hbm>> -> memref<1x128x144xf32, #tpu.memory_space<hbm>>
      %dma_wait3A_78 = tpu.memref_squeeze %dma_wait3A_77 : memref<1x128x144xf32, #tpu.memory_space<hbm>> -> memref<128x144xf32, #tpu.memory_space<hbm>>
      %dma_wait3A_79 = arith.constant 0 : i32
      %dma_wait3A_80 = tpu.memref_slice %arg5[%arg0, %add3A_54, %dma_wait3A_79] : memref<2x10112x144xf32, #tpu.memory_space<hbm>> -> memref<1x128x144xf32, #tpu.memory_space<hbm>>
      %dma_wait3A_81 = tpu.memref_squeeze %dma_wait3A_80 : memref<1x128x144xf32, #tpu.memory_space<hbm>> -> memref<128x144xf32, #tpu.memory_space<hbm>>
      %dma_wait3A_82 = arith.constant 0 : i32
      %dma_wait3A_83 = arith.constant 0 : i32
      %dma_wait3A_84 = tpu.memref_slice %arg8[%dma_wait3A_82, %dma_wait3A_83] : memref<256x144xf32, #tpu.memory_space<vmem>> -> memref<128x144xf32, #tpu.memory_space<vmem>>
      tpu.wait_dma2 semaphore(%run_scoped3A : memref<!tpu.dma_semaphore, #tpu.memory_space<semaphore_mem>>) src(%dma_wait3A_84 : memref<128x144xf32, #tpu.memory_space<vmem>>) dst(%dma_wait3A_81 : memref<128x144xf32, #tpu.memory_space<hbm>>)
      tpu.yield
    }) : () -> ()
    %add3A_55 = arith.constant 384 : i32
    %add3A_56 = arith.addi %mul3A_5, %add3A_55 : i32
    "tpu.region"() ({
      %run_scoped3A = tpu.sem_alloc : memref<!tpu.dma_semaphore, #tpu.memory_space<semaphore_mem>>
      %dma_start3A = arith.constant 0 : i32
      %dma_start3A_63 = arith.constant 0 : i32
      %dma_start3A_64 = tpu.memref_slice %arg8[%dma_start3A, %dma_start3A_63] : memref<256x144xf32, #tpu.memory_space<vmem>> -> memref<128x144xf32, #tpu.memory_space<vmem>>
      %dma_start3A_65 = arith.constant 0 : i32
      %dma_start3A_66 = tpu.memref_slice %arg9[%add3A_56, %dma_start3A_65] : memref<10112x144xf32, #tpu.memory_space<vmem_shared>> -> memref<128x144xf32, #tpu.memory_space<vmem_shared>>
      %dma_start3A_67 = arith.constant 0 : i32
      %dma_start3A_68 = arith.constant 0 : i32
      %dma_start3A_69 = tpu.memref_slice %arg8[%dma_start3A_67, %dma_start3A_68] : memref<256x144xf32, #tpu.memory_space<vmem>> -> memref<128x144xf32, #tpu.memory_space<vmem>>
      %dma_start3A_70 = arith.constant 0 : i32
      %dma_start3A_71 = tpu.memref_slice %arg9[%add3A_56, %dma_start3A_70] : memref<10112x144xf32, #tpu.memory_space<vmem_shared>> -> memref<128x144xf32, #tpu.memory_space<vmem_shared>>
      tpu.enqueue_dma source(%dma_start3A_71 : memref<128x144xf32, #tpu.memory_space<vmem_shared>>) target(%dma_start3A_69 : memref<128x144xf32, #tpu.memory_space<vmem>>) target_semaphore(%run_scoped3A : memref<!tpu.dma_semaphore, #tpu.memory_space<semaphore_mem>>)
      %dma_wait3A = arith.constant 0 : i32
      %dma_wait3A_72 = arith.constant 0 : i32
      %dma_wait3A_73 = tpu.memref_slice %arg8[%dma_wait3A, %dma_wait3A_72] : memref<256x144xf32, #tpu.memory_space<vmem>> -> memref<128x144xf32, #tpu.memory_space<vmem>>
      %dma_wait3A_74 = arith.constant 0 : i32
      %dma_wait3A_75 = tpu.memref_slice %arg9[%add3A_56, %dma_wait3A_74] : memref<10112x144xf32, #tpu.memory_space<vmem_shared>> -> memref<128x144xf32, #tpu.memory_space<vmem_shared>>
      %dma_wait3A_76 = arith.constant 0 : i32
      %dma_wait3A_77 = arith.constant 0 : i32
      %dma_wait3A_78 = tpu.memref_slice %arg8[%dma_wait3A_76, %dma_wait3A_77] : memref<256x144xf32, #tpu.memory_space<vmem>> -> memref<128x144xf32, #tpu.memory_space<vmem>>
      %dma_wait3A_79 = arith.constant 0 : i32
      %dma_wait3A_80 = tpu.memref_slice %arg9[%add3A_56, %dma_wait3A_79] : memref<10112x144xf32, #tpu.memory_space<vmem_shared>> -> memref<128x144xf32, #tpu.memory_space<vmem_shared>>
      tpu.wait_dma2 semaphore(%run_scoped3A : memref<!tpu.dma_semaphore, #tpu.memory_space<semaphore_mem>>) src(%dma_wait3A_80 : memref<128x144xf32, #tpu.memory_space<vmem_shared>>) dst(%dma_wait3A_78 : memref<128x144xf32, #tpu.memory_space<vmem>>)
      tpu.yield
    }) : () -> ()
    %add3A_57 = arith.constant 384 : i32
    %add3A_58 = arith.addi %mul3A_5, %add3A_57 : i32
    "tpu.region"() ({
      %run_scoped3A = tpu.sem_alloc : memref<!tpu.dma_semaphore, #tpu.memory_space<semaphore_mem>>
      %dma_start3A = arith.constant 0 : i32
      %dma_start3A_63 = arith.constant 0 : i32
      %dma_start3A_64 = tpu.memref_slice %arg8[%dma_start3A, %dma_start3A_63] : memref<256x144xf32, #tpu.memory_space<vmem>> -> memref<128x144xf32, #tpu.memory_space<vmem>>
      %dma_start3A_65 = arith.constant 0 : i32
      %dma_start3A_66 = tpu.memref_slice %arg5[%arg0, %add3A_58, %dma_start3A_65] : memref<2x10112x144xf32, #tpu.memory_space<hbm>> -> memref<1x128x144xf32, #tpu.memory_space<hbm>>
      %dma_start3A_67 = tpu.memref_squeeze %dma_start3A_66 : memref<1x128x144xf32, #tpu.memory_space<hbm>> -> memref<128x144xf32, #tpu.memory_space<hbm>>
      %dma_start3A_68 = arith.constant 0 : i32
      %dma_start3A_69 = tpu.memref_slice %arg5[%arg0, %add3A_58, %dma_start3A_68] : memref<2x10112x144xf32, #tpu.memory_space<hbm>> -> memref<1x128x144xf32, #tpu.memory_space<hbm>>
      %dma_start3A_70 = tpu.memref_squeeze %dma_start3A_69 : memref<1x128x144xf32, #tpu.memory_space<hbm>> -> memref<128x144xf32, #tpu.memory_space<hbm>>
      %dma_start3A_71 = arith.constant 0 : i32
      %dma_start3A_72 = arith.constant 0 : i32
      %dma_start3A_73 = tpu.memref_slice %arg8[%dma_start3A_71, %dma_start3A_72] : memref<256x144xf32, #tpu.memory_space<vmem>> -> memref<128x144xf32, #tpu.memory_space<vmem>>
      tpu.enqueue_dma source(%dma_start3A_73 : memref<128x144xf32, #tpu.memory_space<vmem>>) target(%dma_start3A_70 : memref<128x144xf32, #tpu.memory_space<hbm>>) target_semaphore(%run_scoped3A : memref<!tpu.dma_semaphore, #tpu.memory_space<semaphore_mem>>)
      %dma_wait3A = arith.constant 0 : i32
      %dma_wait3A_74 = arith.constant 0 : i32
      %dma_wait3A_75 = tpu.memref_slice %arg8[%dma_wait3A, %dma_wait3A_74] : memref<256x144xf32, #tpu.memory_space<vmem>> -> memref<128x144xf32, #tpu.memory_space<vmem>>
      %dma_wait3A_76 = arith.constant 0 : i32
      %dma_wait3A_77 = tpu.memref_slice %arg5[%arg0, %add3A_58, %dma_wait3A_76] : memref<2x10112x144xf32, #tpu.memory_space<hbm>> -> memref<1x128x144xf32, #tpu.memory_space<hbm>>
      %dma_wait3A_78 = tpu.memref_squeeze %dma_wait3A_77 : memref<1x128x144xf32, #tpu.memory_space<hbm>> -> memref<128x144xf32, #tpu.memory_space<hbm>>
      %dma_wait3A_79 = arith.constant 0 : i32
      %dma_wait3A_80 = tpu.memref_slice %arg5[%arg0, %add3A_58, %dma_wait3A_79] : memref<2x10112x144xf32, #tpu.memory_space<hbm>> -> memref<1x128x144xf32, #tpu.memory_space<hbm>>
      %dma_wait3A_81 = tpu.memref_squeeze %dma_wait3A_80 : memref<1x128x144xf32, #tpu.memory_space<hbm>> -> memref<128x144xf32, #tpu.memory_space<hbm>>
      %dma_wait3A_82 = arith.constant 0 : i32
      %dma_wait3A_83 = arith.constant 0 : i32
      %dma_wait3A_84 = tpu.memref_slice %arg8[%dma_wait3A_82, %dma_wait3A_83] : memref<256x144xf32, #tpu.memory_space<vmem>> -> memref<128x144xf32, #tpu.memory_space<vmem>>
      tpu.wait_dma2 semaphore(%run_scoped3A : memref<!tpu.dma_semaphore, #tpu.memory_space<semaphore_mem>>) src(%dma_wait3A_84 : memref<128x144xf32, #tpu.memory_space<vmem>>) dst(%dma_wait3A_81 : memref<128x144xf32, #tpu.memory_space<hbm>>)
      tpu.yield
    }) : () -> ()
    %add3A_59 = arith.constant 512 : i32
    %add3A_60 = arith.addi %mul3A_5, %add3A_59 : i32
    "tpu.region"() ({
      %run_scoped3A = tpu.sem_alloc : memref<!tpu.dma_semaphore, #tpu.memory_space<semaphore_mem>>
      %dma_start3A = arith.constant 0 : i32
      %dma_start3A_63 = arith.constant 0 : i32
      %dma_start3A_64 = tpu.memref_slice %arg8[%dma_start3A, %dma_start3A_63] : memref<256x144xf32, #tpu.memory_space<vmem>> -> memref<120x144xf32, #tpu.memory_space<vmem>>
      %dma_start3A_65 = arith.constant 0 : i32
      %dma_start3A_66 = tpu.memref_slice %arg9[%add3A_60, %dma_start3A_65] : memref<10112x144xf32, #tpu.memory_space<vmem_shared>> -> memref<120x144xf32, #tpu.memory_space<vmem_shared>>
      %dma_start3A_67 = arith.constant 0 : i32
      %dma_start3A_68 = arith.constant 0 : i32
      %dma_start3A_69 = tpu.memref_slice %arg8[%dma_start3A_67, %dma_start3A_68] : memref<256x144xf32, #tpu.memory_space<vmem>> -> memref<120x144xf32, #tpu.memory_space<vmem>>
      %dma_start3A_70 = arith.constant 0 : i32
      %dma_start3A_71 = tpu.memref_slice %arg9[%add3A_60, %dma_start3A_70] : memref<10112x144xf32, #tpu.memory_space<vmem_shared>> -> memref<120x144xf32, #tpu.memory_space<vmem_shared>>
      tpu.enqueue_dma source(%dma_start3A_71 : memref<120x144xf32, #tpu.memory_space<vmem_shared>>) target(%dma_start3A_69 : memref<120x144xf32, #tpu.memory_space<vmem>>) target_semaphore(%run_scoped3A : memref<!tpu.dma_semaphore, #tpu.memory_space<semaphore_mem>>)
      %dma_wait3A = arith.constant 0 : i32
      %dma_wait3A_72 = arith.constant 0 : i32
      %dma_wait3A_73 = tpu.memref_slice %arg8[%dma_wait3A, %dma_wait3A_72] : memref<256x144xf32, #tpu.memory_space<vmem>> -> memref<120x144xf32, #tpu.memory_space<vmem>>
      %dma_wait3A_74 = arith.constant 0 : i32
      %dma_wait3A_75 = tpu.memref_slice %arg9[%add3A_60, %dma_wait3A_74] : memref<10112x144xf32, #tpu.memory_space<vmem_shared>> -> memref<120x144xf32, #tpu.memory_space<vmem_shared>>
      %dma_wait3A_76 = arith.constant 0 : i32
      %dma_wait3A_77 = arith.constant 0 : i32
      %dma_wait3A_78 = tpu.memref_slice %arg8[%dma_wait3A_76, %dma_wait3A_77] : memref<256x144xf32, #tpu.memory_space<vmem>> -> memref<120x144xf32, #tpu.memory_space<vmem>>
      %dma_wait3A_79 = arith.constant 0 : i32
      %dma_wait3A_80 = tpu.memref_slice %arg9[%add3A_60, %dma_wait3A_79] : memref<10112x144xf32, #tpu.memory_space<vmem_shared>> -> memref<120x144xf32, #tpu.memory_space<vmem_shared>>
      tpu.wait_dma2 semaphore(%run_scoped3A : memref<!tpu.dma_semaphore, #tpu.memory_space<semaphore_mem>>) src(%dma_wait3A_80 : memref<120x144xf32, #tpu.memory_space<vmem_shared>>) dst(%dma_wait3A_78 : memref<120x144xf32, #tpu.memory_space<vmem>>)
      tpu.yield
    }) : () -> ()
    %add3A_61 = arith.constant 512 : i32
    %add3A_62 = arith.addi %mul3A_5, %add3A_61 : i32
    "tpu.region"() ({
      %run_scoped3A = tpu.sem_alloc : memref<!tpu.dma_semaphore, #tpu.memory_space<semaphore_mem>>
      %dma_start3A = arith.constant 0 : i32
      %dma_start3A_63 = arith.constant 0 : i32
      %dma_start3A_64 = tpu.memref_slice %arg8[%dma_start3A, %dma_start3A_63] : memref<256x144xf32, #tpu.memory_space<vmem>> -> memref<120x144xf32, #tpu.memory_space<vmem>>
      %dma_start3A_65 = arith.constant 0 : i32
      %dma_start3A_66 = tpu.memref_slice %arg5[%arg0, %add3A_62, %dma_start3A_65] : memref<2x10112x144xf32, #tpu.memory_space<hbm>> -> memref<1x120x144xf32, #tpu.memory_space<hbm>>
      %dma_start3A_67 = tpu.memref_squeeze %dma_start3A_66 : memref<1x120x144xf32, #tpu.memory_space<hbm>> -> memref<120x144xf32, #tpu.memory_space<hbm>>
      %dma_start3A_68 = arith.constant 0 : i32
      %dma_start3A_69 = tpu.memref_slice %arg5[%arg0, %add3A_62, %dma_start3A_68] : memref<2x10112x144xf32, #tpu.memory_space<hbm>> -> memref<1x120x144xf32, #tpu.memory_space<hbm>>
      %dma_start3A_70 = tpu.memref_squeeze %dma_start3A_69 : memref<1x120x144xf32, #tpu.memory_space<hbm>> -> memref<120x144xf32, #tpu.memory_space<hbm>>
      %dma_start3A_71 = arith.constant 0 : i32
      %dma_start3A_72 = arith.constant 0 : i32
      %dma_start3A_73 = tpu.memref_slice %arg8[%dma_start3A_71, %dma_start3A_72] : memref<256x144xf32, #tpu.memory_space<vmem>> -> memref<120x144xf32, #tpu.memory_space<vmem>>
      tpu.enqueue_dma source(%dma_start3A_73 : memref<120x144xf32, #tpu.memory_space<vmem>>) target(%dma_start3A_70 : memref<120x144xf32, #tpu.memory_space<hbm>>) target_semaphore(%run_scoped3A : memref<!tpu.dma_semaphore, #tpu.memory_space<semaphore_mem>>)
      %dma_wait3A = arith.constant 0 : i32
      %dma_wait3A_74 = arith.constant 0 : i32
      %dma_wait3A_75 = tpu.memref_slice %arg8[%dma_wait3A, %dma_wait3A_74] : memref<256x144xf32, #tpu.memory_space<vmem>> -> memref<120x144xf32, #tpu.memory_space<vmem>>
      %dma_wait3A_76 = arith.constant 0 : i32
      %dma_wait3A_77 = tpu.memref_slice %arg5[%arg0, %add3A_62, %dma_wait3A_76] : memref<2x10112x144xf32, #tpu.memory_space<hbm>> -> memref<1x120x144xf32, #tpu.memory_space<hbm>>
      %dma_wait3A_78 = tpu.memref_squeeze %dma_wait3A_77 : memref<1x120x144xf32, #tpu.memory_space<hbm>> -> memref<120x144xf32, #tpu.memory_space<hbm>>
      %dma_wait3A_79 = arith.constant 0 : i32
      %dma_wait3A_80 = tpu.memref_slice %arg5[%arg0, %add3A_62, %dma_wait3A_79] : memref<2x10112x144xf32, #tpu.memory_space<hbm>> -> memref<1x120x144xf32, #tpu.memory_space<hbm>>
      %dma_wait3A_81 = tpu.memref_squeeze %dma_wait3A_80 : memref<1x120x144xf32, #tpu.memory_space<hbm>> -> memref<120x144xf32, #tpu.memory_space<hbm>>
      %dma_wait3A_82 = arith.constant 0 : i32
      %dma_wait3A_83 = arith.constant 0 : i32
      %dma_wait3A_84 = tpu.memref_slice %arg8[%dma_wait3A_82, %dma_wait3A_83] : memref<256x144xf32, #tpu.memory_space<vmem>> -> memref<120x144xf32, #tpu.memory_space<vmem>>
      tpu.wait_dma2 semaphore(%run_scoped3A : memref<!tpu.dma_semaphore, #tpu.memory_space<semaphore_mem>>) src(%dma_wait3A_84 : memref<120x144xf32, #tpu.memory_space<vmem>>) dst(%dma_wait3A_81 : memref<120x144xf32, #tpu.memory_space<hbm>>)
      tpu.yield
    }) : () -> ()
    return
  }
}

#map = affine_map<(d0, d1) -> (0, 0)>
#map1 = affine_map<(d0, d1) -> (0, 0, 0)>
module attributes {stable_mosaic.version = 14 : i64} {
  func.func @body(%arg0: i32, %arg1: i32, %arg2: memref<10000x16xf32, #tpu.memory_space<hbm>>, %arg3: memref<320x8x128xi32, #tpu.memory_space<hbm>>, %arg4: memref<320x8x128xi32, #tpu.memory_space<hbm>>, %arg5: memref<2x10112x16xf32, #tpu.memory_space<hbm>>, %arg6: memref<8x128xi32, #tpu.memory_space<vmem>>, %arg7: memref<8x128xi32, #tpu.memory_space<vmem>>, %arg8: memref<1024x16xf32, #tpu.memory_space<vmem>>, %arg9: memref<10112x16xf32, #tpu.memory_space<vmem_shared>>, %arg10: memref<!tpu.dma_semaphore, #tpu.memory_space<semaphore_mem>>) attributes {dimension_semantics = [#tpu.dimension_semantics<core_parallel>, #tpu.dimension_semantics<subcore_parallel>], iteration_bounds = array<i64: 2, 16>, scalar_prefetch = 0 : i64, scratch_operands = 5 : i64, tpu.core_type = #tpu.core_type<sc_vector_subcore>, window_params = [{transform_indices = #map}, {transform_indices = #map1}, {transform_indices = #map1}, {transform_indices = #map1}]} {
    %broadcast_in_dim3A = arith.constant 0.000000e+00 : f32
    %broadcast_in_dim3A_0 = vector.broadcast %broadcast_in_dim3A : f32 to vector<16xf32>
    %scan3A = arith.constant 0 : i32
    %scan3A_1 = arith.constant 128 : i32
    %scan3A_2 = arith.addi %scan3A, %scan3A_1 : i32
    %scan3A_3 = arith.constant 1 : i32
    scf.for %scan3A_63 = %scan3A to %scan3A_2 step %scan3A_3  : i32 {
      %mul3A_64 = arith.constant 1 : i32
      %mul3A_65 = arith.muli %scan3A_63, %mul3A_64 : i32
      %add3A_66 = arith.constant 0 : i32
      %add3A_67 = arith.addi %add3A_66, %mul3A_65 : i32
      %swap3A = arith.index_cast %add3A_67 : i32 to index
      %swap3A_68 = arith.constant 0 : index
      %swap3A_69 = tpu.vector_load %arg8[%swap3A, %swap3A_68] {strides = array<i32>} : memref<1024x16xf32, #tpu.memory_space<vmem>>, vector<1x16xf32>,
      %swap3A_70 = vector.shape_cast %swap3A_69 : vector<1x16xf32> to vector<16xf32>
      %swap3A_71 = vector.shape_cast %broadcast_in_dim3A_0 : vector<16xf32> to vector<1x16xf32>
      tpu.vector_store %arg8[%swap3A, %swap3A_68], %swap3A_71 {strides = array<i32>} : memref<1024x16xf32, #tpu.memory_space<vmem>>, vector<1x16xf32>,
    }
    %scan3A_4 = arith.constant 128 : i32
    %mul3A = arith.constant 632 : i32
    %mul3A_5 = arith.muli %arg1, %mul3A : i32
    %add3A = arith.constant 0 : i32
    %add3A_6 = arith.addi %mul3A_5, %add3A : i32
    "tpu.region"() ({
      %run_scoped3A = tpu.sem_alloc : memref<!tpu.dma_semaphore, #tpu.memory_space<semaphore_mem>>
      %dma_start3A = arith.constant 0 : i32
      %dma_start3A_63 = arith.constant 0 : i32
      %dma_start3A_64 = tpu.memref_slice %arg8[%dma_start3A, %dma_start3A_63] : memref<1024x16xf32, #tpu.memory_space<vmem>> -> memref<128x16xf32, #tpu.memory_space<vmem>>
      %dma_start3A_65 = arith.constant 0 : i32
      %dma_start3A_66 = tpu.memref_slice %arg9[%add3A_6, %dma_start3A_65] : memref<10112x16xf32, #tpu.memory_space<vmem_shared>> -> memref<128x16xf32, #tpu.memory_space<vmem_shared>>
      %dma_start3A_67 = arith.constant 0 : i32
      %dma_start3A_68 = tpu.memref_slice %arg9[%add3A_6, %dma_start3A_67] : memref<10112x16xf32, #tpu.memory_space<vmem_shared>> -> memref<128x16xf32, #tpu.memory_space<vmem_shared>>
      %dma_start3A_69 = arith.constant 0 : i32
      %dma_start3A_70 = arith.constant 0 : i32
      %dma_start3A_71 = tpu.memref_slice %arg8[%dma_start3A_69, %dma_start3A_70] : memref<1024x16xf32, #tpu.memory_space<vmem>> -> memref<128x16xf32, #tpu.memory_space<vmem>>
      tpu.enqueue_dma source(%dma_start3A_71 : memref<128x16xf32, #tpu.memory_space<vmem>>) target(%dma_start3A_68 : memref<128x16xf32, #tpu.memory_space<vmem_shared>>) target_semaphore(%run_scoped3A : memref<!tpu.dma_semaphore, #tpu.memory_space<semaphore_mem>>)
      %dma_wait3A = arith.constant 0 : i32
      %dma_wait3A_72 = arith.constant 0 : i32
      %dma_wait3A_73 = tpu.memref_slice %arg8[%dma_wait3A, %dma_wait3A_72] : memref<1024x16xf32, #tpu.memory_space<vmem>> -> memref<128x16xf32, #tpu.memory_space<vmem>>
      %dma_wait3A_74 = arith.constant 0 : i32
      %dma_wait3A_75 = tpu.memref_slice %arg9[%add3A_6, %dma_wait3A_74] : memref<10112x16xf32, #tpu.memory_space<vmem_shared>> -> memref<128x16xf32, #tpu.memory_space<vmem_shared>>
      %dma_wait3A_76 = arith.constant 0 : i32
      %dma_wait3A_77 = tpu.memref_slice %arg9[%add3A_6, %dma_wait3A_76] : memref<10112x16xf32, #tpu.memory_space<vmem_shared>> -> memref<128x16xf32, #tpu.memory_space<vmem_shared>>
      %dma_wait3A_78 = arith.constant 0 : i32
      %dma_wait3A_79 = arith.constant 0 : i32
      %dma_wait3A_80 = tpu.memref_slice %arg8[%dma_wait3A_78, %dma_wait3A_79] : memref<1024x16xf32, #tpu.memory_space<vmem>> -> memref<128x16xf32, #tpu.memory_space<vmem>>
      tpu.wait_dma2 semaphore(%run_scoped3A : memref<!tpu.dma_semaphore, #tpu.memory_space<semaphore_mem>>) src(%dma_wait3A_80 : memref<128x16xf32, #tpu.memory_space<vmem>>) dst(%dma_wait3A_77 : memref<128x16xf32, #tpu.memory_space<vmem_shared>>)
      tpu.yield
    }) : () -> ()
    %add3A_7 = arith.constant 128 : i32
    %add3A_8 = arith.addi %mul3A_5, %add3A_7 : i32
    "tpu.region"() ({
      %run_scoped3A = tpu.sem_alloc : memref<!tpu.dma_semaphore, #tpu.memory_space<semaphore_mem>>
      %dma_start3A = arith.constant 0 : i32
      %dma_start3A_63 = arith.constant 0 : i32
      %dma_start3A_64 = tpu.memref_slice %arg8[%dma_start3A, %dma_start3A_63] : memref<1024x16xf32, #tpu.memory_space<vmem>> -> memref<128x16xf32, #tpu.memory_space<vmem>>
      %dma_start3A_65 = arith.constant 0 : i32
      %dma_start3A_66 = tpu.memref_slice %arg9[%add3A_8, %dma_start3A_65] : memref<10112x16xf32, #tpu.memory_space<vmem_shared>> -> memref<128x16xf32, #tpu.memory_space<vmem_shared>>
      %dma_start3A_67 = arith.constant 0 : i32
      %dma_start3A_68 = tpu.memref_slice %arg9[%add3A_8, %dma_start3A_67] : memref<10112x16xf32, #tpu.memory_space<vmem_shared>> -> memref<128x16xf32, #tpu.memory_space<vmem_shared>>
      %dma_start3A_69 = arith.constant 0 : i32
      %dma_start3A_70 = arith.constant 0 : i32
      %dma_start3A_71 = tpu.memref_slice %arg8[%dma_start3A_69, %dma_start3A_70] : memref<1024x16xf32, #tpu.memory_space<vmem>> -> memref<128x16xf32, #tpu.memory_space<vmem>>
      tpu.enqueue_dma source(%dma_start3A_71 : memref<128x16xf32, #tpu.memory_space<vmem>>) target(%dma_start3A_68 : memref<128x16xf32, #tpu.memory_space<vmem_shared>>) target_semaphore(%run_scoped3A : memref<!tpu.dma_semaphore, #tpu.memory_space<semaphore_mem>>)
      %dma_wait3A = arith.constant 0 : i32
      %dma_wait3A_72 = arith.constant 0 : i32
      %dma_wait3A_73 = tpu.memref_slice %arg8[%dma_wait3A, %dma_wait3A_72] : memref<1024x16xf32, #tpu.memory_space<vmem>> -> memref<128x16xf32, #tpu.memory_space<vmem>>
      %dma_wait3A_74 = arith.constant 0 : i32
      %dma_wait3A_75 = tpu.memref_slice %arg9[%add3A_8, %dma_wait3A_74] : memref<10112x16xf32, #tpu.memory_space<vmem_shared>> -> memref<128x16xf32, #tpu.memory_space<vmem_shared>>
      %dma_wait3A_76 = arith.constant 0 : i32
      %dma_wait3A_77 = tpu.memref_slice %arg9[%add3A_8, %dma_wait3A_76] : memref<10112x16xf32, #tpu.memory_space<vmem_shared>> -> memref<128x16xf32, #tpu.memory_space<vmem_shared>>
      %dma_wait3A_78 = arith.constant 0 : i32
      %dma_wait3A_79 = arith.constant 0 : i32
      %dma_wait3A_80 = tpu.memref_slice %arg8[%dma_wait3A_78, %dma_wait3A_79] : memref<1024x16xf32, #tpu.memory_space<vmem>> -> memref<128x16xf32, #tpu.memory_space<vmem>>
      tpu.wait_dma2 semaphore(%run_scoped3A : memref<!tpu.dma_semaphore, #tpu.memory_space<semaphore_mem>>) src(%dma_wait3A_80 : memref<128x16xf32, #tpu.memory_space<vmem>>) dst(%dma_wait3A_77 : memref<128x16xf32, #tpu.memory_space<vmem_shared>>)
      tpu.yield
    }) : () -> ()
    %add3A_9 = arith.constant 256 : i32
    %add3A_10 = arith.addi %mul3A_5, %add3A_9 : i32
    "tpu.region"() ({
      %run_scoped3A = tpu.sem_alloc : memref<!tpu.dma_semaphore, #tpu.memory_space<semaphore_mem>>
      %dma_start3A = arith.constant 0 : i32
      %dma_start3A_63 = arith.constant 0 : i32
      %dma_start3A_64 = tpu.memref_slice %arg8[%dma_start3A, %dma_start3A_63] : memref<1024x16xf32, #tpu.memory_space<vmem>> -> memref<128x16xf32, #tpu.memory_space<vmem>>
      %dma_start3A_65 = arith.constant 0 : i32
      %dma_start3A_66 = tpu.memref_slice %arg9[%add3A_10, %dma_start3A_65] : memref<10112x16xf32, #tpu.memory_space<vmem_shared>> -> memref<128x16xf32, #tpu.memory_space<vmem_shared>>
      %dma_start3A_67 = arith.constant 0 : i32
      %dma_start3A_68 = tpu.memref_slice %arg9[%add3A_10, %dma_start3A_67] : memref<10112x16xf32, #tpu.memory_space<vmem_shared>> -> memref<128x16xf32, #tpu.memory_space<vmem_shared>>
      %dma_start3A_69 = arith.constant 0 : i32
      %dma_start3A_70 = arith.constant 0 : i32
      %dma_start3A_71 = tpu.memref_slice %arg8[%dma_start3A_69, %dma_start3A_70] : memref<1024x16xf32, #tpu.memory_space<vmem>> -> memref<128x16xf32, #tpu.memory_space<vmem>>
      tpu.enqueue_dma source(%dma_start3A_71 : memref<128x16xf32, #tpu.memory_space<vmem>>) target(%dma_start3A_68 : memref<128x16xf32, #tpu.memory_space<vmem_shared>>) target_semaphore(%run_scoped3A : memref<!tpu.dma_semaphore, #tpu.memory_space<semaphore_mem>>)
      %dma_wait3A = arith.constant 0 : i32
      %dma_wait3A_72 = arith.constant 0 : i32
      %dma_wait3A_73 = tpu.memref_slice %arg8[%dma_wait3A, %dma_wait3A_72] : memref<1024x16xf32, #tpu.memory_space<vmem>> -> memref<128x16xf32, #tpu.memory_space<vmem>>
      %dma_wait3A_74 = arith.constant 0 : i32
      %dma_wait3A_75 = tpu.memref_slice %arg9[%add3A_10, %dma_wait3A_74] : memref<10112x16xf32, #tpu.memory_space<vmem_shared>> -> memref<128x16xf32, #tpu.memory_space<vmem_shared>>
      %dma_wait3A_76 = arith.constant 0 : i32
      %dma_wait3A_77 = tpu.memref_slice %arg9[%add3A_10, %dma_wait3A_76] : memref<10112x16xf32, #tpu.memory_space<vmem_shared>> -> memref<128x16xf32, #tpu.memory_space<vmem_shared>>
      %dma_wait3A_78 = arith.constant 0 : i32
      %dma_wait3A_79 = arith.constant 0 : i32
      %dma_wait3A_80 = tpu.memref_slice %arg8[%dma_wait3A_78, %dma_wait3A_79] : memref<1024x16xf32, #tpu.memory_space<vmem>> -> memref<128x16xf32, #tpu.memory_space<vmem>>
      tpu.wait_dma2 semaphore(%run_scoped3A : memref<!tpu.dma_semaphore, #tpu.memory_space<semaphore_mem>>) src(%dma_wait3A_80 : memref<128x16xf32, #tpu.memory_space<vmem>>) dst(%dma_wait3A_77 : memref<128x16xf32, #tpu.memory_space<vmem_shared>>)
      tpu.yield
    }) : () -> ()
    %add3A_11 = arith.constant 384 : i32
    %add3A_12 = arith.addi %mul3A_5, %add3A_11 : i32
    "tpu.region"() ({
      %run_scoped3A = tpu.sem_alloc : memref<!tpu.dma_semaphore, #tpu.memory_space<semaphore_mem>>
      %dma_start3A = arith.constant 0 : i32
      %dma_start3A_63 = arith.constant 0 : i32
      %dma_start3A_64 = tpu.memref_slice %arg8[%dma_start3A, %dma_start3A_63] : memref<1024x16xf32, #tpu.memory_space<vmem>> -> memref<128x16xf32, #tpu.memory_space<vmem>>
      %dma_start3A_65 = arith.constant 0 : i32
      %dma_start3A_66 = tpu.memref_slice %arg9[%add3A_12, %dma_start3A_65] : memref<10112x16xf32, #tpu.memory_space<vmem_shared>> -> memref<128x16xf32, #tpu.memory_space<vmem_shared>>
      %dma_start3A_67 = arith.constant 0 : i32
      %dma_start3A_68 = tpu.memref_slice %arg9[%add3A_12, %dma_start3A_67] : memref<10112x16xf32, #tpu.memory_space<vmem_shared>> -> memref<128x16xf32, #tpu.memory_space<vmem_shared>>
      %dma_start3A_69 = arith.constant 0 : i32
      %dma_start3A_70 = arith.constant 0 : i32
      %dma_start3A_71 = tpu.memref_slice %arg8[%dma_start3A_69, %dma_start3A_70] : memref<1024x16xf32, #tpu.memory_space<vmem>> -> memref<128x16xf32, #tpu.memory_space<vmem>>
      tpu.enqueue_dma source(%dma_start3A_71 : memref<128x16xf32, #tpu.memory_space<vmem>>) target(%dma_start3A_68 : memref<128x16xf32, #tpu.memory_space<vmem_shared>>) target_semaphore(%run_scoped3A : memref<!tpu.dma_semaphore, #tpu.memory_space<semaphore_mem>>)
      %dma_wait3A = arith.constant 0 : i32
      %dma_wait3A_72 = arith.constant 0 : i32
      %dma_wait3A_73 = tpu.memref_slice %arg8[%dma_wait3A, %dma_wait3A_72] : memref<1024x16xf32, #tpu.memory_space<vmem>> -> memref<128x16xf32, #tpu.memory_space<vmem>>
      %dma_wait3A_74 = arith.constant 0 : i32
      %dma_wait3A_75 = tpu.memref_slice %arg9[%add3A_12, %dma_wait3A_74] : memref<10112x16xf32, #tpu.memory_space<vmem_shared>> -> memref<128x16xf32, #tpu.memory_space<vmem_shared>>
      %dma_wait3A_76 = arith.constant 0 : i32
      %dma_wait3A_77 = tpu.memref_slice %arg9[%add3A_12, %dma_wait3A_76] : memref<10112x16xf32, #tpu.memory_space<vmem_shared>> -> memref<128x16xf32, #tpu.memory_space<vmem_shared>>
      %dma_wait3A_78 = arith.constant 0 : i32
      %dma_wait3A_79 = arith.constant 0 : i32
      %dma_wait3A_80 = tpu.memref_slice %arg8[%dma_wait3A_78, %dma_wait3A_79] : memref<1024x16xf32, #tpu.memory_space<vmem>> -> memref<128x16xf32, #tpu.memory_space<vmem>>
      tpu.wait_dma2 semaphore(%run_scoped3A : memref<!tpu.dma_semaphore, #tpu.memory_space<semaphore_mem>>) src(%dma_wait3A_80 : memref<128x16xf32, #tpu.memory_space<vmem>>) dst(%dma_wait3A_77 : memref<128x16xf32, #tpu.memory_space<vmem_shared>>)
      tpu.yield
    }) : () -> ()
    %add3A_13 = arith.constant 512 : i32
    %add3A_14 = arith.addi %mul3A_5, %add3A_13 : i32
    "tpu.region"() ({
      %run_scoped3A = tpu.sem_alloc : memref<!tpu.dma_semaphore, #tpu.memory_space<semaphore_mem>>
      %dma_start3A = arith.constant 0 : i32
      %dma_start3A_63 = arith.constant 0 : i32
      %dma_start3A_64 = tpu.memref_slice %arg8[%dma_start3A, %dma_start3A_63] : memref<1024x16xf32, #tpu.memory_space<vmem>> -> memref<120x16xf32, #tpu.memory_space<vmem>>
      %dma_start3A_65 = arith.constant 0 : i32
      %dma_start3A_66 = tpu.memref_slice %arg9[%add3A_14, %dma_start3A_65] : memref<10112x16xf32, #tpu.memory_space<vmem_shared>> -> memref<120x16xf32, #tpu.memory_space<vmem_shared>>
      %dma_start3A_67 = arith.constant 0 : i32
      %dma_start3A_68 = tpu.memref_slice %arg9[%add3A_14, %dma_start3A_67] : memref<10112x16xf32, #tpu.memory_space<vmem_shared>> -> memref<120x16xf32, #tpu.memory_space<vmem_shared>>
      %dma_start3A_69 = arith.constant 0 : i32
      %dma_start3A_70 = arith.constant 0 : i32
      %dma_start3A_71 = tpu.memref_slice %arg8[%dma_start3A_69, %dma_start3A_70] : memref<1024x16xf32, #tpu.memory_space<vmem>> -> memref<120x16xf32, #tpu.memory_space<vmem>>
      tpu.enqueue_dma source(%dma_start3A_71 : memref<120x16xf32, #tpu.memory_space<vmem>>) target(%dma_start3A_68 : memref<120x16xf32, #tpu.memory_space<vmem_shared>>) target_semaphore(%run_scoped3A : memref<!tpu.dma_semaphore, #tpu.memory_space<semaphore_mem>>)
      %dma_wait3A = arith.constant 0 : i32
      %dma_wait3A_72 = arith.constant 0 : i32
      %dma_wait3A_73 = tpu.memref_slice %arg8[%dma_wait3A, %dma_wait3A_72] : memref<1024x16xf32, #tpu.memory_space<vmem>> -> memref<120x16xf32, #tpu.memory_space<vmem>>
      %dma_wait3A_74 = arith.constant 0 : i32
      %dma_wait3A_75 = tpu.memref_slice %arg9[%add3A_14, %dma_wait3A_74] : memref<10112x16xf32, #tpu.memory_space<vmem_shared>> -> memref<120x16xf32, #tpu.memory_space<vmem_shared>>
      %dma_wait3A_76 = arith.constant 0 : i32
      %dma_wait3A_77 = tpu.memref_slice %arg9[%add3A_14, %dma_wait3A_76] : memref<10112x16xf32, #tpu.memory_space<vmem_shared>> -> memref<120x16xf32, #tpu.memory_space<vmem_shared>>
      %dma_wait3A_78 = arith.constant 0 : i32
      %dma_wait3A_79 = arith.constant 0 : i32
      %dma_wait3A_80 = tpu.memref_slice %arg8[%dma_wait3A_78, %dma_wait3A_79] : memref<1024x16xf32, #tpu.memory_space<vmem>> -> memref<120x16xf32, #tpu.memory_space<vmem>>
      tpu.wait_dma2 semaphore(%run_scoped3A : memref<!tpu.dma_semaphore, #tpu.memory_space<semaphore_mem>>) src(%dma_wait3A_80 : memref<120x16xf32, #tpu.memory_space<vmem>>) dst(%dma_wait3A_77 : memref<120x16xf32, #tpu.memory_space<vmem_shared>>)
      tpu.yield
    }) : () -> ()
    %barrier3A = arith.constant 0 : index
    tpu.barrier barrier_id(%barrier3A)
    %eq3A = arith.constant 0 : i32
    %eq3A_15 = arith.cmpi eq, %arg0, %eq3A : i32
    %jit3A = arith.constant 11 : i32
    %jit3A_16 = arith.constant 9 : i32
    %select_n3A = arith.select %eq3A_15, %jit3A, %jit3A_16 : i32
    %eq3A_17 = arith.constant 0 : i32
    %eq3A_18 = arith.cmpi eq, %arg0, %eq3A_17 : i32
    %mul3A_19 = arith.constant 11 : i32
    %mul3A_20 = arith.muli %arg1, %mul3A_19 : i32
    %mul3A_21 = arith.constant 9 : i32
    %mul3A_22 = arith.muli %arg1, %mul3A_21 : i32
    %add3A_23 = arith.constant 176 : i32
    %add3A_24 = arith.addi %add3A_23, %mul3A_22 : i32
    %select_n3A_25 = arith.select %eq3A_18, %mul3A_20, %add3A_24 : i32
    %sub3A = arith.constant 0 : i32
    %sub3A_26 = arith.subi %select_n3A, %sub3A : i32
    %sub3A_27 = arith.constant 1 : i32
    %sub3A_28 = arith.constant 1 : i32
    %sub3A_29 = arith.subi %sub3A_27, %sub3A_28 : i32
    %add3A_30 = arith.addi %sub3A_26, %sub3A_29 : i32
    %div3A = arith.constant 1 : i32
    %div3A_31 = arith.divsi %add3A_30, %div3A : i32
    %while3A = arith.constant 1 : i32
    %while3A_32 = arith.constant 0 : i32
    %while3A_33 = arith.constant 0 : i32
    %while3A_34 = arith.subi %div3A_31, %while3A_33 : i32
    %while3A_35 = arith.addi %while3A_33, %while3A_34 : i32
    %while3A_36 = arith.constant 1 : i32
    %while3A_37 = arith.divsi %while3A_34, %while3A_36 : i32
    %while3A_38 = arith.muli %while3A_37, %while3A_36 : i32
    %while3A_39 = arith.addi %while3A_33, %while3A_38 : i32
    %while3A_40 = arith.constant 1 : i32
    scf.for %while3A_63 = %while3A_33 to %while3A_39 step %while3A_40  : i32 {
      %mul3A_64 = arith.muli %while3A_63, %while3A : i32
      %add3A_65 = arith.addi %while3A_32, %mul3A_64 : i32
      %add3A_66 = arith.addi %select_n3A_25, %add3A_65 : i32
      "tpu.region"() ({
        %run_scoped3A = tpu.sem_alloc : memref<!tpu.dma_semaphore, #tpu.memory_space<semaphore_mem>>
        %dma_start3A_424 = arith.constant 0 : i32
        %dma_start3A_425 = arith.constant 0 : i32
        %dma_start3A_426 = tpu.memref_slice %arg3[%add3A_66, %dma_start3A_424, %dma_start3A_425] : memref<320x8x128xi32, #tpu.memory_space<hbm>> -> memref<1x8x128xi32, #tpu.memory_space<hbm>>
        %dma_start3A_427 = tpu.memref_squeeze %dma_start3A_426 : memref<1x8x128xi32, #tpu.memory_space<hbm>> -> memref<8x128xi32, #tpu.memory_space<hbm>>
        %dma_start3A_428 = arith.constant 0 : i32
        %dma_start3A_429 = arith.constant 0 : i32
        %dma_start3A_430 = tpu.memref_slice %arg3[%add3A_66, %dma_start3A_428, %dma_start3A_429] : memref<320x8x128xi32, #tpu.memory_space<hbm>> -> memref<1x8x128xi32, #tpu.memory_space<hbm>>
        %dma_start3A_431 = tpu.memref_squeeze %dma_start3A_430 : memref<1x8x128xi32, #tpu.memory_space<hbm>> -> memref<8x128xi32, #tpu.memory_space<hbm>>
        tpu.enqueue_dma source(%dma_start3A_431 : memref<8x128xi32, #tpu.memory_space<hbm>>) target(%arg6 : memref<8x128xi32, #tpu.memory_space<vmem>>) target_semaphore(%run_scoped3A : memref<!tpu.dma_semaphore, #tpu.memory_space<semaphore_mem>>)
        %dma_wait3A_432 = arith.constant 0 : i32
        %dma_wait3A_433 = arith.constant 0 : i32
        %dma_wait3A_434 = tpu.memref_slice %arg3[%add3A_66, %dma_wait3A_432, %dma_wait3A_433] : memref<320x8x128xi32, #tpu.memory_space<hbm>> -> memref<1x8x128xi32, #tpu.memory_space<hbm>>
        %dma_wait3A_435 = tpu.memref_squeeze %dma_wait3A_434 : memref<1x8x128xi32, #tpu.memory_space<hbm>> -> memref<8x128xi32, #tpu.memory_space<hbm>>
        %dma_wait3A_436 = arith.constant 0 : i32
        %dma_wait3A_437 = arith.constant 0 : i32
        %dma_wait3A_438 = tpu.memref_slice %arg3[%add3A_66, %dma_wait3A_436, %dma_wait3A_437] : memref<320x8x128xi32, #tpu.memory_space<hbm>> -> memref<1x8x128xi32, #tpu.memory_space<hbm>>
        %dma_wait3A_439 = tpu.memref_squeeze %dma_wait3A_438 : memref<1x8x128xi32, #tpu.memory_space<hbm>> -> memref<8x128xi32, #tpu.memory_space<hbm>>
        tpu.wait_dma2 semaphore(%run_scoped3A : memref<!tpu.dma_semaphore, #tpu.memory_space<semaphore_mem>>) src(%dma_wait3A_439 : memref<8x128xi32, #tpu.memory_space<hbm>>) dst(%arg6 : memref<8x128xi32, #tpu.memory_space<vmem>>)
        tpu.yield
      }) : () -> ()
      %add3A_67 = arith.addi %select_n3A_25, %add3A_65 : i32
      "tpu.region"() ({
        %run_scoped3A = tpu.sem_alloc : memref<!tpu.dma_semaphore, #tpu.memory_space<semaphore_mem>>
        %dma_start3A_424 = arith.constant 0 : i32
        %dma_start3A_425 = arith.constant 0 : i32
        %dma_start3A_426 = tpu.memref_slice %arg4[%add3A_67, %dma_start3A_424, %dma_start3A_425] : memref<320x8x128xi32, #tpu.memory_space<hbm>> -> memref<1x8x128xi32, #tpu.memory_space<hbm>>
        %dma_start3A_427 = tpu.memref_squeeze %dma_start3A_426 : memref<1x8x128xi32, #tpu.memory_space<hbm>> -> memref<8x128xi32, #tpu.memory_space<hbm>>
        %dma_start3A_428 = arith.constant 0 : i32
        %dma_start3A_429 = arith.constant 0 : i32
        %dma_start3A_430 = tpu.memref_slice %arg4[%add3A_67, %dma_start3A_428, %dma_start3A_429] : memref<320x8x128xi32, #tpu.memory_space<hbm>> -> memref<1x8x128xi32, #tpu.memory_space<hbm>>
        %dma_start3A_431 = tpu.memref_squeeze %dma_start3A_430 : memref<1x8x128xi32, #tpu.memory_space<hbm>> -> memref<8x128xi32, #tpu.memory_space<hbm>>
        tpu.enqueue_dma source(%dma_start3A_431 : memref<8x128xi32, #tpu.memory_space<hbm>>) target(%arg7 : memref<8x128xi32, #tpu.memory_space<vmem>>) target_semaphore(%run_scoped3A : memref<!tpu.dma_semaphore, #tpu.memory_space<semaphore_mem>>)
        %dma_wait3A_432 = arith.constant 0 : i32
        %dma_wait3A_433 = arith.constant 0 : i32
        %dma_wait3A_434 = tpu.memref_slice %arg4[%add3A_67, %dma_wait3A_432, %dma_wait3A_433] : memref<320x8x128xi32, #tpu.memory_space<hbm>> -> memref<1x8x128xi32, #tpu.memory_space<hbm>>
        %dma_wait3A_435 = tpu.memref_squeeze %dma_wait3A_434 : memref<1x8x128xi32, #tpu.memory_space<hbm>> -> memref<8x128xi32, #tpu.memory_space<hbm>>
        %dma_wait3A_436 = arith.constant 0 : i32
        %dma_wait3A_437 = arith.constant 0 : i32
        %dma_wait3A_438 = tpu.memref_slice %arg4[%add3A_67, %dma_wait3A_436, %dma_wait3A_437] : memref<320x8x128xi32, #tpu.memory_space<hbm>> -> memref<1x8x128xi32, #tpu.memory_space<hbm>>
        %dma_wait3A_439 = tpu.memref_squeeze %dma_wait3A_438 : memref<1x8x128xi32, #tpu.memory_space<hbm>> -> memref<8x128xi32, #tpu.memory_space<hbm>>
        tpu.wait_dma2 semaphore(%run_scoped3A : memref<!tpu.dma_semaphore, #tpu.memory_space<semaphore_mem>>) src(%dma_wait3A_439 : memref<8x128xi32, #tpu.memory_space<hbm>>) dst(%arg7 : memref<8x128xi32, #tpu.memory_space<vmem>>)
        tpu.yield
      }) : () -> ()
      %scan3A_68 = arith.constant 0 : i32
      %mul3A_69 = arith.constant 1 : i32
      %mul3A_70 = arith.muli %scan3A_68, %mul3A_69 : i32
      %add3A_71 = arith.constant 0 : i32
      %add3A_72 = arith.addi %add3A_71, %mul3A_70 : i32
      %mul3A_73 = arith.constant 8 : i32
      %mul3A_74 = arith.muli %add3A_72, %mul3A_73 : i32
      %add3A_75 = arith.constant 0 : i32
      %add3A_76 = arith.addi %mul3A_74, %add3A_75 : i32
      %dma_start3A = arith.constant 0 : i32
      %dma_start3A_77 = arith.constant 0 : i32
      %dma_start3A_78 = tpu.memref_slice %arg8[%dma_start3A, %dma_start3A_77] : memref<1024x16xf32, #tpu.memory_space<vmem>> -> memref<128x16xf32, #tpu.memory_space<vmem>>
      %dma_start3A_79 = arith.constant 0 : i32
      %dma_start3A_80 = tpu.memref_slice %arg6[%add3A_76, %dma_start3A_79] : memref<8x128xi32, #tpu.memory_space<vmem>> -> memref<1x128xi32, #tpu.memory_space<vmem>>
      %dma_start3A_81 = tpu.memref_squeeze %dma_start3A_80 : memref<1x128xi32, #tpu.memory_space<vmem>> -> memref<128xi32, #tpu.memory_space<vmem>>
      %dma_start3A_82 = arith.constant 0 : i32
      %dma_start3A_83 = arith.constant 0 : i32
      %dma_start3A_84 = tpu.memref_slice %arg2[%dma_start3A_82, %dma_start3A_83] : memref<10000x16xf32, #tpu.memory_space<hbm>> -> memref<10000x16xf32, #tpu.memory_space<hbm>>
      tpu.enqueue_indirect_dma source(%dma_start3A_84 : memref<10000x16xf32, #tpu.memory_space<hbm>>) target(%dma_start3A_78 : memref<128x16xf32, #tpu.memory_space<vmem>>) offsets(%dma_start3A_81 : memref<128xi32, #tpu.memory_space<vmem>>) semaphore(%arg10 : memref<!tpu.dma_semaphore, #tpu.memory_space<semaphore_mem>>)
      %mul3A_85 = arith.constant 8 : i32
      %mul3A_86 = arith.muli %add3A_72, %mul3A_85 : i32
      %add3A_87 = arith.constant 1 : i32
      %add3A_88 = arith.addi %mul3A_86, %add3A_87 : i32
      %dma_start3A_89 = arith.constant 128 : i32
      %dma_start3A_90 = arith.constant 0 : i32
      %dma_start3A_91 = tpu.memref_slice %arg8[%dma_start3A_89, %dma_start3A_90] : memref<1024x16xf32, #tpu.memory_space<vmem>> -> memref<128x16xf32, #tpu.memory_space<vmem>>
      %dma_start3A_92 = arith.constant 0 : i32
      %dma_start3A_93 = tpu.memref_slice %arg6[%add3A_88, %dma_start3A_92] : memref<8x128xi32, #tpu.memory_space<vmem>> -> memref<1x128xi32, #tpu.memory_space<vmem>>
      %dma_start3A_94 = tpu.memref_squeeze %dma_start3A_93 : memref<1x128xi32, #tpu.memory_space<vmem>> -> memref<128xi32, #tpu.memory_space<vmem>>
      %dma_start3A_95 = arith.constant 0 : i32
      %dma_start3A_96 = arith.constant 0 : i32
      %dma_start3A_97 = tpu.memref_slice %arg2[%dma_start3A_95, %dma_start3A_96] : memref<10000x16xf32, #tpu.memory_space<hbm>> -> memref<10000x16xf32, #tpu.memory_space<hbm>>
      tpu.enqueue_indirect_dma source(%dma_start3A_97 : memref<10000x16xf32, #tpu.memory_space<hbm>>) target(%dma_start3A_91 : memref<128x16xf32, #tpu.memory_space<vmem>>) offsets(%dma_start3A_94 : memref<128xi32, #tpu.memory_space<vmem>>) semaphore(%arg10 : memref<!tpu.dma_semaphore, #tpu.memory_space<semaphore_mem>>)
      %mul3A_98 = arith.constant 8 : i32
      %mul3A_99 = arith.muli %add3A_72, %mul3A_98 : i32
      %add3A_100 = arith.constant 2 : i32
      %add3A_101 = arith.addi %mul3A_99, %add3A_100 : i32
      %dma_start3A_102 = arith.constant 256 : i32
      %dma_start3A_103 = arith.constant 0 : i32
      %dma_start3A_104 = tpu.memref_slice %arg8[%dma_start3A_102, %dma_start3A_103] : memref<1024x16xf32, #tpu.memory_space<vmem>> -> memref<128x16xf32, #tpu.memory_space<vmem>>
      %dma_start3A_105 = arith.constant 0 : i32
      %dma_start3A_106 = tpu.memref_slice %arg6[%add3A_101, %dma_start3A_105] : memref<8x128xi32, #tpu.memory_space<vmem>> -> memref<1x128xi32, #tpu.memory_space<vmem>>
      %dma_start3A_107 = tpu.memref_squeeze %dma_start3A_106 : memref<1x128xi32, #tpu.memory_space<vmem>> -> memref<128xi32, #tpu.memory_space<vmem>>
      %dma_start3A_108 = arith.constant 0 : i32
      %dma_start3A_109 = arith.constant 0 : i32
      %dma_start3A_110 = tpu.memref_slice %arg2[%dma_start3A_108, %dma_start3A_109] : memref<10000x16xf32, #tpu.memory_space<hbm>> -> memref<10000x16xf32, #tpu.memory_space<hbm>>
      tpu.enqueue_indirect_dma source(%dma_start3A_110 : memref<10000x16xf32, #tpu.memory_space<hbm>>) target(%dma_start3A_104 : memref<128x16xf32, #tpu.memory_space<vmem>>) offsets(%dma_start3A_107 : memref<128xi32, #tpu.memory_space<vmem>>) semaphore(%arg10 : memref<!tpu.dma_semaphore, #tpu.memory_space<semaphore_mem>>)
      %mul3A_111 = arith.constant 8 : i32
      %mul3A_112 = arith.muli %add3A_72, %mul3A_111 : i32
      %add3A_113 = arith.constant 3 : i32
      %add3A_114 = arith.addi %mul3A_112, %add3A_113 : i32
      %dma_start3A_115 = arith.constant 384 : i32
      %dma_start3A_116 = arith.constant 0 : i32
      %dma_start3A_117 = tpu.memref_slice %arg8[%dma_start3A_115, %dma_start3A_116] : memref<1024x16xf32, #tpu.memory_space<vmem>> -> memref<128x16xf32, #tpu.memory_space<vmem>>
      %dma_start3A_118 = arith.constant 0 : i32
      %dma_start3A_119 = tpu.memref_slice %arg6[%add3A_114, %dma_start3A_118] : memref<8x128xi32, #tpu.memory_space<vmem>> -> memref<1x128xi32, #tpu.memory_space<vmem>>
      %dma_start3A_120 = tpu.memref_squeeze %dma_start3A_119 : memref<1x128xi32, #tpu.memory_space<vmem>> -> memref<128xi32, #tpu.memory_space<vmem>>
      %dma_start3A_121 = arith.constant 0 : i32
      %dma_start3A_122 = arith.constant 0 : i32
      %dma_start3A_123 = tpu.memref_slice %arg2[%dma_start3A_121, %dma_start3A_122] : memref<10000x16xf32, #tpu.memory_space<hbm>> -> memref<10000x16xf32, #tpu.memory_space<hbm>>
      tpu.enqueue_indirect_dma source(%dma_start3A_123 : memref<10000x16xf32, #tpu.memory_space<hbm>>) target(%dma_start3A_117 : memref<128x16xf32, #tpu.memory_space<vmem>>) offsets(%dma_start3A_120 : memref<128xi32, #tpu.memory_space<vmem>>) semaphore(%arg10 : memref<!tpu.dma_semaphore, #tpu.memory_space<semaphore_mem>>)
      %mul3A_124 = arith.constant 8 : i32
      %mul3A_125 = arith.muli %add3A_72, %mul3A_124 : i32
      %add3A_126 = arith.constant 4 : i32
      %add3A_127 = arith.addi %mul3A_125, %add3A_126 : i32
      %dma_start3A_128 = arith.constant 512 : i32
      %dma_start3A_129 = arith.constant 0 : i32
      %dma_start3A_130 = tpu.memref_slice %arg8[%dma_start3A_128, %dma_start3A_129] : memref<1024x16xf32, #tpu.memory_space<vmem>> -> memref<128x16xf32, #tpu.memory_space<vmem>>
      %dma_start3A_131 = arith.constant 0 : i32
      %dma_start3A_132 = tpu.memref_slice %arg6[%add3A_127, %dma_start3A_131] : memref<8x128xi32, #tpu.memory_space<vmem>> -> memref<1x128xi32, #tpu.memory_space<vmem>>
      %dma_start3A_133 = tpu.memref_squeeze %dma_start3A_132 : memref<1x128xi32, #tpu.memory_space<vmem>> -> memref<128xi32, #tpu.memory_space<vmem>>
      %dma_start3A_134 = arith.constant 0 : i32
      %dma_start3A_135 = arith.constant 0 : i32
      %dma_start3A_136 = tpu.memref_slice %arg2[%dma_start3A_134, %dma_start3A_135] : memref<10000x16xf32, #tpu.memory_space<hbm>> -> memref<10000x16xf32, #tpu.memory_space<hbm>>
      tpu.enqueue_indirect_dma source(%dma_start3A_136 : memref<10000x16xf32, #tpu.memory_space<hbm>>) target(%dma_start3A_130 : memref<128x16xf32, #tpu.memory_space<vmem>>) offsets(%dma_start3A_133 : memref<128xi32, #tpu.memory_space<vmem>>) semaphore(%arg10 : memref<!tpu.dma_semaphore, #tpu.memory_space<semaphore_mem>>)
      %mul3A_137 = arith.constant 8 : i32
      %mul3A_138 = arith.muli %add3A_72, %mul3A_137 : i32
      %add3A_139 = arith.constant 5 : i32
      %add3A_140 = arith.addi %mul3A_138, %add3A_139 : i32
      %dma_start3A_141 = arith.constant 640 : i32
      %dma_start3A_142 = arith.constant 0 : i32
      %dma_start3A_143 = tpu.memref_slice %arg8[%dma_start3A_141, %dma_start3A_142] : memref<1024x16xf32, #tpu.memory_space<vmem>> -> memref<128x16xf32, #tpu.memory_space<vmem>>
      %dma_start3A_144 = arith.constant 0 : i32
      %dma_start3A_145 = tpu.memref_slice %arg6[%add3A_140, %dma_start3A_144] : memref<8x128xi32, #tpu.memory_space<vmem>> -> memref<1x128xi32, #tpu.memory_space<vmem>>
      %dma_start3A_146 = tpu.memref_squeeze %dma_start3A_145 : memref<1x128xi32, #tpu.memory_space<vmem>> -> memref<128xi32, #tpu.memory_space<vmem>>
      %dma_start3A_147 = arith.constant 0 : i32
      %dma_start3A_148 = arith.constant 0 : i32
      %dma_start3A_149 = tpu.memref_slice %arg2[%dma_start3A_147, %dma_start3A_148] : memref<10000x16xf32, #tpu.memory_space<hbm>> -> memref<10000x16xf32, #tpu.memory_space<hbm>>
      tpu.enqueue_indirect_dma source(%dma_start3A_149 : memref<10000x16xf32, #tpu.memory_space<hbm>>) target(%dma_start3A_143 : memref<128x16xf32, #tpu.memory_space<vmem>>) offsets(%dma_start3A_146 : memref<128xi32, #tpu.memory_space<vmem>>) semaphore(%arg10 : memref<!tpu.dma_semaphore, #tpu.memory_space<semaphore_mem>>)
      %mul3A_150 = arith.constant 8 : i32
      %mul3A_151 = arith.muli %add3A_72, %mul3A_150 : i32
      %add3A_152 = arith.constant 6 : i32
      %add3A_153 = arith.addi %mul3A_151, %add3A_152 : i32
      %dma_start3A_154 = arith.constant 768 : i32
      %dma_start3A_155 = arith.constant 0 : i32
      %dma_start3A_156 = tpu.memref_slice %arg8[%dma_start3A_154, %dma_start3A_155] : memref<1024x16xf32, #tpu.memory_space<vmem>> -> memref<128x16xf32, #tpu.memory_space<vmem>>
      %dma_start3A_157 = arith.constant 0 : i32
      %dma_start3A_158 = tpu.memref_slice %arg6[%add3A_153, %dma_start3A_157] : memref<8x128xi32, #tpu.memory_space<vmem>> -> memref<1x128xi32, #tpu.memory_space<vmem>>
      %dma_start3A_159 = tpu.memref_squeeze %dma_start3A_158 : memref<1x128xi32, #tpu.memory_space<vmem>> -> memref<128xi32, #tpu.memory_space<vmem>>
      %dma_start3A_160 = arith.constant 0 : i32
      %dma_start3A_161 = arith.constant 0 : i32
      %dma_start3A_162 = tpu.memref_slice %arg2[%dma_start3A_160, %dma_start3A_161] : memref<10000x16xf32, #tpu.memory_space<hbm>> -> memref<10000x16xf32, #tpu.memory_space<hbm>>
      tpu.enqueue_indirect_dma source(%dma_start3A_162 : memref<10000x16xf32, #tpu.memory_space<hbm>>) target(%dma_start3A_156 : memref<128x16xf32, #tpu.memory_space<vmem>>) offsets(%dma_start3A_159 : memref<128xi32, #tpu.memory_space<vmem>>) semaphore(%arg10 : memref<!tpu.dma_semaphore, #tpu.memory_space<semaphore_mem>>)
      %mul3A_163 = arith.constant 8 : i32
      %mul3A_164 = arith.muli %add3A_72, %mul3A_163 : i32
      %add3A_165 = arith.constant 7 : i32
      %add3A_166 = arith.addi %mul3A_164, %add3A_165 : i32
      %dma_start3A_167 = arith.constant 896 : i32
      %dma_start3A_168 = arith.constant 0 : i32
      %dma_start3A_169 = tpu.memref_slice %arg8[%dma_start3A_167, %dma_start3A_168] : memref<1024x16xf32, #tpu.memory_space<vmem>> -> memref<128x16xf32, #tpu.memory_space<vmem>>
      %dma_start3A_170 = arith.constant 0 : i32
      %dma_start3A_171 = tpu.memref_slice %arg6[%add3A_166, %dma_start3A_170] : memref<8x128xi32, #tpu.memory_space<vmem>> -> memref<1x128xi32, #tpu.memory_space<vmem>>
      %dma_start3A_172 = tpu.memref_squeeze %dma_start3A_171 : memref<1x128xi32, #tpu.memory_space<vmem>> -> memref<128xi32, #tpu.memory_space<vmem>>
      %dma_start3A_173 = arith.constant 0 : i32
      %dma_start3A_174 = arith.constant 0 : i32
      %dma_start3A_175 = tpu.memref_slice %arg2[%dma_start3A_173, %dma_start3A_174] : memref<10000x16xf32, #tpu.memory_space<hbm>> -> memref<10000x16xf32, #tpu.memory_space<hbm>>
      tpu.enqueue_indirect_dma source(%dma_start3A_175 : memref<10000x16xf32, #tpu.memory_space<hbm>>) target(%dma_start3A_169 : memref<128x16xf32, #tpu.memory_space<vmem>>) offsets(%dma_start3A_172 : memref<128xi32, #tpu.memory_space<vmem>>) semaphore(%arg10 : memref<!tpu.dma_semaphore, #tpu.memory_space<semaphore_mem>>)
      %dma_wait3A = arith.constant 0 : i32
      %dma_wait3A_176 = arith.constant 0 : i32
      %dma_wait3A_177 = tpu.memref_slice %arg8[%dma_wait3A, %dma_wait3A_176] : memref<1024x16xf32, #tpu.memory_space<vmem>> -> memref<128x16xf32, #tpu.memory_space<vmem>>
      %dma_wait3A_178 = arith.constant 0 : i32
      %dma_wait3A_179 = tpu.memref_slice %arg6[%add3A_76, %dma_wait3A_178] : memref<8x128xi32, #tpu.memory_space<vmem>> -> memref<1x128xi32, #tpu.memory_space<vmem>>
      %dma_wait3A_180 = tpu.memref_squeeze %dma_wait3A_179 : memref<1x128xi32, #tpu.memory_space<vmem>> -> memref<128xi32, #tpu.memory_space<vmem>>
      %dma_wait3A_181 = arith.constant 0 : i32
      %dma_wait3A_182 = arith.constant 0 : i32
      %dma_wait3A_183 = tpu.memref_slice %arg2[%dma_wait3A_181, %dma_wait3A_182] : memref<10000x16xf32, #tpu.memory_space<hbm>> -> memref<10000x16xf32, #tpu.memory_space<hbm>>
      tpu.wait_indirect_dma semaphore(%arg10 : memref<!tpu.dma_semaphore, #tpu.memory_space<semaphore_mem>>) src(%dma_wait3A_183 : memref<10000x16xf32, #tpu.memory_space<hbm>>) dst(%dma_wait3A_177 : memref<128x16xf32, #tpu.memory_space<vmem>>)
      %dma_wait3A_184 = arith.constant 128 : i32
      %dma_wait3A_185 = arith.constant 0 : i32
      %dma_wait3A_186 = tpu.memref_slice %arg8[%dma_wait3A_184, %dma_wait3A_185] : memref<1024x16xf32, #tpu.memory_space<vmem>> -> memref<128x16xf32, #tpu.memory_space<vmem>>
      %dma_wait3A_187 = arith.constant 0 : i32
      %dma_wait3A_188 = tpu.memref_slice %arg6[%add3A_88, %dma_wait3A_187] : memref<8x128xi32, #tpu.memory_space<vmem>> -> memref<1x128xi32, #tpu.memory_space<vmem>>
      %dma_wait3A_189 = tpu.memref_squeeze %dma_wait3A_188 : memref<1x128xi32, #tpu.memory_space<vmem>> -> memref<128xi32, #tpu.memory_space<vmem>>
      %dma_wait3A_190 = arith.constant 0 : i32
      %dma_wait3A_191 = arith.constant 0 : i32
      %dma_wait3A_192 = tpu.memref_slice %arg2[%dma_wait3A_190, %dma_wait3A_191] : memref<10000x16xf32, #tpu.memory_space<hbm>> -> memref<10000x16xf32, #tpu.memory_space<hbm>>
      tpu.wait_indirect_dma semaphore(%arg10 : memref<!tpu.dma_semaphore, #tpu.memory_space<semaphore_mem>>) src(%dma_wait3A_192 : memref<10000x16xf32, #tpu.memory_space<hbm>>) dst(%dma_wait3A_186 : memref<128x16xf32, #tpu.memory_space<vmem>>)
      %dma_wait3A_193 = arith.constant 256 : i32
      %dma_wait3A_194 = arith.constant 0 : i32
      %dma_wait3A_195 = tpu.memref_slice %arg8[%dma_wait3A_193, %dma_wait3A_194] : memref<1024x16xf32, #tpu.memory_space<vmem>> -> memref<128x16xf32, #tpu.memory_space<vmem>>
      %dma_wait3A_196 = arith.constant 0 : i32
      %dma_wait3A_197 = tpu.memref_slice %arg6[%add3A_101, %dma_wait3A_196] : memref<8x128xi32, #tpu.memory_space<vmem>> -> memref<1x128xi32, #tpu.memory_space<vmem>>
      %dma_wait3A_198 = tpu.memref_squeeze %dma_wait3A_197 : memref<1x128xi32, #tpu.memory_space<vmem>> -> memref<128xi32, #tpu.memory_space<vmem>>
      %dma_wait3A_199 = arith.constant 0 : i32
      %dma_wait3A_200 = arith.constant 0 : i32
      %dma_wait3A_201 = tpu.memref_slice %arg2[%dma_wait3A_199, %dma_wait3A_200] : memref<10000x16xf32, #tpu.memory_space<hbm>> -> memref<10000x16xf32, #tpu.memory_space<hbm>>
      tpu.wait_indirect_dma semaphore(%arg10 : memref<!tpu.dma_semaphore, #tpu.memory_space<semaphore_mem>>) src(%dma_wait3A_201 : memref<10000x16xf32, #tpu.memory_space<hbm>>) dst(%dma_wait3A_195 : memref<128x16xf32, #tpu.memory_space<vmem>>)
      %dma_wait3A_202 = arith.constant 384 : i32
      %dma_wait3A_203 = arith.constant 0 : i32
      %dma_wait3A_204 = tpu.memref_slice %arg8[%dma_wait3A_202, %dma_wait3A_203] : memref<1024x16xf32, #tpu.memory_space<vmem>> -> memref<128x16xf32, #tpu.memory_space<vmem>>
      %dma_wait3A_205 = arith.constant 0 : i32
      %dma_wait3A_206 = tpu.memref_slice %arg6[%add3A_114, %dma_wait3A_205] : memref<8x128xi32, #tpu.memory_space<vmem>> -> memref<1x128xi32, #tpu.memory_space<vmem>>
      %dma_wait3A_207 = tpu.memref_squeeze %dma_wait3A_206 : memref<1x128xi32, #tpu.memory_space<vmem>> -> memref<128xi32, #tpu.memory_space<vmem>>
      %dma_wait3A_208 = arith.constant 0 : i32
      %dma_wait3A_209 = arith.constant 0 : i32
      %dma_wait3A_210 = tpu.memref_slice %arg2[%dma_wait3A_208, %dma_wait3A_209] : memref<10000x16xf32, #tpu.memory_space<hbm>> -> memref<10000x16xf32, #tpu.memory_space<hbm>>
      tpu.wait_indirect_dma semaphore(%arg10 : memref<!tpu.dma_semaphore, #tpu.memory_space<semaphore_mem>>) src(%dma_wait3A_210 : memref<10000x16xf32, #tpu.memory_space<hbm>>) dst(%dma_wait3A_204 : memref<128x16xf32, #tpu.memory_space<vmem>>)
      %dma_wait3A_211 = arith.constant 512 : i32
      %dma_wait3A_212 = arith.constant 0 : i32
      %dma_wait3A_213 = tpu.memref_slice %arg8[%dma_wait3A_211, %dma_wait3A_212] : memref<1024x16xf32, #tpu.memory_space<vmem>> -> memref<128x16xf32, #tpu.memory_space<vmem>>
      %dma_wait3A_214 = arith.constant 0 : i32
      %dma_wait3A_215 = tpu.memref_slice %arg6[%add3A_127, %dma_wait3A_214] : memref<8x128xi32, #tpu.memory_space<vmem>> -> memref<1x128xi32, #tpu.memory_space<vmem>>
      %dma_wait3A_216 = tpu.memref_squeeze %dma_wait3A_215 : memref<1x128xi32, #tpu.memory_space<vmem>> -> memref<128xi32, #tpu.memory_space<vmem>>
      %dma_wait3A_217 = arith.constant 0 : i32
      %dma_wait3A_218 = arith.constant 0 : i32
      %dma_wait3A_219 = tpu.memref_slice %arg2[%dma_wait3A_217, %dma_wait3A_218] : memref<10000x16xf32, #tpu.memory_space<hbm>> -> memref<10000x16xf32, #tpu.memory_space<hbm>>
      tpu.wait_indirect_dma semaphore(%arg10 : memref<!tpu.dma_semaphore, #tpu.memory_space<semaphore_mem>>) src(%dma_wait3A_219 : memref<10000x16xf32, #tpu.memory_space<hbm>>) dst(%dma_wait3A_213 : memref<128x16xf32, #tpu.memory_space<vmem>>)
      %dma_wait3A_220 = arith.constant 640 : i32
      %dma_wait3A_221 = arith.constant 0 : i32
      %dma_wait3A_222 = tpu.memref_slice %arg8[%dma_wait3A_220, %dma_wait3A_221] : memref<1024x16xf32, #tpu.memory_space<vmem>> -> memref<128x16xf32, #tpu.memory_space<vmem>>
      %dma_wait3A_223 = arith.constant 0 : i32
      %dma_wait3A_224 = tpu.memref_slice %arg6[%add3A_140, %dma_wait3A_223] : memref<8x128xi32, #tpu.memory_space<vmem>> -> memref<1x128xi32, #tpu.memory_space<vmem>>
      %dma_wait3A_225 = tpu.memref_squeeze %dma_wait3A_224 : memref<1x128xi32, #tpu.memory_space<vmem>> -> memref<128xi32, #tpu.memory_space<vmem>>
      %dma_wait3A_226 = arith.constant 0 : i32
      %dma_wait3A_227 = arith.constant 0 : i32
      %dma_wait3A_228 = tpu.memref_slice %arg2[%dma_wait3A_226, %dma_wait3A_227] : memref<10000x16xf32, #tpu.memory_space<hbm>> -> memref<10000x16xf32, #tpu.memory_space<hbm>>
      tpu.wait_indirect_dma semaphore(%arg10 : memref<!tpu.dma_semaphore, #tpu.memory_space<semaphore_mem>>) src(%dma_wait3A_228 : memref<10000x16xf32, #tpu.memory_space<hbm>>) dst(%dma_wait3A_222 : memref<128x16xf32, #tpu.memory_space<vmem>>)
      %dma_wait3A_229 = arith.constant 768 : i32
      %dma_wait3A_230 = arith.constant 0 : i32
      %dma_wait3A_231 = tpu.memref_slice %arg8[%dma_wait3A_229, %dma_wait3A_230] : memref<1024x16xf32, #tpu.memory_space<vmem>> -> memref<128x16xf32, #tpu.memory_space<vmem>>
      %dma_wait3A_232 = arith.constant 0 : i32
      %dma_wait3A_233 = tpu.memref_slice %arg6[%add3A_153, %dma_wait3A_232] : memref<8x128xi32, #tpu.memory_space<vmem>> -> memref<1x128xi32, #tpu.memory_space<vmem>>
      %dma_wait3A_234 = tpu.memref_squeeze %dma_wait3A_233 : memref<1x128xi32, #tpu.memory_space<vmem>> -> memref<128xi32, #tpu.memory_space<vmem>>
      %dma_wait3A_235 = arith.constant 0 : i32
      %dma_wait3A_236 = arith.constant 0 : i32
      %dma_wait3A_237 = tpu.memref_slice %arg2[%dma_wait3A_235, %dma_wait3A_236] : memref<10000x16xf32, #tpu.memory_space<hbm>> -> memref<10000x16xf32, #tpu.memory_space<hbm>>
      tpu.wait_indirect_dma semaphore(%arg10 : memref<!tpu.dma_semaphore, #tpu.memory_space<semaphore_mem>>) src(%dma_wait3A_237 : memref<10000x16xf32, #tpu.memory_space<hbm>>) dst(%dma_wait3A_231 : memref<128x16xf32, #tpu.memory_space<vmem>>)
      %dma_wait3A_238 = arith.constant 896 : i32
      %dma_wait3A_239 = arith.constant 0 : i32
      %dma_wait3A_240 = tpu.memref_slice %arg8[%dma_wait3A_238, %dma_wait3A_239] : memref<1024x16xf32, #tpu.memory_space<vmem>> -> memref<128x16xf32, #tpu.memory_space<vmem>>
      %dma_wait3A_241 = arith.constant 0 : i32
      %dma_wait3A_242 = tpu.memref_slice %arg6[%add3A_166, %dma_wait3A_241] : memref<8x128xi32, #tpu.memory_space<vmem>> -> memref<1x128xi32, #tpu.memory_space<vmem>>
      %dma_wait3A_243 = tpu.memref_squeeze %dma_wait3A_242 : memref<1x128xi32, #tpu.memory_space<vmem>> -> memref<128xi32, #tpu.memory_space<vmem>>
      %dma_wait3A_244 = arith.constant 0 : i32
      %dma_wait3A_245 = arith.constant 0 : i32
      %dma_wait3A_246 = tpu.memref_slice %arg2[%dma_wait3A_244, %dma_wait3A_245] : memref<10000x16xf32, #tpu.memory_space<hbm>> -> memref<10000x16xf32, #tpu.memory_space<hbm>>
      tpu.wait_indirect_dma semaphore(%arg10 : memref<!tpu.dma_semaphore, #tpu.memory_space<semaphore_mem>>) src(%dma_wait3A_246 : memref<10000x16xf32, #tpu.memory_space<hbm>>) dst(%dma_wait3A_240 : memref<128x16xf32, #tpu.memory_space<vmem>>)
      %mul3A_247 = arith.constant 8 : i32
      %mul3A_248 = arith.muli %add3A_72, %mul3A_247 : i32
      %add3A_249 = arith.constant 0 : i32
      %add3A_250 = arith.addi %mul3A_248, %add3A_249 : i32
      %dma_start3A_251 = arith.constant 0 : i32
      %dma_start3A_252 = arith.constant 0 : i32
      %dma_start3A_253 = tpu.memref_slice %arg8[%dma_start3A_251, %dma_start3A_252] : memref<1024x16xf32, #tpu.memory_space<vmem>> -> memref<128x16xf32, #tpu.memory_space<vmem>>
      %dma_start3A_254 = arith.constant 0 : i32
      %dma_start3A_255 = tpu.memref_slice %arg7[%add3A_250, %dma_start3A_254] : memref<8x128xi32, #tpu.memory_space<vmem>> -> memref<1x128xi32, #tpu.memory_space<vmem>>
      %dma_start3A_256 = tpu.memref_squeeze %dma_start3A_255 : memref<1x128xi32, #tpu.memory_space<vmem>> -> memref<128xi32, #tpu.memory_space<vmem>>
      %dma_start3A_257 = arith.constant 0 : i32
      %dma_start3A_258 = arith.constant 0 : i32
      %dma_start3A_259 = tpu.memref_slice %arg9[%dma_start3A_257, %dma_start3A_258] : memref<10112x16xf32, #tpu.memory_space<vmem_shared>> -> memref<10112x16xf32, #tpu.memory_space<vmem_shared>>
      tpu.enqueue_indirect_dma source(%dma_start3A_253 : memref<128x16xf32, #tpu.memory_space<vmem>>) target(%dma_start3A_259 : memref<10112x16xf32, #tpu.memory_space<vmem_shared>>) offsets(%dma_start3A_256 : memref<128xi32, #tpu.memory_space<vmem>>) semaphore(%arg10 : memref<!tpu.dma_semaphore, #tpu.memory_space<semaphore_mem>>) {add = true}
      %mul3A_260 = arith.constant 8 : i32
      %mul3A_261 = arith.muli %add3A_72, %mul3A_260 : i32
      %add3A_262 = arith.constant 1 : i32
      %add3A_263 = arith.addi %mul3A_261, %add3A_262 : i32
      %dma_start3A_264 = arith.constant 128 : i32
      %dma_start3A_265 = arith.constant 0 : i32
      %dma_start3A_266 = tpu.memref_slice %arg8[%dma_start3A_264, %dma_start3A_265] : memref<1024x16xf32, #tpu.memory_space<vmem>> -> memref<128x16xf32, #tpu.memory_space<vmem>>
      %dma_start3A_267 = arith.constant 0 : i32
      %dma_start3A_268 = tpu.memref_slice %arg7[%add3A_263, %dma_start3A_267] : memref<8x128xi32, #tpu.memory_space<vmem>> -> memref<1x128xi32, #tpu.memory_space<vmem>>
      %dma_start3A_269 = tpu.memref_squeeze %dma_start3A_268 : memref<1x128xi32, #tpu.memory_space<vmem>> -> memref<128xi32, #tpu.memory_space<vmem>>
      %dma_start3A_270 = arith.constant 0 : i32
      %dma_start3A_271 = arith.constant 0 : i32
      %dma_start3A_272 = tpu.memref_slice %arg9[%dma_start3A_270, %dma_start3A_271] : memref<10112x16xf32, #tpu.memory_space<vmem_shared>> -> memref<10112x16xf32, #tpu.memory_space<vmem_shared>>
      tpu.enqueue_indirect_dma source(%dma_start3A_266 : memref<128x16xf32, #tpu.memory_space<vmem>>) target(%dma_start3A_272 : memref<10112x16xf32, #tpu.memory_space<vmem_shared>>) offsets(%dma_start3A_269 : memref<128xi32, #tpu.memory_space<vmem>>) semaphore(%arg10 : memref<!tpu.dma_semaphore, #tpu.memory_space<semaphore_mem>>) {add = true}
      %mul3A_273 = arith.constant 8 : i32
      %mul3A_274 = arith.muli %add3A_72, %mul3A_273 : i32
      %add3A_275 = arith.constant 2 : i32
      %add3A_276 = arith.addi %mul3A_274, %add3A_275 : i32
      %dma_start3A_277 = arith.constant 256 : i32
      %dma_start3A_278 = arith.constant 0 : i32
      %dma_start3A_279 = tpu.memref_slice %arg8[%dma_start3A_277, %dma_start3A_278] : memref<1024x16xf32, #tpu.memory_space<vmem>> -> memref<128x16xf32, #tpu.memory_space<vmem>>
      %dma_start3A_280 = arith.constant 0 : i32
      %dma_start3A_281 = tpu.memref_slice %arg7[%add3A_276, %dma_start3A_280] : memref<8x128xi32, #tpu.memory_space<vmem>> -> memref<1x128xi32, #tpu.memory_space<vmem>>
      %dma_start3A_282 = tpu.memref_squeeze %dma_start3A_281 : memref<1x128xi32, #tpu.memory_space<vmem>> -> memref<128xi32, #tpu.memory_space<vmem>>
      %dma_start3A_283 = arith.constant 0 : i32
      %dma_start3A_284 = arith.constant 0 : i32
      %dma_start3A_285 = tpu.memref_slice %arg9[%dma_start3A_283, %dma_start3A_284] : memref<10112x16xf32, #tpu.memory_space<vmem_shared>> -> memref<10112x16xf32, #tpu.memory_space<vmem_shared>>
      tpu.enqueue_indirect_dma source(%dma_start3A_279 : memref<128x16xf32, #tpu.memory_space<vmem>>) target(%dma_start3A_285 : memref<10112x16xf32, #tpu.memory_space<vmem_shared>>) offsets(%dma_start3A_282 : memref<128xi32, #tpu.memory_space<vmem>>) semaphore(%arg10 : memref<!tpu.dma_semaphore, #tpu.memory_space<semaphore_mem>>) {add = true}
      %mul3A_286 = arith.constant 8 : i32
      %mul3A_287 = arith.muli %add3A_72, %mul3A_286 : i32
      %add3A_288 = arith.constant 3 : i32
      %add3A_289 = arith.addi %mul3A_287, %add3A_288 : i32
      %dma_start3A_290 = arith.constant 384 : i32
      %dma_start3A_291 = arith.constant 0 : i32
      %dma_start3A_292 = tpu.memref_slice %arg8[%dma_start3A_290, %dma_start3A_291] : memref<1024x16xf32, #tpu.memory_space<vmem>> -> memref<128x16xf32, #tpu.memory_space<vmem>>
      %dma_start3A_293 = arith.constant 0 : i32
      %dma_start3A_294 = tpu.memref_slice %arg7[%add3A_289, %dma_start3A_293] : memref<8x128xi32, #tpu.memory_space<vmem>> -> memref<1x128xi32, #tpu.memory_space<vmem>>
      %dma_start3A_295 = tpu.memref_squeeze %dma_start3A_294 : memref<1x128xi32, #tpu.memory_space<vmem>> -> memref<128xi32, #tpu.memory_space<vmem>>
      %dma_start3A_296 = arith.constant 0 : i32
      %dma_start3A_297 = arith.constant 0 : i32
      %dma_start3A_298 = tpu.memref_slice %arg9[%dma_start3A_296, %dma_start3A_297] : memref<10112x16xf32, #tpu.memory_space<vmem_shared>> -> memref<10112x16xf32, #tpu.memory_space<vmem_shared>>
      tpu.enqueue_indirect_dma source(%dma_start3A_292 : memref<128x16xf32, #tpu.memory_space<vmem>>) target(%dma_start3A_298 : memref<10112x16xf32, #tpu.memory_space<vmem_shared>>) offsets(%dma_start3A_295 : memref<128xi32, #tpu.memory_space<vmem>>) semaphore(%arg10 : memref<!tpu.dma_semaphore, #tpu.memory_space<semaphore_mem>>) {add = true}
      %mul3A_299 = arith.constant 8 : i32
      %mul3A_300 = arith.muli %add3A_72, %mul3A_299 : i32
      %add3A_301 = arith.constant 4 : i32
      %add3A_302 = arith.addi %mul3A_300, %add3A_301 : i32
      %dma_start3A_303 = arith.constant 512 : i32
      %dma_start3A_304 = arith.constant 0 : i32
      %dma_start3A_305 = tpu.memref_slice %arg8[%dma_start3A_303, %dma_start3A_304] : memref<1024x16xf32, #tpu.memory_space<vmem>> -> memref<128x16xf32, #tpu.memory_space<vmem>>
      %dma_start3A_306 = arith.constant 0 : i32
      %dma_start3A_307 = tpu.memref_slice %arg7[%add3A_302, %dma_start3A_306] : memref<8x128xi32, #tpu.memory_space<vmem>> -> memref<1x128xi32, #tpu.memory_space<vmem>>
      %dma_start3A_308 = tpu.memref_squeeze %dma_start3A_307 : memref<1x128xi32, #tpu.memory_space<vmem>> -> memref<128xi32, #tpu.memory_space<vmem>>
      %dma_start3A_309 = arith.constant 0 : i32
      %dma_start3A_310 = arith.constant 0 : i32
      %dma_start3A_311 = tpu.memref_slice %arg9[%dma_start3A_309, %dma_start3A_310] : memref<10112x16xf32, #tpu.memory_space<vmem_shared>> -> memref<10112x16xf32, #tpu.memory_space<vmem_shared>>
      tpu.enqueue_indirect_dma source(%dma_start3A_305 : memref<128x16xf32, #tpu.memory_space<vmem>>) target(%dma_start3A_311 : memref<10112x16xf32, #tpu.memory_space<vmem_shared>>) offsets(%dma_start3A_308 : memref<128xi32, #tpu.memory_space<vmem>>) semaphore(%arg10 : memref<!tpu.dma_semaphore, #tpu.memory_space<semaphore_mem>>) {add = true}
      %mul3A_312 = arith.constant 8 : i32
      %mul3A_313 = arith.muli %add3A_72, %mul3A_312 : i32
      %add3A_314 = arith.constant 5 : i32
      %add3A_315 = arith.addi %mul3A_313, %add3A_314 : i32
      %dma_start3A_316 = arith.constant 640 : i32
      %dma_start3A_317 = arith.constant 0 : i32
      %dma_start3A_318 = tpu.memref_slice %arg8[%dma_start3A_316, %dma_start3A_317] : memref<1024x16xf32, #tpu.memory_space<vmem>> -> memref<128x16xf32, #tpu.memory_space<vmem>>
      %dma_start3A_319 = arith.constant 0 : i32
      %dma_start3A_320 = tpu.memref_slice %arg7[%add3A_315, %dma_start3A_319] : memref<8x128xi32, #tpu.memory_space<vmem>> -> memref<1x128xi32, #tpu.memory_space<vmem>>
      %dma_start3A_321 = tpu.memref_squeeze %dma_start3A_320 : memref<1x128xi32, #tpu.memory_space<vmem>> -> memref<128xi32, #tpu.memory_space<vmem>>
      %dma_start3A_322 = arith.constant 0 : i32
      %dma_start3A_323 = arith.constant 0 : i32
      %dma_start3A_324 = tpu.memref_slice %arg9[%dma_start3A_322, %dma_start3A_323] : memref<10112x16xf32, #tpu.memory_space<vmem_shared>> -> memref<10112x16xf32, #tpu.memory_space<vmem_shared>>
      tpu.enqueue_indirect_dma source(%dma_start3A_318 : memref<128x16xf32, #tpu.memory_space<vmem>>) target(%dma_start3A_324 : memref<10112x16xf32, #tpu.memory_space<vmem_shared>>) offsets(%dma_start3A_321 : memref<128xi32, #tpu.memory_space<vmem>>) semaphore(%arg10 : memref<!tpu.dma_semaphore, #tpu.memory_space<semaphore_mem>>) {add = true}
      %mul3A_325 = arith.constant 8 : i32
      %mul3A_326 = arith.muli %add3A_72, %mul3A_325 : i32
      %add3A_327 = arith.constant 6 : i32
      %add3A_328 = arith.addi %mul3A_326, %add3A_327 : i32
      %dma_start3A_329 = arith.constant 768 : i32
      %dma_start3A_330 = arith.constant 0 : i32
      %dma_start3A_331 = tpu.memref_slice %arg8[%dma_start3A_329, %dma_start3A_330] : memref<1024x16xf32, #tpu.memory_space<vmem>> -> memref<128x16xf32, #tpu.memory_space<vmem>>
      %dma_start3A_332 = arith.constant 0 : i32
      %dma_start3A_333 = tpu.memref_slice %arg7[%add3A_328, %dma_start3A_332] : memref<8x128xi32, #tpu.memory_space<vmem>> -> memref<1x128xi32, #tpu.memory_space<vmem>>
      %dma_start3A_334 = tpu.memref_squeeze %dma_start3A_333 : memref<1x128xi32, #tpu.memory_space<vmem>> -> memref<128xi32, #tpu.memory_space<vmem>>
      %dma_start3A_335 = arith.constant 0 : i32
      %dma_start3A_336 = arith.constant 0 : i32
      %dma_start3A_337 = tpu.memref_slice %arg9[%dma_start3A_335, %dma_start3A_336] : memref<10112x16xf32, #tpu.memory_space<vmem_shared>> -> memref<10112x16xf32, #tpu.memory_space<vmem_shared>>
      tpu.enqueue_indirect_dma source(%dma_start3A_331 : memref<128x16xf32, #tpu.memory_space<vmem>>) target(%dma_start3A_337 : memref<10112x16xf32, #tpu.memory_space<vmem_shared>>) offsets(%dma_start3A_334 : memref<128xi32, #tpu.memory_space<vmem>>) semaphore(%arg10 : memref<!tpu.dma_semaphore, #tpu.memory_space<semaphore_mem>>) {add = true}
      %mul3A_338 = arith.constant 8 : i32
      %mul3A_339 = arith.muli %add3A_72, %mul3A_338 : i32
      %add3A_340 = arith.constant 7 : i32
      %add3A_341 = arith.addi %mul3A_339, %add3A_340 : i32
      %dma_start3A_342 = arith.constant 896 : i32
      %dma_start3A_343 = arith.constant 0 : i32
      %dma_start3A_344 = tpu.memref_slice %arg8[%dma_start3A_342, %dma_start3A_343] : memref<1024x16xf32, #tpu.memory_space<vmem>> -> memref<128x16xf32, #tpu.memory_space<vmem>>
      %dma_start3A_345 = arith.constant 0 : i32
      %dma_start3A_346 = tpu.memref_slice %arg7[%add3A_341, %dma_start3A_345] : memref<8x128xi32, #tpu.memory_space<vmem>> -> memref<1x128xi32, #tpu.memory_space<vmem>>
      %dma_start3A_347 = tpu.memref_squeeze %dma_start3A_346 : memref<1x128xi32, #tpu.memory_space<vmem>> -> memref<128xi32, #tpu.memory_space<vmem>>
      %dma_start3A_348 = arith.constant 0 : i32
      %dma_start3A_349 = arith.constant 0 : i32
      %dma_start3A_350 = tpu.memref_slice %arg9[%dma_start3A_348, %dma_start3A_349] : memref<10112x16xf32, #tpu.memory_space<vmem_shared>> -> memref<10112x16xf32, #tpu.memory_space<vmem_shared>>
      tpu.enqueue_indirect_dma source(%dma_start3A_344 : memref<128x16xf32, #tpu.memory_space<vmem>>) target(%dma_start3A_350 : memref<10112x16xf32, #tpu.memory_space<vmem_shared>>) offsets(%dma_start3A_347 : memref<128xi32, #tpu.memory_space<vmem>>) semaphore(%arg10 : memref<!tpu.dma_semaphore, #tpu.memory_space<semaphore_mem>>) {add = true}
      %dma_wait3A_351 = arith.constant 0 : i32
      %dma_wait3A_352 = arith.constant 0 : i32
      %dma_wait3A_353 = tpu.memref_slice %arg8[%dma_wait3A_351, %dma_wait3A_352] : memref<1024x16xf32, #tpu.memory_space<vmem>> -> memref<128x16xf32, #tpu.memory_space<vmem>>
      %dma_wait3A_354 = arith.constant 0 : i32
      %dma_wait3A_355 = tpu.memref_slice %arg7[%add3A_250, %dma_wait3A_354] : memref<8x128xi32, #tpu.memory_space<vmem>> -> memref<1x128xi32, #tpu.memory_space<vmem>>
      %dma_wait3A_356 = tpu.memref_squeeze %dma_wait3A_355 : memref<1x128xi32, #tpu.memory_space<vmem>> -> memref<128xi32, #tpu.memory_space<vmem>>
      %dma_wait3A_357 = arith.constant 0 : i32
      %dma_wait3A_358 = arith.constant 0 : i32
      %dma_wait3A_359 = tpu.memref_slice %arg9[%dma_wait3A_357, %dma_wait3A_358] : memref<10112x16xf32, #tpu.memory_space<vmem_shared>> -> memref<10112x16xf32, #tpu.memory_space<vmem_shared>>
      tpu.wait_indirect_dma semaphore(%arg10 : memref<!tpu.dma_semaphore, #tpu.memory_space<semaphore_mem>>) src(%dma_wait3A_353 : memref<128x16xf32, #tpu.memory_space<vmem>>) dst(%dma_wait3A_359 : memref<10112x16xf32, #tpu.memory_space<vmem_shared>>)
      %dma_wait3A_360 = arith.constant 128 : i32
      %dma_wait3A_361 = arith.constant 0 : i32
      %dma_wait3A_362 = tpu.memref_slice %arg8[%dma_wait3A_360, %dma_wait3A_361] : memref<1024x16xf32, #tpu.memory_space<vmem>> -> memref<128x16xf32, #tpu.memory_space<vmem>>
      %dma_wait3A_363 = arith.constant 0 : i32
      %dma_wait3A_364 = tpu.memref_slice %arg7[%add3A_263, %dma_wait3A_363] : memref<8x128xi32, #tpu.memory_space<vmem>> -> memref<1x128xi32, #tpu.memory_space<vmem>>
      %dma_wait3A_365 = tpu.memref_squeeze %dma_wait3A_364 : memref<1x128xi32, #tpu.memory_space<vmem>> -> memref<128xi32, #tpu.memory_space<vmem>>
      %dma_wait3A_366 = arith.constant 0 : i32
      %dma_wait3A_367 = arith.constant 0 : i32
      %dma_wait3A_368 = tpu.memref_slice %arg9[%dma_wait3A_366, %dma_wait3A_367] : memref<10112x16xf32, #tpu.memory_space<vmem_shared>> -> memref<10112x16xf32, #tpu.memory_space<vmem_shared>>
      tpu.wait_indirect_dma semaphore(%arg10 : memref<!tpu.dma_semaphore, #tpu.memory_space<semaphore_mem>>) src(%dma_wait3A_362 : memref<128x16xf32, #tpu.memory_space<vmem>>) dst(%dma_wait3A_368 : memref<10112x16xf32, #tpu.memory_space<vmem_shared>>)
      %dma_wait3A_369 = arith.constant 256 : i32
      %dma_wait3A_370 = arith.constant 0 : i32
      %dma_wait3A_371 = tpu.memref_slice %arg8[%dma_wait3A_369, %dma_wait3A_370] : memref<1024x16xf32, #tpu.memory_space<vmem>> -> memref<128x16xf32, #tpu.memory_space<vmem>>
      %dma_wait3A_372 = arith.constant 0 : i32
      %dma_wait3A_373 = tpu.memref_slice %arg7[%add3A_276, %dma_wait3A_372] : memref<8x128xi32, #tpu.memory_space<vmem>> -> memref<1x128xi32, #tpu.memory_space<vmem>>
      %dma_wait3A_374 = tpu.memref_squeeze %dma_wait3A_373 : memref<1x128xi32, #tpu.memory_space<vmem>> -> memref<128xi32, #tpu.memory_space<vmem>>
      %dma_wait3A_375 = arith.constant 0 : i32
      %dma_wait3A_376 = arith.constant 0 : i32
      %dma_wait3A_377 = tpu.memref_slice %arg9[%dma_wait3A_375, %dma_wait3A_376] : memref<10112x16xf32, #tpu.memory_space<vmem_shared>> -> memref<10112x16xf32, #tpu.memory_space<vmem_shared>>
      tpu.wait_indirect_dma semaphore(%arg10 : memref<!tpu.dma_semaphore, #tpu.memory_space<semaphore_mem>>) src(%dma_wait3A_371 : memref<128x16xf32, #tpu.memory_space<vmem>>) dst(%dma_wait3A_377 : memref<10112x16xf32, #tpu.memory_space<vmem_shared>>)
      %dma_wait3A_378 = arith.constant 384 : i32
      %dma_wait3A_379 = arith.constant 0 : i32
      %dma_wait3A_380 = tpu.memref_slice %arg8[%dma_wait3A_378, %dma_wait3A_379] : memref<1024x16xf32, #tpu.memory_space<vmem>> -> memref<128x16xf32, #tpu.memory_space<vmem>>
      %dma_wait3A_381 = arith.constant 0 : i32
      %dma_wait3A_382 = tpu.memref_slice %arg7[%add3A_289, %dma_wait3A_381] : memref<8x128xi32, #tpu.memory_space<vmem>> -> memref<1x128xi32, #tpu.memory_space<vmem>>
      %dma_wait3A_383 = tpu.memref_squeeze %dma_wait3A_382 : memref<1x128xi32, #tpu.memory_space<vmem>> -> memref<128xi32, #tpu.memory_space<vmem>>
      %dma_wait3A_384 = arith.constant 0 : i32
      %dma_wait3A_385 = arith.constant 0 : i32
      %dma_wait3A_386 = tpu.memref_slice %arg9[%dma_wait3A_384, %dma_wait3A_385] : memref<10112x16xf32, #tpu.memory_space<vmem_shared>> -> memref<10112x16xf32, #tpu.memory_space<vmem_shared>>
      tpu.wait_indirect_dma semaphore(%arg10 : memref<!tpu.dma_semaphore, #tpu.memory_space<semaphore_mem>>) src(%dma_wait3A_380 : memref<128x16xf32, #tpu.memory_space<vmem>>) dst(%dma_wait3A_386 : memref<10112x16xf32, #tpu.memory_space<vmem_shared>>)
      %dma_wait3A_387 = arith.constant 512 : i32
      %dma_wait3A_388 = arith.constant 0 : i32
      %dma_wait3A_389 = tpu.memref_slice %arg8[%dma_wait3A_387, %dma_wait3A_388] : memref<1024x16xf32, #tpu.memory_space<vmem>> -> memref<128x16xf32, #tpu.memory_space<vmem>>
      %dma_wait3A_390 = arith.constant 0 : i32
      %dma_wait3A_391 = tpu.memref_slice %arg7[%add3A_302, %dma_wait3A_390] : memref<8x128xi32, #tpu.memory_space<vmem>> -> memref<1x128xi32, #tpu.memory_space<vmem>>
      %dma_wait3A_392 = tpu.memref_squeeze %dma_wait3A_391 : memref<1x128xi32, #tpu.memory_space<vmem>> -> memref<128xi32, #tpu.memory_space<vmem>>
      %dma_wait3A_393 = arith.constant 0 : i32
      %dma_wait3A_394 = arith.constant 0 : i32
      %dma_wait3A_395 = tpu.memref_slice %arg9[%dma_wait3A_393, %dma_wait3A_394] : memref<10112x16xf32, #tpu.memory_space<vmem_shared>> -> memref<10112x16xf32, #tpu.memory_space<vmem_shared>>
      tpu.wait_indirect_dma semaphore(%arg10 : memref<!tpu.dma_semaphore, #tpu.memory_space<semaphore_mem>>) src(%dma_wait3A_389 : memref<128x16xf32, #tpu.memory_space<vmem>>) dst(%dma_wait3A_395 : memref<10112x16xf32, #tpu.memory_space<vmem_shared>>)
      %dma_wait3A_396 = arith.constant 640 : i32
      %dma_wait3A_397 = arith.constant 0 : i32
      %dma_wait3A_398 = tpu.memref_slice %arg8[%dma_wait3A_396, %dma_wait3A_397] : memref<1024x16xf32, #tpu.memory_space<vmem>> -> memref<128x16xf32, #tpu.memory_space<vmem>>
      %dma_wait3A_399 = arith.constant 0 : i32
      %dma_wait3A_400 = tpu.memref_slice %arg7[%add3A_315, %dma_wait3A_399] : memref<8x128xi32, #tpu.memory_space<vmem>> -> memref<1x128xi32, #tpu.memory_space<vmem>>
      %dma_wait3A_401 = tpu.memref_squeeze %dma_wait3A_400 : memref<1x128xi32, #tpu.memory_space<vmem>> -> memref<128xi32, #tpu.memory_space<vmem>>
      %dma_wait3A_402 = arith.constant 0 : i32
      %dma_wait3A_403 = arith.constant 0 : i32
      %dma_wait3A_404 = tpu.memref_slice %arg9[%dma_wait3A_402, %dma_wait3A_403] : memref<10112x16xf32, #tpu.memory_space<vmem_shared>> -> memref<10112x16xf32, #tpu.memory_space<vmem_shared>>
      tpu.wait_indirect_dma semaphore(%arg10 : memref<!tpu.dma_semaphore, #tpu.memory_space<semaphore_mem>>) src(%dma_wait3A_398 : memref<128x16xf32, #tpu.memory_space<vmem>>) dst(%dma_wait3A_404 : memref<10112x16xf32, #tpu.memory_space<vmem_shared>>)
      %dma_wait3A_405 = arith.constant 768 : i32
      %dma_wait3A_406 = arith.constant 0 : i32
      %dma_wait3A_407 = tpu.memref_slice %arg8[%dma_wait3A_405, %dma_wait3A_406] : memref<1024x16xf32, #tpu.memory_space<vmem>> -> memref<128x16xf32, #tpu.memory_space<vmem>>
      %dma_wait3A_408 = arith.constant 0 : i32
      %dma_wait3A_409 = tpu.memref_slice %arg7[%add3A_328, %dma_wait3A_408] : memref<8x128xi32, #tpu.memory_space<vmem>> -> memref<1x128xi32, #tpu.memory_space<vmem>>
      %dma_wait3A_410 = tpu.memref_squeeze %dma_wait3A_409 : memref<1x128xi32, #tpu.memory_space<vmem>> -> memref<128xi32, #tpu.memory_space<vmem>>
      %dma_wait3A_411 = arith.constant 0 : i32
      %dma_wait3A_412 = arith.constant 0 : i32
      %dma_wait3A_413 = tpu.memref_slice %arg9[%dma_wait3A_411, %dma_wait3A_412] : memref<10112x16xf32, #tpu.memory_space<vmem_shared>> -> memref<10112x16xf32, #tpu.memory_space<vmem_shared>>
      tpu.wait_indirect_dma semaphore(%arg10 : memref<!tpu.dma_semaphore, #tpu.memory_space<semaphore_mem>>) src(%dma_wait3A_407 : memref<128x16xf32, #tpu.memory_space<vmem>>) dst(%dma_wait3A_413 : memref<10112x16xf32, #tpu.memory_space<vmem_shared>>)
      %dma_wait3A_414 = arith.constant 896 : i32
      %dma_wait3A_415 = arith.constant 0 : i32
      %dma_wait3A_416 = tpu.memref_slice %arg8[%dma_wait3A_414, %dma_wait3A_415] : memref<1024x16xf32, #tpu.memory_space<vmem>> -> memref<128x16xf32, #tpu.memory_space<vmem>>
      %dma_wait3A_417 = arith.constant 0 : i32
      %dma_wait3A_418 = tpu.memref_slice %arg7[%add3A_341, %dma_wait3A_417] : memref<8x128xi32, #tpu.memory_space<vmem>> -> memref<1x128xi32, #tpu.memory_space<vmem>>
      %dma_wait3A_419 = tpu.memref_squeeze %dma_wait3A_418 : memref<1x128xi32, #tpu.memory_space<vmem>> -> memref<128xi32, #tpu.memory_space<vmem>>
      %dma_wait3A_420 = arith.constant 0 : i32
      %dma_wait3A_421 = arith.constant 0 : i32
      %dma_wait3A_422 = tpu.memref_slice %arg9[%dma_wait3A_420, %dma_wait3A_421] : memref<10112x16xf32, #tpu.memory_space<vmem_shared>> -> memref<10112x16xf32, #tpu.memory_space<vmem_shared>>
      tpu.wait_indirect_dma semaphore(%arg10 : memref<!tpu.dma_semaphore, #tpu.memory_space<semaphore_mem>>) src(%dma_wait3A_416 : memref<128x16xf32, #tpu.memory_space<vmem>>) dst(%dma_wait3A_422 : memref<10112x16xf32, #tpu.memory_space<vmem_shared>>)
      %scan3A_423 = arith.constant 1 : i32
    }
    %while3A_41 = arith.constant 1 : i32
    scf.for %while3A_63 = %while3A_39 to %while3A_35 step %while3A_41  : i32 {
      %mul3A_64 = arith.muli %while3A_63, %while3A : i32
      %add3A_65 = arith.addi %while3A_32, %mul3A_64 : i32
      %add3A_66 = arith.addi %select_n3A_25, %add3A_65 : i32
      "tpu.region"() ({
        %run_scoped3A = tpu.sem_alloc : memref<!tpu.dma_semaphore, #tpu.memory_space<semaphore_mem>>
        %dma_start3A_424 = arith.constant 0 : i32
        %dma_start3A_425 = arith.constant 0 : i32
        %dma_start3A_426 = tpu.memref_slice %arg3[%add3A_66, %dma_start3A_424, %dma_start3A_425] : memref<320x8x128xi32, #tpu.memory_space<hbm>> -> memref<1x8x128xi32, #tpu.memory_space<hbm>>
        %dma_start3A_427 = tpu.memref_squeeze %dma_start3A_426 : memref<1x8x128xi32, #tpu.memory_space<hbm>> -> memref<8x128xi32, #tpu.memory_space<hbm>>
        %dma_start3A_428 = arith.constant 0 : i32
        %dma_start3A_429 = arith.constant 0 : i32
        %dma_start3A_430 = tpu.memref_slice %arg3[%add3A_66, %dma_start3A_428, %dma_start3A_429] : memref<320x8x128xi32, #tpu.memory_space<hbm>> -> memref<1x8x128xi32, #tpu.memory_space<hbm>>
        %dma_start3A_431 = tpu.memref_squeeze %dma_start3A_430 : memref<1x8x128xi32, #tpu.memory_space<hbm>> -> memref<8x128xi32, #tpu.memory_space<hbm>>
        tpu.enqueue_dma source(%dma_start3A_431 : memref<8x128xi32, #tpu.memory_space<hbm>>) target(%arg6 : memref<8x128xi32, #tpu.memory_space<vmem>>) target_semaphore(%run_scoped3A : memref<!tpu.dma_semaphore, #tpu.memory_space<semaphore_mem>>)
        %dma_wait3A_432 = arith.constant 0 : i32
        %dma_wait3A_433 = arith.constant 0 : i32
        %dma_wait3A_434 = tpu.memref_slice %arg3[%add3A_66, %dma_wait3A_432, %dma_wait3A_433] : memref<320x8x128xi32, #tpu.memory_space<hbm>> -> memref<1x8x128xi32, #tpu.memory_space<hbm>>
        %dma_wait3A_435 = tpu.memref_squeeze %dma_wait3A_434 : memref<1x8x128xi32, #tpu.memory_space<hbm>> -> memref<8x128xi32, #tpu.memory_space<hbm>>
        %dma_wait3A_436 = arith.constant 0 : i32
        %dma_wait3A_437 = arith.constant 0 : i32
        %dma_wait3A_438 = tpu.memref_slice %arg3[%add3A_66, %dma_wait3A_436, %dma_wait3A_437] : memref<320x8x128xi32, #tpu.memory_space<hbm>> -> memref<1x8x128xi32, #tpu.memory_space<hbm>>
        %dma_wait3A_439 = tpu.memref_squeeze %dma_wait3A_438 : memref<1x8x128xi32, #tpu.memory_space<hbm>> -> memref<8x128xi32, #tpu.memory_space<hbm>>
        tpu.wait_dma2 semaphore(%run_scoped3A : memref<!tpu.dma_semaphore, #tpu.memory_space<semaphore_mem>>) src(%dma_wait3A_439 : memref<8x128xi32, #tpu.memory_space<hbm>>) dst(%arg6 : memref<8x128xi32, #tpu.memory_space<vmem>>)
        tpu.yield
      }) : () -> ()
      %add3A_67 = arith.addi %select_n3A_25, %add3A_65 : i32
      "tpu.region"() ({
        %run_scoped3A = tpu.sem_alloc : memref<!tpu.dma_semaphore, #tpu.memory_space<semaphore_mem>>
        %dma_start3A_424 = arith.constant 0 : i32
        %dma_start3A_425 = arith.constant 0 : i32
        %dma_start3A_426 = tpu.memref_slice %arg4[%add3A_67, %dma_start3A_424, %dma_start3A_425] : memref<320x8x128xi32, #tpu.memory_space<hbm>> -> memref<1x8x128xi32, #tpu.memory_space<hbm>>
        %dma_start3A_427 = tpu.memref_squeeze %dma_start3A_426 : memref<1x8x128xi32, #tpu.memory_space<hbm>> -> memref<8x128xi32, #tpu.memory_space<hbm>>
        %dma_start3A_428 = arith.constant 0 : i32
        %dma_start3A_429 = arith.constant 0 : i32
        %dma_start3A_430 = tpu.memref_slice %arg4[%add3A_67, %dma_start3A_428, %dma_start3A_429] : memref<320x8x128xi32, #tpu.memory_space<hbm>> -> memref<1x8x128xi32, #tpu.memory_space<hbm>>
        %dma_start3A_431 = tpu.memref_squeeze %dma_start3A_430 : memref<1x8x128xi32, #tpu.memory_space<hbm>> -> memref<8x128xi32, #tpu.memory_space<hbm>>
        tpu.enqueue_dma source(%dma_start3A_431 : memref<8x128xi32, #tpu.memory_space<hbm>>) target(%arg7 : memref<8x128xi32, #tpu.memory_space<vmem>>) target_semaphore(%run_scoped3A : memref<!tpu.dma_semaphore, #tpu.memory_space<semaphore_mem>>)
        %dma_wait3A_432 = arith.constant 0 : i32
        %dma_wait3A_433 = arith.constant 0 : i32
        %dma_wait3A_434 = tpu.memref_slice %arg4[%add3A_67, %dma_wait3A_432, %dma_wait3A_433] : memref<320x8x128xi32, #tpu.memory_space<hbm>> -> memref<1x8x128xi32, #tpu.memory_space<hbm>>
        %dma_wait3A_435 = tpu.memref_squeeze %dma_wait3A_434 : memref<1x8x128xi32, #tpu.memory_space<hbm>> -> memref<8x128xi32, #tpu.memory_space<hbm>>
        %dma_wait3A_436 = arith.constant 0 : i32
        %dma_wait3A_437 = arith.constant 0 : i32
        %dma_wait3A_438 = tpu.memref_slice %arg4[%add3A_67, %dma_wait3A_436, %dma_wait3A_437] : memref<320x8x128xi32, #tpu.memory_space<hbm>> -> memref<1x8x128xi32, #tpu.memory_space<hbm>>
        %dma_wait3A_439 = tpu.memref_squeeze %dma_wait3A_438 : memref<1x8x128xi32, #tpu.memory_space<hbm>> -> memref<8x128xi32, #tpu.memory_space<hbm>>
        tpu.wait_dma2 semaphore(%run_scoped3A : memref<!tpu.dma_semaphore, #tpu.memory_space<semaphore_mem>>) src(%dma_wait3A_439 : memref<8x128xi32, #tpu.memory_space<hbm>>) dst(%arg7 : memref<8x128xi32, #tpu.memory_space<vmem>>)
        tpu.yield
      }) : () -> ()
      %scan3A_68 = arith.constant 0 : i32
      %mul3A_69 = arith.constant 1 : i32
      %mul3A_70 = arith.muli %scan3A_68, %mul3A_69 : i32
      %add3A_71 = arith.constant 0 : i32
      %add3A_72 = arith.addi %add3A_71, %mul3A_70 : i32
      %mul3A_73 = arith.constant 8 : i32
      %mul3A_74 = arith.muli %add3A_72, %mul3A_73 : i32
      %add3A_75 = arith.constant 0 : i32
      %add3A_76 = arith.addi %mul3A_74, %add3A_75 : i32
      %dma_start3A = arith.constant 0 : i32
      %dma_start3A_77 = arith.constant 0 : i32
      %dma_start3A_78 = tpu.memref_slice %arg8[%dma_start3A, %dma_start3A_77] : memref<1024x16xf32, #tpu.memory_space<vmem>> -> memref<128x16xf32, #tpu.memory_space<vmem>>
      %dma_start3A_79 = arith.constant 0 : i32
      %dma_start3A_80 = tpu.memref_slice %arg6[%add3A_76, %dma_start3A_79] : memref<8x128xi32, #tpu.memory_space<vmem>> -> memref<1x128xi32, #tpu.memory_space<vmem>>
      %dma_start3A_81 = tpu.memref_squeeze %dma_start3A_80 : memref<1x128xi32, #tpu.memory_space<vmem>> -> memref<128xi32, #tpu.memory_space<vmem>>
      %dma_start3A_82 = arith.constant 0 : i32
      %dma_start3A_83 = arith.constant 0 : i32
      %dma_start3A_84 = tpu.memref_slice %arg2[%dma_start3A_82, %dma_start3A_83] : memref<10000x16xf32, #tpu.memory_space<hbm>> -> memref<10000x16xf32, #tpu.memory_space<hbm>>
      tpu.enqueue_indirect_dma source(%dma_start3A_84 : memref<10000x16xf32, #tpu.memory_space<hbm>>) target(%dma_start3A_78 : memref<128x16xf32, #tpu.memory_space<vmem>>) offsets(%dma_start3A_81 : memref<128xi32, #tpu.memory_space<vmem>>) semaphore(%arg10 : memref<!tpu.dma_semaphore, #tpu.memory_space<semaphore_mem>>)
      %mul3A_85 = arith.constant 8 : i32
      %mul3A_86 = arith.muli %add3A_72, %mul3A_85 : i32
      %add3A_87 = arith.constant 1 : i32
      %add3A_88 = arith.addi %mul3A_86, %add3A_87 : i32
      %dma_start3A_89 = arith.constant 128 : i32
      %dma_start3A_90 = arith.constant 0 : i32
      %dma_start3A_91 = tpu.memref_slice %arg8[%dma_start3A_89, %dma_start3A_90] : memref<1024x16xf32, #tpu.memory_space<vmem>> -> memref<128x16xf32, #tpu.memory_space<vmem>>
      %dma_start3A_92 = arith.constant 0 : i32
      %dma_start3A_93 = tpu.memref_slice %arg6[%add3A_88, %dma_start3A_92] : memref<8x128xi32, #tpu.memory_space<vmem>> -> memref<1x128xi32, #tpu.memory_space<vmem>>
      %dma_start3A_94 = tpu.memref_squeeze %dma_start3A_93 : memref<1x128xi32, #tpu.memory_space<vmem>> -> memref<128xi32, #tpu.memory_space<vmem>>
      %dma_start3A_95 = arith.constant 0 : i32
      %dma_start3A_96 = arith.constant 0 : i32
      %dma_start3A_97 = tpu.memref_slice %arg2[%dma_start3A_95, %dma_start3A_96] : memref<10000x16xf32, #tpu.memory_space<hbm>> -> memref<10000x16xf32, #tpu.memory_space<hbm>>
      tpu.enqueue_indirect_dma source(%dma_start3A_97 : memref<10000x16xf32, #tpu.memory_space<hbm>>) target(%dma_start3A_91 : memref<128x16xf32, #tpu.memory_space<vmem>>) offsets(%dma_start3A_94 : memref<128xi32, #tpu.memory_space<vmem>>) semaphore(%arg10 : memref<!tpu.dma_semaphore, #tpu.memory_space<semaphore_mem>>)
      %mul3A_98 = arith.constant 8 : i32
      %mul3A_99 = arith.muli %add3A_72, %mul3A_98 : i32
      %add3A_100 = arith.constant 2 : i32
      %add3A_101 = arith.addi %mul3A_99, %add3A_100 : i32
      %dma_start3A_102 = arith.constant 256 : i32
      %dma_start3A_103 = arith.constant 0 : i32
      %dma_start3A_104 = tpu.memref_slice %arg8[%dma_start3A_102, %dma_start3A_103] : memref<1024x16xf32, #tpu.memory_space<vmem>> -> memref<128x16xf32, #tpu.memory_space<vmem>>
      %dma_start3A_105 = arith.constant 0 : i32
      %dma_start3A_106 = tpu.memref_slice %arg6[%add3A_101, %dma_start3A_105] : memref<8x128xi32, #tpu.memory_space<vmem>> -> memref<1x128xi32, #tpu.memory_space<vmem>>
      %dma_start3A_107 = tpu.memref_squeeze %dma_start3A_106 : memref<1x128xi32, #tpu.memory_space<vmem>> -> memref<128xi32, #tpu.memory_space<vmem>>
      %dma_start3A_108 = arith.constant 0 : i32
      %dma_start3A_109 = arith.constant 0 : i32
      %dma_start3A_110 = tpu.memref_slice %arg2[%dma_start3A_108, %dma_start3A_109] : memref<10000x16xf32, #tpu.memory_space<hbm>> -> memref<10000x16xf32, #tpu.memory_space<hbm>>
      tpu.enqueue_indirect_dma source(%dma_start3A_110 : memref<10000x16xf32, #tpu.memory_space<hbm>>) target(%dma_start3A_104 : memref<128x16xf32, #tpu.memory_space<vmem>>) offsets(%dma_start3A_107 : memref<128xi32, #tpu.memory_space<vmem>>) semaphore(%arg10 : memref<!tpu.dma_semaphore, #tpu.memory_space<semaphore_mem>>)
      %mul3A_111 = arith.constant 8 : i32
      %mul3A_112 = arith.muli %add3A_72, %mul3A_111 : i32
      %add3A_113 = arith.constant 3 : i32
      %add3A_114 = arith.addi %mul3A_112, %add3A_113 : i32
      %dma_start3A_115 = arith.constant 384 : i32
      %dma_start3A_116 = arith.constant 0 : i32
      %dma_start3A_117 = tpu.memref_slice %arg8[%dma_start3A_115, %dma_start3A_116] : memref<1024x16xf32, #tpu.memory_space<vmem>> -> memref<128x16xf32, #tpu.memory_space<vmem>>
      %dma_start3A_118 = arith.constant 0 : i32
      %dma_start3A_119 = tpu.memref_slice %arg6[%add3A_114, %dma_start3A_118] : memref<8x128xi32, #tpu.memory_space<vmem>> -> memref<1x128xi32, #tpu.memory_space<vmem>>
      %dma_start3A_120 = tpu.memref_squeeze %dma_start3A_119 : memref<1x128xi32, #tpu.memory_space<vmem>> -> memref<128xi32, #tpu.memory_space<vmem>>
      %dma_start3A_121 = arith.constant 0 : i32
      %dma_start3A_122 = arith.constant 0 : i32
      %dma_start3A_123 = tpu.memref_slice %arg2[%dma_start3A_121, %dma_start3A_122] : memref<10000x16xf32, #tpu.memory_space<hbm>> -> memref<10000x16xf32, #tpu.memory_space<hbm>>
      tpu.enqueue_indirect_dma source(%dma_start3A_123 : memref<10000x16xf32, #tpu.memory_space<hbm>>) target(%dma_start3A_117 : memref<128x16xf32, #tpu.memory_space<vmem>>) offsets(%dma_start3A_120 : memref<128xi32, #tpu.memory_space<vmem>>) semaphore(%arg10 : memref<!tpu.dma_semaphore, #tpu.memory_space<semaphore_mem>>)
      %mul3A_124 = arith.constant 8 : i32
      %mul3A_125 = arith.muli %add3A_72, %mul3A_124 : i32
      %add3A_126 = arith.constant 4 : i32
      %add3A_127 = arith.addi %mul3A_125, %add3A_126 : i32
      %dma_start3A_128 = arith.constant 512 : i32
      %dma_start3A_129 = arith.constant 0 : i32
      %dma_start3A_130 = tpu.memref_slice %arg8[%dma_start3A_128, %dma_start3A_129] : memref<1024x16xf32, #tpu.memory_space<vmem>> -> memref<128x16xf32, #tpu.memory_space<vmem>>
      %dma_start3A_131 = arith.constant 0 : i32
      %dma_start3A_132 = tpu.memref_slice %arg6[%add3A_127, %dma_start3A_131] : memref<8x128xi32, #tpu.memory_space<vmem>> -> memref<1x128xi32, #tpu.memory_space<vmem>>
      %dma_start3A_133 = tpu.memref_squeeze %dma_start3A_132 : memref<1x128xi32, #tpu.memory_space<vmem>> -> memref<128xi32, #tpu.memory_space<vmem>>
      %dma_start3A_134 = arith.constant 0 : i32
      %dma_start3A_135 = arith.constant 0 : i32
      %dma_start3A_136 = tpu.memref_slice %arg2[%dma_start3A_134, %dma_start3A_135] : memref<10000x16xf32, #tpu.memory_space<hbm>> -> memref<10000x16xf32, #tpu.memory_space<hbm>>
      tpu.enqueue_indirect_dma source(%dma_start3A_136 : memref<10000x16xf32, #tpu.memory_space<hbm>>) target(%dma_start3A_130 : memref<128x16xf32, #tpu.memory_space<vmem>>) offsets(%dma_start3A_133 : memref<128xi32, #tpu.memory_space<vmem>>) semaphore(%arg10 : memref<!tpu.dma_semaphore, #tpu.memory_space<semaphore_mem>>)
      %mul3A_137 = arith.constant 8 : i32
      %mul3A_138 = arith.muli %add3A_72, %mul3A_137 : i32
      %add3A_139 = arith.constant 5 : i32
      %add3A_140 = arith.addi %mul3A_138, %add3A_139 : i32
      %dma_start3A_141 = arith.constant 640 : i32
      %dma_start3A_142 = arith.constant 0 : i32
      %dma_start3A_143 = tpu.memref_slice %arg8[%dma_start3A_141, %dma_start3A_142] : memref<1024x16xf32, #tpu.memory_space<vmem>> -> memref<128x16xf32, #tpu.memory_space<vmem>>
      %dma_start3A_144 = arith.constant 0 : i32
      %dma_start3A_145 = tpu.memref_slice %arg6[%add3A_140, %dma_start3A_144] : memref<8x128xi32, #tpu.memory_space<vmem>> -> memref<1x128xi32, #tpu.memory_space<vmem>>
      %dma_start3A_146 = tpu.memref_squeeze %dma_start3A_145 : memref<1x128xi32, #tpu.memory_space<vmem>> -> memref<128xi32, #tpu.memory_space<vmem>>
      %dma_start3A_147 = arith.constant 0 : i32
      %dma_start3A_148 = arith.constant 0 : i32
      %dma_start3A_149 = tpu.memref_slice %arg2[%dma_start3A_147, %dma_start3A_148] : memref<10000x16xf32, #tpu.memory_space<hbm>> -> memref<10000x16xf32, #tpu.memory_space<hbm>>
      tpu.enqueue_indirect_dma source(%dma_start3A_149 : memref<10000x16xf32, #tpu.memory_space<hbm>>) target(%dma_start3A_143 : memref<128x16xf32, #tpu.memory_space<vmem>>) offsets(%dma_start3A_146 : memref<128xi32, #tpu.memory_space<vmem>>) semaphore(%arg10 : memref<!tpu.dma_semaphore, #tpu.memory_space<semaphore_mem>>)
      %mul3A_150 = arith.constant 8 : i32
      %mul3A_151 = arith.muli %add3A_72, %mul3A_150 : i32
      %add3A_152 = arith.constant 6 : i32
      %add3A_153 = arith.addi %mul3A_151, %add3A_152 : i32
      %dma_start3A_154 = arith.constant 768 : i32
      %dma_start3A_155 = arith.constant 0 : i32
      %dma_start3A_156 = tpu.memref_slice %arg8[%dma_start3A_154, %dma_start3A_155] : memref<1024x16xf32, #tpu.memory_space<vmem>> -> memref<128x16xf32, #tpu.memory_space<vmem>>
      %dma_start3A_157 = arith.constant 0 : i32
      %dma_start3A_158 = tpu.memref_slice %arg6[%add3A_153, %dma_start3A_157] : memref<8x128xi32, #tpu.memory_space<vmem>> -> memref<1x128xi32, #tpu.memory_space<vmem>>
      %dma_start3A_159 = tpu.memref_squeeze %dma_start3A_158 : memref<1x128xi32, #tpu.memory_space<vmem>> -> memref<128xi32, #tpu.memory_space<vmem>>
      %dma_start3A_160 = arith.constant 0 : i32
      %dma_start3A_161 = arith.constant 0 : i32
      %dma_start3A_162 = tpu.memref_slice %arg2[%dma_start3A_160, %dma_start3A_161] : memref<10000x16xf32, #tpu.memory_space<hbm>> -> memref<10000x16xf32, #tpu.memory_space<hbm>>
      tpu.enqueue_indirect_dma source(%dma_start3A_162 : memref<10000x16xf32, #tpu.memory_space<hbm>>) target(%dma_start3A_156 : memref<128x16xf32, #tpu.memory_space<vmem>>) offsets(%dma_start3A_159 : memref<128xi32, #tpu.memory_space<vmem>>) semaphore(%arg10 : memref<!tpu.dma_semaphore, #tpu.memory_space<semaphore_mem>>)
      %mul3A_163 = arith.constant 8 : i32
      %mul3A_164 = arith.muli %add3A_72, %mul3A_163 : i32
      %add3A_165 = arith.constant 7 : i32
      %add3A_166 = arith.addi %mul3A_164, %add3A_165 : i32
      %dma_start3A_167 = arith.constant 896 : i32
      %dma_start3A_168 = arith.constant 0 : i32
      %dma_start3A_169 = tpu.memref_slice %arg8[%dma_start3A_167, %dma_start3A_168] : memref<1024x16xf32, #tpu.memory_space<vmem>> -> memref<128x16xf32, #tpu.memory_space<vmem>>
      %dma_start3A_170 = arith.constant 0 : i32
      %dma_start3A_171 = tpu.memref_slice %arg6[%add3A_166, %dma_start3A_170] : memref<8x128xi32, #tpu.memory_space<vmem>> -> memref<1x128xi32, #tpu.memory_space<vmem>>
      %dma_start3A_172 = tpu.memref_squeeze %dma_start3A_171 : memref<1x128xi32, #tpu.memory_space<vmem>> -> memref<128xi32, #tpu.memory_space<vmem>>
      %dma_start3A_173 = arith.constant 0 : i32
      %dma_start3A_174 = arith.constant 0 : i32
      %dma_start3A_175 = tpu.memref_slice %arg2[%dma_start3A_173, %dma_start3A_174] : memref<10000x16xf32, #tpu.memory_space<hbm>> -> memref<10000x16xf32, #tpu.memory_space<hbm>>
      tpu.enqueue_indirect_dma source(%dma_start3A_175 : memref<10000x16xf32, #tpu.memory_space<hbm>>) target(%dma_start3A_169 : memref<128x16xf32, #tpu.memory_space<vmem>>) offsets(%dma_start3A_172 : memref<128xi32, #tpu.memory_space<vmem>>) semaphore(%arg10 : memref<!tpu.dma_semaphore, #tpu.memory_space<semaphore_mem>>)
      %dma_wait3A = arith.constant 0 : i32
      %dma_wait3A_176 = arith.constant 0 : i32
      %dma_wait3A_177 = tpu.memref_slice %arg8[%dma_wait3A, %dma_wait3A_176] : memref<1024x16xf32, #tpu.memory_space<vmem>> -> memref<128x16xf32, #tpu.memory_space<vmem>>
      %dma_wait3A_178 = arith.constant 0 : i32
      %dma_wait3A_179 = tpu.memref_slice %arg6[%add3A_76, %dma_wait3A_178] : memref<8x128xi32, #tpu.memory_space<vmem>> -> memref<1x128xi32, #tpu.memory_space<vmem>>
      %dma_wait3A_180 = tpu.memref_squeeze %dma_wait3A_179 : memref<1x128xi32, #tpu.memory_space<vmem>> -> memref<128xi32, #tpu.memory_space<vmem>>
      %dma_wait3A_181 = arith.constant 0 : i32
      %dma_wait3A_182 = arith.constant 0 : i32
      %dma_wait3A_183 = tpu.memref_slice %arg2[%dma_wait3A_181, %dma_wait3A_182] : memref<10000x16xf32, #tpu.memory_space<hbm>> -> memref<10000x16xf32, #tpu.memory_space<hbm>>
      tpu.wait_indirect_dma semaphore(%arg10 : memref<!tpu.dma_semaphore, #tpu.memory_space<semaphore_mem>>) src(%dma_wait3A_183 : memref<10000x16xf32, #tpu.memory_space<hbm>>) dst(%dma_wait3A_177 : memref<128x16xf32, #tpu.memory_space<vmem>>)
      %dma_wait3A_184 = arith.constant 128 : i32
      %dma_wait3A_185 = arith.constant 0 : i32
      %dma_wait3A_186 = tpu.memref_slice %arg8[%dma_wait3A_184, %dma_wait3A_185] : memref<1024x16xf32, #tpu.memory_space<vmem>> -> memref<128x16xf32, #tpu.memory_space<vmem>>
      %dma_wait3A_187 = arith.constant 0 : i32
      %dma_wait3A_188 = tpu.memref_slice %arg6[%add3A_88, %dma_wait3A_187] : memref<8x128xi32, #tpu.memory_space<vmem>> -> memref<1x128xi32, #tpu.memory_space<vmem>>
      %dma_wait3A_189 = tpu.memref_squeeze %dma_wait3A_188 : memref<1x128xi32, #tpu.memory_space<vmem>> -> memref<128xi32, #tpu.memory_space<vmem>>
      %dma_wait3A_190 = arith.constant 0 : i32
      %dma_wait3A_191 = arith.constant 0 : i32
      %dma_wait3A_192 = tpu.memref_slice %arg2[%dma_wait3A_190, %dma_wait3A_191] : memref<10000x16xf32, #tpu.memory_space<hbm>> -> memref<10000x16xf32, #tpu.memory_space<hbm>>
      tpu.wait_indirect_dma semaphore(%arg10 : memref<!tpu.dma_semaphore, #tpu.memory_space<semaphore_mem>>) src(%dma_wait3A_192 : memref<10000x16xf32, #tpu.memory_space<hbm>>) dst(%dma_wait3A_186 : memref<128x16xf32, #tpu.memory_space<vmem>>)
      %dma_wait3A_193 = arith.constant 256 : i32
      %dma_wait3A_194 = arith.constant 0 : i32
      %dma_wait3A_195 = tpu.memref_slice %arg8[%dma_wait3A_193, %dma_wait3A_194] : memref<1024x16xf32, #tpu.memory_space<vmem>> -> memref<128x16xf32, #tpu.memory_space<vmem>>
      %dma_wait3A_196 = arith.constant 0 : i32
      %dma_wait3A_197 = tpu.memref_slice %arg6[%add3A_101, %dma_wait3A_196] : memref<8x128xi32, #tpu.memory_space<vmem>> -> memref<1x128xi32, #tpu.memory_space<vmem>>
      %dma_wait3A_198 = tpu.memref_squeeze %dma_wait3A_197 : memref<1x128xi32, #tpu.memory_space<vmem>> -> memref<128xi32, #tpu.memory_space<vmem>>
      %dma_wait3A_199 = arith.constant 0 : i32
      %dma_wait3A_200 = arith.constant 0 : i32
      %dma_wait3A_201 = tpu.memref_slice %arg2[%dma_wait3A_199, %dma_wait3A_200] : memref<10000x16xf32, #tpu.memory_space<hbm>> -> memref<10000x16xf32, #tpu.memory_space<hbm>>
      tpu.wait_indirect_dma semaphore(%arg10 : memref<!tpu.dma_semaphore, #tpu.memory_space<semaphore_mem>>) src(%dma_wait3A_201 : memref<10000x16xf32, #tpu.memory_space<hbm>>) dst(%dma_wait3A_195 : memref<128x16xf32, #tpu.memory_space<vmem>>)
      %dma_wait3A_202 = arith.constant 384 : i32
      %dma_wait3A_203 = arith.constant 0 : i32
      %dma_wait3A_204 = tpu.memref_slice %arg8[%dma_wait3A_202, %dma_wait3A_203] : memref<1024x16xf32, #tpu.memory_space<vmem>> -> memref<128x16xf32, #tpu.memory_space<vmem>>
      %dma_wait3A_205 = arith.constant 0 : i32
      %dma_wait3A_206 = tpu.memref_slice %arg6[%add3A_114, %dma_wait3A_205] : memref<8x128xi32, #tpu.memory_space<vmem>> -> memref<1x128xi32, #tpu.memory_space<vmem>>
      %dma_wait3A_207 = tpu.memref_squeeze %dma_wait3A_206 : memref<1x128xi32, #tpu.memory_space<vmem>> -> memref<128xi32, #tpu.memory_space<vmem>>
      %dma_wait3A_208 = arith.constant 0 : i32
      %dma_wait3A_209 = arith.constant 0 : i32
      %dma_wait3A_210 = tpu.memref_slice %arg2[%dma_wait3A_208, %dma_wait3A_209] : memref<10000x16xf32, #tpu.memory_space<hbm>> -> memref<10000x16xf32, #tpu.memory_space<hbm>>
      tpu.wait_indirect_dma semaphore(%arg10 : memref<!tpu.dma_semaphore, #tpu.memory_space<semaphore_mem>>) src(%dma_wait3A_210 : memref<10000x16xf32, #tpu.memory_space<hbm>>) dst(%dma_wait3A_204 : memref<128x16xf32, #tpu.memory_space<vmem>>)
      %dma_wait3A_211 = arith.constant 512 : i32
      %dma_wait3A_212 = arith.constant 0 : i32
      %dma_wait3A_213 = tpu.memref_slice %arg8[%dma_wait3A_211, %dma_wait3A_212] : memref<1024x16xf32, #tpu.memory_space<vmem>> -> memref<128x16xf32, #tpu.memory_space<vmem>>
      %dma_wait3A_214 = arith.constant 0 : i32
      %dma_wait3A_215 = tpu.memref_slice %arg6[%add3A_127, %dma_wait3A_214] : memref<8x128xi32, #tpu.memory_space<vmem>> -> memref<1x128xi32, #tpu.memory_space<vmem>>
      %dma_wait3A_216 = tpu.memref_squeeze %dma_wait3A_215 : memref<1x128xi32, #tpu.memory_space<vmem>> -> memref<128xi32, #tpu.memory_space<vmem>>
      %dma_wait3A_217 = arith.constant 0 : i32
      %dma_wait3A_218 = arith.constant 0 : i32
      %dma_wait3A_219 = tpu.memref_slice %arg2[%dma_wait3A_217, %dma_wait3A_218] : memref<10000x16xf32, #tpu.memory_space<hbm>> -> memref<10000x16xf32, #tpu.memory_space<hbm>>
      tpu.wait_indirect_dma semaphore(%arg10 : memref<!tpu.dma_semaphore, #tpu.memory_space<semaphore_mem>>) src(%dma_wait3A_219 : memref<10000x16xf32, #tpu.memory_space<hbm>>) dst(%dma_wait3A_213 : memref<128x16xf32, #tpu.memory_space<vmem>>)
      %dma_wait3A_220 = arith.constant 640 : i32
      %dma_wait3A_221 = arith.constant 0 : i32
      %dma_wait3A_222 = tpu.memref_slice %arg8[%dma_wait3A_220, %dma_wait3A_221] : memref<1024x16xf32, #tpu.memory_space<vmem>> -> memref<128x16xf32, #tpu.memory_space<vmem>>
      %dma_wait3A_223 = arith.constant 0 : i32
      %dma_wait3A_224 = tpu.memref_slice %arg6[%add3A_140, %dma_wait3A_223] : memref<8x128xi32, #tpu.memory_space<vmem>> -> memref<1x128xi32, #tpu.memory_space<vmem>>
      %dma_wait3A_225 = tpu.memref_squeeze %dma_wait3A_224 : memref<1x128xi32, #tpu.memory_space<vmem>> -> memref<128xi32, #tpu.memory_space<vmem>>
      %dma_wait3A_226 = arith.constant 0 : i32
      %dma_wait3A_227 = arith.constant 0 : i32
      %dma_wait3A_228 = tpu.memref_slice %arg2[%dma_wait3A_226, %dma_wait3A_227] : memref<10000x16xf32, #tpu.memory_space<hbm>> -> memref<10000x16xf32, #tpu.memory_space<hbm>>
      tpu.wait_indirect_dma semaphore(%arg10 : memref<!tpu.dma_semaphore, #tpu.memory_space<semaphore_mem>>) src(%dma_wait3A_228 : memref<10000x16xf32, #tpu.memory_space<hbm>>) dst(%dma_wait3A_222 : memref<128x16xf32, #tpu.memory_space<vmem>>)
      %dma_wait3A_229 = arith.constant 768 : i32
      %dma_wait3A_230 = arith.constant 0 : i32
      %dma_wait3A_231 = tpu.memref_slice %arg8[%dma_wait3A_229, %dma_wait3A_230] : memref<1024x16xf32, #tpu.memory_space<vmem>> -> memref<128x16xf32, #tpu.memory_space<vmem>>
      %dma_wait3A_232 = arith.constant 0 : i32
      %dma_wait3A_233 = tpu.memref_slice %arg6[%add3A_153, %dma_wait3A_232] : memref<8x128xi32, #tpu.memory_space<vmem>> -> memref<1x128xi32, #tpu.memory_space<vmem>>
      %dma_wait3A_234 = tpu.memref_squeeze %dma_wait3A_233 : memref<1x128xi32, #tpu.memory_space<vmem>> -> memref<128xi32, #tpu.memory_space<vmem>>
      %dma_wait3A_235 = arith.constant 0 : i32
      %dma_wait3A_236 = arith.constant 0 : i32
      %dma_wait3A_237 = tpu.memref_slice %arg2[%dma_wait3A_235, %dma_wait3A_236] : memref<10000x16xf32, #tpu.memory_space<hbm>> -> memref<10000x16xf32, #tpu.memory_space<hbm>>
      tpu.wait_indirect_dma semaphore(%arg10 : memref<!tpu.dma_semaphore, #tpu.memory_space<semaphore_mem>>) src(%dma_wait3A_237 : memref<10000x16xf32, #tpu.memory_space<hbm>>) dst(%dma_wait3A_231 : memref<128x16xf32, #tpu.memory_space<vmem>>)
      %dma_wait3A_238 = arith.constant 896 : i32
      %dma_wait3A_239 = arith.constant 0 : i32
      %dma_wait3A_240 = tpu.memref_slice %arg8[%dma_wait3A_238, %dma_wait3A_239] : memref<1024x16xf32, #tpu.memory_space<vmem>> -> memref<128x16xf32, #tpu.memory_space<vmem>>
      %dma_wait3A_241 = arith.constant 0 : i32
      %dma_wait3A_242 = tpu.memref_slice %arg6[%add3A_166, %dma_wait3A_241] : memref<8x128xi32, #tpu.memory_space<vmem>> -> memref<1x128xi32, #tpu.memory_space<vmem>>
      %dma_wait3A_243 = tpu.memref_squeeze %dma_wait3A_242 : memref<1x128xi32, #tpu.memory_space<vmem>> -> memref<128xi32, #tpu.memory_space<vmem>>
      %dma_wait3A_244 = arith.constant 0 : i32
      %dma_wait3A_245 = arith.constant 0 : i32
      %dma_wait3A_246 = tpu.memref_slice %arg2[%dma_wait3A_244, %dma_wait3A_245] : memref<10000x16xf32, #tpu.memory_space<hbm>> -> memref<10000x16xf32, #tpu.memory_space<hbm>>
      tpu.wait_indirect_dma semaphore(%arg10 : memref<!tpu.dma_semaphore, #tpu.memory_space<semaphore_mem>>) src(%dma_wait3A_246 : memref<10000x16xf32, #tpu.memory_space<hbm>>) dst(%dma_wait3A_240 : memref<128x16xf32, #tpu.memory_space<vmem>>)
      %mul3A_247 = arith.constant 8 : i32
      %mul3A_248 = arith.muli %add3A_72, %mul3A_247 : i32
      %add3A_249 = arith.constant 0 : i32
      %add3A_250 = arith.addi %mul3A_248, %add3A_249 : i32
      %dma_start3A_251 = arith.constant 0 : i32
      %dma_start3A_252 = arith.constant 0 : i32
      %dma_start3A_253 = tpu.memref_slice %arg8[%dma_start3A_251, %dma_start3A_252] : memref<1024x16xf32, #tpu.memory_space<vmem>> -> memref<128x16xf32, #tpu.memory_space<vmem>>
      %dma_start3A_254 = arith.constant 0 : i32
      %dma_start3A_255 = tpu.memref_slice %arg7[%add3A_250, %dma_start3A_254] : memref<8x128xi32, #tpu.memory_space<vmem>> -> memref<1x128xi32, #tpu.memory_space<vmem>>
      %dma_start3A_256 = tpu.memref_squeeze %dma_start3A_255 : memref<1x128xi32, #tpu.memory_space<vmem>> -> memref<128xi32, #tpu.memory_space<vmem>>
      %dma_start3A_257 = arith.constant 0 : i32
      %dma_start3A_258 = arith.constant 0 : i32
      %dma_start3A_259 = tpu.memref_slice %arg9[%dma_start3A_257, %dma_start3A_258] : memref<10112x16xf32, #tpu.memory_space<vmem_shared>> -> memref<10112x16xf32, #tpu.memory_space<vmem_shared>>
      tpu.enqueue_indirect_dma source(%dma_start3A_253 : memref<128x16xf32, #tpu.memory_space<vmem>>) target(%dma_start3A_259 : memref<10112x16xf32, #tpu.memory_space<vmem_shared>>) offsets(%dma_start3A_256 : memref<128xi32, #tpu.memory_space<vmem>>) semaphore(%arg10 : memref<!tpu.dma_semaphore, #tpu.memory_space<semaphore_mem>>) {add = true}
      %mul3A_260 = arith.constant 8 : i32
      %mul3A_261 = arith.muli %add3A_72, %mul3A_260 : i32
      %add3A_262 = arith.constant 1 : i32
      %add3A_263 = arith.addi %mul3A_261, %add3A_262 : i32
      %dma_start3A_264 = arith.constant 128 : i32
      %dma_start3A_265 = arith.constant 0 : i32
      %dma_start3A_266 = tpu.memref_slice %arg8[%dma_start3A_264, %dma_start3A_265] : memref<1024x16xf32, #tpu.memory_space<vmem>> -> memref<128x16xf32, #tpu.memory_space<vmem>>
      %dma_start3A_267 = arith.constant 0 : i32
      %dma_start3A_268 = tpu.memref_slice %arg7[%add3A_263, %dma_start3A_267] : memref<8x128xi32, #tpu.memory_space<vmem>> -> memref<1x128xi32, #tpu.memory_space<vmem>>
      %dma_start3A_269 = tpu.memref_squeeze %dma_start3A_268 : memref<1x128xi32, #tpu.memory_space<vmem>> -> memref<128xi32, #tpu.memory_space<vmem>>
      %dma_start3A_270 = arith.constant 0 : i32
      %dma_start3A_271 = arith.constant 0 : i32
      %dma_start3A_272 = tpu.memref_slice %arg9[%dma_start3A_270, %dma_start3A_271] : memref<10112x16xf32, #tpu.memory_space<vmem_shared>> -> memref<10112x16xf32, #tpu.memory_space<vmem_shared>>
      tpu.enqueue_indirect_dma source(%dma_start3A_266 : memref<128x16xf32, #tpu.memory_space<vmem>>) target(%dma_start3A_272 : memref<10112x16xf32, #tpu.memory_space<vmem_shared>>) offsets(%dma_start3A_269 : memref<128xi32, #tpu.memory_space<vmem>>) semaphore(%arg10 : memref<!tpu.dma_semaphore, #tpu.memory_space<semaphore_mem>>) {add = true}
      %mul3A_273 = arith.constant 8 : i32
      %mul3A_274 = arith.muli %add3A_72, %mul3A_273 : i32
      %add3A_275 = arith.constant 2 : i32
      %add3A_276 = arith.addi %mul3A_274, %add3A_275 : i32
      %dma_start3A_277 = arith.constant 256 : i32
      %dma_start3A_278 = arith.constant 0 : i32
      %dma_start3A_279 = tpu.memref_slice %arg8[%dma_start3A_277, %dma_start3A_278] : memref<1024x16xf32, #tpu.memory_space<vmem>> -> memref<128x16xf32, #tpu.memory_space<vmem>>
      %dma_start3A_280 = arith.constant 0 : i32
      %dma_start3A_281 = tpu.memref_slice %arg7[%add3A_276, %dma_start3A_280] : memref<8x128xi32, #tpu.memory_space<vmem>> -> memref<1x128xi32, #tpu.memory_space<vmem>>
      %dma_start3A_282 = tpu.memref_squeeze %dma_start3A_281 : memref<1x128xi32, #tpu.memory_space<vmem>> -> memref<128xi32, #tpu.memory_space<vmem>>
      %dma_start3A_283 = arith.constant 0 : i32
      %dma_start3A_284 = arith.constant 0 : i32
      %dma_start3A_285 = tpu.memref_slice %arg9[%dma_start3A_283, %dma_start3A_284] : memref<10112x16xf32, #tpu.memory_space<vmem_shared>> -> memref<10112x16xf32, #tpu.memory_space<vmem_shared>>
      tpu.enqueue_indirect_dma source(%dma_start3A_279 : memref<128x16xf32, #tpu.memory_space<vmem>>) target(%dma_start3A_285 : memref<10112x16xf32, #tpu.memory_space<vmem_shared>>) offsets(%dma_start3A_282 : memref<128xi32, #tpu.memory_space<vmem>>) semaphore(%arg10 : memref<!tpu.dma_semaphore, #tpu.memory_space<semaphore_mem>>) {add = true}
      %mul3A_286 = arith.constant 8 : i32
      %mul3A_287 = arith.muli %add3A_72, %mul3A_286 : i32
      %add3A_288 = arith.constant 3 : i32
      %add3A_289 = arith.addi %mul3A_287, %add3A_288 : i32
      %dma_start3A_290 = arith.constant 384 : i32
      %dma_start3A_291 = arith.constant 0 : i32
      %dma_start3A_292 = tpu.memref_slice %arg8[%dma_start3A_290, %dma_start3A_291] : memref<1024x16xf32, #tpu.memory_space<vmem>> -> memref<128x16xf32, #tpu.memory_space<vmem>>
      %dma_start3A_293 = arith.constant 0 : i32
      %dma_start3A_294 = tpu.memref_slice %arg7[%add3A_289, %dma_start3A_293] : memref<8x128xi32, #tpu.memory_space<vmem>> -> memref<1x128xi32, #tpu.memory_space<vmem>>
      %dma_start3A_295 = tpu.memref_squeeze %dma_start3A_294 : memref<1x128xi32, #tpu.memory_space<vmem>> -> memref<128xi32, #tpu.memory_space<vmem>>
      %dma_start3A_296 = arith.constant 0 : i32
      %dma_start3A_297 = arith.constant 0 : i32
      %dma_start3A_298 = tpu.memref_slice %arg9[%dma_start3A_296, %dma_start3A_297] : memref<10112x16xf32, #tpu.memory_space<vmem_shared>> -> memref<10112x16xf32, #tpu.memory_space<vmem_shared>>
      tpu.enqueue_indirect_dma source(%dma_start3A_292 : memref<128x16xf32, #tpu.memory_space<vmem>>) target(%dma_start3A_298 : memref<10112x16xf32, #tpu.memory_space<vmem_shared>>) offsets(%dma_start3A_295 : memref<128xi32, #tpu.memory_space<vmem>>) semaphore(%arg10 : memref<!tpu.dma_semaphore, #tpu.memory_space<semaphore_mem>>) {add = true}
      %mul3A_299 = arith.constant 8 : i32
      %mul3A_300 = arith.muli %add3A_72, %mul3A_299 : i32
      %add3A_301 = arith.constant 4 : i32
      %add3A_302 = arith.addi %mul3A_300, %add3A_301 : i32
      %dma_start3A_303 = arith.constant 512 : i32
      %dma_start3A_304 = arith.constant 0 : i32
      %dma_start3A_305 = tpu.memref_slice %arg8[%dma_start3A_303, %dma_start3A_304] : memref<1024x16xf32, #tpu.memory_space<vmem>> -> memref<128x16xf32, #tpu.memory_space<vmem>>
      %dma_start3A_306 = arith.constant 0 : i32
      %dma_start3A_307 = tpu.memref_slice %arg7[%add3A_302, %dma_start3A_306] : memref<8x128xi32, #tpu.memory_space<vmem>> -> memref<1x128xi32, #tpu.memory_space<vmem>>
      %dma_start3A_308 = tpu.memref_squeeze %dma_start3A_307 : memref<1x128xi32, #tpu.memory_space<vmem>> -> memref<128xi32, #tpu.memory_space<vmem>>
      %dma_start3A_309 = arith.constant 0 : i32
      %dma_start3A_310 = arith.constant 0 : i32
      %dma_start3A_311 = tpu.memref_slice %arg9[%dma_start3A_309, %dma_start3A_310] : memref<10112x16xf32, #tpu.memory_space<vmem_shared>> -> memref<10112x16xf32, #tpu.memory_space<vmem_shared>>
      tpu.enqueue_indirect_dma source(%dma_start3A_305 : memref<128x16xf32, #tpu.memory_space<vmem>>) target(%dma_start3A_311 : memref<10112x16xf32, #tpu.memory_space<vmem_shared>>) offsets(%dma_start3A_308 : memref<128xi32, #tpu.memory_space<vmem>>) semaphore(%arg10 : memref<!tpu.dma_semaphore, #tpu.memory_space<semaphore_mem>>) {add = true}
      %mul3A_312 = arith.constant 8 : i32
      %mul3A_313 = arith.muli %add3A_72, %mul3A_312 : i32
      %add3A_314 = arith.constant 5 : i32
      %add3A_315 = arith.addi %mul3A_313, %add3A_314 : i32
      %dma_start3A_316 = arith.constant 640 : i32
      %dma_start3A_317 = arith.constant 0 : i32
      %dma_start3A_318 = tpu.memref_slice %arg8[%dma_start3A_316, %dma_start3A_317] : memref<1024x16xf32, #tpu.memory_space<vmem>> -> memref<128x16xf32, #tpu.memory_space<vmem>>
      %dma_start3A_319 = arith.constant 0 : i32
      %dma_start3A_320 = tpu.memref_slice %arg7[%add3A_315, %dma_start3A_319] : memref<8x128xi32, #tpu.memory_space<vmem>> -> memref<1x128xi32, #tpu.memory_space<vmem>>
      %dma_start3A_321 = tpu.memref_squeeze %dma_start3A_320 : memref<1x128xi32, #tpu.memory_space<vmem>> -> memref<128xi32, #tpu.memory_space<vmem>>
      %dma_start3A_322 = arith.constant 0 : i32
      %dma_start3A_323 = arith.constant 0 : i32
      %dma_start3A_324 = tpu.memref_slice %arg9[%dma_start3A_322, %dma_start3A_323] : memref<10112x16xf32, #tpu.memory_space<vmem_shared>> -> memref<10112x16xf32, #tpu.memory_space<vmem_shared>>
      tpu.enqueue_indirect_dma source(%dma_start3A_318 : memref<128x16xf32, #tpu.memory_space<vmem>>) target(%dma_start3A_324 : memref<10112x16xf32, #tpu.memory_space<vmem_shared>>) offsets(%dma_start3A_321 : memref<128xi32, #tpu.memory_space<vmem>>) semaphore(%arg10 : memref<!tpu.dma_semaphore, #tpu.memory_space<semaphore_mem>>) {add = true}
      %mul3A_325 = arith.constant 8 : i32
      %mul3A_326 = arith.muli %add3A_72, %mul3A_325 : i32
      %add3A_327 = arith.constant 6 : i32
      %add3A_328 = arith.addi %mul3A_326, %add3A_327 : i32
      %dma_start3A_329 = arith.constant 768 : i32
      %dma_start3A_330 = arith.constant 0 : i32
      %dma_start3A_331 = tpu.memref_slice %arg8[%dma_start3A_329, %dma_start3A_330] : memref<1024x16xf32, #tpu.memory_space<vmem>> -> memref<128x16xf32, #tpu.memory_space<vmem>>
      %dma_start3A_332 = arith.constant 0 : i32
      %dma_start3A_333 = tpu.memref_slice %arg7[%add3A_328, %dma_start3A_332] : memref<8x128xi32, #tpu.memory_space<vmem>> -> memref<1x128xi32, #tpu.memory_space<vmem>>
      %dma_start3A_334 = tpu.memref_squeeze %dma_start3A_333 : memref<1x128xi32, #tpu.memory_space<vmem>> -> memref<128xi32, #tpu.memory_space<vmem>>
      %dma_start3A_335 = arith.constant 0 : i32
      %dma_start3A_336 = arith.constant 0 : i32
      %dma_start3A_337 = tpu.memref_slice %arg9[%dma_start3A_335, %dma_start3A_336] : memref<10112x16xf32, #tpu.memory_space<vmem_shared>> -> memref<10112x16xf32, #tpu.memory_space<vmem_shared>>
      tpu.enqueue_indirect_dma source(%dma_start3A_331 : memref<128x16xf32, #tpu.memory_space<vmem>>) target(%dma_start3A_337 : memref<10112x16xf32, #tpu.memory_space<vmem_shared>>) offsets(%dma_start3A_334 : memref<128xi32, #tpu.memory_space<vmem>>) semaphore(%arg10 : memref<!tpu.dma_semaphore, #tpu.memory_space<semaphore_mem>>) {add = true}
      %mul3A_338 = arith.constant 8 : i32
      %mul3A_339 = arith.muli %add3A_72, %mul3A_338 : i32
      %add3A_340 = arith.constant 7 : i32
      %add3A_341 = arith.addi %mul3A_339, %add3A_340 : i32
      %dma_start3A_342 = arith.constant 896 : i32
      %dma_start3A_343 = arith.constant 0 : i32
      %dma_start3A_344 = tpu.memref_slice %arg8[%dma_start3A_342, %dma_start3A_343] : memref<1024x16xf32, #tpu.memory_space<vmem>> -> memref<128x16xf32, #tpu.memory_space<vmem>>
      %dma_start3A_345 = arith.constant 0 : i32
      %dma_start3A_346 = tpu.memref_slice %arg7[%add3A_341, %dma_start3A_345] : memref<8x128xi32, #tpu.memory_space<vmem>> -> memref<1x128xi32, #tpu.memory_space<vmem>>
      %dma_start3A_347 = tpu.memref_squeeze %dma_start3A_346 : memref<1x128xi32, #tpu.memory_space<vmem>> -> memref<128xi32, #tpu.memory_space<vmem>>
      %dma_start3A_348 = arith.constant 0 : i32
      %dma_start3A_349 = arith.constant 0 : i32
      %dma_start3A_350 = tpu.memref_slice %arg9[%dma_start3A_348, %dma_start3A_349] : memref<10112x16xf32, #tpu.memory_space<vmem_shared>> -> memref<10112x16xf32, #tpu.memory_space<vmem_shared>>
      tpu.enqueue_indirect_dma source(%dma_start3A_344 : memref<128x16xf32, #tpu.memory_space<vmem>>) target(%dma_start3A_350 : memref<10112x16xf32, #tpu.memory_space<vmem_shared>>) offsets(%dma_start3A_347 : memref<128xi32, #tpu.memory_space<vmem>>) semaphore(%arg10 : memref<!tpu.dma_semaphore, #tpu.memory_space<semaphore_mem>>) {add = true}
      %dma_wait3A_351 = arith.constant 0 : i32
      %dma_wait3A_352 = arith.constant 0 : i32
      %dma_wait3A_353 = tpu.memref_slice %arg8[%dma_wait3A_351, %dma_wait3A_352] : memref<1024x16xf32, #tpu.memory_space<vmem>> -> memref<128x16xf32, #tpu.memory_space<vmem>>
      %dma_wait3A_354 = arith.constant 0 : i32
      %dma_wait3A_355 = tpu.memref_slice %arg7[%add3A_250, %dma_wait3A_354] : memref<8x128xi32, #tpu.memory_space<vmem>> -> memref<1x128xi32, #tpu.memory_space<vmem>>
      %dma_wait3A_356 = tpu.memref_squeeze %dma_wait3A_355 : memref<1x128xi32, #tpu.memory_space<vmem>> -> memref<128xi32, #tpu.memory_space<vmem>>
      %dma_wait3A_357 = arith.constant 0 : i32
      %dma_wait3A_358 = arith.constant 0 : i32
      %dma_wait3A_359 = tpu.memref_slice %arg9[%dma_wait3A_357, %dma_wait3A_358] : memref<10112x16xf32, #tpu.memory_space<vmem_shared>> -> memref<10112x16xf32, #tpu.memory_space<vmem_shared>>
      tpu.wait_indirect_dma semaphore(%arg10 : memref<!tpu.dma_semaphore, #tpu.memory_space<semaphore_mem>>) src(%dma_wait3A_353 : memref<128x16xf32, #tpu.memory_space<vmem>>) dst(%dma_wait3A_359 : memref<10112x16xf32, #tpu.memory_space<vmem_shared>>)
      %dma_wait3A_360 = arith.constant 128 : i32
      %dma_wait3A_361 = arith.constant 0 : i32
      %dma_wait3A_362 = tpu.memref_slice %arg8[%dma_wait3A_360, %dma_wait3A_361] : memref<1024x16xf32, #tpu.memory_space<vmem>> -> memref<128x16xf32, #tpu.memory_space<vmem>>
      %dma_wait3A_363 = arith.constant 0 : i32
      %dma_wait3A_364 = tpu.memref_slice %arg7[%add3A_263, %dma_wait3A_363] : memref<8x128xi32, #tpu.memory_space<vmem>> -> memref<1x128xi32, #tpu.memory_space<vmem>>
      %dma_wait3A_365 = tpu.memref_squeeze %dma_wait3A_364 : memref<1x128xi32, #tpu.memory_space<vmem>> -> memref<128xi32, #tpu.memory_space<vmem>>
      %dma_wait3A_366 = arith.constant 0 : i32
      %dma_wait3A_367 = arith.constant 0 : i32
      %dma_wait3A_368 = tpu.memref_slice %arg9[%dma_wait3A_366, %dma_wait3A_367] : memref<10112x16xf32, #tpu.memory_space<vmem_shared>> -> memref<10112x16xf32, #tpu.memory_space<vmem_shared>>
      tpu.wait_indirect_dma semaphore(%arg10 : memref<!tpu.dma_semaphore, #tpu.memory_space<semaphore_mem>>) src(%dma_wait3A_362 : memref<128x16xf32, #tpu.memory_space<vmem>>) dst(%dma_wait3A_368 : memref<10112x16xf32, #tpu.memory_space<vmem_shared>>)
      %dma_wait3A_369 = arith.constant 256 : i32
      %dma_wait3A_370 = arith.constant 0 : i32
      %dma_wait3A_371 = tpu.memref_slice %arg8[%dma_wait3A_369, %dma_wait3A_370] : memref<1024x16xf32, #tpu.memory_space<vmem>> -> memref<128x16xf32, #tpu.memory_space<vmem>>
      %dma_wait3A_372 = arith.constant 0 : i32
      %dma_wait3A_373 = tpu.memref_slice %arg7[%add3A_276, %dma_wait3A_372] : memref<8x128xi32, #tpu.memory_space<vmem>> -> memref<1x128xi32, #tpu.memory_space<vmem>>
      %dma_wait3A_374 = tpu.memref_squeeze %dma_wait3A_373 : memref<1x128xi32, #tpu.memory_space<vmem>> -> memref<128xi32, #tpu.memory_space<vmem>>
      %dma_wait3A_375 = arith.constant 0 : i32
      %dma_wait3A_376 = arith.constant 0 : i32
      %dma_wait3A_377 = tpu.memref_slice %arg9[%dma_wait3A_375, %dma_wait3A_376] : memref<10112x16xf32, #tpu.memory_space<vmem_shared>> -> memref<10112x16xf32, #tpu.memory_space<vmem_shared>>
      tpu.wait_indirect_dma semaphore(%arg10 : memref<!tpu.dma_semaphore, #tpu.memory_space<semaphore_mem>>) src(%dma_wait3A_371 : memref<128x16xf32, #tpu.memory_space<vmem>>) dst(%dma_wait3A_377 : memref<10112x16xf32, #tpu.memory_space<vmem_shared>>)
      %dma_wait3A_378 = arith.constant 384 : i32
      %dma_wait3A_379 = arith.constant 0 : i32
      %dma_wait3A_380 = tpu.memref_slice %arg8[%dma_wait3A_378, %dma_wait3A_379] : memref<1024x16xf32, #tpu.memory_space<vmem>> -> memref<128x16xf32, #tpu.memory_space<vmem>>
      %dma_wait3A_381 = arith.constant 0 : i32
      %dma_wait3A_382 = tpu.memref_slice %arg7[%add3A_289, %dma_wait3A_381] : memref<8x128xi32, #tpu.memory_space<vmem>> -> memref<1x128xi32, #tpu.memory_space<vmem>>
      %dma_wait3A_383 = tpu.memref_squeeze %dma_wait3A_382 : memref<1x128xi32, #tpu.memory_space<vmem>> -> memref<128xi32, #tpu.memory_space<vmem>>
      %dma_wait3A_384 = arith.constant 0 : i32
      %dma_wait3A_385 = arith.constant 0 : i32
      %dma_wait3A_386 = tpu.memref_slice %arg9[%dma_wait3A_384, %dma_wait3A_385] : memref<10112x16xf32, #tpu.memory_space<vmem_shared>> -> memref<10112x16xf32, #tpu.memory_space<vmem_shared>>
      tpu.wait_indirect_dma semaphore(%arg10 : memref<!tpu.dma_semaphore, #tpu.memory_space<semaphore_mem>>) src(%dma_wait3A_380 : memref<128x16xf32, #tpu.memory_space<vmem>>) dst(%dma_wait3A_386 : memref<10112x16xf32, #tpu.memory_space<vmem_shared>>)
      %dma_wait3A_387 = arith.constant 512 : i32
      %dma_wait3A_388 = arith.constant 0 : i32
      %dma_wait3A_389 = tpu.memref_slice %arg8[%dma_wait3A_387, %dma_wait3A_388] : memref<1024x16xf32, #tpu.memory_space<vmem>> -> memref<128x16xf32, #tpu.memory_space<vmem>>
      %dma_wait3A_390 = arith.constant 0 : i32
      %dma_wait3A_391 = tpu.memref_slice %arg7[%add3A_302, %dma_wait3A_390] : memref<8x128xi32, #tpu.memory_space<vmem>> -> memref<1x128xi32, #tpu.memory_space<vmem>>
      %dma_wait3A_392 = tpu.memref_squeeze %dma_wait3A_391 : memref<1x128xi32, #tpu.memory_space<vmem>> -> memref<128xi32, #tpu.memory_space<vmem>>
      %dma_wait3A_393 = arith.constant 0 : i32
      %dma_wait3A_394 = arith.constant 0 : i32
      %dma_wait3A_395 = tpu.memref_slice %arg9[%dma_wait3A_393, %dma_wait3A_394] : memref<10112x16xf32, #tpu.memory_space<vmem_shared>> -> memref<10112x16xf32, #tpu.memory_space<vmem_shared>>
      tpu.wait_indirect_dma semaphore(%arg10 : memref<!tpu.dma_semaphore, #tpu.memory_space<semaphore_mem>>) src(%dma_wait3A_389 : memref<128x16xf32, #tpu.memory_space<vmem>>) dst(%dma_wait3A_395 : memref<10112x16xf32, #tpu.memory_space<vmem_shared>>)
      %dma_wait3A_396 = arith.constant 640 : i32
      %dma_wait3A_397 = arith.constant 0 : i32
      %dma_wait3A_398 = tpu.memref_slice %arg8[%dma_wait3A_396, %dma_wait3A_397] : memref<1024x16xf32, #tpu.memory_space<vmem>> -> memref<128x16xf32, #tpu.memory_space<vmem>>
      %dma_wait3A_399 = arith.constant 0 : i32
      %dma_wait3A_400 = tpu.memref_slice %arg7[%add3A_315, %dma_wait3A_399] : memref<8x128xi32, #tpu.memory_space<vmem>> -> memref<1x128xi32, #tpu.memory_space<vmem>>
      %dma_wait3A_401 = tpu.memref_squeeze %dma_wait3A_400 : memref<1x128xi32, #tpu.memory_space<vmem>> -> memref<128xi32, #tpu.memory_space<vmem>>
      %dma_wait3A_402 = arith.constant 0 : i32
      %dma_wait3A_403 = arith.constant 0 : i32
      %dma_wait3A_404 = tpu.memref_slice %arg9[%dma_wait3A_402, %dma_wait3A_403] : memref<10112x16xf32, #tpu.memory_space<vmem_shared>> -> memref<10112x16xf32, #tpu.memory_space<vmem_shared>>
      tpu.wait_indirect_dma semaphore(%arg10 : memref<!tpu.dma_semaphore, #tpu.memory_space<semaphore_mem>>) src(%dma_wait3A_398 : memref<128x16xf32, #tpu.memory_space<vmem>>) dst(%dma_wait3A_404 : memref<10112x16xf32, #tpu.memory_space<vmem_shared>>)
      %dma_wait3A_405 = arith.constant 768 : i32
      %dma_wait3A_406 = arith.constant 0 : i32
      %dma_wait3A_407 = tpu.memref_slice %arg8[%dma_wait3A_405, %dma_wait3A_406] : memref<1024x16xf32, #tpu.memory_space<vmem>> -> memref<128x16xf32, #tpu.memory_space<vmem>>
      %dma_wait3A_408 = arith.constant 0 : i32
      %dma_wait3A_409 = tpu.memref_slice %arg7[%add3A_328, %dma_wait3A_408] : memref<8x128xi32, #tpu.memory_space<vmem>> -> memref<1x128xi32, #tpu.memory_space<vmem>>
      %dma_wait3A_410 = tpu.memref_squeeze %dma_wait3A_409 : memref<1x128xi32, #tpu.memory_space<vmem>> -> memref<128xi32, #tpu.memory_space<vmem>>
      %dma_wait3A_411 = arith.constant 0 : i32
      %dma_wait3A_412 = arith.constant 0 : i32
      %dma_wait3A_413 = tpu.memref_slice %arg9[%dma_wait3A_411, %dma_wait3A_412] : memref<10112x16xf32, #tpu.memory_space<vmem_shared>> -> memref<10112x16xf32, #tpu.memory_space<vmem_shared>>
      tpu.wait_indirect_dma semaphore(%arg10 : memref<!tpu.dma_semaphore, #tpu.memory_space<semaphore_mem>>) src(%dma_wait3A_407 : memref<128x16xf32, #tpu.memory_space<vmem>>) dst(%dma_wait3A_413 : memref<10112x16xf32, #tpu.memory_space<vmem_shared>>)
      %dma_wait3A_414 = arith.constant 896 : i32
      %dma_wait3A_415 = arith.constant 0 : i32
      %dma_wait3A_416 = tpu.memref_slice %arg8[%dma_wait3A_414, %dma_wait3A_415] : memref<1024x16xf32, #tpu.memory_space<vmem>> -> memref<128x16xf32, #tpu.memory_space<vmem>>
      %dma_wait3A_417 = arith.constant 0 : i32
      %dma_wait3A_418 = tpu.memref_slice %arg7[%add3A_341, %dma_wait3A_417] : memref<8x128xi32, #tpu.memory_space<vmem>> -> memref<1x128xi32, #tpu.memory_space<vmem>>
      %dma_wait3A_419 = tpu.memref_squeeze %dma_wait3A_418 : memref<1x128xi32, #tpu.memory_space<vmem>> -> memref<128xi32, #tpu.memory_space<vmem>>
      %dma_wait3A_420 = arith.constant 0 : i32
      %dma_wait3A_421 = arith.constant 0 : i32
      %dma_wait3A_422 = tpu.memref_slice %arg9[%dma_wait3A_420, %dma_wait3A_421] : memref<10112x16xf32, #tpu.memory_space<vmem_shared>> -> memref<10112x16xf32, #tpu.memory_space<vmem_shared>>
      tpu.wait_indirect_dma semaphore(%arg10 : memref<!tpu.dma_semaphore, #tpu.memory_space<semaphore_mem>>) src(%dma_wait3A_416 : memref<128x16xf32, #tpu.memory_space<vmem>>) dst(%dma_wait3A_422 : memref<10112x16xf32, #tpu.memory_space<vmem_shared>>)
      %scan3A_423 = arith.constant 1 : i32
    }
    %barrier3A_42 = arith.constant 0 : index
    tpu.barrier barrier_id(%barrier3A_42)
    %add3A_43 = arith.constant 0 : i32
    %add3A_44 = arith.addi %mul3A_5, %add3A_43 : i32
    "tpu.region"() ({
      %run_scoped3A = tpu.sem_alloc : memref<!tpu.dma_semaphore, #tpu.memory_space<semaphore_mem>>
      %dma_start3A = arith.constant 0 : i32
      %dma_start3A_63 = arith.constant 0 : i32
      %dma_start3A_64 = tpu.memref_slice %arg8[%dma_start3A, %dma_start3A_63] : memref<1024x16xf32, #tpu.memory_space<vmem>> -> memref<128x16xf32, #tpu.memory_space<vmem>>
      %dma_start3A_65 = arith.constant 0 : i32
      %dma_start3A_66 = tpu.memref_slice %arg9[%add3A_44, %dma_start3A_65] : memref<10112x16xf32, #tpu.memory_space<vmem_shared>> -> memref<128x16xf32, #tpu.memory_space<vmem_shared>>
      %dma_start3A_67 = arith.constant 0 : i32
      %dma_start3A_68 = arith.constant 0 : i32
      %dma_start3A_69 = tpu.memref_slice %arg8[%dma_start3A_67, %dma_start3A_68] : memref<1024x16xf32, #tpu.memory_space<vmem>> -> memref<128x16xf32, #tpu.memory_space<vmem>>
      %dma_start3A_70 = arith.constant 0 : i32
      %dma_start3A_71 = tpu.memref_slice %arg9[%add3A_44, %dma_start3A_70] : memref<10112x16xf32, #tpu.memory_space<vmem_shared>> -> memref<128x16xf32, #tpu.memory_space<vmem_shared>>
      tpu.enqueue_dma source(%dma_start3A_71 : memref<128x16xf32, #tpu.memory_space<vmem_shared>>) target(%dma_start3A_69 : memref<128x16xf32, #tpu.memory_space<vmem>>) target_semaphore(%run_scoped3A : memref<!tpu.dma_semaphore, #tpu.memory_space<semaphore_mem>>)
      %dma_wait3A = arith.constant 0 : i32
      %dma_wait3A_72 = arith.constant 0 : i32
      %dma_wait3A_73 = tpu.memref_slice %arg8[%dma_wait3A, %dma_wait3A_72] : memref<1024x16xf32, #tpu.memory_space<vmem>> -> memref<128x16xf32, #tpu.memory_space<vmem>>
      %dma_wait3A_74 = arith.constant 0 : i32
      %dma_wait3A_75 = tpu.memref_slice %arg9[%add3A_44, %dma_wait3A_74] : memref<10112x16xf32, #tpu.memory_space<vmem_shared>> -> memref<128x16xf32, #tpu.memory_space<vmem_shared>>
      %dma_wait3A_76 = arith.constant 0 : i32
      %dma_wait3A_77 = arith.constant 0 : i32
      %dma_wait3A_78 = tpu.memref_slice %arg8[%dma_wait3A_76, %dma_wait3A_77] : memref<1024x16xf32, #tpu.memory_space<vmem>> -> memref<128x16xf32, #tpu.memory_space<vmem>>
      %dma_wait3A_79 = arith.constant 0 : i32
      %dma_wait3A_80 = tpu.memref_slice %arg9[%add3A_44, %dma_wait3A_79] : memref<10112x16xf32, #tpu.memory_space<vmem_shared>> -> memref<128x16xf32, #tpu.memory_space<vmem_shared>>
      tpu.wait_dma2 semaphore(%run_scoped3A : memref<!tpu.dma_semaphore, #tpu.memory_space<semaphore_mem>>) src(%dma_wait3A_80 : memref<128x16xf32, #tpu.memory_space<vmem_shared>>) dst(%dma_wait3A_78 : memref<128x16xf32, #tpu.memory_space<vmem>>)
      tpu.yield
    }) : () -> ()
    %add3A_45 = arith.constant 0 : i32
    %add3A_46 = arith.addi %mul3A_5, %add3A_45 : i32
    "tpu.region"() ({
      %run_scoped3A = tpu.sem_alloc : memref<!tpu.dma_semaphore, #tpu.memory_space<semaphore_mem>>
      %dma_start3A = arith.constant 0 : i32
      %dma_start3A_63 = arith.constant 0 : i32
      %dma_start3A_64 = tpu.memref_slice %arg8[%dma_start3A, %dma_start3A_63] : memref<1024x16xf32, #tpu.memory_space<vmem>> -> memref<128x16xf32, #tpu.memory_space<vmem>>
      %dma_start3A_65 = arith.constant 0 : i32
      %dma_start3A_66 = tpu.memref_slice %arg5[%arg0, %add3A_46, %dma_start3A_65] : memref<2x10112x16xf32, #tpu.memory_space<hbm>> -> memref<1x128x16xf32, #tpu.memory_space<hbm>>
      %dma_start3A_67 = tpu.memref_squeeze %dma_start3A_66 : memref<1x128x16xf32, #tpu.memory_space<hbm>> -> memref<128x16xf32, #tpu.memory_space<hbm>>
      %dma_start3A_68 = arith.constant 0 : i32
      %dma_start3A_69 = tpu.memref_slice %arg5[%arg0, %add3A_46, %dma_start3A_68] : memref<2x10112x16xf32, #tpu.memory_space<hbm>> -> memref<1x128x16xf32, #tpu.memory_space<hbm>>
      %dma_start3A_70 = tpu.memref_squeeze %dma_start3A_69 : memref<1x128x16xf32, #tpu.memory_space<hbm>> -> memref<128x16xf32, #tpu.memory_space<hbm>>
      %dma_start3A_71 = arith.constant 0 : i32
      %dma_start3A_72 = arith.constant 0 : i32
      %dma_start3A_73 = tpu.memref_slice %arg8[%dma_start3A_71, %dma_start3A_72] : memref<1024x16xf32, #tpu.memory_space<vmem>> -> memref<128x16xf32, #tpu.memory_space<vmem>>
      tpu.enqueue_dma source(%dma_start3A_73 : memref<128x16xf32, #tpu.memory_space<vmem>>) target(%dma_start3A_70 : memref<128x16xf32, #tpu.memory_space<hbm>>) target_semaphore(%run_scoped3A : memref<!tpu.dma_semaphore, #tpu.memory_space<semaphore_mem>>)
      %dma_wait3A = arith.constant 0 : i32
      %dma_wait3A_74 = arith.constant 0 : i32
      %dma_wait3A_75 = tpu.memref_slice %arg8[%dma_wait3A, %dma_wait3A_74] : memref<1024x16xf32, #tpu.memory_space<vmem>> -> memref<128x16xf32, #tpu.memory_space<vmem>>
      %dma_wait3A_76 = arith.constant 0 : i32
      %dma_wait3A_77 = tpu.memref_slice %arg5[%arg0, %add3A_46, %dma_wait3A_76] : memref<2x10112x16xf32, #tpu.memory_space<hbm>> -> memref<1x128x16xf32, #tpu.memory_space<hbm>>
      %dma_wait3A_78 = tpu.memref_squeeze %dma_wait3A_77 : memref<1x128x16xf32, #tpu.memory_space<hbm>> -> memref<128x16xf32, #tpu.memory_space<hbm>>
      %dma_wait3A_79 = arith.constant 0 : i32
      %dma_wait3A_80 = tpu.memref_slice %arg5[%arg0, %add3A_46, %dma_wait3A_79] : memref<2x10112x16xf32, #tpu.memory_space<hbm>> -> memref<1x128x16xf32, #tpu.memory_space<hbm>>
      %dma_wait3A_81 = tpu.memref_squeeze %dma_wait3A_80 : memref<1x128x16xf32, #tpu.memory_space<hbm>> -> memref<128x16xf32, #tpu.memory_space<hbm>>
      %dma_wait3A_82 = arith.constant 0 : i32
      %dma_wait3A_83 = arith.constant 0 : i32
      %dma_wait3A_84 = tpu.memref_slice %arg8[%dma_wait3A_82, %dma_wait3A_83] : memref<1024x16xf32, #tpu.memory_space<vmem>> -> memref<128x16xf32, #tpu.memory_space<vmem>>
      tpu.wait_dma2 semaphore(%run_scoped3A : memref<!tpu.dma_semaphore, #tpu.memory_space<semaphore_mem>>) src(%dma_wait3A_84 : memref<128x16xf32, #tpu.memory_space<vmem>>) dst(%dma_wait3A_81 : memref<128x16xf32, #tpu.memory_space<hbm>>)
      tpu.yield
    }) : () -> ()
    %add3A_47 = arith.constant 128 : i32
    %add3A_48 = arith.addi %mul3A_5, %add3A_47 : i32
    "tpu.region"() ({
      %run_scoped3A = tpu.sem_alloc : memref<!tpu.dma_semaphore, #tpu.memory_space<semaphore_mem>>
      %dma_start3A = arith.constant 0 : i32
      %dma_start3A_63 = arith.constant 0 : i32
      %dma_start3A_64 = tpu.memref_slice %arg8[%dma_start3A, %dma_start3A_63] : memref<1024x16xf32, #tpu.memory_space<vmem>> -> memref<128x16xf32, #tpu.memory_space<vmem>>
      %dma_start3A_65 = arith.constant 0 : i32
      %dma_start3A_66 = tpu.memref_slice %arg9[%add3A_48, %dma_start3A_65] : memref<10112x16xf32, #tpu.memory_space<vmem_shared>> -> memref<128x16xf32, #tpu.memory_space<vmem_shared>>
      %dma_start3A_67 = arith.constant 0 : i32
      %dma_start3A_68 = arith.constant 0 : i32
      %dma_start3A_69 = tpu.memref_slice %arg8[%dma_start3A_67, %dma_start3A_68] : memref<1024x16xf32, #tpu.memory_space<vmem>> -> memref<128x16xf32, #tpu.memory_space<vmem>>
      %dma_start3A_70 = arith.constant 0 : i32
      %dma_start3A_71 = tpu.memref_slice %arg9[%add3A_48, %dma_start3A_70] : memref<10112x16xf32, #tpu.memory_space<vmem_shared>> -> memref<128x16xf32, #tpu.memory_space<vmem_shared>>
      tpu.enqueue_dma source(%dma_start3A_71 : memref<128x16xf32, #tpu.memory_space<vmem_shared>>) target(%dma_start3A_69 : memref<128x16xf32, #tpu.memory_space<vmem>>) target_semaphore(%run_scoped3A : memref<!tpu.dma_semaphore, #tpu.memory_space<semaphore_mem>>)
      %dma_wait3A = arith.constant 0 : i32
      %dma_wait3A_72 = arith.constant 0 : i32
      %dma_wait3A_73 = tpu.memref_slice %arg8[%dma_wait3A, %dma_wait3A_72] : memref<1024x16xf32, #tpu.memory_space<vmem>> -> memref<128x16xf32, #tpu.memory_space<vmem>>
      %dma_wait3A_74 = arith.constant 0 : i32
      %dma_wait3A_75 = tpu.memref_slice %arg9[%add3A_48, %dma_wait3A_74] : memref<10112x16xf32, #tpu.memory_space<vmem_shared>> -> memref<128x16xf32, #tpu.memory_space<vmem_shared>>
      %dma_wait3A_76 = arith.constant 0 : i32
      %dma_wait3A_77 = arith.constant 0 : i32
      %dma_wait3A_78 = tpu.memref_slice %arg8[%dma_wait3A_76, %dma_wait3A_77] : memref<1024x16xf32, #tpu.memory_space<vmem>> -> memref<128x16xf32, #tpu.memory_space<vmem>>
      %dma_wait3A_79 = arith.constant 0 : i32
      %dma_wait3A_80 = tpu.memref_slice %arg9[%add3A_48, %dma_wait3A_79] : memref<10112x16xf32, #tpu.memory_space<vmem_shared>> -> memref<128x16xf32, #tpu.memory_space<vmem_shared>>
      tpu.wait_dma2 semaphore(%run_scoped3A : memref<!tpu.dma_semaphore, #tpu.memory_space<semaphore_mem>>) src(%dma_wait3A_80 : memref<128x16xf32, #tpu.memory_space<vmem_shared>>) dst(%dma_wait3A_78 : memref<128x16xf32, #tpu.memory_space<vmem>>)
      tpu.yield
    }) : () -> ()
    %add3A_49 = arith.constant 128 : i32
    %add3A_50 = arith.addi %mul3A_5, %add3A_49 : i32
    "tpu.region"() ({
      %run_scoped3A = tpu.sem_alloc : memref<!tpu.dma_semaphore, #tpu.memory_space<semaphore_mem>>
      %dma_start3A = arith.constant 0 : i32
      %dma_start3A_63 = arith.constant 0 : i32
      %dma_start3A_64 = tpu.memref_slice %arg8[%dma_start3A, %dma_start3A_63] : memref<1024x16xf32, #tpu.memory_space<vmem>> -> memref<128x16xf32, #tpu.memory_space<vmem>>
      %dma_start3A_65 = arith.constant 0 : i32
      %dma_start3A_66 = tpu.memref_slice %arg5[%arg0, %add3A_50, %dma_start3A_65] : memref<2x10112x16xf32, #tpu.memory_space<hbm>> -> memref<1x128x16xf32, #tpu.memory_space<hbm>>
      %dma_start3A_67 = tpu.memref_squeeze %dma_start3A_66 : memref<1x128x16xf32, #tpu.memory_space<hbm>> -> memref<128x16xf32, #tpu.memory_space<hbm>>
      %dma_start3A_68 = arith.constant 0 : i32
      %dma_start3A_69 = tpu.memref_slice %arg5[%arg0, %add3A_50, %dma_start3A_68] : memref<2x10112x16xf32, #tpu.memory_space<hbm>> -> memref<1x128x16xf32, #tpu.memory_space<hbm>>
      %dma_start3A_70 = tpu.memref_squeeze %dma_start3A_69 : memref<1x128x16xf32, #tpu.memory_space<hbm>> -> memref<128x16xf32, #tpu.memory_space<hbm>>
      %dma_start3A_71 = arith.constant 0 : i32
      %dma_start3A_72 = arith.constant 0 : i32
      %dma_start3A_73 = tpu.memref_slice %arg8[%dma_start3A_71, %dma_start3A_72] : memref<1024x16xf32, #tpu.memory_space<vmem>> -> memref<128x16xf32, #tpu.memory_space<vmem>>
      tpu.enqueue_dma source(%dma_start3A_73 : memref<128x16xf32, #tpu.memory_space<vmem>>) target(%dma_start3A_70 : memref<128x16xf32, #tpu.memory_space<hbm>>) target_semaphore(%run_scoped3A : memref<!tpu.dma_semaphore, #tpu.memory_space<semaphore_mem>>)
      %dma_wait3A = arith.constant 0 : i32
      %dma_wait3A_74 = arith.constant 0 : i32
      %dma_wait3A_75 = tpu.memref_slice %arg8[%dma_wait3A, %dma_wait3A_74] : memref<1024x16xf32, #tpu.memory_space<vmem>> -> memref<128x16xf32, #tpu.memory_space<vmem>>
      %dma_wait3A_76 = arith.constant 0 : i32
      %dma_wait3A_77 = tpu.memref_slice %arg5[%arg0, %add3A_50, %dma_wait3A_76] : memref<2x10112x16xf32, #tpu.memory_space<hbm>> -> memref<1x128x16xf32, #tpu.memory_space<hbm>>
      %dma_wait3A_78 = tpu.memref_squeeze %dma_wait3A_77 : memref<1x128x16xf32, #tpu.memory_space<hbm>> -> memref<128x16xf32, #tpu.memory_space<hbm>>
      %dma_wait3A_79 = arith.constant 0 : i32
      %dma_wait3A_80 = tpu.memref_slice %arg5[%arg0, %add3A_50, %dma_wait3A_79] : memref<2x10112x16xf32, #tpu.memory_space<hbm>> -> memref<1x128x16xf32, #tpu.memory_space<hbm>>
      %dma_wait3A_81 = tpu.memref_squeeze %dma_wait3A_80 : memref<1x128x16xf32, #tpu.memory_space<hbm>> -> memref<128x16xf32, #tpu.memory_space<hbm>>
      %dma_wait3A_82 = arith.constant 0 : i32
      %dma_wait3A_83 = arith.constant 0 : i32
      %dma_wait3A_84 = tpu.memref_slice %arg8[%dma_wait3A_82, %dma_wait3A_83] : memref<1024x16xf32, #tpu.memory_space<vmem>> -> memref<128x16xf32, #tpu.memory_space<vmem>>
      tpu.wait_dma2 semaphore(%run_scoped3A : memref<!tpu.dma_semaphore, #tpu.memory_space<semaphore_mem>>) src(%dma_wait3A_84 : memref<128x16xf32, #tpu.memory_space<vmem>>) dst(%dma_wait3A_81 : memref<128x16xf32, #tpu.memory_space<hbm>>)
      tpu.yield
    }) : () -> ()
    %add3A_51 = arith.constant 256 : i32
    %add3A_52 = arith.addi %mul3A_5, %add3A_51 : i32
    "tpu.region"() ({
      %run_scoped3A = tpu.sem_alloc : memref<!tpu.dma_semaphore, #tpu.memory_space<semaphore_mem>>
      %dma_start3A = arith.constant 0 : i32
      %dma_start3A_63 = arith.constant 0 : i32
      %dma_start3A_64 = tpu.memref_slice %arg8[%dma_start3A, %dma_start3A_63] : memref<1024x16xf32, #tpu.memory_space<vmem>> -> memref<128x16xf32, #tpu.memory_space<vmem>>
      %dma_start3A_65 = arith.constant 0 : i32
      %dma_start3A_66 = tpu.memref_slice %arg9[%add3A_52, %dma_start3A_65] : memref<10112x16xf32, #tpu.memory_space<vmem_shared>> -> memref<128x16xf32, #tpu.memory_space<vmem_shared>>
      %dma_start3A_67 = arith.constant 0 : i32
      %dma_start3A_68 = arith.constant 0 : i32
      %dma_start3A_69 = tpu.memref_slice %arg8[%dma_start3A_67, %dma_start3A_68] : memref<1024x16xf32, #tpu.memory_space<vmem>> -> memref<128x16xf32, #tpu.memory_space<vmem>>
      %dma_start3A_70 = arith.constant 0 : i32
      %dma_start3A_71 = tpu.memref_slice %arg9[%add3A_52, %dma_start3A_70] : memref<10112x16xf32, #tpu.memory_space<vmem_shared>> -> memref<128x16xf32, #tpu.memory_space<vmem_shared>>
      tpu.enqueue_dma source(%dma_start3A_71 : memref<128x16xf32, #tpu.memory_space<vmem_shared>>) target(%dma_start3A_69 : memref<128x16xf32, #tpu.memory_space<vmem>>) target_semaphore(%run_scoped3A : memref<!tpu.dma_semaphore, #tpu.memory_space<semaphore_mem>>)
      %dma_wait3A = arith.constant 0 : i32
      %dma_wait3A_72 = arith.constant 0 : i32
      %dma_wait3A_73 = tpu.memref_slice %arg8[%dma_wait3A, %dma_wait3A_72] : memref<1024x16xf32, #tpu.memory_space<vmem>> -> memref<128x16xf32, #tpu.memory_space<vmem>>
      %dma_wait3A_74 = arith.constant 0 : i32
      %dma_wait3A_75 = tpu.memref_slice %arg9[%add3A_52, %dma_wait3A_74] : memref<10112x16xf32, #tpu.memory_space<vmem_shared>> -> memref<128x16xf32, #tpu.memory_space<vmem_shared>>
      %dma_wait3A_76 = arith.constant 0 : i32
      %dma_wait3A_77 = arith.constant 0 : i32
      %dma_wait3A_78 = tpu.memref_slice %arg8[%dma_wait3A_76, %dma_wait3A_77] : memref<1024x16xf32, #tpu.memory_space<vmem>> -> memref<128x16xf32, #tpu.memory_space<vmem>>
      %dma_wait3A_79 = arith.constant 0 : i32
      %dma_wait3A_80 = tpu.memref_slice %arg9[%add3A_52, %dma_wait3A_79] : memref<10112x16xf32, #tpu.memory_space<vmem_shared>> -> memref<128x16xf32, #tpu.memory_space<vmem_shared>>
      tpu.wait_dma2 semaphore(%run_scoped3A : memref<!tpu.dma_semaphore, #tpu.memory_space<semaphore_mem>>) src(%dma_wait3A_80 : memref<128x16xf32, #tpu.memory_space<vmem_shared>>) dst(%dma_wait3A_78 : memref<128x16xf32, #tpu.memory_space<vmem>>)
      tpu.yield
    }) : () -> ()
    %add3A_53 = arith.constant 256 : i32
    %add3A_54 = arith.addi %mul3A_5, %add3A_53 : i32
    "tpu.region"() ({
      %run_scoped3A = tpu.sem_alloc : memref<!tpu.dma_semaphore, #tpu.memory_space<semaphore_mem>>
      %dma_start3A = arith.constant 0 : i32
      %dma_start3A_63 = arith.constant 0 : i32
      %dma_start3A_64 = tpu.memref_slice %arg8[%dma_start3A, %dma_start3A_63] : memref<1024x16xf32, #tpu.memory_space<vmem>> -> memref<128x16xf32, #tpu.memory_space<vmem>>
      %dma_start3A_65 = arith.constant 0 : i32
      %dma_start3A_66 = tpu.memref_slice %arg5[%arg0, %add3A_54, %dma_start3A_65] : memref<2x10112x16xf32, #tpu.memory_space<hbm>> -> memref<1x128x16xf32, #tpu.memory_space<hbm>>
      %dma_start3A_67 = tpu.memref_squeeze %dma_start3A_66 : memref<1x128x16xf32, #tpu.memory_space<hbm>> -> memref<128x16xf32, #tpu.memory_space<hbm>>
      %dma_start3A_68 = arith.constant 0 : i32
      %dma_start3A_69 = tpu.memref_slice %arg5[%arg0, %add3A_54, %dma_start3A_68] : memref<2x10112x16xf32, #tpu.memory_space<hbm>> -> memref<1x128x16xf32, #tpu.memory_space<hbm>>
      %dma_start3A_70 = tpu.memref_squeeze %dma_start3A_69 : memref<1x128x16xf32, #tpu.memory_space<hbm>> -> memref<128x16xf32, #tpu.memory_space<hbm>>
      %dma_start3A_71 = arith.constant 0 : i32
      %dma_start3A_72 = arith.constant 0 : i32
      %dma_start3A_73 = tpu.memref_slice %arg8[%dma_start3A_71, %dma_start3A_72] : memref<1024x16xf32, #tpu.memory_space<vmem>> -> memref<128x16xf32, #tpu.memory_space<vmem>>
      tpu.enqueue_dma source(%dma_start3A_73 : memref<128x16xf32, #tpu.memory_space<vmem>>) target(%dma_start3A_70 : memref<128x16xf32, #tpu.memory_space<hbm>>) target_semaphore(%run_scoped3A : memref<!tpu.dma_semaphore, #tpu.memory_space<semaphore_mem>>)
      %dma_wait3A = arith.constant 0 : i32
      %dma_wait3A_74 = arith.constant 0 : i32
      %dma_wait3A_75 = tpu.memref_slice %arg8[%dma_wait3A, %dma_wait3A_74] : memref<1024x16xf32, #tpu.memory_space<vmem>> -> memref<128x16xf32, #tpu.memory_space<vmem>>
      %dma_wait3A_76 = arith.constant 0 : i32
      %dma_wait3A_77 = tpu.memref_slice %arg5[%arg0, %add3A_54, %dma_wait3A_76] : memref<2x10112x16xf32, #tpu.memory_space<hbm>> -> memref<1x128x16xf32, #tpu.memory_space<hbm>>
      %dma_wait3A_78 = tpu.memref_squeeze %dma_wait3A_77 : memref<1x128x16xf32, #tpu.memory_space<hbm>> -> memref<128x16xf32, #tpu.memory_space<hbm>>
      %dma_wait3A_79 = arith.constant 0 : i32
      %dma_wait3A_80 = tpu.memref_slice %arg5[%arg0, %add3A_54, %dma_wait3A_79] : memref<2x10112x16xf32, #tpu.memory_space<hbm>> -> memref<1x128x16xf32, #tpu.memory_space<hbm>>
      %dma_wait3A_81 = tpu.memref_squeeze %dma_wait3A_80 : memref<1x128x16xf32, #tpu.memory_space<hbm>> -> memref<128x16xf32, #tpu.memory_space<hbm>>
      %dma_wait3A_82 = arith.constant 0 : i32
      %dma_wait3A_83 = arith.constant 0 : i32
      %dma_wait3A_84 = tpu.memref_slice %arg8[%dma_wait3A_82, %dma_wait3A_83] : memref<1024x16xf32, #tpu.memory_space<vmem>> -> memref<128x16xf32, #tpu.memory_space<vmem>>
      tpu.wait_dma2 semaphore(%run_scoped3A : memref<!tpu.dma_semaphore, #tpu.memory_space<semaphore_mem>>) src(%dma_wait3A_84 : memref<128x16xf32, #tpu.memory_space<vmem>>) dst(%dma_wait3A_81 : memref<128x16xf32, #tpu.memory_space<hbm>>)
      tpu.yield
    }) : () -> ()
    %add3A_55 = arith.constant 384 : i32
    %add3A_56 = arith.addi %mul3A_5, %add3A_55 : i32
    "tpu.region"() ({
      %run_scoped3A = tpu.sem_alloc : memref<!tpu.dma_semaphore, #tpu.memory_space<semaphore_mem>>
      %dma_start3A = arith.constant 0 : i32
      %dma_start3A_63 = arith.constant 0 : i32
      %dma_start3A_64 = tpu.memref_slice %arg8[%dma_start3A, %dma_start3A_63] : memref<1024x16xf32, #tpu.memory_space<vmem>> -> memref<128x16xf32, #tpu.memory_space<vmem>>
      %dma_start3A_65 = arith.constant 0 : i32
      %dma_start3A_66 = tpu.memref_slice %arg9[%add3A_56, %dma_start3A_65] : memref<10112x16xf32, #tpu.memory_space<vmem_shared>> -> memref<128x16xf32, #tpu.memory_space<vmem_shared>>
      %dma_start3A_67 = arith.constant 0 : i32
      %dma_start3A_68 = arith.constant 0 : i32
      %dma_start3A_69 = tpu.memref_slice %arg8[%dma_start3A_67, %dma_start3A_68] : memref<1024x16xf32, #tpu.memory_space<vmem>> -> memref<128x16xf32, #tpu.memory_space<vmem>>
      %dma_start3A_70 = arith.constant 0 : i32
      %dma_start3A_71 = tpu.memref_slice %arg9[%add3A_56, %dma_start3A_70] : memref<10112x16xf32, #tpu.memory_space<vmem_shared>> -> memref<128x16xf32, #tpu.memory_space<vmem_shared>>
      tpu.enqueue_dma source(%dma_start3A_71 : memref<128x16xf32, #tpu.memory_space<vmem_shared>>) target(%dma_start3A_69 : memref<128x16xf32, #tpu.memory_space<vmem>>) target_semaphore(%run_scoped3A : memref<!tpu.dma_semaphore, #tpu.memory_space<semaphore_mem>>)
      %dma_wait3A = arith.constant 0 : i32
      %dma_wait3A_72 = arith.constant 0 : i32
      %dma_wait3A_73 = tpu.memref_slice %arg8[%dma_wait3A, %dma_wait3A_72] : memref<1024x16xf32, #tpu.memory_space<vmem>> -> memref<128x16xf32, #tpu.memory_space<vmem>>
      %dma_wait3A_74 = arith.constant 0 : i32
      %dma_wait3A_75 = tpu.memref_slice %arg9[%add3A_56, %dma_wait3A_74] : memref<10112x16xf32, #tpu.memory_space<vmem_shared>> -> memref<128x16xf32, #tpu.memory_space<vmem_shared>>
      %dma_wait3A_76 = arith.constant 0 : i32
      %dma_wait3A_77 = arith.constant 0 : i32
      %dma_wait3A_78 = tpu.memref_slice %arg8[%dma_wait3A_76, %dma_wait3A_77] : memref<1024x16xf32, #tpu.memory_space<vmem>> -> memref<128x16xf32, #tpu.memory_space<vmem>>
      %dma_wait3A_79 = arith.constant 0 : i32
      %dma_wait3A_80 = tpu.memref_slice %arg9[%add3A_56, %dma_wait3A_79] : memref<10112x16xf32, #tpu.memory_space<vmem_shared>> -> memref<128x16xf32, #tpu.memory_space<vmem_shared>>
      tpu.wait_dma2 semaphore(%run_scoped3A : memref<!tpu.dma_semaphore, #tpu.memory_space<semaphore_mem>>) src(%dma_wait3A_80 : memref<128x16xf32, #tpu.memory_space<vmem_shared>>) dst(%dma_wait3A_78 : memref<128x16xf32, #tpu.memory_space<vmem>>)
      tpu.yield
    }) : () -> ()
    %add3A_57 = arith.constant 384 : i32
    %add3A_58 = arith.addi %mul3A_5, %add3A_57 : i32
    "tpu.region"() ({
      %run_scoped3A = tpu.sem_alloc : memref<!tpu.dma_semaphore, #tpu.memory_space<semaphore_mem>>
      %dma_start3A = arith.constant 0 : i32
      %dma_start3A_63 = arith.constant 0 : i32
      %dma_start3A_64 = tpu.memref_slice %arg8[%dma_start3A, %dma_start3A_63] : memref<1024x16xf32, #tpu.memory_space<vmem>> -> memref<128x16xf32, #tpu.memory_space<vmem>>
      %dma_start3A_65 = arith.constant 0 : i32
      %dma_start3A_66 = tpu.memref_slice %arg5[%arg0, %add3A_58, %dma_start3A_65] : memref<2x10112x16xf32, #tpu.memory_space<hbm>> -> memref<1x128x16xf32, #tpu.memory_space<hbm>>
      %dma_start3A_67 = tpu.memref_squeeze %dma_start3A_66 : memref<1x128x16xf32, #tpu.memory_space<hbm>> -> memref<128x16xf32, #tpu.memory_space<hbm>>
      %dma_start3A_68 = arith.constant 0 : i32
      %dma_start3A_69 = tpu.memref_slice %arg5[%arg0, %add3A_58, %dma_start3A_68] : memref<2x10112x16xf32, #tpu.memory_space<hbm>> -> memref<1x128x16xf32, #tpu.memory_space<hbm>>
      %dma_start3A_70 = tpu.memref_squeeze %dma_start3A_69 : memref<1x128x16xf32, #tpu.memory_space<hbm>> -> memref<128x16xf32, #tpu.memory_space<hbm>>
      %dma_start3A_71 = arith.constant 0 : i32
      %dma_start3A_72 = arith.constant 0 : i32
      %dma_start3A_73 = tpu.memref_slice %arg8[%dma_start3A_71, %dma_start3A_72] : memref<1024x16xf32, #tpu.memory_space<vmem>> -> memref<128x16xf32, #tpu.memory_space<vmem>>
      tpu.enqueue_dma source(%dma_start3A_73 : memref<128x16xf32, #tpu.memory_space<vmem>>) target(%dma_start3A_70 : memref<128x16xf32, #tpu.memory_space<hbm>>) target_semaphore(%run_scoped3A : memref<!tpu.dma_semaphore, #tpu.memory_space<semaphore_mem>>)
      %dma_wait3A = arith.constant 0 : i32
      %dma_wait3A_74 = arith.constant 0 : i32
      %dma_wait3A_75 = tpu.memref_slice %arg8[%dma_wait3A, %dma_wait3A_74] : memref<1024x16xf32, #tpu.memory_space<vmem>> -> memref<128x16xf32, #tpu.memory_space<vmem>>
      %dma_wait3A_76 = arith.constant 0 : i32
      %dma_wait3A_77 = tpu.memref_slice %arg5[%arg0, %add3A_58, %dma_wait3A_76] : memref<2x10112x16xf32, #tpu.memory_space<hbm>> -> memref<1x128x16xf32, #tpu.memory_space<hbm>>
      %dma_wait3A_78 = tpu.memref_squeeze %dma_wait3A_77 : memref<1x128x16xf32, #tpu.memory_space<hbm>> -> memref<128x16xf32, #tpu.memory_space<hbm>>
      %dma_wait3A_79 = arith.constant 0 : i32
      %dma_wait3A_80 = tpu.memref_slice %arg5[%arg0, %add3A_58, %dma_wait3A_79] : memref<2x10112x16xf32, #tpu.memory_space<hbm>> -> memref<1x128x16xf32, #tpu.memory_space<hbm>>
      %dma_wait3A_81 = tpu.memref_squeeze %dma_wait3A_80 : memref<1x128x16xf32, #tpu.memory_space<hbm>> -> memref<128x16xf32, #tpu.memory_space<hbm>>
      %dma_wait3A_82 = arith.constant 0 : i32
      %dma_wait3A_83 = arith.constant 0 : i32
      %dma_wait3A_84 = tpu.memref_slice %arg8[%dma_wait3A_82, %dma_wait3A_83] : memref<1024x16xf32, #tpu.memory_space<vmem>> -> memref<128x16xf32, #tpu.memory_space<vmem>>
      tpu.wait_dma2 semaphore(%run_scoped3A : memref<!tpu.dma_semaphore, #tpu.memory_space<semaphore_mem>>) src(%dma_wait3A_84 : memref<128x16xf32, #tpu.memory_space<vmem>>) dst(%dma_wait3A_81 : memref<128x16xf32, #tpu.memory_space<hbm>>)
      tpu.yield
    }) : () -> ()
    %add3A_59 = arith.constant 512 : i32
    %add3A_60 = arith.addi %mul3A_5, %add3A_59 : i32
    "tpu.region"() ({
      %run_scoped3A = tpu.sem_alloc : memref<!tpu.dma_semaphore, #tpu.memory_space<semaphore_mem>>
      %dma_start3A = arith.constant 0 : i32
      %dma_start3A_63 = arith.constant 0 : i32
      %dma_start3A_64 = tpu.memref_slice %arg8[%dma_start3A, %dma_start3A_63] : memref<1024x16xf32, #tpu.memory_space<vmem>> -> memref<120x16xf32, #tpu.memory_space<vmem>>
      %dma_start3A_65 = arith.constant 0 : i32
      %dma_start3A_66 = tpu.memref_slice %arg9[%add3A_60, %dma_start3A_65] : memref<10112x16xf32, #tpu.memory_space<vmem_shared>> -> memref<120x16xf32, #tpu.memory_space<vmem_shared>>
      %dma_start3A_67 = arith.constant 0 : i32
      %dma_start3A_68 = arith.constant 0 : i32
      %dma_start3A_69 = tpu.memref_slice %arg8[%dma_start3A_67, %dma_start3A_68] : memref<1024x16xf32, #tpu.memory_space<vmem>> -> memref<120x16xf32, #tpu.memory_space<vmem>>
      %dma_start3A_70 = arith.constant 0 : i32
      %dma_start3A_71 = tpu.memref_slice %arg9[%add3A_60, %dma_start3A_70] : memref<10112x16xf32, #tpu.memory_space<vmem_shared>> -> memref<120x16xf32, #tpu.memory_space<vmem_shared>>
      tpu.enqueue_dma source(%dma_start3A_71 : memref<120x16xf32, #tpu.memory_space<vmem_shared>>) target(%dma_start3A_69 : memref<120x16xf32, #tpu.memory_space<vmem>>) target_semaphore(%run_scoped3A : memref<!tpu.dma_semaphore, #tpu.memory_space<semaphore_mem>>)
      %dma_wait3A = arith.constant 0 : i32
      %dma_wait3A_72 = arith.constant 0 : i32
      %dma_wait3A_73 = tpu.memref_slice %arg8[%dma_wait3A, %dma_wait3A_72] : memref<1024x16xf32, #tpu.memory_space<vmem>> -> memref<120x16xf32, #tpu.memory_space<vmem>>
      %dma_wait3A_74 = arith.constant 0 : i32
      %dma_wait3A_75 = tpu.memref_slice %arg9[%add3A_60, %dma_wait3A_74] : memref<10112x16xf32, #tpu.memory_space<vmem_shared>> -> memref<120x16xf32, #tpu.memory_space<vmem_shared>>
      %dma_wait3A_76 = arith.constant 0 : i32
      %dma_wait3A_77 = arith.constant 0 : i32
      %dma_wait3A_78 = tpu.memref_slice %arg8[%dma_wait3A_76, %dma_wait3A_77] : memref<1024x16xf32, #tpu.memory_space<vmem>> -> memref<120x16xf32, #tpu.memory_space<vmem>>
      %dma_wait3A_79 = arith.constant 0 : i32
      %dma_wait3A_80 = tpu.memref_slice %arg9[%add3A_60, %dma_wait3A_79] : memref<10112x16xf32, #tpu.memory_space<vmem_shared>> -> memref<120x16xf32, #tpu.memory_space<vmem_shared>>
      tpu.wait_dma2 semaphore(%run_scoped3A : memref<!tpu.dma_semaphore, #tpu.memory_space<semaphore_mem>>) src(%dma_wait3A_80 : memref<120x16xf32, #tpu.memory_space<vmem_shared>>) dst(%dma_wait3A_78 : memref<120x16xf32, #tpu.memory_space<vmem>>)
      tpu.yield
    }) : () -> ()
    %add3A_61 = arith.constant 512 : i32
    %add3A_62 = arith.addi %mul3A_5, %add3A_61 : i32
    "tpu.region"() ({
      %run_scoped3A = tpu.sem_alloc : memref<!tpu.dma_semaphore, #tpu.memory_space<semaphore_mem>>
      %dma_start3A = arith.constant 0 : i32
      %dma_start3A_63 = arith.constant 0 : i32
      %dma_start3A_64 = tpu.memref_slice %arg8[%dma_start3A, %dma_start3A_63] : memref<1024x16xf32, #tpu.memory_space<vmem>> -> memref<120x16xf32, #tpu.memory_space<vmem>>
      %dma_start3A_65 = arith.constant 0 : i32
      %dma_start3A_66 = tpu.memref_slice %arg5[%arg0, %add3A_62, %dma_start3A_65] : memref<2x10112x16xf32, #tpu.memory_space<hbm>> -> memref<1x120x16xf32, #tpu.memory_space<hbm>>
      %dma_start3A_67 = tpu.memref_squeeze %dma_start3A_66 : memref<1x120x16xf32, #tpu.memory_space<hbm>> -> memref<120x16xf32, #tpu.memory_space<hbm>>
      %dma_start3A_68 = arith.constant 0 : i32
      %dma_start3A_69 = tpu.memref_slice %arg5[%arg0, %add3A_62, %dma_start3A_68] : memref<2x10112x16xf32, #tpu.memory_space<hbm>> -> memref<1x120x16xf32, #tpu.memory_space<hbm>>
      %dma_start3A_70 = tpu.memref_squeeze %dma_start3A_69 : memref<1x120x16xf32, #tpu.memory_space<hbm>> -> memref<120x16xf32, #tpu.memory_space<hbm>>
      %dma_start3A_71 = arith.constant 0 : i32
      %dma_start3A_72 = arith.constant 0 : i32
      %dma_start3A_73 = tpu.memref_slice %arg8[%dma_start3A_71, %dma_start3A_72] : memref<1024x16xf32, #tpu.memory_space<vmem>> -> memref<120x16xf32, #tpu.memory_space<vmem>>
      tpu.enqueue_dma source(%dma_start3A_73 : memref<120x16xf32, #tpu.memory_space<vmem>>) target(%dma_start3A_70 : memref<120x16xf32, #tpu.memory_space<hbm>>) target_semaphore(%run_scoped3A : memref<!tpu.dma_semaphore, #tpu.memory_space<semaphore_mem>>)
      %dma_wait3A = arith.constant 0 : i32
      %dma_wait3A_74 = arith.constant 0 : i32
      %dma_wait3A_75 = tpu.memref_slice %arg8[%dma_wait3A, %dma_wait3A_74] : memref<1024x16xf32, #tpu.memory_space<vmem>> -> memref<120x16xf32, #tpu.memory_space<vmem>>
      %dma_wait3A_76 = arith.constant 0 : i32
      %dma_wait3A_77 = tpu.memref_slice %arg5[%arg0, %add3A_62, %dma_wait3A_76] : memref<2x10112x16xf32, #tpu.memory_space<hbm>> -> memref<1x120x16xf32, #tpu.memory_space<hbm>>
      %dma_wait3A_78 = tpu.memref_squeeze %dma_wait3A_77 : memref<1x120x16xf32, #tpu.memory_space<hbm>> -> memref<120x16xf32, #tpu.memory_space<hbm>>
      %dma_wait3A_79 = arith.constant 0 : i32
      %dma_wait3A_80 = tpu.memref_slice %arg5[%arg0, %add3A_62, %dma_wait3A_79] : memref<2x10112x16xf32, #tpu.memory_space<hbm>> -> memref<1x120x16xf32, #tpu.memory_space<hbm>>
      %dma_wait3A_81 = tpu.memref_squeeze %dma_wait3A_80 : memref<1x120x16xf32, #tpu.memory_space<hbm>> -> memref<120x16xf32, #tpu.memory_space<hbm>>
      %dma_wait3A_82 = arith.constant 0 : i32
      %dma_wait3A_83 = arith.constant 0 : i32
      %dma_wait3A_84 = tpu.memref_slice %arg8[%dma_wait3A_82, %dma_wait3A_83] : memref<1024x16xf32, #tpu.memory_space<vmem>> -> memref<120x16xf32, #tpu.memory_space<vmem>>
      tpu.wait_dma2 semaphore(%run_scoped3A : memref<!tpu.dma_semaphore, #tpu.memory_space<semaphore_mem>>) src(%dma_wait3A_84 : memref<120x16xf32, #tpu.memory_space<vmem>>) dst(%dma_wait3A_81 : memref<120x16xf32, #tpu.memory_space<hbm>>)
      tpu.yield
    }) : () -> ()
    return
  }
}

module attributes {stable_mosaic.version = 14 : i64} {
  func.func @body(%arg0: i32, %arg1: memref<2000x128xf32, #tpu.memory_space<vmem>>, %arg2: memref<2x2000x144xf32, #tpu.memory_space<vmem>>, %arg3: memref<256x128xf32, #tpu.memory_space<vmem>>, %arg4: memref<1x128xf32, #tpu.memory_space<vmem>>, %arg5: memref<1x128xf32, #tpu.memory_space<vmem>>, %arg6: memref<1x128xf32, #tpu.memory_space<vmem>>, %arg7: memref<2000x128xf32, #tpu.memory_space<vmem>>, %arg8: memref<2000x1xf32, #tpu.memory_space<vmem>>) attributes {dimension_semantics = [#tpu.dimension_semantics<arbitrary>], iteration_bounds = array<i64: 5>, scalar_prefetch = 0 : i64, scratch_operands = 0 : i64, tpu.core_type = #tpu.core_type<tc>, window_params = [{transform_indices = @transform_0, window_bounds = array<i64: 2000, 128>}, {transform_indices = @transform_1, window_bounds = array<i64: 2, 2000, 144>}, {pipeline_mode = #tpu.pipeline_mode<synchronous>, transform_indices = @transform_2, window_bounds = array<i64: 256, 128>}, {pipeline_mode = #tpu.pipeline_mode<synchronous>, transform_indices = @transform_3, window_bounds = array<i64: 1, 128>}, {pipeline_mode = #tpu.pipeline_mode<synchronous>, transform_indices = @transform_4, window_bounds = array<i64: 1, 128>}, {pipeline_mode = #tpu.pipeline_mode<synchronous>, transform_indices = @transform_5, window_bounds = array<i64: 1, 128>}, {transform_indices = @transform_6, window_bounds = array<i64: 2000, 128>}, {transform_indices = @transform_7, window_bounds = array<i64: 2000, 1>}]} {
    %get3A = arith.constant 0 : index
    %get3A_0 = arith.constant 0 : index
    %get3A_1 = arith.constant 128 : index
    %get3A_2 = vector.load %arg2[%get3A, %get3A_0, %get3A_1] : memref<2x2000x144xf32, #tpu.memory_space<vmem>>, vector<1x2000x1xf32>
    %get3A_3 = vector.shape_cast %get3A_2 : vector<1x2000x1xf32> to vector<2000x1xf32>
    %get3A_4 = arith.constant 1 : index
    %get3A_5 = arith.constant 0 : index
    %get3A_6 = arith.constant 128 : index
    %get3A_7 = vector.load %arg2[%get3A_4, %get3A_5, %get3A_6] : memref<2x2000x144xf32, #tpu.memory_space<vmem>>, vector<1x2000x1xf32>
    %get3A_8 = vector.shape_cast %get3A_7 : vector<1x2000x1xf32> to vector<2000x1xf32>
    %add3A = arith.addf %get3A_3, %get3A_8 : vector<2000x1xf32>
    %max3A = arith.constant 1.000000e+00 : f32
    %max3A_9 = vector.broadcast %max3A : f32 to vector<2000x1xf32>
    %max3A_10 = arith.maximumf %add3A, %max3A_9 : vector<2000x1xf32>
    %div3A = arith.constant 1.000000e+00 : f32
    %div3A_11 = vector.broadcast %div3A : f32 to vector<2000x1xf32>
    %div3A_12 = arith.divf %div3A_11, %max3A_10 : vector<2000x1xf32>
    %get3A_13 = arith.constant 0 : index
    %get3A_14 = arith.constant 0 : index
    %get3A_15 = arith.constant 0 : index
    %get3A_16 = vector.load %arg2[%get3A_13, %get3A_14, %get3A_15] : memref<2x2000x144xf32, #tpu.memory_space<vmem>>, vector<1x2000x128xf32>
    %get3A_17 = vector.shape_cast %get3A_16 : vector<1x2000x128xf32> to vector<2000x128xf32>
    %get3A_18 = arith.constant 1 : index
    %get3A_19 = arith.constant 0 : index
    %get3A_20 = arith.constant 0 : index
    %get3A_21 = vector.load %arg2[%get3A_18, %get3A_19, %get3A_20] : memref<2x2000x144xf32, #tpu.memory_space<vmem>>, vector<1x2000x128xf32>
    %get3A_22 = vector.shape_cast %get3A_21 : vector<1x2000x128xf32> to vector<2000x128xf32>
    %add3A_23 = arith.addf %get3A_17, %get3A_22 : vector<2000x128xf32>
    %mul3A = vector.broadcast %div3A_12 : vector<2000x1xf32> to vector<2000x128xf32>
    %mul3A_24 = arith.mulf %add3A_23, %mul3A : vector<2000x128xf32>
    %get3A_25 = arith.constant 0 : index
    %get3A_26 = arith.constant 0 : index
    %get3A_27 = vector.load %arg3[%get3A_25, %get3A_26] : memref<256x128xf32, #tpu.memory_space<vmem>>, vector<256x128xf32>
    %get3A_28 = arith.constant 0 : index
    %get3A_29 = arith.constant 0 : index
    %get3A_30 = vector.load %arg1[%get3A_28, %get3A_29] : memref<2000x128xf32, #tpu.memory_space<vmem>>, vector<2000x128xf32>
    %slice3A = vector.extract_strided_slice %get3A_27 {offsets = [0, 0], sizes = [128, 128], strides = [1, 1]} : vector<256x128xf32> to vector<128x128xf32>
    %dot_general3A = arith.constant dense<0.000000e+00> : vector<2000x128xf32>
    %dot_general3A_31 = tpu.matmul %get3A_30, %slice3A, %dot_general3A {dimension_numbers = #tpu.dot_dimension_numbers<[1], [0], [0], [1], [0, 0, 1, 1], [], []>, transpose_lhs_hint = false} : vector<2000x128xf32>, vector<128x128xf32>, vector<2000x128xf32> -> vector<2000x128xf32>
    %slice3A_32 = vector.extract_strided_slice %get3A_27 {offsets = [128, 0], sizes = [128, 128], strides = [1, 1]} : vector<256x128xf32> to vector<128x128xf32>
    %dot_general3A_33 = arith.constant dense<0.000000e+00> : vector<2000x128xf32>
    %dot_general3A_34 = tpu.matmul %mul3A_24, %slice3A_32, %dot_general3A_33 {dimension_numbers = #tpu.dot_dimension_numbers<[1], [0], [0], [1], [0, 0, 1, 1], [], []>, transpose_lhs_hint = false} : vector<2000x128xf32>, vector<128x128xf32>, vector<2000x128xf32> -> vector<2000x128xf32>
    %add3A_35 = arith.addf %dot_general3A_31, %dot_general3A_34 : vector<2000x128xf32>
    %get3A_36 = arith.constant 0 : index
    %get3A_37 = arith.constant 0 : index
    %get3A_38 = vector.load %arg4[%get3A_36, %get3A_37] : memref<1x128xf32, #tpu.memory_space<vmem>>, vector<1x128xf32>
    %add3A_39 = vector.broadcast %get3A_38 : vector<1x128xf32> to vector<2000x128xf32>
    %add3A_40 = arith.addf %add3A_35, %add3A_39 : vector<2000x128xf32>
    %mul3A_41 = arith.constant 5.000000e-01 : f32
    %mul3A_42 = vector.broadcast %mul3A_41 : f32 to vector<2000x128xf32>
    %mul3A_43 = arith.mulf %mul3A_42, %add3A_40 : vector<2000x128xf32>
    %mul3A_44 = arith.constant 0.707106769 : f32
    %mul3A_45 = vector.broadcast %mul3A_44 : f32 to vector<2000x128xf32>
    %mul3A_46 = arith.mulf %add3A_40, %mul3A_45 : vector<2000x128xf32>
    %erf3A = math.erf %mul3A_46 : vector<2000x128xf32>
    %add3A_47 = arith.constant 1.000000e+00 : f32
    %add3A_48 = vector.broadcast %add3A_47 : f32 to vector<2000x128xf32>
    %add3A_49 = arith.addf %add3A_48, %erf3A : vector<2000x128xf32>
    %mul3A_50 = arith.mulf %mul3A_43, %add3A_49 : vector<2000x128xf32>
    %get3A_51 = arith.constant 0 : index
    %get3A_52 = arith.constant 0 : index
    %get3A_53 = vector.load %arg5[%get3A_51, %get3A_52] : memref<1x128xf32, #tpu.memory_space<vmem>>, vector<1x128xf32>
    %get3A_54 = arith.constant 0 : index
    %get3A_55 = arith.constant 0 : index
    %get3A_56 = vector.load %arg6[%get3A_54, %get3A_55] : memref<1x128xf32, #tpu.memory_space<vmem>>, vector<1x128xf32>
    %reduce_sum3A = arith.constant dense<0.000000e+00> : vector<2000xf32>
    %reduce_sum3A_57 = vector.multi_reduction <add>, %mul3A_50, %reduce_sum3A [1] : vector<2000x128xf32> to vector<2000xf32>
    %broadcast_in_dim3A = vector.shape_cast %reduce_sum3A_57 : vector<2000xf32> to vector<2000x1xf32>
    %div3A_58 = arith.constant 1.280000e+02 : f32
    %div3A_59 = vector.broadcast %div3A_58 : f32 to vector<2000x1xf32>
    %div3A_60 = arith.divf %broadcast_in_dim3A, %div3A_59 : vector<2000x1xf32>
    %sub3A = vector.broadcast %div3A_60 : vector<2000x1xf32> to vector<2000x128xf32>
    %sub3A_61 = arith.subf %mul3A_50, %sub3A : vector<2000x128xf32>
    %mul3A_62 = arith.mulf %sub3A_61, %sub3A_61 : vector<2000x128xf32>
    %reduce_sum3A_63 = arith.constant dense<0.000000e+00> : vector<2000xf32>
    %reduce_sum3A_64 = vector.multi_reduction <add>, %mul3A_62, %reduce_sum3A_63 [1] : vector<2000x128xf32> to vector<2000xf32>
    %broadcast_in_dim3A_65 = vector.shape_cast %reduce_sum3A_64 : vector<2000xf32> to vector<2000x1xf32>
    %div3A_66 = arith.constant 1.280000e+02 : f32
    %div3A_67 = vector.broadcast %div3A_66 : f32 to vector<2000x1xf32>
    %div3A_68 = arith.divf %broadcast_in_dim3A_65, %div3A_67 : vector<2000x1xf32>
    %add3A_69 = arith.constant 9.99999974E-6 : f32
    %add3A_70 = vector.broadcast %add3A_69 : f32 to vector<2000x1xf32>
    %add3A_71 = arith.addf %div3A_68, %add3A_70 : vector<2000x1xf32>
    %rsqrt3A = math.rsqrt %add3A_71 : vector<2000x1xf32>
    %mul3A_72 = vector.broadcast %rsqrt3A : vector<2000x1xf32> to vector<2000x128xf32>
    %mul3A_73 = arith.mulf %sub3A_61, %mul3A_72 : vector<2000x128xf32>
    %mul3A_74 = vector.broadcast %get3A_53 : vector<1x128xf32> to vector<2000x128xf32>
    %mul3A_75 = arith.mulf %mul3A_73, %mul3A_74 : vector<2000x128xf32>
    %add3A_76 = vector.broadcast %get3A_56 : vector<1x128xf32> to vector<2000x128xf32>
    %add3A_77 = arith.addf %mul3A_75, %add3A_76 : vector<2000x128xf32>
    %swap3A = arith.constant 0 : index
    %swap3A_78 = arith.constant 0 : index
    %swap3A_79 = vector.load %arg7[%swap3A, %swap3A_78] : memref<2000x128xf32, #tpu.memory_space<vmem>>, vector<2000x128xf32>
    tpu.vector_store %arg7[%swap3A, %swap3A_78], %add3A_77 {strides = array<i32>} : memref<2000x128xf32, #tpu.memory_space<vmem>>, vector<2000x128xf32>,
    %swap3A_80 = arith.constant 0 : index
    %swap3A_81 = arith.constant 0 : index
    %swap3A_82 = vector.load %arg8[%swap3A_80, %swap3A_81] : memref<2000x1xf32, #tpu.memory_space<vmem>>, vector<2000x1xf32>
    tpu.vector_store %arg8[%swap3A_80, %swap3A_81], %div3A_12 {strides = array<i32>} : memref<2000x1xf32, #tpu.memory_space<vmem>>, vector<2000x1xf32>,
    return
  }
  func.func @transform_0(%arg0: i32) -> (i32, i32) {
    %c0_i32 = arith.constant 0 : i32
    %c0_i32_0 = arith.constant 0 : i32
    return %arg0, %c0_i32 : i32, i32
  }
  func.func @transform_1(%arg0: i32) -> (i32, i32, i32) {
    %c0_i32 = arith.constant 0 : i32
    %c0_i32_0 = arith.constant 0 : i32
    %c0_i32_1 = arith.constant 0 : i32
    return %c0_i32, %arg0, %c0_i32_0 : i32, i32, i32
  }
  func.func @transform_2(%arg0: i32) -> (i32, i32) {
    %c0_i32 = arith.constant 0 : i32
    %c0_i32_0 = arith.constant 0 : i32
    %c0_i32_1 = arith.constant 0 : i32
    return %c0_i32, %c0_i32_0 : i32, i32
  }
  func.func @transform_3(%arg0: i32) -> (i32, i32) {
    %c0_i32 = arith.constant 0 : i32
    %c0_i32_0 = arith.constant 0 : i32
    %c0_i32_1 = arith.constant 0 : i32
    return %c0_i32, %c0_i32_0 : i32, i32
  }
  func.func @transform_4(%arg0: i32) -> (i32, i32) {
    %c0_i32 = arith.constant 0 : i32
    %c0_i32_0 = arith.constant 0 : i32
    %c0_i32_1 = arith.constant 0 : i32
    return %c0_i32, %c0_i32_0 : i32, i32
  }
  func.func @transform_5(%arg0: i32) -> (i32, i32) {
    %c0_i32 = arith.constant 0 : i32
    %c0_i32_0 = arith.constant 0 : i32
    %c0_i32_1 = arith.constant 0 : i32
    return %c0_i32, %c0_i32_0 : i32, i32
  }
  func.func @transform_6(%arg0: i32) -> (i32, i32) {
    %c0_i32 = arith.constant 0 : i32
    %c0_i32_0 = arith.constant 0 : i32
    return %arg0, %c0_i32 : i32, i32
  }
  func.func @transform_7(%arg0: i32) -> (i32, i32) {
    %c0_i32 = arith.constant 0 : i32
    %c0_i32_0 = arith.constant 0 : i32
    return %arg0, %c0_i32 : i32, i32
  }
}

module attributes {stable_mosaic.version = 14 : i64} {
  func.func @body(%arg0: i32, %arg1: memref<2000x128xf32, #tpu.memory_space<vmem>>, %arg2: memref<2x2000x128xf32, #tpu.memory_space<vmem>>, %arg3: memref<2000x1xf32, #tpu.memory_space<vmem>>, %arg4: memref<256x128xf32, #tpu.memory_space<vmem>>, %arg5: memref<1x128xf32, #tpu.memory_space<vmem>>, %arg6: memref<1x128xf32, #tpu.memory_space<vmem>>, %arg7: memref<1x128xf32, #tpu.memory_space<vmem>>, %arg8: memref<1x256xf32, #tpu.memory_space<vmem>>, %arg9: memref<1x1xf32, #tpu.memory_space<vmem>>, %arg10: memref<2000x16xf32, #tpu.memory_space<vmem>>, %arg11: memref<2000x1xf32, #tpu.memory_space<vmem>>) attributes {dimension_semantics = [#tpu.dimension_semantics<arbitrary>], iteration_bounds = array<i64: 5>, scalar_prefetch = 0 : i64, scratch_operands = 0 : i64, tpu.core_type = #tpu.core_type<tc>, window_params = [{transform_indices = @transform_0, window_bounds = array<i64: 2000, 128>}, {transform_indices = @transform_1, window_bounds = array<i64: 2, 2000, 128>}, {transform_indices = @transform_2, window_bounds = array<i64: 2000, 1>}, {pipeline_mode = #tpu.pipeline_mode<synchronous>, transform_indices = @transform_3, window_bounds = array<i64: 256, 128>}, {pipeline_mode = #tpu.pipeline_mode<synchronous>, transform_indices = @transform_4, window_bounds = array<i64: 1, 128>}, {pipeline_mode = #tpu.pipeline_mode<synchronous>, transform_indices = @transform_5, window_bounds = array<i64: 1, 128>}, {pipeline_mode = #tpu.pipeline_mode<synchronous>, transform_indices = @transform_6, window_bounds = array<i64: 1, 128>}, {pipeline_mode = #tpu.pipeline_mode<synchronous>, transform_indices = @transform_7, window_bounds = array<i64: 1, 256>}, {pipeline_mode = #tpu.pipeline_mode<synchronous>, transform_indices = @transform_8, window_bounds = array<i64: 1, 1>}, {transform_indices = @transform_9, window_bounds = array<i64: 2000, 16>}, {transform_indices = @transform_10, window_bounds = array<i64: 2000, 1>}]} {
    %get3A = arith.constant 0 : index
    %get3A_0 = arith.constant 0 : index
    %get3A_1 = arith.constant 0 : index
    %get3A_2 = vector.load %arg2[%get3A, %get3A_0, %get3A_1] : memref<2x2000x128xf32, #tpu.memory_space<vmem>>, vector<1x2000x128xf32>
    %get3A_3 = vector.shape_cast %get3A_2 : vector<1x2000x128xf32> to vector<2000x128xf32>
    %get3A_4 = arith.constant 1 : index
    %get3A_5 = arith.constant 0 : index
    %get3A_6 = arith.constant 0 : index
    %get3A_7 = vector.load %arg2[%get3A_4, %get3A_5, %get3A_6] : memref<2x2000x128xf32, #tpu.memory_space<vmem>>, vector<1x2000x128xf32>
    %get3A_8 = vector.shape_cast %get3A_7 : vector<1x2000x128xf32> to vector<2000x128xf32>
    %add3A = arith.addf %get3A_3, %get3A_8 : vector<2000x128xf32>
    %get3A_9 = arith.constant 0 : index
    %get3A_10 = arith.constant 0 : index
    %get3A_11 = vector.load %arg3[%get3A_9, %get3A_10] : memref<2000x1xf32, #tpu.memory_space<vmem>>, vector<2000x1xf32>
    %mul3A = vector.broadcast %get3A_11 : vector<2000x1xf32> to vector<2000x128xf32>
    %mul3A_12 = arith.mulf %add3A, %mul3A : vector<2000x128xf32>
    %get3A_13 = arith.constant 0 : index
    %get3A_14 = arith.constant 0 : index
    %get3A_15 = vector.load %arg4[%get3A_13, %get3A_14] : memref<256x128xf32, #tpu.memory_space<vmem>>, vector<256x128xf32>
    %get3A_16 = arith.constant 0 : index
    %get3A_17 = arith.constant 0 : index
    %get3A_18 = vector.load %arg1[%get3A_16, %get3A_17] : memref<2000x128xf32, #tpu.memory_space<vmem>>, vector<2000x128xf32>
    %slice3A = vector.extract_strided_slice %get3A_15 {offsets = [0, 0], sizes = [128, 128], strides = [1, 1]} : vector<256x128xf32> to vector<128x128xf32>
    %dot_general3A = arith.constant dense<0.000000e+00> : vector<2000x128xf32>
    %dot_general3A_19 = tpu.matmul %get3A_18, %slice3A, %dot_general3A {dimension_numbers = #tpu.dot_dimension_numbers<[1], [0], [0], [1], [0, 0, 1, 1], [], []>, transpose_lhs_hint = false} : vector<2000x128xf32>, vector<128x128xf32>, vector<2000x128xf32> -> vector<2000x128xf32>
    %slice3A_20 = vector.extract_strided_slice %get3A_15 {offsets = [128, 0], sizes = [128, 128], strides = [1, 1]} : vector<256x128xf32> to vector<128x128xf32>
    %dot_general3A_21 = arith.constant dense<0.000000e+00> : vector<2000x128xf32>
    %dot_general3A_22 = tpu.matmul %mul3A_12, %slice3A_20, %dot_general3A_21 {dimension_numbers = #tpu.dot_dimension_numbers<[1], [0], [0], [1], [0, 0, 1, 1], [], []>, transpose_lhs_hint = false} : vector<2000x128xf32>, vector<128x128xf32>, vector<2000x128xf32> -> vector<2000x128xf32>
    %add3A_23 = arith.addf %dot_general3A_19, %dot_general3A_22 : vector<2000x128xf32>
    %get3A_24 = arith.constant 0 : index
    %get3A_25 = arith.constant 0 : index
    %get3A_26 = vector.load %arg5[%get3A_24, %get3A_25] : memref<1x128xf32, #tpu.memory_space<vmem>>, vector<1x128xf32>
    %add3A_27 = vector.broadcast %get3A_26 : vector<1x128xf32> to vector<2000x128xf32>
    %add3A_28 = arith.addf %add3A_23, %add3A_27 : vector<2000x128xf32>
    %mul3A_29 = arith.constant 5.000000e-01 : f32
    %mul3A_30 = vector.broadcast %mul3A_29 : f32 to vector<2000x128xf32>
    %mul3A_31 = arith.mulf %mul3A_30, %add3A_28 : vector<2000x128xf32>
    %mul3A_32 = arith.constant 0.707106769 : f32
    %mul3A_33 = vector.broadcast %mul3A_32 : f32 to vector<2000x128xf32>
    %mul3A_34 = arith.mulf %add3A_28, %mul3A_33 : vector<2000x128xf32>
    %erf3A = math.erf %mul3A_34 : vector<2000x128xf32>
    %add3A_35 = arith.constant 1.000000e+00 : f32
    %add3A_36 = vector.broadcast %add3A_35 : f32 to vector<2000x128xf32>
    %add3A_37 = arith.addf %add3A_36, %erf3A : vector<2000x128xf32>
    %mul3A_38 = arith.mulf %mul3A_31, %add3A_37 : vector<2000x128xf32>
    %get3A_39 = arith.constant 0 : index
    %get3A_40 = arith.constant 0 : index
    %get3A_41 = vector.load %arg6[%get3A_39, %get3A_40] : memref<1x128xf32, #tpu.memory_space<vmem>>, vector<1x128xf32>
    %get3A_42 = arith.constant 0 : index
    %get3A_43 = arith.constant 0 : index
    %get3A_44 = vector.load %arg7[%get3A_42, %get3A_43] : memref<1x128xf32, #tpu.memory_space<vmem>>, vector<1x128xf32>
    %reduce_sum3A = arith.constant dense<0.000000e+00> : vector<2000xf32>
    %reduce_sum3A_45 = vector.multi_reduction <add>, %mul3A_38, %reduce_sum3A [1] : vector<2000x128xf32> to vector<2000xf32>
    %broadcast_in_dim3A = vector.shape_cast %reduce_sum3A_45 : vector<2000xf32> to vector<2000x1xf32>
    %div3A = arith.constant 1.280000e+02 : f32
    %div3A_46 = vector.broadcast %div3A : f32 to vector<2000x1xf32>
    %div3A_47 = arith.divf %broadcast_in_dim3A, %div3A_46 : vector<2000x1xf32>
    %sub3A = vector.broadcast %div3A_47 : vector<2000x1xf32> to vector<2000x128xf32>
    %sub3A_48 = arith.subf %mul3A_38, %sub3A : vector<2000x128xf32>
    %mul3A_49 = arith.mulf %sub3A_48, %sub3A_48 : vector<2000x128xf32>
    %reduce_sum3A_50 = arith.constant dense<0.000000e+00> : vector<2000xf32>
    %reduce_sum3A_51 = vector.multi_reduction <add>, %mul3A_49, %reduce_sum3A_50 [1] : vector<2000x128xf32> to vector<2000xf32>
    %broadcast_in_dim3A_52 = vector.shape_cast %reduce_sum3A_51 : vector<2000xf32> to vector<2000x1xf32>
    %div3A_53 = arith.constant 1.280000e+02 : f32
    %div3A_54 = vector.broadcast %div3A_53 : f32 to vector<2000x1xf32>
    %div3A_55 = arith.divf %broadcast_in_dim3A_52, %div3A_54 : vector<2000x1xf32>
    %add3A_56 = arith.constant 9.99999974E-6 : f32
    %add3A_57 = vector.broadcast %add3A_56 : f32 to vector<2000x1xf32>
    %add3A_58 = arith.addf %div3A_55, %add3A_57 : vector<2000x1xf32>
    %rsqrt3A = math.rsqrt %add3A_58 : vector<2000x1xf32>
    %mul3A_59 = vector.broadcast %rsqrt3A : vector<2000x1xf32> to vector<2000x128xf32>
    %mul3A_60 = arith.mulf %sub3A_48, %mul3A_59 : vector<2000x128xf32>
    %mul3A_61 = vector.broadcast %get3A_41 : vector<1x128xf32> to vector<2000x128xf32>
    %mul3A_62 = arith.mulf %mul3A_60, %mul3A_61 : vector<2000x128xf32>
    %add3A_63 = vector.broadcast %get3A_44 : vector<1x128xf32> to vector<2000x128xf32>
    %add3A_64 = arith.addf %mul3A_62, %add3A_63 : vector<2000x128xf32>
    %get3A_65 = arith.constant 0 : index
    %get3A_66 = arith.constant 0 : index
    %get3A_67 = vector.load %arg8[%get3A_65, %get3A_66] : memref<1x256xf32, #tpu.memory_space<vmem>>, vector<1x256xf32>
    %slice3A_68 = vector.extract_strided_slice %get3A_67 {offsets = [0, 128], sizes = [1, 128], strides = [1, 1]} : vector<1x256xf32> to vector<1x128xf32>
    %mul3A_69 = vector.broadcast %slice3A_68 : vector<1x128xf32> to vector<2000x128xf32>
    %mul3A_70 = arith.mulf %add3A_64, %mul3A_69 : vector<2000x128xf32>
    %reduce_sum3A_71 = arith.constant dense<0.000000e+00> : vector<2000xf32>
    %reduce_sum3A_72 = vector.multi_reduction <add>, %mul3A_70, %reduce_sum3A_71 [1] : vector<2000x128xf32> to vector<2000xf32>
    %broadcast_in_dim3A_73 = vector.shape_cast %reduce_sum3A_72 : vector<2000xf32> to vector<2000x1xf32>
    %broadcast_in_dim3A_74 = vector.shape_cast %broadcast_in_dim3A_73 : vector<2000x1xf32> to vector<2000x1xf32>
    %broadcast_in_dim3A_75 = vector.broadcast %broadcast_in_dim3A_74 : vector<2000x1xf32> to vector<2000x16xf32>
    %swap3A = arith.constant 0 : index
    %swap3A_76 = arith.constant 0 : index
    %swap3A_77 = vector.load %arg10[%swap3A, %swap3A_76] : memref<2000x16xf32, #tpu.memory_space<vmem>>, vector<2000x16xf32>
    tpu.vector_store %arg10[%swap3A, %swap3A_76], %broadcast_in_dim3A_75 {strides = array<i32>} : memref<2000x16xf32, #tpu.memory_space<vmem>>, vector<2000x16xf32>,
    %slice3A_78 = vector.extract_strided_slice %get3A_67 {offsets = [0, 0], sizes = [1, 128], strides = [1, 1]} : vector<1x256xf32> to vector<1x128xf32>
    %mul3A_79 = vector.broadcast %slice3A_78 : vector<1x128xf32> to vector<2000x128xf32>
    %mul3A_80 = arith.mulf %add3A_64, %mul3A_79 : vector<2000x128xf32>
    %reduce_sum3A_81 = arith.constant dense<0.000000e+00> : vector<2000xf32>
    %reduce_sum3A_82 = vector.multi_reduction <add>, %mul3A_80, %reduce_sum3A_81 [1] : vector<2000x128xf32> to vector<2000xf32>
    %broadcast_in_dim3A_83 = vector.shape_cast %reduce_sum3A_82 : vector<2000xf32> to vector<2000x1xf32>
    %get3A_84 = arith.constant 0 : index
    %get3A_85 = arith.constant 0 : index
    %get3A_86 = vector.load %arg9[%get3A_84, %get3A_85] : memref<1x1xf32, #tpu.memory_space<vmem>>, vector<1x1xf32>
    %add3A_87 = vector.broadcast %get3A_86 : vector<1x1xf32> to vector<2000x1xf32>
    %add3A_88 = arith.addf %broadcast_in_dim3A_83, %add3A_87 : vector<2000x1xf32>
    %swap3A_89 = arith.constant 0 : index
    %swap3A_90 = arith.constant 0 : index
    %swap3A_91 = vector.load %arg11[%swap3A_89, %swap3A_90] : memref<2000x1xf32, #tpu.memory_space<vmem>>, vector<2000x1xf32>
    tpu.vector_store %arg11[%swap3A_89, %swap3A_90], %add3A_88 {strides = array<i32>} : memref<2000x1xf32, #tpu.memory_space<vmem>>, vector<2000x1xf32>,
    return
  }
  func.func @transform_0(%arg0: i32) -> (i32, i32) {
    %c0_i32 = arith.constant 0 : i32
    %c0_i32_0 = arith.constant 0 : i32
    return %arg0, %c0_i32 : i32, i32
  }
  func.func @transform_1(%arg0: i32) -> (i32, i32, i32) {
    %c0_i32 = arith.constant 0 : i32
    %c0_i32_0 = arith.constant 0 : i32
    %c0_i32_1 = arith.constant 0 : i32
    return %c0_i32, %arg0, %c0_i32_0 : i32, i32, i32
  }
  func.func @transform_2(%arg0: i32) -> (i32, i32) {
    %c0_i32 = arith.constant 0 : i32
    %c0_i32_0 = arith.constant 0 : i32
    return %arg0, %c0_i32 : i32, i32
  }
  func.func @transform_3(%arg0: i32) -> (i32, i32) {
    %c0_i32 = arith.constant 0 : i32
    %c0_i32_0 = arith.constant 0 : i32
    %c0_i32_1 = arith.constant 0 : i32
    return %c0_i32, %c0_i32_0 : i32, i32
  }
  func.func @transform_4(%arg0: i32) -> (i32, i32) {
    %c0_i32 = arith.constant 0 : i32
    %c0_i32_0 = arith.constant 0 : i32
    %c0_i32_1 = arith.constant 0 : i32
    return %c0_i32, %c0_i32_0 : i32, i32
  }
  func.func @transform_5(%arg0: i32) -> (i32, i32) {
    %c0_i32 = arith.constant 0 : i32
    %c0_i32_0 = arith.constant 0 : i32
    %c0_i32_1 = arith.constant 0 : i32
    return %c0_i32, %c0_i32_0 : i32, i32
  }
  func.func @transform_6(%arg0: i32) -> (i32, i32) {
    %c0_i32 = arith.constant 0 : i32
    %c0_i32_0 = arith.constant 0 : i32
    %c0_i32_1 = arith.constant 0 : i32
    return %c0_i32, %c0_i32_0 : i32, i32
  }
  func.func @transform_7(%arg0: i32) -> (i32, i32) {
    %c0_i32 = arith.constant 0 : i32
    %c0_i32_0 = arith.constant 0 : i32
    %c0_i32_1 = arith.constant 0 : i32
    return %c0_i32, %c0_i32_0 : i32, i32
  }
  func.func @transform_8(%arg0: i32) -> (i32, i32) {
    %c0_i32 = arith.constant 0 : i32
    %c0_i32_0 = arith.constant 0 : i32
    %c0_i32_1 = arith.constant 0 : i32
    return %c0_i32, %c0_i32_0 : i32, i32
  }
  func.func @transform_9(%arg0: i32) -> (i32, i32) {
    %c0_i32 = arith.constant 0 : i32
    %c0_i32_0 = arith.constant 0 : i32
    return %arg0, %c0_i32 : i32, i32
  }
  func.func @transform_10(%arg0: i32) -> (i32, i32) {
    %c0_i32 = arith.constant 0 : i32
    %c0_i32_0 = arith.constant 0 : i32
    return %arg0, %c0_i32 : i32, i32
  }
}

module attributes {stable_mosaic.version = 14 : i64} {
  func.func @body(%arg0: i32, %arg1: memref<2000x1xf32, #tpu.memory_space<vmem>>, %arg2: memref<2x2000x16xf32, #tpu.memory_space<vmem>>, %arg3: memref<2000x1xf32, #tpu.memory_space<vmem>>, %arg4: memref<2000x1xf32, #tpu.memory_space<vmem>>) attributes {dimension_semantics = [#tpu.dimension_semantics<arbitrary>], iteration_bounds = array<i64: 5>, scalar_prefetch = 0 : i64, scratch_operands = 0 : i64, tpu.core_type = #tpu.core_type<tc>, window_params = [{transform_indices = @transform_0, window_bounds = array<i64: 2000, 1>}, {transform_indices = @transform_1, window_bounds = array<i64: 2, 2000, 16>}, {transform_indices = @transform_2, window_bounds = array<i64: 2000, 1>}, {transform_indices = @transform_3, window_bounds = array<i64: 2000, 1>}]} {
    %get3A = arith.constant 0 : index
    %get3A_0 = arith.constant 0 : index
    %get3A_1 = arith.constant 0 : index
    %get3A_2 = vector.load %arg2[%get3A, %get3A_0, %get3A_1] : memref<2x2000x16xf32, #tpu.memory_space<vmem>>, vector<1x2000x1xf32>
    %get3A_3 = vector.shape_cast %get3A_2 : vector<1x2000x1xf32> to vector<2000x1xf32>
    %get3A_4 = arith.constant 1 : index
    %get3A_5 = arith.constant 0 : index
    %get3A_6 = arith.constant 0 : index
    %get3A_7 = vector.load %arg2[%get3A_4, %get3A_5, %get3A_6] : memref<2x2000x16xf32, #tpu.memory_space<vmem>>, vector<1x2000x1xf32>
    %get3A_8 = vector.shape_cast %get3A_7 : vector<1x2000x1xf32> to vector<2000x1xf32>
    %add3A = arith.addf %get3A_3, %get3A_8 : vector<2000x1xf32>
    %get3A_9 = arith.constant 0 : index
    %get3A_10 = arith.constant 0 : index
    %get3A_11 = vector.load %arg1[%get3A_9, %get3A_10] : memref<2000x1xf32, #tpu.memory_space<vmem>>, vector<2000x1xf32>
    %get3A_12 = arith.constant 0 : index
    %get3A_13 = arith.constant 0 : index
    %get3A_14 = vector.load %arg3[%get3A_12, %get3A_13] : memref<2000x1xf32, #tpu.memory_space<vmem>>, vector<2000x1xf32>
    %mul3A = arith.mulf %add3A, %get3A_14 : vector<2000x1xf32>
    %add3A_15 = arith.addf %get3A_11, %mul3A : vector<2000x1xf32>
    %swap3A = arith.constant 0 : index
    %swap3A_16 = arith.constant 0 : index
    %swap3A_17 = vector.load %arg4[%swap3A, %swap3A_16] : memref<2000x1xf32, #tpu.memory_space<vmem>>, vector<2000x1xf32>
    tpu.vector_store %arg4[%swap3A, %swap3A_16], %add3A_15 {strides = array<i32>} : memref<2000x1xf32, #tpu.memory_space<vmem>>, vector<2000x1xf32>,
    return
  }
  func.func @transform_0(%arg0: i32) -> (i32, i32) {
    %c0_i32 = arith.constant 0 : i32
    %c0_i32_0 = arith.constant 0 : i32
    return %arg0, %c0_i32 : i32, i32
  }
  func.func @transform_1(%arg0: i32) -> (i32, i32, i32) {
    %c0_i32 = arith.constant 0 : i32
    %c0_i32_0 = arith.constant 0 : i32
    %c0_i32_1 = arith.constant 0 : i32
    return %c0_i32, %arg0, %c0_i32_0 : i32, i32, i32
  }
  func.func @transform_2(%arg0: i32) -> (i32, i32) {
    %c0_i32 = arith.constant 0 : i32
    %c0_i32_0 = arith.constant 0 : i32
    return %arg0, %c0_i32 : i32, i32
  }
  func.func @transform_3(%arg0: i32) -> (i32, i32) {
    %c0_i32 = arith.constant 0 : i32
    %c0_i32_0 = arith.constant 0 : i32
    return %arg0, %c0_i32 : i32, i32
  }
}

</mosaic_0001>

<sc_bundles>
// kernel: kernel.11.cloned.1.call-start
scs
__scs_entry_jumppad:
0x0: {  	(pc) =	sbr.rel $0x88, $3  }
0x1: {  	(tag) =	ssettag $0x0;
	lr =	simm.s32 $0x1  }
0x2: {  	[smem:$0x3F95] =	sst lr;
	_ =	strace $0xD0000000  }
0x3: {  	_ = 	snop  }
0x4: {  	_ = 	snop  }
0x5: {  	_ = 	snop  }
0x6: {  	_ = 	snop  }
0x7: {  	_ = 	snop  }
__scs_overlays_trampoline_lowered:
0x8: {  	[smem:$0x3FA4] =	sst s0  }
0x9: {  	[smem:$0x3FA5] =	sst s1  }
0xa: {  	[smem:$0x3FA6] =	sst s2  }
0xb: {  	[smem:$0x3FA7] =	sst s3  }
0xc: {  	[smem:$0x3FA8] =	sst s4  }
0xd: {  	[smem:$0x3FA9] =	sst s5  }
0xe: {  	[smem:$0x3FAA] =	sst s6  }
0xf: {  	[smem:$0x3FAB] =	sst s7  }
0x10: {  	[smem:$0x3FAC] =	sst s8  }
0x11: {  	[smem:$0x3FAD] =	sst s9;
	s0 =	simm.s32 @!p0 $0x0  }
0x12: {  	s1 =	sld [smem:$0x3F93];
	s0 =	simm.s32 @p0 $0x1  }
0x13: {  	[smem:$0x3FAE] =	sst s0;
	s0 =	simm.s32 @!p1 $0x0  }
0x14: {  	s2 =	sld [smem:$0x3F92];
	s0 =	simm.s32 @p1 $0x1  }
0x15: {  	[smem:$0x3FAF] =	sst s0;
	s0 =	simm.s32 @!p2 $0x0  }
0x16: {  	s3 =	sld [smem:$0x3FDB];
	s0 =	simm.s32 @p2 $0x1  }
0x17: {  	s4 =	simm.s32 $0x1BF5;
	[smem:$0x3FB1] =	sst s0  }
0x18: {  	s0 =	sld [smem:$0x3F94];
	_ =	swait.ge [sflag:s4], $0x0  }
0x19: {  	s7 =	sld [smem:$0x3F95]  }
0x1a: {  	s8 =	sadd.s32 $0xFFFFE003, lr  }
0x1b: {  	s9 =	sadd.s32 $0xFFFFFEF7, lr;
	s5 =	simm.s32 $0xFFFFFFFF;
	p2 =	slt.u32 s8, $0xFFFFF086  }
0x1c: {  	p1 =	slt.u32 s9, $0xF7A;
	s5 =	simm.s32 @!p2 $0x0  }
0x1d: {  	s5 =	simm.s32 @p1 $0x1;
	p0 =	seq.s32 s7, s2  }
0x1e: {  	s7 =	smul.u32 @!p0 $0xF7A, s2;
	p2 =	seq.s32 @!p0 s5, $0x0  }
0x1f: {  	s9 =	smul.u32 $0xF7A, s1;
	s8 =	simm.s32 @!p0 $0x1BF5;
	p2 =	por !p2, p0  }
0x20: {  	[sflag:s8] =	ssyncset.s32 @!p0 $0xFFFFF086;
	s6 =	sadd.s32 @!p0 s3, s7;
	s7 =	simm.s32 @!p0 $0x108  }
0x21: {  	s3 =	sadd.s32 s3, s9;
	s6 =	sadd.s32 @!p0 $0x88, s6;
	s7 =	simm.s32 @p2 $0x1082  }
0x22: {  	[simem:s7], [sflag:s8] =	dma.local @!p0 [hbm:s6], $0xF7A  }
0x23: {  	s9 =	sor.u32 $0xD0000000, s2;
	s6 =	simm.s32 $0x108;
	_ =	swait.ge @!p0 [sflag:s8], $0x0  }
0x24: {  	s3 =	sadd.s32 $0x88, s3;
	s6 =	simm.s32 @!p1 $0x1082;
	[sflag:s4] =	ssyncset.s32 $0xFFFFF086  }
0x25: {  	[simem:s6], [sflag:s4] =	dma.local [hbm:s3], $0xF7A  }
0x26: {  	[smem:$0x3F95] =	sst s1;
	(tag) =	ssettag s2;
	_ =	strace s9  }
0x27: {  	s1 =	sld [smem:$0x3FA5]  }
0x28: {  	s2 =	sld [smem:$0x3FA6]  }
0x29: {  	s4 =	sld [smem:$0x3FA8]  }
0x2a: {  	p0 =	seq.s32 s5, $0x0;
	s5 =	sld [smem:$0x3FA9]  }
0x2b: {  	s6 =	sld [smem:$0x3FAA]  }
0x2c: {  	s7 =	sld [smem:$0x3FAB]  }
0x2d: {  	s3 =	simm.s32 $0x108;
	s8 =	sld [smem:$0x3FAC]  }
0x2e: {  	s3 =	simm.s32 @!p0 $0x1082;
	s9 =	sld [smem:$0x3FAD]  }
0x2f: {  	lr =	sadd.s32 s0, s3;
	s0 =	sld [smem:$0x3FA4]  }
0x30: {  	s3 =	sld [smem:$0x3FA7]  }
0x31: {  	[smem:$0x3FB0] =	sst s10  }
0x32: {  	s10 =	sld [smem:$0x3FAE];
	_ =	sdelay $0x3  }
0x33: {  	p0 =	seq.s32 s10, $0x1;
	s10 =	sld [smem:$0x3FB0];
	_ =	sdelay $0x3  }
0x34: {  	[smem:$0x3FB0] =	sst s10  }
0x35: {  	s10 =	sld [smem:$0x3FAF];
	_ =	sdelay $0x3  }
0x36: {  	p1 =	seq.s32 s10, $0x1;
	s10 =	sld [smem:$0x3FB0];
	_ =	sdelay $0x3  }
0x37: {  	[smem:$0x3FB0] =	sst s10  }
0x38: {  	s10 =	sld [smem:$0x3FB1]  }
0x39: {  	_ = 	snop;
	(pc) =	sbr.ind lr, $3  }
0x3a: {  	_ = 	snop  }
0x3b: {  	_ = 	snop  }
0x3c: {  	p2 =	seq.s32 s10, $0x1;
	s10 =	sld [smem:$0x3FB0]  }
0x3d: {  	_ =	shalt  }
0x3e: {  	_ =	shalt  }
0x3f: {  	_ =	shalt  }
0x40: {  	_ =	shalt  }
0x41: {  	_ =	shalt  }
0x42: {  	_ =	shalt  }
0x43: {  	_ =	shalt  }
0x44: {  	_ =	shalt  }
0x45: {  	_ =	shalt  }
0x46: {  	_ =	shalt  }
0x47: {  	_ =	shalt  }
0x48: {  	_ =	shalt  }
0x49: {  	_ =	shalt  }
0x4a: {  	_ =	shalt  }
0x4b: {  	_ =	shalt  }
0x4c: {  	_ =	shalt  }
0x4d: {  	_ =	shalt  }
0x4e: {  	_ =	shalt  }
0x4f: {  	_ =	shalt  }
0x50: {  	_ =	shalt  }
0x51: {  	_ =	shalt  }
0x52: {  	_ =	shalt  }
0x53: {  	_ =	shalt  }
0x54: {  	_ =	shalt  }
0x55: {  	_ =	shalt  }
0x56: {  	_ =	shalt  }
0x57: {  	_ =	shalt  }
0x58: {  	_ =	shalt  }
0x59: {  	_ =	shalt  }
0x5a: {  	_ =	shalt  }
0x5b: {  	_ =	shalt  }
0x5c: {  	_ =	shalt  }
0x5d: {  	_ =	shalt  }
0x5e: {  	_ =	shalt  }
0x5f: {  	_ =	shalt  }
0x60: {  	_ =	shalt  }
0x61: {  	_ =	shalt  }
0x62: {  	_ =	shalt  }
0x63: {  	_ =	shalt  }
0x64: {  	_ =	shalt  }
0x65: {  	_ =	shalt  }
0x66: {  	_ =	shalt  }
0x67: {  	_ =	shalt  }
0x68: {  	_ =	shalt  }
0x69: {  	_ =	shalt  }
0x6a: {  	_ =	shalt  }
0x6b: {  	_ =	shalt  }
0x6c: {  	_ =	shalt  }
0x6d: {  	_ =	shalt  }
0x6e: {  	_ =	shalt  }
0x6f: {  	_ =	shalt  }
0x70: {  	_ =	shalt  }
0x71: {  	_ =	shalt  }
0x72: {  	_ =	shalt  }
0x73: {  	_ =	shalt  }
0x74: {  	_ =	shalt  }
0x75: {  	_ =	shalt  }
0x76: {  	_ =	shalt  }
0x77: {  	_ =	shalt  }
0x78: {  	_ =	shalt  }
0x79: {  	_ =	shalt  }
0x7a: {  	_ =	shalt  }
0x7b: {  	_ =	shalt  }
0x7c: {  	_ =	shalt  }
0x7d: {  	_ =	shalt  }
0x7e: {  	_ =	shalt  }
0x7f: {  	_ =	shalt  }
0x80: {  	_ =	shalt  }
0x81: {  	_ =	shalt  }
0x82: {  	_ =	shalt  }
0x83: {  	_ =	shalt  }
0x84: {  	_ =	shalt  }
0x85: {  	_ =	shalt  }
0x86: {  	_ =	shalt  }
0x87: {  	_ =	shalt  }
.Lfunc_end0:
.L_simem_size_0:
called_computation.1_lowered:
.L_overlay_start_0:
0x88: {  	s2 =	sld [smem:$0x3FD9]  }
0x89: {  	s3 =	sld [smem:$0x3FFE];
	_ =	sdelay $0x1  }
0x8a: {  	s1 =	srdreg.scid  }
0x8b: {  	s0 =	sand.u32 $0x1, s1  }
0x8c: {  	s16 =	sshll.u32 s0, $0xA;
	s2 =	sadd.s32 s3, s2  }
0x8d: {  	s2 =	sadd.s32 s2, s16  }
0x8e: {  	[smem:$0x3FBC] =	sst s2  }
0x8f: {  	_ = 	snop  }
0x90: {  	(tm) =	ssettm $0x1  }
0x91: {  	s17 =	sld [smem:$0x3FFB];
	_ =	sdelay $0x3  }
0x92: {  	_ =	strace s17  }
0x93: {  	s2 =	sld [smem:$0x3FFC];
	_ =	sdelay $0x3  }
0x94: {  	_ =	strace s2  }
0x95: {  	s2 =	sld [smem:$0x3FFD];
	_ =	sdelay $0x3  }
0x96: {  	_ =	strace s2  }
0x97: {  	_ =	strace $0x8FFFFFFF  }
0x98: {  	s18 =	sld [smem:$0x3FDB];
	_ =	sdelay $0x1  }
0x99: {  	s19 =	simm.s32 $_scs_section_size  }
0x9a: {  	s4 =	simm.s32 $_size__tile_overlayer_lowered;
	s5 =	simm.s32 $_tile_overlayer_lowered  }
0x9b: {  	s22 =	simm.s32 $0x1BFF;
	s21 =	sshll.u32 s5, $0x1;
	s2 =	sadd.s32 s19, s18  }
0x9c: {  	s6 =	simm.s32 $0x0;
	s20 =	sshll.u32 s4, $0x1;
	s4 =	sadd.s32 s21, s2  }
0x9d: {  	[timem:s6], [sflag:s22] =	dma.local [hbm:s4], s20  }
0x9e: {  	_ =	swait.ge [sflag:s22], s20  }
0x9f: {  	s3 =	ssub.s32 $0x0, s20;
	[sflag:s22] =	ssyncset.done $0x0  }
0xa0: {  	[sflag:s22] =	ssyncadd.s32 s3;
	_ =	sdelay $0x1  }
0xa1: {  	s23 =	simm.s32 $0x1B8B  }
0xa2: {  	_ =	swait.ge [sflag:s23], $0x1  }
0xa3: {  	[sflag:s23] =	ssyncset.done $0x0  }
0xa4: {  	s25 =	simm.s32 $0x1B8E;
	s24 =	sld [smem:$0x3FFE];
	[sflag:s23] =	ssyncadd.s32 $0xFFFFFFFF  }
0xa5: {  	s26 =	simm.s32 $execute0_lowered;
	[smem:$0x3FD2] =	sst s25  }
0xa6: {  	s4 =	sshll.u32 s26, $0x1;
	_ =	strace $0x80000049;
	[dreg:$0x1] =	wrdreg $0xFFFFFFFF  }
0xa7: {  	s28 =	simm.s32 $_size_execute0_lowered;
	s2 =	sadd.s32 s2, s4;
	[dreg:$0x0] =	wrdreg $0x0  }
0xa8: {  	s4 =	sshll.u32 s28, $0x1;
	[dreg:$0x2] =	wrdreg s2  }
0xa9: {  	[dreg:$0x3] =	wrdreg s4  }
0xaa: {  	[dreg:$0x4] =	wrdreg $0xC0  }
0xab: {  	_ =	task [dreg:s6], $0x5FFFF  }
0xac: {  	[dreg:$0x1] =	wrdreg $0xFFFFFFFF  }
0xad: {  	[dreg:$0x0] =	wrdreg $0x60  }
0xae: {  	[dreg:$0x2] =	wrdreg s24  }
0xaf: {  	[dreg:$0x3] =	wrdreg $0x88000  }
0xb0: {  	[dreg:$0x4] =	wrdreg $0x9  }
0xb1: {  	_ =	task.clear_ibuf [dreg:s6], $0x5FFFF;
	_ =	strace $0x90000049  }
0xb2: {  	s29 =	simm.s32 $0x9;
	_ =	strace $0x8000004B  }
0xb3: {  	_ =	swait.ge [sflag:s29], $0x1  }
0xb4: {  	[sflag:s29] =	ssyncadd.s32 $0xFFFFFFFF  }
0xb5: {  	_ =	strace $0x9000004B  }
0xb6: {  	_ =	sfence  }
0xb7: {  	s30 =	sld [smem:$0x0];
	_ =	sdelay $0x2  }
0xb8: {  	s31 =	sshll.u32 s1, $0xD;
	s1 =	sshrl.u32 s1, $0x2  }
0xb9: {  	s3 =	sand.u32 $0x4000, s31;
	s1 =	sadd.s32 s1, s30  }
0xba: {  	s0 =	sor.u32 s3, s0;
	s1 =	sshll.u32 s1, $0x11  }
0xbb: {  	s0 =	sor.u32 s1, s0  }
0xbc: {  	s0 =	sadd.s32 $0x8F2B, s0  }
0xbd: {  	[sflag:s0] =	ssyncadd.remote.s32 $0x1  }
0xbe: {  	_ =	sfence.sel $0xFFFF  }
0xbf: {  	[dreg:$0x0] =	wrdreg $0xFFFFFFFF;
	(pc) =	sbr.abs _section_cstart, $3  }
0xc0: {  	[dreg:$0x1] =	wrdreg $0xFFFFFFFF  }
0xc1: {  	_ =	task.clear_ibuf [dreg:s6], $0x2FFFF;
	_ =	strace $0x9FFFFFFF  }
0xc2: {  	(tm) =	ssettm $0x7FFFFFFF  }
0xc3: {  	_ =	shalt  }
tec
execute0_lowered:
.L_overlay_start_1:
0x0: {  	(tag) =	ssettag $0x1  }
0x1: {  	s0 =	rddreg [dreg:$0x0]  }
0x2: {  	s2 =	rddreg [dreg:$0x1]  }
0x3: {  	s8 =	stileid.u32;
	s1 =	srdreg.scid  }
0x4: {  	s3 =	simm.s32 $0x0;
	s28 =	simm.s32 $0x180;
	s4 =	smul.u32 $0x5, s8  }
0x5: {  	s29 =	simm.s32 $0x500;
	s30 =	simm.s32 $0x580;
	s5 =	smul.u32 $0xF, s8  }
0x6: {  	s31 =	simm.s32 $0x200;
	s1 =	sand.u32 $0x1, s1;
	s15 =	smul.u32 $0x4F000, s8  }
0x7: {  	[smem:$0x7FF] =	sst s3;
	s10 =	smul.u32 $0x13C00, s8;
	p0 =	seq.s32 s1, $0x0  }
0x8: {  	_ =	strace $0x8000004A;
	s7 =	ssub.s32 $0x2, s1;
	s1 =	smul.u32 $0x13C000, s1  }
0x9: {  	s6 =	sadd.s32 $0xF0, s4;
	s4 =	sadd.s32 $0x2800, s0;
	s16 =	sshrl.u32 s7, $0x1  }
0xa: {  	s17 =	sadd.s32 $0x4000, s10;
	s11 =	sadd.s32 $0x8000, s10;
	s12 =	sadd.s32 $0xC000, s10  }
0xb: {  	s13 =	sadd.s32 $0x10000, s10;
	s6 =	smov.u32 @p0 s5;
	s7 =	ssub.s32 s7, s16  }
0xc: {  	s19 =	sadd.s32 s17, s2;
	s20 =	sadd.s32 s11, s2;
	s21 =	sadd.s32 s12, s2  }
0xd: {  	s9 =	sadd.s32 s13, s2;
	s14 =	sadd.s32 s10, s1;
	s10 =	simm.s32 $0xF  }
0xe: {  	s23 =	sadd.s32 s1, s11;
	s24 =	sadd.s32 s1, s12;
	[dreg:$0x3] =	wrdreg s19  }
0xf: {  	s12 =	simm.s32 $0x300;
	s16 =	simm.s32 $0x0;
	[dreg:$0x4] =	wrdreg s20  }
0x10: {  	s5 =	sshll.u32 s6, $0x7;
	s6 =	sshrl.u32 s15, $0x2;
	[dreg:$0x5] =	wrdreg s21  }
0x11: {  	s14 =	sshrl.u32 s14, $0x3;
	s10 =	simm.s32 @!p0 $0x5;
	s11 =	sshrl.u32 s24, $0x3  }
0x12: {  	s26 =	smax.u32 s7, $0x1;
	s19 =	simm.s32 $0x800;
	s20 =	simm.s32 $0x2  }
0x13: {  	s21 =	simm.s32 $0x400;
	s24 =	simm.s32 $0x1;
	s15 =	simm.s32 $0x780  }
0x14: {  	s5 =	sadd.s32 s5, s0;
	s0 =	sadd.s32 $0x56800, s0;
	s18 =	sadd.s32 s6, s2  }
0x15: {  	s6 =	sadd.s32 s1, s17;
	s1 =	sadd.s32 s1, s13;
	[dreg:$0xb] =	wrdreg s26  }
0x16: {  	s26 =	simm.s32 $0x100;
	s13 =	simm.s32 $0x380;
	s22 =	sadd.s32 s0, s14  }
0x17: {  	s6 =	sshrl.u32 s6, $0x3;
	s25 =	sadd.s32 s0, s11;
	s1 =	sshrl.u32 s1, $0x3  }
0x18: {  	s7 =	sadd.s32 $0x38800, s5;
	s11 =	simm.s32 $0x680;
	[dreg:$0x6] =	wrdreg s22  }
0x19: {  	s14 =	simm.s32 $0x700;
	s6 =	sadd.s32 s0, s6;
	[dreg:$0x9] =	wrdreg s25  }
0x1a: {  	s22 =	simm.s32 $0x80;
	[dreg:$0x7] =	wrdreg s6;
	s6 =	sshrl.u32 s23, $0x3  }
0x1b: {  	s25 =	simm.s32 $0x480;
	s23 =	simm.s32 $0x4800;
	s6 =	sadd.s32 s0, s6  }
0x1c: {  	s0 =	sadd.s32 s0, s1;
	s1 =	simm.s32 $0x600;
	[dreg:$0x8] =	wrdreg s6  }
0x1d: {  	v0 =	vimm.f32 $0.0e+00;
	[dreg:$0xa] =	wrdreg s0;
	s6 =	sadd.s32 $0x2E800, s5;
	s0 =	simm.s32 $0x280  }
.LBB2_1:
0x1e: {  	s5 =	simm.s32 $0x0;
	s17 =	simm.s32 $0x200  }
.LBB2_2:
0x1f: {  	p0 =	sne.s32 s17, $0xFE00;
	[tilespmem:s5+$0x870] =	vst v0  }
0x20: {  	[tilespmem:s5+$0x800] =	vst v0  }
0x21: {  	[tilespmem:s5+$0x810] =	vst v0  }
.Ltmp0:
0x22: {  	[tilespmem:s5+$0x820] =	vst v0;
	(pc) =	sbr.rel @p0 .LBB2_2-.Ltmp0, $4  }
0x23: {  	[tilespmem:s5+$0x830] =	vst v0  }
0x24: {  	[tilespmem:s5+$0x840] =	vst v0  }
0x25: {  	[tilespmem:s5+$0x850] =	vst v0  }
0x26: {  	[tilespmem:s5+$0x860] =	vst v0;
	s5 =	sshra.s32 s17, $0x2;
	s17 =	sadd.s32 $0x200, s17  }
0x27: {  	[tilespmem:s5+$0x870] =	vst v0  }
0x28: {  	[tilespmem:s5+$0x800] =	vst v0  }
0x29: {  	[tilespmem:s5+$0x810] =	vst v0  }
0x2a: {  	[tilespmem:s5+$0x820] =	vst v0  }
0x2b: {  	[tilespmem:s5+$0x830] =	vst v0  }
0x2c: {  	[tilespmem:s5+$0x840] =	vst v0  }
0x2d: {  	[tilespmem:s5+$0x850] =	vst v0  }
0x2e: {  	[tilespmem:s5+$0x860] =	vst v0  }
0x2f: {  	[spmem:s18] =	stream.linear.scatter [tilespmem:s19], [sflag:$0x2], $0x4000, $0x38;
	[tilespmem:$0x1C400] =	vst v63  }
0x30: {  	_ =	swait.ge [sflag:s20], $0x4000  }
0x31: {  	[sflag:s20] =	ssyncset.done $0x0  }
0x32: {  	s8 =	smov.u32 s18;
	s18 =	rddreg [dreg:$0x3];
	[sflag:s20] =	ssyncadd.s32 $0xFFFFC000  }
0x33: {  	[spmem:s18] =	stream.linear.scatter [tilespmem:s19], [sflag:$0x2], $0x4000, $0x38;
	[tilespmem:$0x1C400] =	vst v63  }
0x34: {  	_ =	swait.ge [sflag:s20], $0x4000  }
0x35: {  	[sflag:s20] =	ssyncset.done $0x0  }
0x36: {  	s17 =	rddreg [dreg:$0x4];
	[sflag:s20] =	ssyncadd.s32 $0xFFFFC000  }
0x37: {  	[spmem:s17] =	stream.linear.scatter [tilespmem:s19], [sflag:$0x2], $0x4000, $0x38;
	[tilespmem:$0x1C400] =	vst v63  }
0x38: {  	_ =	swait.ge [sflag:s20], $0x4000  }
0x39: {  	[sflag:s20] =	ssyncset.done $0x0  }
0x3a: {  	s18 =	rddreg [dreg:$0x5];
	[sflag:s20] =	ssyncadd.s32 $0xFFFFC000  }
0x3b: {  	[spmem:s18] =	stream.linear.scatter [tilespmem:s19], [sflag:$0x2], $0x4000, $0x38;
	[tilespmem:$0x1C400] =	vst v63  }
0x3c: {  	_ =	swait.ge [sflag:s20], $0x4000  }
0x3d: {  	[sflag:s20] =	ssyncset.done $0x0  }
0x3e: {  	[sflag:s20] =	ssyncadd.s32 $0xFFFFC000  }
0x3f: {  	[spmem:s9] =	stream.linear.scatter [tilespmem:s19], [sflag:$0x2], $0x3C00, $0x38;
	[tilespmem:$0x1C400] =	vst v63  }
0x40: {  	_ =	swait.ge [sflag:s20], $0x3C00  }
0x41: {  	[sflag:s20] =	ssyncset.done $0x0  }
0x42: {  	[sflag:s20] =	ssyncadd.s32 $0xFFFFC400  }
0x43: {  	[bflag:$0x0] =	sbarrier.arrive $0xFFFF  }
0x44: {  	[tilespmem:s3], [sflag:$0x2] =	stream.linear.gather [hbm4b:s7+s3], $0x400, $0x38;
	[tilespmem:$0x1C400] =	vst v63  }
0x45: {  	_ =	swait.ge [sflag:s20], $0x400  }
0x46: {  	[sflag:s20] =	ssyncset.done $0x0  }
0x47: {  	[sflag:s20] =	ssyncadd.s32 $0xFFFFFC00  }
0x48: {  	[tilespmem:s21], [sflag:$0x2] =	stream.linear.gather [hbm4b:s6+s3], $0x400, $0x38;
	[tilespmem:$0x1C400] =	vst v63  }
0x49: {  	_ =	swait.ge [sflag:s20], $0x400  }
0x4a: {  	[sflag:s20] =	ssyncset.done $0x0  }
0x4b: {  	[sflag:s20] =	ssyncadd.s32 $0xFFFFFC00  }
0x4c: {  	[tilespmem:s19], [sflag:$0x1] =	stream.indirect.gather [hbm4b:s4+s22], $0x80, s3, s22, $0xb8;
	[tilespmem:$0x1C400] =	vst v63  }
0x4d: {  	_ = 	snop  }
0x4e: {  	[tilespmem:s23], [sflag:$0x1] =	stream.indirect.gather [hbm4b:s4+s22], $0x80, s22, s22, $0xb8;
	[tilespmem:$0x1C400] =	vst v63  }
0x4f: {  	_ =	swait.ge [sflag:s24], $0x4000  }
0x50: {  	[sflag:s24] =	ssyncset.done $0x0  }
0x51: {  	[sflag:s24] =	ssyncadd.s32 $0xFFFFC000  }
0x52: {  	_ =	swait.ge [sflag:s24], $0x4000  }
0x53: {  	[sflag:s24] =	ssyncset.done $0x0  }
0x54: {  	[sflag:s24] =	ssyncadd.s32 $0xFFFFC000  }
0x55: {  	[spmem:s2] =	stream.indirect.scatter.add.f32 [tilespmem:s19], [sflag:$0x1], $0x80, s21, s22, $0xb8;
	[tilespmem:$0x1C400] =	vst v63  }
0x56: {  	_ = 	snop  }
0x57: {  	[spmem:s2] =	stream.indirect.scatter.add.f32 [tilespmem:s23], [sflag:$0x1], $0x80, s25, s22, $0xb8;
	[tilespmem:$0x1C400] =	vst v63  }
0x58: {  	_ =	swait.ge [sflag:s24], $0x4000  }
0x59: {  	[sflag:s24] =	ssyncset.done $0x0  }
0x5a: {  	[sflag:s24] =	ssyncadd.s32 $0xFFFFC000  }
0x5b: {  	_ =	swait.ge [sflag:s24], $0x4000  }
0x5c: {  	[sflag:s24] =	ssyncset.done $0x0  }
0x5d: {  	[sflag:s24] =	ssyncadd.s32 $0xFFFFC000  }
0x5e: {  	[tilespmem:s19], [sflag:$0x1] =	stream.indirect.gather [hbm4b:s4+s22], $0x80, s26, s22, $0xb8;
	[tilespmem:$0x1C400] =	vst v63  }
0x5f: {  	_ = 	snop  }
0x60: {  	[tilespmem:s23], [sflag:$0x1] =	stream.indirect.gather [hbm4b:s4+s22], $0x80, s28, s22, $0xb8;
	[tilespmem:$0x1C400] =	vst v63  }
0x61: {  	_ =	swait.ge [sflag:s24], $0x4000  }
0x62: {  	[sflag:s24] =	ssyncset.done $0x0  }
0x63: {  	[sflag:s24] =	ssyncadd.s32 $0xFFFFC000  }
0x64: {  	_ =	swait.ge [sflag:s24], $0x4000  }
0x65: {  	[sflag:s24] =	ssyncset.done $0x0  }
0x66: {  	[sflag:s24] =	ssyncadd.s32 $0xFFFFC000  }
0x67: {  	[spmem:s2] =	stream.indirect.scatter.add.f32 [tilespmem:s19], [sflag:$0x1], $0x80, s29, s22, $0xb8;
	[tilespmem:$0x1C400] =	vst v63  }
0x68: {  	_ = 	snop  }
0x69: {  	[spmem:s2] =	stream.indirect.scatter.add.f32 [tilespmem:s23], [sflag:$0x1], $0x80, s30, s22, $0xb8;
	[tilespmem:$0x1C400] =	vst v63  }
0x6a: {  	_ =	swait.ge [sflag:s24], $0x4000  }
0x6b: {  	[sflag:s24] =	ssyncset.done $0x0  }
0x6c: {  	[sflag:s24] =	ssyncadd.s32 $0xFFFFC000  }
0x6d: {  	_ =	swait.ge [sflag:s24], $0x4000  }
0x6e: {  	[sflag:s24] =	ssyncset.done $0x0  }
0x6f: {  	[sflag:s24] =	ssyncadd.s32 $0xFFFFC000  }
0x70: {  	[tilespmem:s19], [sflag:$0x1] =	stream.indirect.gather [hbm4b:s4+s22], $0x80, s31, s22, $0xb8;
	[tilespmem:$0x1C400] =	vst v63  }
0x71: {  	_ = 	snop  }
0x72: {  	[tilespmem:s23], [sflag:$0x1] =	stream.indirect.gather [hbm4b:s4+s22], $0x80, s0, s22, $0xb8;
	[tilespmem:$0x1C400] =	vst v63  }
0x73: {  	_ =	swait.ge [sflag:s24], $0x4000  }
0x74: {  	[sflag:s24] =	ssyncset.done $0x0  }
0x75: {  	[sflag:s24] =	ssyncadd.s32 $0xFFFFC000  }
0x76: {  	_ =	swait.ge [sflag:s24], $0x4000  }
0x77: {  	[sflag:s24] =	ssyncset.done $0x0  }
0x78: {  	[sflag:s24] =	ssyncadd.s32 $0xFFFFC000  }
0x79: {  	[spmem:s2] =	stream.indirect.scatter.add.f32 [tilespmem:s19], [sflag:$0x1], $0x80, s1, s22, $0xb8;
	[tilespmem:$0x1C400] =	vst v63  }
0x7a: {  	_ = 	snop  }
0x7b: {  	[spmem:s2] =	stream.indirect.scatter.add.f32 [tilespmem:s23], [sflag:$0x1], $0x80, s11, s22, $0xb8;
	[tilespmem:$0x1C400] =	vst v63  }
0x7c: {  	_ =	swait.ge [sflag:s24], $0x4000  }
0x7d: {  	[sflag:s24] =	ssyncset.done $0x0  }
0x7e: {  	[sflag:s24] =	ssyncadd.s32 $0xFFFFC000  }
0x7f: {  	_ =	swait.ge [sflag:s24], $0x4000  }
0x80: {  	[sflag:s24] =	ssyncset.done $0x0  }
0x81: {  	[sflag:s24] =	ssyncadd.s32 $0xFFFFC000  }
0x82: {  	[tilespmem:s19], [sflag:$0x1] =	stream.indirect.gather [hbm4b:s4+s22], $0x80, s12, s22, $0xb8;
	[tilespmem:$0x1C400] =	vst v63  }
0x83: {  	_ = 	snop  }
0x84: {  	[tilespmem:s23], [sflag:$0x1] =	stream.indirect.gather [hbm4b:s4+s22], $0x80, s13, s22, $0xb8;
	[tilespmem:$0x1C400] =	vst v63  }
0x85: {  	_ =	swait.ge [sflag:s24], $0x4000  }
0x86: {  	[sflag:s24] =	ssyncset.done $0x0  }
0x87: {  	[sflag:s24] =	ssyncadd.s32 $0xFFFFC000  }
0x88: {  	_ =	swait.ge [sflag:s24], $0x4000  }
0x89: {  	[sflag:s24] =	ssyncset.done $0x0  }
0x8a: {  	[sflag:s24] =	ssyncadd.s32 $0xFFFFC000  }
0x8b: {  	[spmem:s2] =	stream.indirect.scatter.add.f32 [tilespmem:s19], [sflag:$0x1], $0x80, s14, s22, $0xb8;
	[tilespmem:$0x1C400] =	vst v63  }
0x8c: {  	p0 =	sne.s32 s10, $0x1  }
0x8d: {  	[spmem:s2] =	stream.indirect.scatter.add.f32 [tilespmem:s23], [sflag:$0x1], $0x80, s15, s22, $0xb8;
	[tilespmem:$0x1C400] =	vst v63  }
.Ltmp1:
0x8e: {  	_ =	swait.ge [sflag:s24], $0x4000;
	(pc) =	sbr.rel @!p0 .LBB2_5-.Ltmp1, $4  }
0x8f: {  	[sflag:s24] =	ssyncset.done $0x0  }
0x90: {  	[sflag:s24] =	ssyncadd.s32 $0xFFFFC000  }
0x91: {  	s5 =	sadd.s32 $0xFFFFFFFF, s10;
	_ =	swait.ge [sflag:s24], $0x4000  }
0x92: {  	s17 =	smov.u32 s6;
	s18 =	smov.u32 s7;
	[sflag:s24] =	ssyncset.done $0x0  }
.LBB2_4:
0x93: {  	[sflag:s24] =	ssyncadd.s32 $0xFFFFC000;
	s17 =	sadd.s32 $0x80, s17;
	s18 =	sadd.s32 $0x80, s18  }
0x94: {  	[tilespmem:s3], [sflag:$0x2] =	stream.linear.gather [hbm4b:s18+s3], $0x400, $0x38;
	[tilespmem:$0x1C400] =	vst v63  }
0x95: {  	p0 =	sne.s32 s5, $0x1;
	s5 =	sadd.s32 $0xFFFFFFFF, s5;
	_ =	swait.ge [sflag:s20], $0x400  }
0x96: {  	[sflag:s20] =	ssyncset.done $0x0  }
0x97: {  	[sflag:s20] =	ssyncadd.s32 $0xFFFFFC00  }
0x98: {  	[tilespmem:s21], [sflag:$0x2] =	stream.linear.gather [hbm4b:s17+s3], $0x400, $0x38;
	[tilespmem:$0x1C400] =	vst v63  }
0x99: {  	_ =	swait.ge [sflag:s20], $0x400  }
0x9a: {  	[sflag:s20] =	ssyncset.done $0x0  }
0x9b: {  	[sflag:s20] =	ssyncadd.s32 $0xFFFFFC00  }
0x9c: {  	[tilespmem:s19], [sflag:$0x1] =	stream.indirect.gather [hbm4b:s4+s22], $0x80, s3, s22, $0xb8;
	[tilespmem:$0x1C400] =	vst v63  }
0x9d: {  	_ = 	snop  }
0x9e: {  	[tilespmem:s23], [sflag:$0x1] =	stream.indirect.gather [hbm4b:s4+s22], $0x80, s22, s22, $0xb8;
	[tilespmem:$0x1C400] =	vst v63  }
0x9f: {  	_ =	swait.ge [sflag:s24], $0x4000  }
0xa0: {  	[sflag:s24] =	ssyncset.done $0x0  }
0xa1: {  	[sflag:s24] =	ssyncadd.s32 $0xFFFFC000  }
0xa2: {  	_ =	swait.ge [sflag:s24], $0x4000  }
0xa3: {  	[sflag:s24] =	ssyncset.done $0x0  }
0xa4: {  	[sflag:s24] =	ssyncadd.s32 $0xFFFFC000  }
0xa5: {  	[spmem:s2] =	stream.indirect.scatter.add.f32 [tilespmem:s19], [sflag:$0x1], $0x80, s21, s22, $0xb8;
	[tilespmem:$0x1C400] =	vst v63  }
0xa6: {  	_ = 	snop  }
0xa7: {  	[spmem:s2] =	stream.indirect.scatter.add.f32 [tilespmem:s23], [sflag:$0x1], $0x80, s25, s22, $0xb8;
	[tilespmem:$0x1C400] =	vst v63  }
0xa8: {  	_ =	swait.ge [sflag:s24], $0x4000  }
0xa9: {  	[sflag:s24] =	ssyncset.done $0x0  }
0xaa: {  	[sflag:s24] =	ssyncadd.s32 $0xFFFFC000  }
0xab: {  	_ =	swait.ge [sflag:s24], $0x4000  }
0xac: {  	[sflag:s24] =	ssyncset.done $0x0  }
0xad: {  	[sflag:s24] =	ssyncadd.s32 $0xFFFFC000  }
0xae: {  	[tilespmem:s19], [sflag:$0x1] =	stream.indirect.gather [hbm4b:s4+s22], $0x80, s26, s22, $0xb8;
	[tilespmem:$0x1C400] =	vst v63  }
0xaf: {  	_ = 	snop  }
0xb0: {  	[tilespmem:s23], [sflag:$0x1] =	stream.indirect.gather [hbm4b:s4+s22], $0x80, s28, s22, $0xb8;
	[tilespmem:$0x1C400] =	vst v63  }
0xb1: {  	_ =	swait.ge [sflag:s24], $0x4000  }
0xb2: {  	[sflag:s24] =	ssyncset.done $0x0  }
0xb3: {  	[sflag:s24] =	ssyncadd.s32 $0xFFFFC000  }
0xb4: {  	_ =	swait.ge [sflag:s24], $0x4000  }
0xb5: {  	[sflag:s24] =	ssyncset.done $0x0  }
0xb6: {  	[sflag:s24] =	ssyncadd.s32 $0xFFFFC000  }
0xb7: {  	[spmem:s2] =	stream.indirect.scatter.add.f32 [tilespmem:s19], [sflag:$0x1], $0x80, s29, s22, $0xb8;
	[tilespmem:$0x1C400] =	vst v63  }
0xb8: {  	_ = 	snop  }
0xb9: {  	[spmem:s2] =	stream.indirect.scatter.add.f32 [tilespmem:s23], [sflag:$0x1], $0x80, s30, s22, $0xb8;
	[tilespmem:$0x1C400] =	vst v63  }
0xba: {  	_ =	swait.ge [sflag:s24], $0x4000  }
0xbb: {  	[sflag:s24] =	ssyncset.done $0x0  }
0xbc: {  	[sflag:s24] =	ssyncadd.s32 $0xFFFFC000  }
0xbd: {  	_ =	swait.ge [sflag:s24], $0x4000  }
0xbe: {  	[sflag:s24] =	ssyncset.done $0x0  }
0xbf: {  	[sflag:s24] =	ssyncadd.s32 $0xFFFFC000  }
0xc0: {  	[tilespmem:s19], [sflag:$0x1] =	stream.indirect.gather [hbm4b:s4+s22], $0x80, s31, s22, $0xb8;
	[tilespmem:$0x1C400] =	vst v63  }
0xc1: {  	_ = 	snop  }
0xc2: {  	[tilespmem:s23], [sflag:$0x1] =	stream.indirect.gather [hbm4b:s4+s22], $0x80, s0, s22, $0xb8;
	[tilespmem:$0x1C400] =	vst v63  }
0xc3: {  	_ =	swait.ge [sflag:s24], $0x4000  }
0xc4: {  	[sflag:s24] =	ssyncset.done $0x0  }
0xc5: {  	[sflag:s24] =	ssyncadd.s32 $0xFFFFC000  }
0xc6: {  	_ =	swait.ge [sflag:s24], $0x4000  }
0xc7: {  	[sflag:s24] =	ssyncset.done $0x0  }
0xc8: {  	[sflag:s24] =	ssyncadd.s32 $0xFFFFC000  }
0xc9: {  	[spmem:s2] =	stream.indirect.scatter.add.f32 [tilespmem:s19], [sflag:$0x1], $0x80, s1, s22, $0xb8;
	[tilespmem:$0x1C400] =	vst v63  }
0xca: {  	_ = 	snop  }
0xcb: {  	[spmem:s2] =	stream.indirect.scatter.add.f32 [tilespmem:s23], [sflag:$0x1], $0x80, s11, s22, $0xb8;
	[tilespmem:$0x1C400] =	vst v63  }
0xcc: {  	_ =	swait.ge [sflag:s24], $0x4000  }
0xcd: {  	[sflag:s24] =	ssyncset.done $0x0  }
0xce: {  	[sflag:s24] =	ssyncadd.s32 $0xFFFFC000  }
0xcf: {  	_ =	swait.ge [sflag:s24], $0x4000  }
0xd0: {  	[sflag:s24] =	ssyncset.done $0x0  }
0xd1: {  	[sflag:s24] =	ssyncadd.s32 $0xFFFFC000  }
0xd2: {  	[tilespmem:s19], [sflag:$0x1] =	stream.indirect.gather [hbm4b:s4+s22], $0x80, s12, s22, $0xb8;
	[tilespmem:$0x1C400] =	vst v63  }
0xd3: {  	_ = 	snop  }
0xd4: {  	[tilespmem:s23], [sflag:$0x1] =	stream.indirect.gather [hbm4b:s4+s22], $0x80, s13, s22, $0xb8;
	[tilespmem:$0x1C400] =	vst v63  }
0xd5: {  	_ =	swait.ge [sflag:s24], $0x4000  }
0xd6: {  	[sflag:s24] =	ssyncset.done $0x0  }
0xd7: {  	[sflag:s24] =	ssyncadd.s32 $0xFFFFC000  }
0xd8: {  	_ =	swait.ge [sflag:s24], $0x4000  }
0xd9: {  	[sflag:s24] =	ssyncset.done $0x0  }
0xda: {  	[sflag:s24] =	ssyncadd.s32 $0xFFFFC000  }
0xdb: {  	[spmem:s2] =	stream.indirect.scatter.add.f32 [tilespmem:s19], [sflag:$0x1], $0x80, s14, s22, $0xb8;
	[tilespmem:$0x1C400] =	vst v63  }
0xdc: {  	_ = 	snop  }
0xdd: {  	[spmem:s2] =	stream.indirect.scatter.add.f32 [tilespmem:s23], [sflag:$0x1], $0x80, s15, s22, $0xb8;
	[tilespmem:$0x1C400] =	vst v63  }
.Ltmp2:
0xde: {  	_ =	swait.ge [sflag:s24], $0x4000;
	(pc) =	sbr.rel @p0 .LBB2_4-.Ltmp2, $4  }
0xdf: {  	[sflag:s24] =	ssyncset.done $0x0  }
0xe0: {  	[sflag:s24] =	ssyncadd.s32 $0xFFFFC000  }
0xe1: {  	_ =	swait.ge [sflag:s24], $0x4000  }
0xe2: {  	[sflag:s24] =	ssyncset.done $0x0  }
.LBB2_5:
0xe3: {  	[sflag:s24] =	ssyncadd.s32 $0xFFFFC000  }
0xe4: {  	[bflag:$0x0] =	sbarrier.arrive $0xFFFF  }
0xe5: {  	[tilespmem:s19], [sflag:$0x2] =	stream.linear.gather [spmem:s8], $0x4000, $0x38;
	[tilespmem:$0x1C400] =	vst v63  }
0xe6: {  	_ =	swait.ge [sflag:s20], $0x4000  }
0xe7: {  	[sflag:s20] =	ssyncset.done $0x0  }
0xe8: {  	s5 =	rddreg [dreg:$0x6];
	[sflag:s20] =	ssyncadd.s32 $0xFFFFC000  }
0xe9: {  	[hbm4b:s5+s3] =	stream.linear.scatter [tilespmem:s19], [sflag:$0x2], $0x4000, $0x38;
	[tilespmem:$0x1C400] =	vst v63  }
0xea: {  	_ =	swait.ge [sflag:s20], $0x4000  }
0xeb: {  	[sflag:s20] =	ssyncset.done $0x0  }
0xec: {  	s18 =	smov.u32 s8;
	s8 =	rddreg [dreg:$0x3];
	[sflag:s20] =	ssyncadd.s32 $0xFFFFC000  }
0xed: {  	[tilespmem:s19], [sflag:$0x2] =	stream.linear.gather [spmem:s8], $0x4000, $0x38;
	[tilespmem:$0x1C400] =	vst v63  }
0xee: {  	_ =	swait.ge [sflag:s20], $0x4000  }
0xef: {  	[sflag:s20] =	ssyncset.done $0x0  }
0xf0: {  	s17 =	rddreg [dreg:$0x7];
	[sflag:s20] =	ssyncadd.s32 $0xFFFFC000  }
0xf1: {  	[hbm4b:s17+s3] =	stream.linear.scatter [tilespmem:s19], [sflag:$0x2], $0x4000, $0x38;
	[tilespmem:$0x1C400] =	vst v63  }
0xf2: {  	_ =	swait.ge [sflag:s20], $0x4000  }
0xf3: {  	[sflag:s20] =	ssyncset.done $0x0  }
0xf4: {  	s8 =	rddreg [dreg:$0x4];
	[sflag:s20] =	ssyncadd.s32 $0xFFFFC000  }
0xf5: {  	[tilespmem:s19], [sflag:$0x2] =	stream.linear.gather [spmem:s8], $0x4000, $0x38;
	[tilespmem:$0x1C400] =	vst v63  }
0xf6: {  	_ =	swait.ge [sflag:s20], $0x4000  }
0xf7: {  	[sflag:s20] =	ssyncset.done $0x0  }
0xf8: {  	s17 =	rddreg [dreg:$0x8];
	[sflag:s20] =	ssyncadd.s32 $0xFFFFC000  }
0xf9: {  	[hbm4b:s17+s3] =	stream.linear.scatter [tilespmem:s19], [sflag:$0x2], $0x4000, $0x38;
	[tilespmem:$0x1C400] =	vst v63  }
0xfa: {  	_ =	swait.ge [sflag:s20], $0x4000  }
0xfb: {  	[sflag:s20] =	ssyncset.done $0x0  }
0xfc: {  	s8 =	rddreg [dreg:$0x5];
	[sflag:s20] =	ssyncadd.s32 $0xFFFFC000  }
0xfd: {  	[tilespmem:s19], [sflag:$0x2] =	stream.linear.gather [spmem:s8], $0x4000, $0x38;
	[tilespmem:$0x1C400] =	vst v63  }
0xfe: {  	_ =	swait.ge [sflag:s20], $0x4000  }
0xff: {  	[sflag:s20] =	ssyncset.done $0x0  }
0x100: {  	s17 =	rddreg [dreg:$0x9];
	[sflag:s20] =	ssyncadd.s32 $0xFFFFC000  }
0x101: {  	[hbm4b:s17+s3] =	stream.linear.scatter [tilespmem:s19], [sflag:$0x2], $0x4000, $0x38;
	[tilespmem:$0x1C400] =	vst v63  }
0x102: {  	_ =	swait.ge [sflag:s20], $0x4000  }
0x103: {  	[sflag:s20] =	ssyncset.done $0x0  }
0x104: {  	[sflag:s20] =	ssyncadd.s32 $0xFFFFC000  }
0x105: {  	[tilespmem:s19], [sflag:$0x2] =	stream.linear.gather [spmem:s9], $0x3C00, $0x38;
	[tilespmem:$0x1C400] =	vst v63  }
0x106: {  	_ =	swait.ge [sflag:s20], $0x3C00  }
0x107: {  	[sflag:s20] =	ssyncset.done $0x0  }
0x108: {  	s8 =	rddreg [dreg:$0xa];
	[sflag:s20] =	ssyncadd.s32 $0xFFFFC400  }
0x109: {  	[hbm4b:s8+s3] =	stream.linear.scatter [tilespmem:s19], [sflag:$0x2], $0x3C00, $0x38;
	[tilespmem:$0x1C400] =	vst v63  }
0x10a: {  	_ =	swait.ge [sflag:s20], $0x3C00  }
0x10b: {  	s16 =	sadd.s32 $0x1, s16;
	s17 =	rddreg [dreg:$0xb]  }
0x10c: {  	p0 =	sne.s32 s16, s17  }
.Ltmp3:
0x10d: {  	_ = 	snop;
	(pc) =	sbr.rel @p0 .LBB2_1-.Ltmp3, $3  }
0x10e: {  	_ =	sdelay $0x1  }
0x10f: {  	[sflag:s20] =	ssyncset.done $0x0  }
0x110: {  	[sflag:s20] =	ssyncadd.s32 $0xFFFFC400  }
0x111: {  	_ =	sfence.sel $0x180000  }
0x112: {  	[bflag:$0x0] =	sbarrier.arrive $0xFFFF  }
0x113: {  	_ =	strace $0x9000004A  }
0x114: {  	s0 =	stileid.u32;
	[bflag:$0x2] =	sbarrier.arrive $0xFFFF  }
0x115: {  	p0 =	sne.s32 s0, $0x0;
	s0 =	rddreg [dreg:$0x2]  }
0x116: {  	s0 =	sadd.s32 @!p0 $0x100000, s0  }
0x117: {  	[sflag:s0] =	ssyncadd.tile.s32 @!p0 $0x1;
	_ =	shalt  }
.Lfunc_end2:
_tile_overlayer_lowered:
.L_overlay_start_2:
0x118: {  	(tag) =	ssettag $0x2  }
0x119: {  	s0 =	rddreg [dreg:$0x0];
	s2 =	stileid.u32  }
0x11a: {  	s1 =	rddreg [dreg:$0x1];
	p0 =	sne.s32 s2, $0x0  }
0x11b: {  	s3 =	rddreg [dreg:$0x2];
	[bflag:$0x3] =	sbarrier.arrive $0xFFFF;
	s2 =	simm.s32 @!p0 $0x1C02  }
0x11c: {  	[timem:s3], [sflag:s2] =	dma.local @!p0 [hbm:s0], s1  }
0x11d: {  	s0 =	simm.s32 @!p0 $0x2  }
0x11e: {  	_ =	swait.ge @!p0 [sflag:s0], s1  }
0x11f: {  	s1 =	ssub.s32 @!p0 $0x0, s1;
	[sflag:s0] =	ssyncset.done @!p0 $0x0  }
0x120: {  	[sflag:s0] =	ssyncadd.s32 @!p0 s1  }
0x121: {  	[bflag:$0x3] =	sbarrier.arrive $0xFFFF  }
0x122: {  	_ =	shalt  }

// kernel: kernel.14.cloned.1.call-start
scs
__scs_entry_jumppad:
0x0: {  	(pc) =	sbr.rel $0x88, $3  }
0x1: {  	(tag) =	ssettag $0x0;
	lr =	simm.s32 $0x1  }
0x2: {  	[smem:$0x3F95] =	sst lr;
	_ =	strace $0xD0000000  }
0x3: {  	_ = 	snop  }
0x4: {  	_ = 	snop  }
0x5: {  	_ = 	snop  }
0x6: {  	_ = 	snop  }
0x7: {  	_ = 	snop  }
__scs_overlays_trampoline_lowered:
0x8: {  	[smem:$0x3FA4] =	sst s0  }
0x9: {  	[smem:$0x3FA5] =	sst s1  }
0xa: {  	[smem:$0x3FA6] =	sst s2  }
0xb: {  	[smem:$0x3FA7] =	sst s3  }
0xc: {  	[smem:$0x3FA8] =	sst s4  }
0xd: {  	[smem:$0x3FA9] =	sst s5  }
0xe: {  	[smem:$0x3FAA] =	sst s6  }
0xf: {  	[smem:$0x3FAB] =	sst s7  }
0x10: {  	[smem:$0x3FAC] =	sst s8  }
0x11: {  	[smem:$0x3FAD] =	sst s9;
	s0 =	simm.s32 @!p0 $0x0  }
0x12: {  	s1 =	sld [smem:$0x3F93];
	s0 =	simm.s32 @p0 $0x1  }
0x13: {  	[smem:$0x3FAE] =	sst s0;
	s0 =	simm.s32 @!p1 $0x0  }
0x14: {  	s2 =	sld [smem:$0x3F92];
	s0 =	simm.s32 @p1 $0x1  }
0x15: {  	[smem:$0x3FAF] =	sst s0;
	s0 =	simm.s32 @!p2 $0x0  }
0x16: {  	s3 =	sld [smem:$0x3FDB];
	s0 =	simm.s32 @p2 $0x1  }
0x17: {  	s4 =	simm.s32 $0x1BF5;
	[smem:$0x3FB1] =	sst s0  }
0x18: {  	s0 =	sld [smem:$0x3F94];
	_ =	swait.ge [sflag:s4], $0x0  }
0x19: {  	s7 =	sld [smem:$0x3F95]  }
0x1a: {  	s8 =	sadd.s32 $0xFFFFE003, lr  }
0x1b: {  	s9 =	sadd.s32 $0xFFFFFEF7, lr;
	s5 =	simm.s32 $0xFFFFFFFF;
	p2 =	slt.u32 s8, $0xFFFFF086  }
0x1c: {  	p1 =	slt.u32 s9, $0xF7A;
	s5 =	simm.s32 @!p2 $0x0  }
0x1d: {  	s5 =	simm.s32 @p1 $0x1;
	p0 =	seq.s32 s7, s2  }
0x1e: {  	s7 =	smul.u32 @!p0 $0xF7A, s2;
	p2 =	seq.s32 @!p0 s5, $0x0  }
0x1f: {  	s9 =	smul.u32 $0xF7A, s1;
	s8 =	simm.s32 @!p0 $0x1BF5;
	p2 =	por !p2, p0  }
0x20: {  	[sflag:s8] =	ssyncset.s32 @!p0 $0xFFFFF086;
	s6 =	sadd.s32 @!p0 s3, s7;
	s7 =	simm.s32 @!p0 $0x108  }
0x21: {  	s3 =	sadd.s32 s3, s9;
	s6 =	sadd.s32 @!p0 $0x88, s6;
	s7 =	simm.s32 @p2 $0x1082  }
0x22: {  	[simem:s7], [sflag:s8] =	dma.local @!p0 [hbm:s6], $0xF7A  }
0x23: {  	s9 =	sor.u32 $0xD0000000, s2;
	s6 =	simm.s32 $0x108;
	_ =	swait.ge @!p0 [sflag:s8], $0x0  }
0x24: {  	s3 =	sadd.s32 $0x88, s3;
	s6 =	simm.s32 @!p1 $0x1082;
	[sflag:s4] =	ssyncset.s32 $0xFFFFF086  }
0x25: {  	[simem:s6], [sflag:s4] =	dma.local [hbm:s3], $0xF7A  }
0x26: {  	[smem:$0x3F95] =	sst s1;
	(tag) =	ssettag s2;
	_ =	strace s9  }
0x27: {  	s1 =	sld [smem:$0x3FA5]  }
0x28: {  	s2 =	sld [smem:$0x3FA6]  }
0x29: {  	s4 =	sld [smem:$0x3FA8]  }
0x2a: {  	p0 =	seq.s32 s5, $0x0;
	s5 =	sld [smem:$0x3FA9]  }
0x2b: {  	s6 =	sld [smem:$0x3FAA]  }
0x2c: {  	s7 =	sld [smem:$0x3FAB]  }
0x2d: {  	s3 =	simm.s32 $0x108;
	s8 =	sld [smem:$0x3FAC]  }
0x2e: {  	s3 =	simm.s32 @!p0 $0x1082;
	s9 =	sld [smem:$0x3FAD]  }
0x2f: {  	lr =	sadd.s32 s0, s3;
	s0 =	sld [smem:$0x3FA4]  }
0x30: {  	s3 =	sld [smem:$0x3FA7]  }
0x31: {  	[smem:$0x3FB0] =	sst s10  }
0x32: {  	s10 =	sld [smem:$0x3FAE];
	_ =	sdelay $0x3  }
0x33: {  	p0 =	seq.s32 s10, $0x1;
	s10 =	sld [smem:$0x3FB0];
	_ =	sdelay $0x3  }
0x34: {  	[smem:$0x3FB0] =	sst s10  }
0x35: {  	s10 =	sld [smem:$0x3FAF];
	_ =	sdelay $0x3  }
0x36: {  	p1 =	seq.s32 s10, $0x1;
	s10 =	sld [smem:$0x3FB0];
	_ =	sdelay $0x3  }
0x37: {  	[smem:$0x3FB0] =	sst s10  }
0x38: {  	s10 =	sld [smem:$0x3FB1]  }
0x39: {  	_ = 	snop;
	(pc) =	sbr.ind lr, $3  }
0x3a: {  	_ = 	snop  }
0x3b: {  	_ = 	snop  }
0x3c: {  	p2 =	seq.s32 s10, $0x1;
	s10 =	sld [smem:$0x3FB0]  }
0x3d: {  	_ =	shalt  }
0x3e: {  	_ =	shalt  }
0x3f: {  	_ =	shalt  }
0x40: {  	_ =	shalt  }
0x41: {  	_ =	shalt  }
0x42: {  	_ =	shalt  }
0x43: {  	_ =	shalt  }
0x44: {  	_ =	shalt  }
0x45: {  	_ =	shalt  }
0x46: {  	_ =	shalt  }
0x47: {  	_ =	shalt  }
0x48: {  	_ =	shalt  }
0x49: {  	_ =	shalt  }
0x4a: {  	_ =	shalt  }
0x4b: {  	_ =	shalt  }
0x4c: {  	_ =	shalt  }
0x4d: {  	_ =	shalt  }
0x4e: {  	_ =	shalt  }
0x4f: {  	_ =	shalt  }
0x50: {  	_ =	shalt  }
0x51: {  	_ =	shalt  }
0x52: {  	_ =	shalt  }
0x53: {  	_ =	shalt  }
0x54: {  	_ =	shalt  }
0x55: {  	_ =	shalt  }
0x56: {  	_ =	shalt  }
0x57: {  	_ =	shalt  }
0x58: {  	_ =	shalt  }
0x59: {  	_ =	shalt  }
0x5a: {  	_ =	shalt  }
0x5b: {  	_ =	shalt  }
0x5c: {  	_ =	shalt  }
0x5d: {  	_ =	shalt  }
0x5e: {  	_ =	shalt  }
0x5f: {  	_ =	shalt  }
0x60: {  	_ =	shalt  }
0x61: {  	_ =	shalt  }
0x62: {  	_ =	shalt  }
0x63: {  	_ =	shalt  }
0x64: {  	_ =	shalt  }
0x65: {  	_ =	shalt  }
0x66: {  	_ =	shalt  }
0x67: {  	_ =	shalt  }
0x68: {  	_ =	shalt  }
0x69: {  	_ =	shalt  }
0x6a: {  	_ =	shalt  }
0x6b: {  	_ =	shalt  }
0x6c: {  	_ =	shalt  }
0x6d: {  	_ =	shalt  }
0x6e: {  	_ =	shalt  }
0x6f: {  	_ =	shalt  }
0x70: {  	_ =	shalt  }
0x71: {  	_ =	shalt  }
0x72: {  	_ =	shalt  }
0x73: {  	_ =	shalt  }
0x74: {  	_ =	shalt  }
0x75: {  	_ =	shalt  }
0x76: {  	_ =	shalt  }
0x77: {  	_ =	shalt  }
0x78: {  	_ =	shalt  }
0x79: {  	_ =	shalt  }
0x7a: {  	_ =	shalt  }
0x7b: {  	_ =	shalt  }
0x7c: {  	_ =	shalt  }
0x7d: {  	_ =	shalt  }
0x7e: {  	_ =	shalt  }
0x7f: {  	_ =	shalt  }
0x80: {  	_ =	shalt  }
0x81: {  	_ =	shalt  }
0x82: {  	_ =	shalt  }
0x83: {  	_ =	shalt  }
0x84: {  	_ =	shalt  }
0x85: {  	_ =	shalt  }
0x86: {  	_ =	shalt  }
0x87: {  	_ =	shalt  }
.Lfunc_end0:
.L_simem_size_0:
called_computation.2_lowered:
.L_overlay_start_0:
0x88: {  	s2 =	sld [smem:$0x3FD9]  }
0x89: {  	s3 =	sld [smem:$0x3FFE];
	_ =	sdelay $0x1  }
0x8a: {  	s1 =	srdreg.scid  }
0x8b: {  	s0 =	sand.u32 $0x1, s1  }
0x8c: {  	s16 =	sshll.u32 s0, $0xA;
	s2 =	sadd.s32 s3, s2  }
0x8d: {  	s2 =	sadd.s32 s2, s16  }
0x8e: {  	[smem:$0x3FBC] =	sst s2  }
0x8f: {  	_ = 	snop  }
0x90: {  	(tm) =	ssettm $0x1  }
0x91: {  	s17 =	sld [smem:$0x3FFB];
	_ =	sdelay $0x3  }
0x92: {  	_ =	strace s17  }
0x93: {  	s2 =	sld [smem:$0x3FFC];
	_ =	sdelay $0x3  }
0x94: {  	_ =	strace s2  }
0x95: {  	s2 =	sld [smem:$0x3FFD];
	_ =	sdelay $0x3  }
0x96: {  	_ =	strace s2  }
0x97: {  	_ =	strace $0x8FFFFFFF  }
0x98: {  	s18 =	sld [smem:$0x3FDB];
	_ =	sdelay $0x1  }
0x99: {  	s19 =	simm.s32 $_scs_section_size  }
0x9a: {  	s4 =	simm.s32 $_size__tile_overlayer_lowered;
	s5 =	simm.s32 $_tile_overlayer_lowered  }
0x9b: {  	s22 =	simm.s32 $0x1BFF;
	s21 =	sshll.u32 s5, $0x1;
	s2 =	sadd.s32 s19, s18  }
0x9c: {  	s6 =	simm.s32 $0x0;
	s20 =	sshll.u32 s4, $0x1;
	s4 =	sadd.s32 s21, s2  }
0x9d: {  	[timem:s6], [sflag:s22] =	dma.local [hbm:s4], s20  }
0x9e: {  	_ =	swait.ge [sflag:s22], s20  }
0x9f: {  	s3 =	ssub.s32 $0x0, s20;
	[sflag:s22] =	ssyncset.done $0x0  }
0xa0: {  	[sflag:s22] =	ssyncadd.s32 s3;
	_ =	sdelay $0x1  }
0xa1: {  	s23 =	simm.s32 $0x1B8B  }
0xa2: {  	_ =	swait.ge [sflag:s23], $0x1  }
0xa3: {  	[sflag:s23] =	ssyncset.done $0x0  }
0xa4: {  	s25 =	simm.s32 $0x1B8E;
	s24 =	sld [smem:$0x3FFE];
	[sflag:s23] =	ssyncadd.s32 $0xFFFFFFFF  }
0xa5: {  	s26 =	simm.s32 $execute0_lowered;
	[smem:$0x3FD2] =	sst s25  }
0xa6: {  	s4 =	sshll.u32 s26, $0x1;
	_ =	strace $0x8000004C;
	[dreg:$0x1] =	wrdreg $0xFFFFFFFF  }
0xa7: {  	s28 =	simm.s32 $_size_execute0_lowered;
	s2 =	sadd.s32 s2, s4;
	[dreg:$0x0] =	wrdreg $0x0  }
0xa8: {  	s4 =	sshll.u32 s28, $0x1;
	[dreg:$0x2] =	wrdreg s2  }
0xa9: {  	[dreg:$0x3] =	wrdreg s4  }
0xaa: {  	[dreg:$0x4] =	wrdreg $0xC0  }
0xab: {  	_ =	task [dreg:s6], $0x5FFFF  }
0xac: {  	[dreg:$0x1] =	wrdreg $0xFFFFFFFF  }
0xad: {  	[dreg:$0x0] =	wrdreg $0x60  }
0xae: {  	[dreg:$0x2] =	wrdreg s24  }
0xaf: {  	[dreg:$0x3] =	wrdreg $0x48000  }
0xb0: {  	[dreg:$0x4] =	wrdreg $0x9  }
0xb1: {  	_ =	task.clear_ibuf [dreg:s6], $0x5FFFF;
	_ =	strace $0x9000004C  }
0xb2: {  	s29 =	simm.s32 $0x9;
	_ =	strace $0x8000004E  }
0xb3: {  	_ =	swait.ge [sflag:s29], $0x1  }
0xb4: {  	[sflag:s29] =	ssyncadd.s32 $0xFFFFFFFF  }
0xb5: {  	_ =	strace $0x9000004E  }
0xb6: {  	_ =	sfence  }
0xb7: {  	s30 =	sld [smem:$0x0];
	_ =	sdelay $0x2  }
0xb8: {  	s31 =	sshll.u32 s1, $0xD;
	s1 =	sshrl.u32 s1, $0x2  }
0xb9: {  	s3 =	sand.u32 $0x4000, s31;
	s1 =	sadd.s32 s1, s30  }
0xba: {  	s0 =	sor.u32 s3, s0;
	s1 =	sshll.u32 s1, $0x11  }
0xbb: {  	s0 =	sor.u32 s1, s0  }
0xbc: {  	s0 =	sadd.s32 $0x8F2B, s0  }
0xbd: {  	[sflag:s0] =	ssyncadd.remote.s32 $0x1  }
0xbe: {  	_ =	sfence.sel $0xFFFF  }
0xbf: {  	[dreg:$0x0] =	wrdreg $0xFFFFFFFF;
	(pc) =	sbr.abs _section_cstart, $3  }
0xc0: {  	[dreg:$0x1] =	wrdreg $0xFFFFFFFF  }
0xc1: {  	_ =	task.clear_ibuf [dreg:s6], $0x2FFFF;
	_ =	strace $0x9FFFFFFF  }
0xc2: {  	(tm) =	ssettm $0x7FFFFFFF  }
0xc3: {  	_ =	shalt  }
tec
execute0_lowered:
.L_overlay_start_1:
0x0: {  	(tag) =	ssettag $0x1  }
0x1: {  	s0 =	rddreg [dreg:$0x0]  }
0x2: {  	s2 =	rddreg [dreg:$0x1]  }
0x3: {  	s7 =	stileid.u32;
	s1 =	srdreg.scid  }
0x4: {  	s3 =	simm.s32 $0x0;
	s24 =	simm.s32 $0x100;
	s28 =	simm.s32 $0x280  }
0x5: {  	s29 =	simm.s32 $0x3000;
	s30 =	simm.s32 $0x300;
	s4 =	smul.u32 $0x9, s7  }
0x6: {  	s31 =	simm.s32 $0x3800;
	s1 =	sand.u32 $0x1, s1;
	s5 =	smul.u32 $0xB, s7  }
0x7: {  	[smem:$0x7FF] =	sst s3;
	s7 =	smul.u32 $0x2780, s7;
	p0 =	seq.s32 s1, $0x0  }
0x8: {  	_ =	strace $0x8000004D;
	s25 =	ssub.s32 $0x2, s1;
	s1 =	smul.u32 $0x27800, s1  }
0x9: {  	[dreg:$0x3] =	wrdreg s24;
	s24 =	simm.s32 $0x1800;
	s6 =	sadd.s32 $0xB0, s4  }
0xa: {  	s4 =	sadd.s32 $0x2800, s0;
	s8 =	sshrl.u32 s25, $0x1;
	s18 =	sadd.s32 s7, s2  }
0xb: {  	s26 =	sadd.s32 $0x800, s7;
	s13 =	sadd.s32 $0x1000, s7;
	s14 =	sadd.s32 $0x1800, s7  }
0xc: {  	s11 =	sadd.s32 $0x2000, s7;
	s6 =	smov.u32 @p0 s5;
	s9 =	sadd.s32 s26, s2  }
0xd: {  	s10 =	sadd.s32 s13, s2;
	s12 =	sadd.s32 s14, s2;
	[dreg:$0x6] =	wrdreg s18  }
0xe: {  	s15 =	sadd.s32 s11, s2;
	s7 =	sadd.s32 s7, s1;
	[dreg:$0x7] =	wrdreg s9  }
0xf: {  	s17 =	sadd.s32 s1, s13;
	s19 =	sadd.s32 s1, s14;
	[dreg:$0x8] =	wrdreg s10  }
0x10: {  	s13 =	simm.s32 $0x500;
	s14 =	simm.s32 $0x580;
	[dreg:$0x9] =	wrdreg s12  }
0x11: {  	s5 =	sshll.u32 s6, $0x7;
	s6 =	ssub.s32 s25, s8;
	[dreg:$0xa] =	wrdreg s15  }
0x12: {  	s12 =	simm.s32 $0xB;
	s7 =	sshrl.u32 s7, $0x3;
	s8 =	sadd.s32 s1, s26  }
0x13: {  	s1 =	sadd.s32 s1, s11;
	s25 =	simm.s32 $0x180;
	s26 =	simm.s32 $0x200  }
0x14: {  	s11 =	simm.s32 $0x1;
	s15 =	simm.s32 $0x600;
	s5 =	sadd.s32 s5, s0  }
0x15: {  	s0 =	sadd.s32 $0x7800, s0;
	s12 =	simm.s32 @!p0 $0x9;
	s16 =	sshrl.u32 s8, $0x3  }
0x16: {  	s8 =	sshrl.u32 s19, $0x3;
	s1 =	sshrl.u32 s1, $0x3;
	[dreg:$0x4] =	wrdreg s25  }
0x17: {  	s21 =	smax.u32 s6, $0x1;
	s19 =	simm.s32 $0x800;
	[dreg:$0x5] =	wrdreg s26  }
0x18: {  	s25 =	simm.s32 $0x2000;
	s26 =	simm.s32 $0x2800;
	[dreg:$0xb] =	wrdreg s12  }
0x19: {  	s6 =	simm.s32 $0x780;
	s7 =	sadd.s32 s0, s7;
	[dreg:$0x11] =	wrdreg s21  }
0x1a: {  	s20 =	sadd.s32 s0, s8;
	s22 =	sadd.s32 $0x42800, s5;
	[dreg:$0xc] =	wrdreg s7  }
0x1b: {  	s23 =	sadd.s32 $0x4C800, s5;
	s21 =	simm.s32 $0x400;
	[dreg:$0xf] =	wrdreg s20  }
0x1c: {  	s12 =	simm.s32 $0x480;
	s5 =	simm.s32 $0x700;
	[dreg:$0x12] =	wrdreg s22  }
0x1d: {  	s7 =	sadd.s32 s0, s16;
	[dreg:$0x13] =	wrdreg s23;
	s20 =	simm.s32 $0x2  }
0x1e: {  	s22 =	simm.s32 $0x80;
	[dreg:$0xd] =	wrdreg s7;
	s7 =	sshrl.u32 s17, $0x3  }
0x1f: {  	s23 =	simm.s32 $0x1000;
	s16 =	simm.s32 $0x680;
	s7 =	sadd.s32 s0, s7  }
0x20: {  	s0 =	sadd.s32 s0, s1;
	s1 =	simm.s32 $0x4000;
	[dreg:$0xe] =	wrdreg s7  }
0x21: {  	v0 =	vimm.f32 $0.0e+00;
	[dreg:$0x10] =	wrdreg s0;
	s0 =	simm.s32 $0x380;
	s7 =	simm.s32 $0x0  }
.LBB2_1:
0x22: {  	s8 =	simm.s32 $0x40;
	s17 =	simm.s32 $0x0  }
.LBB2_2:
0x23: {  	p0 =	sne.s32 s8, $0x1FC0;
	[tilespmem:s17+$0x800] =	vst v0;
	s17 =	smov.u32 s8;
	s8 =	sadd.s32 $0x40, s8  }
.Ltmp0:
0x24: {  	(pc) =	sbr.rel @p0 .LBB2_2-.Ltmp0, $2  }
0x25: {  	_ =	sdelay $0x2  }
0x26: {  	s17 =	sshra.s32 s17, $0x2  }
0x27: {  	[tilespmem:s17+$0x800] =	vst v0  }
0x28: {  	[spmem:s18] =	stream.linear.scatter [tilespmem:s19], [sflag:$0x2], $0x800, $0x38;
	[tilespmem:$0x6F80] =	vst v63  }
0x29: {  	_ =	swait.ge [sflag:s20], $0x800  }
0x2a: {  	[sflag:s20] =	ssyncset.done $0x0  }
0x2b: {  	s8 =	rddreg [dreg:$0x7];
	[sflag:s20] =	ssyncadd.s32 $0xFFFFF800  }
0x2c: {  	[spmem:s8] =	stream.linear.scatter [tilespmem:s19], [sflag:$0x2], $0x800, $0x38;
	[tilespmem:$0x6F80] =	vst v63  }
0x2d: {  	_ =	swait.ge [sflag:s20], $0x800  }
0x2e: {  	[sflag:s20] =	ssyncset.done $0x0  }
0x2f: {  	s17 =	rddreg [dreg:$0x8];
	[sflag:s20] =	ssyncadd.s32 $0xFFFFF800  }
0x30: {  	[spmem:s17] =	stream.linear.scatter [tilespmem:s19], [sflag:$0x2], $0x800, $0x38;
	[tilespmem:$0x6F80] =	vst v63  }
0x31: {  	_ =	swait.ge [sflag:s20], $0x800  }
0x32: {  	[sflag:s20] =	ssyncset.done $0x0  }
0x33: {  	s18 =	rddreg [dreg:$0x9];
	[sflag:s20] =	ssyncadd.s32 $0xFFFFF800  }
0x34: {  	[spmem:s18] =	stream.linear.scatter [tilespmem:s19], [sflag:$0x2], $0x800, $0x38;
	[tilespmem:$0x6F80] =	vst v63  }
0x35: {  	_ =	swait.ge [sflag:s20], $0x800  }
0x36: {  	[sflag:s20] =	ssyncset.done $0x0  }
0x37: {  	s9 =	rddreg [dreg:$0xa];
	[sflag:s20] =	ssyncadd.s32 $0xFFFFF800  }
0x38: {  	[spmem:s9] =	stream.linear.scatter [tilespmem:s19], [sflag:$0x2], $0x780, $0x38;
	[tilespmem:$0x6F80] =	vst v63  }
0x39: {  	_ =	swait.ge [sflag:s20], $0x780  }
0x3a: {  	[sflag:s20] =	ssyncset.done $0x0  }
0x3b: {  	[sflag:s20] =	ssyncadd.s32 $0xFFFFF880  }
0x3c: {  	[bflag:$0x0] =	sbarrier.arrive $0xFFFF  }
0x3d: {  	s18 =	rddreg [dreg:$0x13]  }
0x3e: {  	[tilespmem:s3], [sflag:$0x2] =	stream.linear.gather [hbm4b:s18+s3], $0x400, $0x38;
	[tilespmem:$0x6F80] =	vst v63  }
0x3f: {  	_ =	swait.ge [sflag:s20], $0x400  }
0x40: {  	[sflag:s20] =	ssyncset.done $0x0  }
0x41: {  	s9 =	rddreg [dreg:$0x12];
	[sflag:s20] =	ssyncadd.s32 $0xFFFFFC00  }
0x42: {  	[tilespmem:s21], [sflag:$0x2] =	stream.linear.gather [hbm4b:s9+s3], $0x400, $0x38;
	[tilespmem:$0x6F80] =	vst v63  }
0x43: {  	_ =	swait.ge [sflag:s20], $0x400  }
0x44: {  	[sflag:s20] =	ssyncset.done $0x0  }
0x45: {  	[sflag:s20] =	ssyncadd.s32 $0xFFFFFC00  }
0x46: {  	[tilespmem:s19], [sflag:$0x1] =	stream.indirect.gather [hbm4b:s4+s22], $0x10, s3, s22, $0xb8;
	[tilespmem:$0x6F80] =	vst v63  }
0x47: {  	_ = 	snop  }
0x48: {  	[tilespmem:s23], [sflag:$0x1] =	stream.indirect.gather [hbm4b:s4+s22], $0x10, s22, s22, $0xb8;
	[tilespmem:$0x6F80] =	vst v63  }
0x49: {  	s10 =	rddreg [dreg:$0x3]  }
0x4a: {  	[tilespmem:s24], [sflag:$0x1] =	stream.indirect.gather [hbm4b:s4+s22], $0x10, s10, s22, $0xb8;
	[tilespmem:$0x6F80] =	vst v63  }
0x4b: {  	s17 =	rddreg [dreg:$0x4]  }
0x4c: {  	[tilespmem:s25], [sflag:$0x1] =	stream.indirect.gather [hbm4b:s4+s22], $0x10, s17, s22, $0xb8;
	[tilespmem:$0x6F80] =	vst v63  }
0x4d: {  	s10 =	rddreg [dreg:$0x5]  }
0x4e: {  	[tilespmem:s26], [sflag:$0x1] =	stream.indirect.gather [hbm4b:s4+s22], $0x10, s10, s22, $0xb8;
	[tilespmem:$0x6F80] =	vst v63  }
0x4f: {  	_ = 	snop  }
0x50: {  	[tilespmem:s29], [sflag:$0x1] =	stream.indirect.gather [hbm4b:s4+s22], $0x10, s28, s22, $0xb8;
	[tilespmem:$0x6F80] =	vst v63  }
0x51: {  	_ = 	snop  }
0x52: {  	[tilespmem:s31], [sflag:$0x1] =	stream.indirect.gather [hbm4b:s4+s22], $0x10, s30, s22, $0xb8;
	[tilespmem:$0x6F80] =	vst v63  }
0x53: {  	_ = 	snop  }
0x54: {  	[tilespmem:s1], [sflag:$0x1] =	stream.indirect.gather [hbm4b:s4+s22], $0x10, s0, s22, $0xb8;
	[tilespmem:$0x6F80] =	vst v63  }
0x55: {  	_ =	swait.ge [sflag:s11], $0x800  }
0x56: {  	[sflag:s11] =	ssyncset.done $0x0  }
0x57: {  	[sflag:s11] =	ssyncadd.s32 $0xFFFFF800  }
0x58: {  	_ =	swait.ge [sflag:s11], $0x800  }
0x59: {  	[sflag:s11] =	ssyncset.done $0x0  }
0x5a: {  	[sflag:s11] =	ssyncadd.s32 $0xFFFFF800  }
0x5b: {  	_ =	swait.ge [sflag:s11], $0x800  }
0x5c: {  	[sflag:s11] =	ssyncset.done $0x0  }
0x5d: {  	[sflag:s11] =	ssyncadd.s32 $0xFFFFF800  }
0x5e: {  	_ =	swait.ge [sflag:s11], $0x800  }
0x5f: {  	[sflag:s11] =	ssyncset.done $0x0  }
0x60: {  	[sflag:s11] =	ssyncadd.s32 $0xFFFFF800  }
0x61: {  	_ =	swait.ge [sflag:s11], $0x800  }
0x62: {  	[sflag:s11] =	ssyncset.done $0x0  }
0x63: {  	[sflag:s11] =	ssyncadd.s32 $0xFFFFF800  }
0x64: {  	_ =	swait.ge [sflag:s11], $0x800  }
0x65: {  	[sflag:s11] =	ssyncset.done $0x0  }
0x66: {  	[sflag:s11] =	ssyncadd.s32 $0xFFFFF800  }
0x67: {  	_ =	swait.ge [sflag:s11], $0x800  }
0x68: {  	[sflag:s11] =	ssyncset.done $0x0  }
0x69: {  	[sflag:s11] =	ssyncadd.s32 $0xFFFFF800  }
0x6a: {  	_ =	swait.ge [sflag:s11], $0x800  }
0x6b: {  	[sflag:s11] =	ssyncset.done $0x0  }
0x6c: {  	[sflag:s11] =	ssyncadd.s32 $0xFFFFF800  }
0x6d: {  	[spmem:s2] =	stream.indirect.scatter.add.f32 [tilespmem:s19], [sflag:$0x1], $0x10, s21, s22, $0xb8;
	[tilespmem:$0x6F80] =	vst v63  }
0x6e: {  	_ = 	snop  }
0x6f: {  	[spmem:s2] =	stream.indirect.scatter.add.f32 [tilespmem:s23], [sflag:$0x1], $0x10, s12, s22, $0xb8;
	[tilespmem:$0x6F80] =	vst v63  }
0x70: {  	_ = 	snop  }
0x71: {  	[spmem:s2] =	stream.indirect.scatter.add.f32 [tilespmem:s24], [sflag:$0x1], $0x10, s13, s22, $0xb8;
	[tilespmem:$0x6F80] =	vst v63  }
0x72: {  	_ = 	snop  }
0x73: {  	[spmem:s2] =	stream.indirect.scatter.add.f32 [tilespmem:s25], [sflag:$0x1], $0x10, s14, s22, $0xb8;
	[tilespmem:$0x6F80] =	vst v63  }
0x74: {  	_ = 	snop  }
0x75: {  	[spmem:s2] =	stream.indirect.scatter.add.f32 [tilespmem:s26], [sflag:$0x1], $0x10, s15, s22, $0xb8;
	[tilespmem:$0x6F80] =	vst v63  }
0x76: {  	_ = 	snop  }
0x77: {  	[spmem:s2] =	stream.indirect.scatter.add.f32 [tilespmem:s29], [sflag:$0x1], $0x10, s16, s22, $0xb8;
	[tilespmem:$0x6F80] =	vst v63  }
0x78: {  	_ = 	snop  }
0x79: {  	[spmem:s2] =	stream.indirect.scatter.add.f32 [tilespmem:s31], [sflag:$0x1], $0x10, s5, s22, $0xb8;
	[tilespmem:$0x6F80] =	vst v63  }
0x7a: {  	_ = 	snop  }
0x7b: {  	[spmem:s2] =	stream.indirect.scatter.add.f32 [tilespmem:s1], [sflag:$0x1], $0x10, s6, s22, $0xb8;
	[tilespmem:$0x6F80] =	vst v63  }
0x7c: {  	_ =	swait.ge [sflag:s11], $0x800  }
0x7d: {  	[sflag:s11] =	ssyncset.done $0x0  }
0x7e: {  	[sflag:s11] =	ssyncadd.s32 $0xFFFFF800  }
0x7f: {  	_ =	swait.ge [sflag:s11], $0x800  }
0x80: {  	[sflag:s11] =	ssyncset.done $0x0  }
0x81: {  	[sflag:s11] =	ssyncadd.s32 $0xFFFFF800  }
0x82: {  	_ =	swait.ge [sflag:s11], $0x800  }
0x83: {  	[sflag:s11] =	ssyncset.done $0x0  }
0x84: {  	[sflag:s11] =	ssyncadd.s32 $0xFFFFF800  }
0x85: {  	_ =	swait.ge [sflag:s11], $0x800  }
0x86: {  	[sflag:s11] =	ssyncset.done $0x0  }
0x87: {  	[sflag:s11] =	ssyncadd.s32 $0xFFFFF800  }
0x88: {  	_ =	swait.ge [sflag:s11], $0x800  }
0x89: {  	[sflag:s11] =	ssyncset.done $0x0  }
0x8a: {  	[sflag:s11] =	ssyncadd.s32 $0xFFFFF800  }
0x8b: {  	_ =	swait.ge [sflag:s11], $0x800  }
0x8c: {  	[sflag:s11] =	ssyncset.done $0x0  }
0x8d: {  	[sflag:s11] =	ssyncadd.s32 $0xFFFFF800  }
0x8e: {  	_ =	swait.ge [sflag:s11], $0x800  }
0x8f: {  	s17 =	rddreg [dreg:$0xb]  }
0x90: {  	p0 =	sne.s32 s17, $0x1  }
.Ltmp1:
0x91: {  	_ = 	snop;
	(pc) =	sbr.rel @!p0 .LBB2_5-.Ltmp1, $4  }
0x92: {  	[sflag:s11] =	ssyncset.done $0x0  }
0x93: {  	[sflag:s11] =	ssyncadd.s32 $0xFFFFF800  }
0x94: {  	_ =	swait.ge [sflag:s11], $0x800  }
0x95: {  	s8 =	sadd.s32 $0xFFFFFFFF, s17;
	s17 =	smov.u32 s9;
	[sflag:s11] =	ssyncset.done $0x0  }
.LBB2_4:
0x96: {  	[sflag:s11] =	ssyncadd.s32 $0xFFFFF800;
	s18 =	sadd.s32 $0x80, s18  }
0x97: {  	[tilespmem:s3], [sflag:$0x2] =	stream.linear.gather [hbm4b:s18+s3], $0x400, $0x38;
	[tilespmem:$0x6F80] =	vst v63  }
0x98: {  	_ =	swait.ge [sflag:s20], $0x400  }
0x99: {  	[sflag:s20] =	ssyncset.done $0x0  }
0x9a: {  	s17 =	sadd.s32 $0x80, s17;
	[sflag:s20] =	ssyncadd.s32 $0xFFFFFC00  }
0x9b: {  	[tilespmem:s21], [sflag:$0x2] =	stream.linear.gather [hbm4b:s17+s3], $0x400, $0x38;
	[tilespmem:$0x6F80] =	vst v63  }
0x9c: {  	_ =	swait.ge [sflag:s20], $0x400  }
0x9d: {  	[sflag:s20] =	ssyncset.done $0x0  }
0x9e: {  	[sflag:s20] =	ssyncadd.s32 $0xFFFFFC00  }
0x9f: {  	[tilespmem:s19], [sflag:$0x1] =	stream.indirect.gather [hbm4b:s4+s22], $0x10, s3, s22, $0xb8;
	[tilespmem:$0x6F80] =	vst v63  }
0xa0: {  	_ = 	snop  }
0xa1: {  	[tilespmem:s23], [sflag:$0x1] =	stream.indirect.gather [hbm4b:s4+s22], $0x10, s22, s22, $0xb8;
	[tilespmem:$0x6F80] =	vst v63  }
0xa2: {  	s9 =	rddreg [dreg:$0x3]  }
0xa3: {  	[tilespmem:s24], [sflag:$0x1] =	stream.indirect.gather [hbm4b:s4+s22], $0x10, s9, s22, $0xb8;
	[tilespmem:$0x6F80] =	vst v63  }
0xa4: {  	s10 =	rddreg [dreg:$0x4]  }
0xa5: {  	[tilespmem:s25], [sflag:$0x1] =	stream.indirect.gather [hbm4b:s4+s22], $0x10, s10, s22, $0xb8;
	[tilespmem:$0x6F80] =	vst v63  }
0xa6: {  	s9 =	rddreg [dreg:$0x5]  }
0xa7: {  	[tilespmem:s26], [sflag:$0x1] =	stream.indirect.gather [hbm4b:s4+s22], $0x10, s9, s22, $0xb8;
	[tilespmem:$0x6F80] =	vst v63  }
0xa8: {  	_ = 	snop  }
0xa9: {  	[tilespmem:s29], [sflag:$0x1] =	stream.indirect.gather [hbm4b:s4+s22], $0x10, s28, s22, $0xb8;
	[tilespmem:$0x6F80] =	vst v63  }
0xaa: {  	_ = 	snop  }
0xab: {  	[tilespmem:s31], [sflag:$0x1] =	stream.indirect.gather [hbm4b:s4+s22], $0x10, s30, s22, $0xb8;
	[tilespmem:$0x6F80] =	vst v63  }
0xac: {  	_ = 	snop  }
0xad: {  	[tilespmem:s1], [sflag:$0x1] =	stream.indirect.gather [hbm4b:s4+s22], $0x10, s0, s22, $0xb8;
	[tilespmem:$0x6F80] =	vst v63  }
0xae: {  	_ =	swait.ge [sflag:s11], $0x800  }
0xaf: {  	[sflag:s11] =	ssyncset.done $0x0  }
0xb0: {  	[sflag:s11] =	ssyncadd.s32 $0xFFFFF800  }
0xb1: {  	_ =	swait.ge [sflag:s11], $0x800  }
0xb2: {  	[sflag:s11] =	ssyncset.done $0x0  }
0xb3: {  	[sflag:s11] =	ssyncadd.s32 $0xFFFFF800  }
0xb4: {  	_ =	swait.ge [sflag:s11], $0x800  }
0xb5: {  	[sflag:s11] =	ssyncset.done $0x0  }
0xb6: {  	[sflag:s11] =	ssyncadd.s32 $0xFFFFF800  }
0xb7: {  	_ =	swait.ge [sflag:s11], $0x800  }
0xb8: {  	[sflag:s11] =	ssyncset.done $0x0  }
0xb9: {  	[sflag:s11] =	ssyncadd.s32 $0xFFFFF800  }
0xba: {  	_ =	swait.ge [sflag:s11], $0x800  }
0xbb: {  	[sflag:s11] =	ssyncset.done $0x0  }
0xbc: {  	[sflag:s11] =	ssyncadd.s32 $0xFFFFF800  }
0xbd: {  	_ =	swait.ge [sflag:s11], $0x800  }
0xbe: {  	[sflag:s11] =	ssyncset.done $0x0  }
0xbf: {  	[sflag:s11] =	ssyncadd.s32 $0xFFFFF800  }
0xc0: {  	_ =	swait.ge [sflag:s11], $0x800  }
0xc1: {  	[sflag:s11] =	ssyncset.done $0x0  }
0xc2: {  	[sflag:s11] =	ssyncadd.s32 $0xFFFFF800  }
0xc3: {  	_ =	swait.ge [sflag:s11], $0x800  }
0xc4: {  	[sflag:s11] =	ssyncset.done $0x0  }
0xc5: {  	[sflag:s11] =	ssyncadd.s32 $0xFFFFF800  }
0xc6: {  	[spmem:s2] =	stream.indirect.scatter.add.f32 [tilespmem:s19], [sflag:$0x1], $0x10, s21, s22, $0xb8;
	[tilespmem:$0x6F80] =	vst v63  }
0xc7: {  	_ = 	snop  }
0xc8: {  	[spmem:s2] =	stream.indirect.scatter.add.f32 [tilespmem:s23], [sflag:$0x1], $0x10, s12, s22, $0xb8;
	[tilespmem:$0x6F80] =	vst v63  }
0xc9: {  	_ = 	snop  }
0xca: {  	[spmem:s2] =	stream.indirect.scatter.add.f32 [tilespmem:s24], [sflag:$0x1], $0x10, s13, s22, $0xb8;
	[tilespmem:$0x6F80] =	vst v63  }
0xcb: {  	_ = 	snop  }
0xcc: {  	[spmem:s2] =	stream.indirect.scatter.add.f32 [tilespmem:s25], [sflag:$0x1], $0x10, s14, s22, $0xb8;
	[tilespmem:$0x6F80] =	vst v63  }
0xcd: {  	_ = 	snop  }
0xce: {  	[spmem:s2] =	stream.indirect.scatter.add.f32 [tilespmem:s26], [sflag:$0x1], $0x10, s15, s22, $0xb8;
	[tilespmem:$0x6F80] =	vst v63  }
0xcf: {  	_ = 	snop  }
0xd0: {  	[spmem:s2] =	stream.indirect.scatter.add.f32 [tilespmem:s29], [sflag:$0x1], $0x10, s16, s22, $0xb8;
	[tilespmem:$0x6F80] =	vst v63  }
0xd1: {  	_ = 	snop  }
0xd2: {  	[spmem:s2] =	stream.indirect.scatter.add.f32 [tilespmem:s31], [sflag:$0x1], $0x10, s5, s22, $0xb8;
	[tilespmem:$0x6F80] =	vst v63  }
0xd3: {  	_ = 	snop  }
0xd4: {  	[spmem:s2] =	stream.indirect.scatter.add.f32 [tilespmem:s1], [sflag:$0x1], $0x10, s6, s22, $0xb8;
	[tilespmem:$0x6F80] =	vst v63  }
0xd5: {  	_ =	swait.ge [sflag:s11], $0x800  }
0xd6: {  	[sflag:s11] =	ssyncset.done $0x0  }
0xd7: {  	[sflag:s11] =	ssyncadd.s32 $0xFFFFF800  }
0xd8: {  	_ =	swait.ge [sflag:s11], $0x800  }
0xd9: {  	[sflag:s11] =	ssyncset.done $0x0  }
0xda: {  	[sflag:s11] =	ssyncadd.s32 $0xFFFFF800  }
0xdb: {  	_ =	swait.ge [sflag:s11], $0x800  }
0xdc: {  	[sflag:s11] =	ssyncset.done $0x0  }
0xdd: {  	[sflag:s11] =	ssyncadd.s32 $0xFFFFF800  }
0xde: {  	_ =	swait.ge [sflag:s11], $0x800  }
0xdf: {  	[sflag:s11] =	ssyncset.done $0x0  }
0xe0: {  	[sflag:s11] =	ssyncadd.s32 $0xFFFFF800  }
0xe1: {  	_ =	swait.ge [sflag:s11], $0x800  }
0xe2: {  	[sflag:s11] =	ssyncset.done $0x0  }
0xe3: {  	[sflag:s11] =	ssyncadd.s32 $0xFFFFF800  }
0xe4: {  	_ =	swait.ge [sflag:s11], $0x800  }
0xe5: {  	[sflag:s11] =	ssyncset.done $0x0  }
0xe6: {  	p0 =	sne.s32 s8, $0x1;
	[sflag:s11] =	ssyncadd.s32 $0xFFFFF800  }
.Ltmp2:
0xe7: {  	_ =	swait.ge [sflag:s11], $0x800;
	(pc) =	sbr.rel @p0 .LBB2_4-.Ltmp2, $4  }
0xe8: {  	[sflag:s11] =	ssyncset.done $0x0  }
0xe9: {  	[sflag:s11] =	ssyncadd.s32 $0xFFFFF800  }
0xea: {  	_ =	swait.ge [sflag:s11], $0x800  }
0xeb: {  	s8 =	sadd.s32 $0xFFFFFFFF, s8;
	[sflag:s11] =	ssyncset.done $0x0  }
.LBB2_5:
0xec: {  	[sflag:s11] =	ssyncadd.s32 $0xFFFFF800  }
0xed: {  	[bflag:$0x0] =	sbarrier.arrive $0xFFFF  }
0xee: {  	s18 =	rddreg [dreg:$0x6]  }
0xef: {  	[tilespmem:s19], [sflag:$0x2] =	stream.linear.gather [spmem:s18], $0x800, $0x38;
	[tilespmem:$0x6F80] =	vst v63  }
0xf0: {  	_ =	swait.ge [sflag:s20], $0x800  }
0xf1: {  	[sflag:s20] =	ssyncset.done $0x0  }
0xf2: {  	s8 =	rddreg [dreg:$0xc];
	[sflag:s20] =	ssyncadd.s32 $0xFFFFF800  }
0xf3: {  	[hbm4b:s8+s3] =	stream.linear.scatter [tilespmem:s19], [sflag:$0x2], $0x800, $0x38;
	[tilespmem:$0x6F80] =	vst v63  }
0xf4: {  	_ =	swait.ge [sflag:s20], $0x800  }
0xf5: {  	[sflag:s20] =	ssyncset.done $0x0  }
0xf6: {  	s9 =	rddreg [dreg:$0x7];
	[sflag:s20] =	ssyncadd.s32 $0xFFFFF800  }
0xf7: {  	[tilespmem:s19], [sflag:$0x2] =	stream.linear.gather [spmem:s9], $0x800, $0x38;
	[tilespmem:$0x6F80] =	vst v63  }
0xf8: {  	_ =	swait.ge [sflag:s20], $0x800  }
0xf9: {  	[sflag:s20] =	ssyncset.done $0x0  }
0xfa: {  	s10 =	rddreg [dreg:$0xd];
	[sflag:s20] =	ssyncadd.s32 $0xFFFFF800  }
0xfb: {  	[hbm4b:s10+s3] =	stream.linear.scatter [tilespmem:s19], [sflag:$0x2], $0x800, $0x38;
	[tilespmem:$0x6F80] =	vst v63  }
0xfc: {  	_ =	swait.ge [sflag:s20], $0x800  }
0xfd: {  	[sflag:s20] =	ssyncset.done $0x0  }
0xfe: {  	s17 =	rddreg [dreg:$0x8];
	[sflag:s20] =	ssyncadd.s32 $0xFFFFF800  }
0xff: {  	[tilespmem:s19], [sflag:$0x2] =	stream.linear.gather [spmem:s17], $0x800, $0x38;
	[tilespmem:$0x6F80] =	vst v63  }
0x100: {  	_ =	swait.ge [sflag:s20], $0x800  }
0x101: {  	[sflag:s20] =	ssyncset.done $0x0  }
0x102: {  	s9 =	rddreg [dreg:$0xe];
	[sflag:s20] =	ssyncadd.s32 $0xFFFFF800  }
0x103: {  	[hbm4b:s9+s3] =	stream.linear.scatter [tilespmem:s19], [sflag:$0x2], $0x800, $0x38;
	[tilespmem:$0x6F80] =	vst v63  }
0x104: {  	_ =	swait.ge [sflag:s20], $0x800  }
0x105: {  	[sflag:s20] =	ssyncset.done $0x0  }
0x106: {  	s10 =	rddreg [dreg:$0x9];
	[sflag:s20] =	ssyncadd.s32 $0xFFFFF800  }
0x107: {  	[tilespmem:s19], [sflag:$0x2] =	stream.linear.gather [spmem:s10], $0x800, $0x38;
	[tilespmem:$0x6F80] =	vst v63  }
0x108: {  	_ =	swait.ge [sflag:s20], $0x800  }
0x109: {  	[sflag:s20] =	ssyncset.done $0x0  }
0x10a: {  	s17 =	rddreg [dreg:$0xf];
	[sflag:s20] =	ssyncadd.s32 $0xFFFFF800  }
0x10b: {  	[hbm4b:s17+s3] =	stream.linear.scatter [tilespmem:s19], [sflag:$0x2], $0x800, $0x38;
	[tilespmem:$0x6F80] =	vst v63  }
0x10c: {  	_ =	swait.ge [sflag:s20], $0x800  }
0x10d: {  	[sflag:s20] =	ssyncset.done $0x0  }
0x10e: {  	s9 =	rddreg [dreg:$0xa];
	[sflag:s20] =	ssyncadd.s32 $0xFFFFF800  }
0x10f: {  	[tilespmem:s19], [sflag:$0x2] =	stream.linear.gather [spmem:s9], $0x780, $0x38;
	[tilespmem:$0x6F80] =	vst v63  }
0x110: {  	_ =	swait.ge [sflag:s20], $0x780  }
0x111: {  	[sflag:s20] =	ssyncset.done $0x0  }
0x112: {  	s10 =	rddreg [dreg:$0x10];
	[sflag:s20] =	ssyncadd.s32 $0xFFFFF880  }
0x113: {  	[hbm4b:s10+s3] =	stream.linear.scatter [tilespmem:s19], [sflag:$0x2], $0x780, $0x38;
	[tilespmem:$0x6F80] =	vst v63  }
0x114: {  	_ =	swait.ge [sflag:s20], $0x780  }
0x115: {  	s7 =	sadd.s32 $0x1, s7;
	s17 =	rddreg [dreg:$0x11]  }
0x116: {  	p0 =	sne.s32 s7, s17  }
.Ltmp3:
0x117: {  	_ = 	snop;
	(pc) =	sbr.rel @p0 .LBB2_1-.Ltmp3, $3  }
0x118: {  	_ =	sdelay $0x1  }
0x119: {  	[sflag:s20] =	ssyncset.done $0x0  }
0x11a: {  	[sflag:s20] =	ssyncadd.s32 $0xFFFFF880  }
0x11b: {  	_ =	sfence.sel $0x180000  }
0x11c: {  	[bflag:$0x0] =	sbarrier.arrive $0xFFFF  }
0x11d: {  	_ =	strace $0x9000004D  }
0x11e: {  	s0 =	stileid.u32;
	[bflag:$0x2] =	sbarrier.arrive $0xFFFF  }
0x11f: {  	p0 =	sne.s32 s0, $0x0;
	s0 =	rddreg [dreg:$0x2]  }
0x120: {  	s0 =	sadd.s32 @!p0 $0x100000, s0  }
0x121: {  	[sflag:s0] =	ssyncadd.tile.s32 @!p0 $0x1;
	_ =	shalt  }
.Lfunc_end2:
_tile_overlayer_lowered:
.L_overlay_start_2:
0x122: {  	(tag) =	ssettag $0x2  }
0x123: {  	s0 =	rddreg [dreg:$0x0];
	s2 =	stileid.u32  }
0x124: {  	s1 =	rddreg [dreg:$0x1];
	p0 =	sne.s32 s2, $0x0  }
0x125: {  	s3 =	rddreg [dreg:$0x2];
	[bflag:$0x3] =	sbarrier.arrive $0xFFFF;
	s2 =	simm.s32 @!p0 $0x1C02  }
0x126: {  	[timem:s3], [sflag:s2] =	dma.local @!p0 [hbm:s0], s1  }
0x127: {  	s0 =	simm.s32 @!p0 $0x2  }
0x128: {  	_ =	swait.ge @!p0 [sflag:s0], s1  }
0x129: {  	s1 =	ssub.s32 @!p0 $0x0, s1;
	[sflag:s0] =	ssyncset.done @!p0 $0x0  }
0x12a: {  	[sflag:s0] =	ssyncadd.s32 @!p0 s1  }
0x12b: {  	[bflag:$0x3] =	sbarrier.arrive $0xFFFF  }
0x12c: {  	_ =	shalt  }

// kernel: kernel.8.cloned.1.call-start
scs
__scs_entry_jumppad:
0x0: {  	(pc) =	sbr.rel $0x88, $3  }
0x1: {  	(tag) =	ssettag $0x0;
	lr =	simm.s32 $0x1  }
0x2: {  	[smem:$0x3F95] =	sst lr;
	_ =	strace $0xD0000000  }
0x3: {  	_ = 	snop  }
0x4: {  	_ = 	snop  }
0x5: {  	_ = 	snop  }
0x6: {  	_ = 	snop  }
0x7: {  	_ = 	snop  }
__scs_overlays_trampoline_lowered:
0x8: {  	[smem:$0x3FA4] =	sst s0  }
0x9: {  	[smem:$0x3FA5] =	sst s1  }
0xa: {  	[smem:$0x3FA6] =	sst s2  }
0xb: {  	[smem:$0x3FA7] =	sst s3  }
0xc: {  	[smem:$0x3FA8] =	sst s4  }
0xd: {  	[smem:$0x3FA9] =	sst s5  }
0xe: {  	[smem:$0x3FAA] =	sst s6  }
0xf: {  	[smem:$0x3FAB] =	sst s7  }
0x10: {  	[smem:$0x3FAC] =	sst s8  }
0x11: {  	[smem:$0x3FAD] =	sst s9;
	s0 =	simm.s32 @!p0 $0x0  }
0x12: {  	s1 =	sld [smem:$0x3F93];
	s0 =	simm.s32 @p0 $0x1  }
0x13: {  	[smem:$0x3FAE] =	sst s0;
	s0 =	simm.s32 @!p1 $0x0  }
0x14: {  	s2 =	sld [smem:$0x3F92];
	s0 =	simm.s32 @p1 $0x1  }
0x15: {  	[smem:$0x3FAF] =	sst s0;
	s0 =	simm.s32 @!p2 $0x0  }
0x16: {  	s3 =	sld [smem:$0x3FDB];
	s0 =	simm.s32 @p2 $0x1  }
0x17: {  	s4 =	simm.s32 $0x1BF5;
	[smem:$0x3FB1] =	sst s0  }
0x18: {  	s0 =	sld [smem:$0x3F94];
	_ =	swait.ge [sflag:s4], $0x0  }
0x19: {  	s7 =	sld [smem:$0x3F95]  }
0x1a: {  	s8 =	sadd.s32 $0xFFFFE003, lr  }
0x1b: {  	s9 =	sadd.s32 $0xFFFFFEF7, lr;
	s5 =	simm.s32 $0xFFFFFFFF;
	p2 =	slt.u32 s8, $0xFFFFF086  }
0x1c: {  	p1 =	slt.u32 s9, $0xF7A;
	s5 =	simm.s32 @!p2 $0x0  }
0x1d: {  	s5 =	simm.s32 @p1 $0x1;
	p0 =	seq.s32 s7, s2  }
0x1e: {  	s7 =	smul.u32 @!p0 $0xF7A, s2;
	p2 =	seq.s32 @!p0 s5, $0x0  }
0x1f: {  	s9 =	smul.u32 $0xF7A, s1;
	s8 =	simm.s32 @!p0 $0x1BF5;
	p2 =	por !p2, p0  }
0x20: {  	[sflag:s8] =	ssyncset.s32 @!p0 $0xFFFFF086;
	s6 =	sadd.s32 @!p0 s3, s7;
	s7 =	simm.s32 @!p0 $0x108  }
0x21: {  	s3 =	sadd.s32 s3, s9;
	s6 =	sadd.s32 @!p0 $0x88, s6;
	s7 =	simm.s32 @p2 $0x1082  }
0x22: {  	[simem:s7], [sflag:s8] =	dma.local @!p0 [hbm:s6], $0xF7A  }
0x23: {  	s9 =	sor.u32 $0xD0000000, s2;
	s6 =	simm.s32 $0x108;
	_ =	swait.ge @!p0 [sflag:s8], $0x0  }
0x24: {  	s3 =	sadd.s32 $0x88, s3;
	s6 =	simm.s32 @!p1 $0x1082;
	[sflag:s4] =	ssyncset.s32 $0xFFFFF086  }
0x25: {  	[simem:s6], [sflag:s4] =	dma.local [hbm:s3], $0xF7A  }
0x26: {  	[smem:$0x3F95] =	sst s1;
	(tag) =	ssettag s2;
	_ =	strace s9  }
0x27: {  	s1 =	sld [smem:$0x3FA5]  }
0x28: {  	s2 =	sld [smem:$0x3FA6]  }
0x29: {  	s4 =	sld [smem:$0x3FA8]  }
0x2a: {  	p0 =	seq.s32 s5, $0x0;
	s5 =	sld [smem:$0x3FA9]  }
0x2b: {  	s6 =	sld [smem:$0x3FAA]  }
0x2c: {  	s7 =	sld [smem:$0x3FAB]  }
0x2d: {  	s3 =	simm.s32 $0x108;
	s8 =	sld [smem:$0x3FAC]  }
0x2e: {  	s3 =	simm.s32 @!p0 $0x1082;
	s9 =	sld [smem:$0x3FAD]  }
0x2f: {  	lr =	sadd.s32 s0, s3;
	s0 =	sld [smem:$0x3FA4]  }
0x30: {  	s3 =	sld [smem:$0x3FA7]  }
0x31: {  	[smem:$0x3FB0] =	sst s10  }
0x32: {  	s10 =	sld [smem:$0x3FAE];
	_ =	sdelay $0x3  }
0x33: {  	p0 =	seq.s32 s10, $0x1;
	s10 =	sld [smem:$0x3FB0];
	_ =	sdelay $0x3  }
0x34: {  	[smem:$0x3FB0] =	sst s10  }
0x35: {  	s10 =	sld [smem:$0x3FAF];
	_ =	sdelay $0x3  }
0x36: {  	p1 =	seq.s32 s10, $0x1;
	s10 =	sld [smem:$0x3FB0];
	_ =	sdelay $0x3  }
0x37: {  	[smem:$0x3FB0] =	sst s10  }
0x38: {  	s10 =	sld [smem:$0x3FB1]  }
0x39: {  	_ = 	snop;
	(pc) =	sbr.ind lr, $3  }
0x3a: {  	_ = 	snop  }
0x3b: {  	_ = 	snop  }
0x3c: {  	p2 =	seq.s32 s10, $0x1;
	s10 =	sld [smem:$0x3FB0]  }
0x3d: {  	_ =	shalt  }
0x3e: {  	_ =	shalt  }
0x3f: {  	_ =	shalt  }
0x40: {  	_ =	shalt  }
0x41: {  	_ =	shalt  }
0x42: {  	_ =	shalt  }
0x43: {  	_ =	shalt  }
0x44: {  	_ =	shalt  }
0x45: {  	_ =	shalt  }
0x46: {  	_ =	shalt  }
0x47: {  	_ =	shalt  }
0x48: {  	_ =	shalt  }
0x49: {  	_ =	shalt  }
0x4a: {  	_ =	shalt  }
0x4b: {  	_ =	shalt  }
0x4c: {  	_ =	shalt  }
0x4d: {  	_ =	shalt  }
0x4e: {  	_ =	shalt  }
0x4f: {  	_ =	shalt  }
0x50: {  	_ =	shalt  }
0x51: {  	_ =	shalt  }
0x52: {  	_ =	shalt  }
0x53: {  	_ =	shalt  }
0x54: {  	_ =	shalt  }
0x55: {  	_ =	shalt  }
0x56: {  	_ =	shalt  }
0x57: {  	_ =	shalt  }
0x58: {  	_ =	shalt  }
0x59: {  	_ =	shalt  }
0x5a: {  	_ =	shalt  }
0x5b: {  	_ =	shalt  }
0x5c: {  	_ =	shalt  }
0x5d: {  	_ =	shalt  }
0x5e: {  	_ =	shalt  }
0x5f: {  	_ =	shalt  }
0x60: {  	_ =	shalt  }
0x61: {  	_ =	shalt  }
0x62: {  	_ =	shalt  }
0x63: {  	_ =	shalt  }
0x64: {  	_ =	shalt  }
0x65: {  	_ =	shalt  }
0x66: {  	_ =	shalt  }
0x67: {  	_ =	shalt  }
0x68: {  	_ =	shalt  }
0x69: {  	_ =	shalt  }
0x6a: {  	_ =	shalt  }
0x6b: {  	_ =	shalt  }
0x6c: {  	_ =	shalt  }
0x6d: {  	_ =	shalt  }
0x6e: {  	_ =	shalt  }
0x6f: {  	_ =	shalt  }
0x70: {  	_ =	shalt  }
0x71: {  	_ =	shalt  }
0x72: {  	_ =	shalt  }
0x73: {  	_ =	shalt  }
0x74: {  	_ =	shalt  }
0x75: {  	_ =	shalt  }
0x76: {  	_ =	shalt  }
0x77: {  	_ =	shalt  }
0x78: {  	_ =	shalt  }
0x79: {  	_ =	shalt  }
0x7a: {  	_ =	shalt  }
0x7b: {  	_ =	shalt  }
0x7c: {  	_ =	shalt  }
0x7d: {  	_ =	shalt  }
0x7e: {  	_ =	shalt  }
0x7f: {  	_ =	shalt  }
0x80: {  	_ =	shalt  }
0x81: {  	_ =	shalt  }
0x82: {  	_ =	shalt  }
0x83: {  	_ =	shalt  }
0x84: {  	_ =	shalt  }
0x85: {  	_ =	shalt  }
0x86: {  	_ =	shalt  }
0x87: {  	_ =	shalt  }
.Lfunc_end0:
.L_simem_size_0:
called_computation_lowered:
.L_overlay_start_0:
0x88: {  	s2 =	sld [smem:$0x3FD9]  }
0x89: {  	s3 =	sld [smem:$0x3FFE];
	_ =	sdelay $0x1  }
0x8a: {  	s1 =	srdreg.scid  }
0x8b: {  	s0 =	sand.u32 $0x1, s1  }
0x8c: {  	s16 =	sshll.u32 s0, $0xA;
	s2 =	sadd.s32 s3, s2  }
0x8d: {  	s2 =	sadd.s32 s2, s16  }
0x8e: {  	[smem:$0x3FBC] =	sst s2  }
0x8f: {  	_ = 	snop  }
0x90: {  	(tm) =	ssettm $0x1  }
0x91: {  	s17 =	sld [smem:$0x3FFB];
	_ =	sdelay $0x3  }
0x92: {  	_ =	strace s17  }
0x93: {  	s2 =	sld [smem:$0x3FFC];
	_ =	sdelay $0x3  }
0x94: {  	_ =	strace s2  }
0x95: {  	s2 =	sld [smem:$0x3FFD];
	_ =	sdelay $0x3  }
0x96: {  	_ =	strace s2  }
0x97: {  	_ =	strace $0x8FFFFFFF  }
0x98: {  	s18 =	sld [smem:$0x3FDB];
	_ =	sdelay $0x1  }
0x99: {  	s19 =	simm.s32 $_scs_section_size  }
0x9a: {  	s4 =	simm.s32 $_size__tile_overlayer_lowered;
	s5 =	simm.s32 $_tile_overlayer_lowered  }
0x9b: {  	s22 =	simm.s32 $0x1BFF;
	s21 =	sshll.u32 s5, $0x1;
	s2 =	sadd.s32 s19, s18  }
0x9c: {  	s6 =	simm.s32 $0x0;
	s20 =	sshll.u32 s4, $0x1;
	s4 =	sadd.s32 s21, s2  }
0x9d: {  	[timem:s6], [sflag:s22] =	dma.local [hbm:s4], s20  }
0x9e: {  	_ =	swait.ge [sflag:s22], s20  }
0x9f: {  	s3 =	ssub.s32 $0x0, s20;
	[sflag:s22] =	ssyncset.done $0x0  }
0xa0: {  	[sflag:s22] =	ssyncadd.s32 s3;
	_ =	sdelay $0x1  }
0xa1: {  	s23 =	simm.s32 $0x1B8B  }
0xa2: {  	_ =	swait.ge [sflag:s23], $0x1  }
0xa3: {  	[sflag:s23] =	ssyncset.done $0x0  }
0xa4: {  	s25 =	simm.s32 $0x1B8E;
	s24 =	sld [smem:$0x3FFE];
	[sflag:s23] =	ssyncadd.s32 $0xFFFFFFFF  }
0xa5: {  	s26 =	simm.s32 $execute0_lowered;
	[smem:$0x3FD2] =	sst s25  }
0xa6: {  	s4 =	sshll.u32 s26, $0x1;
	_ =	strace $0x80000046;
	[dreg:$0x1] =	wrdreg $0xFFFFFFFF  }
0xa7: {  	s28 =	simm.s32 $_size_execute0_lowered;
	s2 =	sadd.s32 s2, s4;
	[dreg:$0x0] =	wrdreg $0x0  }
0xa8: {  	s4 =	sshll.u32 s28, $0x1;
	[dreg:$0x2] =	wrdreg s2  }
0xa9: {  	[dreg:$0x3] =	wrdreg s4  }
0xaa: {  	[dreg:$0x4] =	wrdreg $0xC0  }
0xab: {  	_ =	task [dreg:s6], $0x5FFFF  }
0xac: {  	[dreg:$0x1] =	wrdreg $0xFFFFFFFF  }
0xad: {  	[dreg:$0x0] =	wrdreg $0x60  }
0xae: {  	[dreg:$0x2] =	wrdreg s24  }
0xaf: {  	[dreg:$0x3] =	wrdreg $0x98000  }
0xb0: {  	[dreg:$0x4] =	wrdreg $0x9  }
0xb1: {  	_ =	task.clear_ibuf [dreg:s6], $0x5FFFF;
	_ =	strace $0x90000046  }
0xb2: {  	s29 =	simm.s32 $0x9;
	_ =	strace $0x80000048  }
0xb3: {  	_ =	swait.ge [sflag:s29], $0x1  }
0xb4: {  	[sflag:s29] =	ssyncadd.s32 $0xFFFFFFFF  }
0xb5: {  	_ =	strace $0x90000048  }
0xb6: {  	_ =	sfence  }
0xb7: {  	s30 =	sld [smem:$0x0];
	_ =	sdelay $0x2  }
0xb8: {  	s31 =	sshll.u32 s1, $0xD;
	s1 =	sshrl.u32 s1, $0x2  }
0xb9: {  	s3 =	sand.u32 $0x4000, s31;
	s1 =	sadd.s32 s1, s30  }
0xba: {  	s0 =	sor.u32 s3, s0;
	s1 =	sshll.u32 s1, $0x11  }
0xbb: {  	s0 =	sor.u32 s1, s0  }
0xbc: {  	s0 =	sadd.s32 $0x8F2B, s0  }
0xbd: {  	[sflag:s0] =	ssyncadd.remote.s32 $0x1  }
0xbe: {  	_ =	sfence.sel $0xFFFF  }
0xbf: {  	[dreg:$0x0] =	wrdreg $0xFFFFFFFF;
	(pc) =	sbr.abs _section_cstart, $3  }
0xc0: {  	[dreg:$0x1] =	wrdreg $0xFFFFFFFF  }
0xc1: {  	_ =	task.clear_ibuf [dreg:s6], $0x2FFFF;
	_ =	strace $0x9FFFFFFF  }
0xc2: {  	(tm) =	ssettm $0x7FFFFFFF  }
0xc3: {  	_ =	shalt  }
tec
execute0_lowered:
.L_overlay_start_1:
0x0: {  	(tag) =	ssettag $0x1  }
0x1: {  	s0 =	rddreg [dreg:$0x0]  }
0x2: {  	s2 =	rddreg [dreg:$0x1]  }
0x3: {  	s7 =	stileid.u32;
	s1 =	srdreg.scid;
	s3 =	simm.s32 $0x0  }
0x4: {  	s10 =	simm.s32 $0xF;
	s28 =	simm.s32 $0x180;
	s29 =	simm.s32 $0x500  }
0x5: {  	s30 =	simm.s32 $0x580;
	s31 =	simm.s32 $0x200;
	s4 =	smul.u32 $0x5, s7  }
0x6: {  	s15 =	simm.s32 $0x780;
	s16 =	simm.s32 $0x0;
	s5 =	smul.u32 $0xF, s7  }
0x7: {  	s1 =	sand.u32 $0x1, s1;
	[smem:$0x7FF] =	sst s3;
	s7 =	smul.u32 $0x16380, s7  }
0x8: {  	p0 =	seq.s32 s1, $0x0;
	_ =	strace $0x80000047;
	s18 =	ssub.s32 $0x2, s1  }
0x9: {  	s1 =	smul.u32 $0x163800, s1;
	s6 =	sadd.s32 $0xF0, s4;
	s4 =	sadd.s32 $0x2800, s0  }
0xa: {  	s8 =	sshrl.u32 s18, $0x1;
	s11 =	sadd.s32 $0x4800, s7;
	s12 =	sadd.s32 $0x9000, s7  }
0xb: {  	s13 =	sadd.s32 $0xD800, s7;
	s14 =	sadd.s32 $0x12000, s7;
	s10 =	simm.s32 @!p0 $0x5  }
0xc: {  	s6 =	smov.u32 @p0 s5;
	s19 =	sadd.s32 s11, s2;
	s20 =	sadd.s32 s12, s2  }
0xd: {  	s21 =	sadd.s32 s13, s2;
	s9 =	sadd.s32 s14, s2;
	s11 =	sadd.s32 s1, s11  }
0xe: {  	s23 =	sadd.s32 s1, s12;
	s24 =	sadd.s32 s1, s13;
	s12 =	simm.s32 $0x300  }
0xf: {  	s13 =	simm.s32 $0x380;
	s5 =	sshll.u32 s6, $0x7;
	[dreg:$0x3] =	wrdreg s19  }
0x10: {  	s6 =	ssub.s32 s18, s8;
	s18 =	sadd.s32 s7, s2;
	[dreg:$0x4] =	wrdreg s20  }
0x11: {  	[dreg:$0x5] =	wrdreg s21;
	s7 =	sadd.s32 s7, s1;
	s22 =	sshrl.u32 s11, $0x3  }
0x12: {  	s11 =	sshrl.u32 s24, $0x3;
	s1 =	sadd.s32 s1, s14;
	s19 =	simm.s32 $0x800  }
0x13: {  	s20 =	simm.s32 $0x2;
	s21 =	simm.s32 $0x400;
	s24 =	simm.s32 $0x1  }
0x14: {  	s14 =	simm.s32 $0x700;
	s5 =	sadd.s32 s5, s0;
	s0 =	sadd.s32 $0x56800, s0  }
0x15: {  	s7 =	sshrl.u32 s7, $0x3;
	s1 =	sshrl.u32 s1, $0x3;
	s26 =	smax.u32 s6, $0x1  }
0x16: {  	s7 =	sadd.s32 s0, s7;
	s25 =	sadd.s32 s0, s11;
	[dreg:$0xb] =	wrdreg s26  }
0x17: {  	s6 =	sadd.s32 $0x42800, s5;
	s26 =	simm.s32 $0x100;
	[dreg:$0x6] =	wrdreg s7  }
0x18: {  	s11 =	simm.s32 $0x680;
	s7 =	sadd.s32 s0, s22;
	[dreg:$0x9] =	wrdreg s25  }
0x19: {  	s22 =	simm.s32 $0x80;
	[dreg:$0x7] =	wrdreg s7;
	s7 =	sshrl.u32 s23, $0x3  }
0x1a: {  	s25 =	simm.s32 $0x480;
	s23 =	simm.s32 $0x5000;
	s7 =	sadd.s32 s0, s7  }
0x1b: {  	s0 =	sadd.s32 s0, s1;
	s1 =	simm.s32 $0x600;
	[dreg:$0x8] =	wrdreg s7  }
0x1c: {  	v0 =	vimm.f32 $0.0e+00;
	[dreg:$0xa] =	wrdreg s0;
	s7 =	sadd.s32 $0x4C800, s5;
	s0 =	simm.s32 $0x280  }
.LBB2_1:
0x1d: {  	s5 =	simm.s32 $0x0;
	s17 =	simm.s32 $0x240  }
.LBB2_2:
0x1e: {  	p0 =	sne.s32 s17, $0x11DC0;
	[tilespmem:s5+$0x880] =	vst v0  }
0x1f: {  	[tilespmem:s5+$0x800] =	vst v0  }
0x20: {  	[tilespmem:s5+$0x810] =	vst v0  }
0x21: {  	[tilespmem:s5+$0x820] =	vst v0  }
.Ltmp0:
0x22: {  	[tilespmem:s5+$0x830] =	vst v0;
	(pc) =	sbr.rel @p0 .LBB2_2-.Ltmp0, $4  }
0x23: {  	[tilespmem:s5+$0x840] =	vst v0  }
0x24: {  	[tilespmem:s5+$0x850] =	vst v0  }
0x25: {  	[tilespmem:s5+$0x860] =	vst v0  }
0x26: {  	[tilespmem:s5+$0x870] =	vst v0;
	s5 =	sshra.s32 s17, $0x2;
	s17 =	sadd.s32 $0x240, s17  }
0x27: {  	[tilespmem:s5+$0x880] =	vst v0  }
0x28: {  	[tilespmem:s5+$0x800] =	vst v0  }
0x29: {  	[tilespmem:s5+$0x810] =	vst v0  }
0x2a: {  	[tilespmem:s5+$0x820] =	vst v0  }
0x2b: {  	[tilespmem:s5+$0x830] =	vst v0  }
0x2c: {  	[tilespmem:s5+$0x840] =	vst v0  }
0x2d: {  	[tilespmem:s5+$0x850] =	vst v0  }
0x2e: {  	[tilespmem:s5+$0x860] =	vst v0  }
0x2f: {  	[tilespmem:s5+$0x870] =	vst v0  }
0x30: {  	[spmem:s18] =	stream.linear.scatter [tilespmem:s19], [sflag:$0x2], $0x4800, $0x38;
	[tilespmem:$0x1FB80] =	vst v63  }
0x31: {  	_ =	swait.ge [sflag:s20], $0x4800  }
0x32: {  	[sflag:s20] =	ssyncset.done $0x0  }
0x33: {  	s8 =	smov.u32 s18;
	s18 =	rddreg [dreg:$0x3];
	[sflag:s20] =	ssyncadd.s32 $0xFFFFB800  }
0x34: {  	[spmem:s18] =	stream.linear.scatter [tilespmem:s19], [sflag:$0x2], $0x4800, $0x38;
	[tilespmem:$0x1FB80] =	vst v63  }
0x35: {  	_ =	swait.ge [sflag:s20], $0x4800  }
0x36: {  	[sflag:s20] =	ssyncset.done $0x0  }
0x37: {  	s17 =	rddreg [dreg:$0x4];
	[sflag:s20] =	ssyncadd.s32 $0xFFFFB800  }
0x38: {  	[spmem:s17] =	stream.linear.scatter [tilespmem:s19], [sflag:$0x2], $0x4800, $0x38;
	[tilespmem:$0x1FB80] =	vst v63  }
0x39: {  	_ =	swait.ge [sflag:s20], $0x4800  }
0x3a: {  	[sflag:s20] =	ssyncset.done $0x0  }
0x3b: {  	s18 =	rddreg [dreg:$0x5];
	[sflag:s20] =	ssyncadd.s32 $0xFFFFB800  }
0x3c: {  	[spmem:s18] =	stream.linear.scatter [tilespmem:s19], [sflag:$0x2], $0x4800, $0x38;
	[tilespmem:$0x1FB80] =	vst v63  }
0x3d: {  	_ =	swait.ge [sflag:s20], $0x4800  }
0x3e: {  	[sflag:s20] =	ssyncset.done $0x0  }
0x3f: {  	[sflag:s20] =	ssyncadd.s32 $0xFFFFB800  }
0x40: {  	[spmem:s9] =	stream.linear.scatter [tilespmem:s19], [sflag:$0x2], $0x4380, $0x38;
	[tilespmem:$0x1FB80] =	vst v63  }
0x41: {  	_ =	swait.ge [sflag:s20], $0x4380  }
0x42: {  	[sflag:s20] =	ssyncset.done $0x0  }
0x43: {  	[sflag:s20] =	ssyncadd.s32 $0xFFFFBC80  }
0x44: {  	[bflag:$0x0] =	sbarrier.arrive $0xFFFF  }
0x45: {  	[tilespmem:s3], [sflag:$0x2] =	stream.linear.gather [hbm4b:s7+s3], $0x400, $0x38;
	[tilespmem:$0x1FB80] =	vst v63  }
0x46: {  	_ =	swait.ge [sflag:s20], $0x400  }
0x47: {  	[sflag:s20] =	ssyncset.done $0x0  }
0x48: {  	[sflag:s20] =	ssyncadd.s32 $0xFFFFFC00  }
0x49: {  	[tilespmem:s21], [sflag:$0x2] =	stream.linear.gather [hbm4b:s6+s3], $0x400, $0x38;
	[tilespmem:$0x1FB80] =	vst v63  }
0x4a: {  	_ =	swait.ge [sflag:s20], $0x400  }
0x4b: {  	[sflag:s20] =	ssyncset.done $0x0  }
0x4c: {  	[sflag:s20] =	ssyncadd.s32 $0xFFFFFC00  }
0x4d: {  	[tilespmem:s19], [sflag:$0x1] =	stream.indirect.gather [hbm4b:s4+s22], $0x90, s3, s22, $0xb8;
	[tilespmem:$0x1FB80] =	vst v63  }
0x4e: {  	_ = 	snop  }
0x4f: {  	[tilespmem:s23], [sflag:$0x1] =	stream.indirect.gather [hbm4b:s4+s22], $0x90, s22, s22, $0xb8;
	[tilespmem:$0x1FB80] =	vst v63  }
0x50: {  	_ =	swait.ge [sflag:s24], $0x4800  }
0x51: {  	[sflag:s24] =	ssyncset.done $0x0  }
0x52: {  	[sflag:s24] =	ssyncadd.s32 $0xFFFFB800  }
0x53: {  	_ =	swait.ge [sflag:s24], $0x4800  }
0x54: {  	[sflag:s24] =	ssyncset.done $0x0  }
0x55: {  	[sflag:s24] =	ssyncadd.s32 $0xFFFFB800  }
0x56: {  	[spmem:s2] =	stream.indirect.scatter.add.f32 [tilespmem:s19], [sflag:$0x1], $0x90, s21, s22, $0xb8;
	[tilespmem:$0x1FB80] =	vst v63  }
0x57: {  	_ = 	snop  }
0x58: {  	[spmem:s2] =	stream.indirect.scatter.add.f32 [tilespmem:s23], [sflag:$0x1], $0x90, s25, s22, $0xb8;
	[tilespmem:$0x1FB80] =	vst v63  }
0x59: {  	_ =	swait.ge [sflag:s24], $0x4800  }
0x5a: {  	[sflag:s24] =	ssyncset.done $0x0  }
0x5b: {  	[sflag:s24] =	ssyncadd.s32 $0xFFFFB800  }
0x5c: {  	_ =	swait.ge [sflag:s24], $0x4800  }
0x5d: {  	[sflag:s24] =	ssyncset.done $0x0  }
0x5e: {  	[sflag:s24] =	ssyncadd.s32 $0xFFFFB800  }
0x5f: {  	[tilespmem:s19], [sflag:$0x1] =	stream.indirect.gather [hbm4b:s4+s22], $0x90, s26, s22, $0xb8;
	[tilespmem:$0x1FB80] =	vst v63  }
0x60: {  	_ = 	snop  }
0x61: {  	[tilespmem:s23], [sflag:$0x1] =	stream.indirect.gather [hbm4b:s4+s22], $0x90, s28, s22, $0xb8;
	[tilespmem:$0x1FB80] =	vst v63  }
0x62: {  	_ =	swait.ge [sflag:s24], $0x4800  }
0x63: {  	[sflag:s24] =	ssyncset.done $0x0  }
0x64: {  	[sflag:s24] =	ssyncadd.s32 $0xFFFFB800  }
0x65: {  	_ =	swait.ge [sflag:s24], $0x4800  }
0x66: {  	[sflag:s24] =	ssyncset.done $0x0  }
0x67: {  	[sflag:s24] =	ssyncadd.s32 $0xFFFFB800  }
0x68: {  	[spmem:s2] =	stream.indirect.scatter.add.f32 [tilespmem:s19], [sflag:$0x1], $0x90, s29, s22, $0xb8;
	[tilespmem:$0x1FB80] =	vst v63  }
0x69: {  	_ = 	snop  }
0x6a: {  	[spmem:s2] =	stream.indirect.scatter.add.f32 [tilespmem:s23], [sflag:$0x1], $0x90, s30, s22, $0xb8;
	[tilespmem:$0x1FB80] =	vst v63  }
0x6b: {  	_ =	swait.ge [sflag:s24], $0x4800  }
0x6c: {  	[sflag:s24] =	ssyncset.done $0x0  }
0x6d: {  	[sflag:s24] =	ssyncadd.s32 $0xFFFFB800  }
0x6e: {  	_ =	swait.ge [sflag:s24], $0x4800  }
0x6f: {  	[sflag:s24] =	ssyncset.done $0x0  }
0x70: {  	[sflag:s24] =	ssyncadd.s32 $0xFFFFB800  }
0x71: {  	[tilespmem:s19], [sflag:$0x1] =	stream.indirect.gather [hbm4b:s4+s22], $0x90, s31, s22, $0xb8;
	[tilespmem:$0x1FB80] =	vst v63  }
0x72: {  	_ = 	snop  }
0x73: {  	[tilespmem:s23], [sflag:$0x1] =	stream.indirect.gather [hbm4b:s4+s22], $0x90, s0, s22, $0xb8;
	[tilespmem:$0x1FB80] =	vst v63  }
0x74: {  	_ =	swait.ge [sflag:s24], $0x4800  }
0x75: {  	[sflag:s24] =	ssyncset.done $0x0  }
0x76: {  	[sflag:s24] =	ssyncadd.s32 $0xFFFFB800  }
0x77: {  	_ =	swait.ge [sflag:s24], $0x4800  }
0x78: {  	[sflag:s24] =	ssyncset.done $0x0  }
0x79: {  	[sflag:s24] =	ssyncadd.s32 $0xFFFFB800  }
0x7a: {  	[spmem:s2] =	stream.indirect.scatter.add.f32 [tilespmem:s19], [sflag:$0x1], $0x90, s1, s22, $0xb8;
	[tilespmem:$0x1FB80] =	vst v63  }
0x7b: {  	_ = 	snop  }
0x7c: {  	[spmem:s2] =	stream.indirect.scatter.add.f32 [tilespmem:s23], [sflag:$0x1], $0x90, s11, s22, $0xb8;
	[tilespmem:$0x1FB80] =	vst v63  }
0x7d: {  	_ =	swait.ge [sflag:s24], $0x4800  }
0x7e: {  	[sflag:s24] =	ssyncset.done $0x0  }
0x7f: {  	[sflag:s24] =	ssyncadd.s32 $0xFFFFB800  }
0x80: {  	_ =	swait.ge [sflag:s24], $0x4800  }
0x81: {  	[sflag:s24] =	ssyncset.done $0x0  }
0x82: {  	[sflag:s24] =	ssyncadd.s32 $0xFFFFB800  }
0x83: {  	[tilespmem:s19], [sflag:$0x1] =	stream.indirect.gather [hbm4b:s4+s22], $0x90, s12, s22, $0xb8;
	[tilespmem:$0x1FB80] =	vst v63  }
0x84: {  	_ = 	snop  }
0x85: {  	[tilespmem:s23], [sflag:$0x1] =	stream.indirect.gather [hbm4b:s4+s22], $0x90, s13, s22, $0xb8;
	[tilespmem:$0x1FB80] =	vst v63  }
0x86: {  	_ =	swait.ge [sflag:s24], $0x4800  }
0x87: {  	[sflag:s24] =	ssyncset.done $0x0  }
0x88: {  	[sflag:s24] =	ssyncadd.s32 $0xFFFFB800  }
0x89: {  	_ =	swait.ge [sflag:s24], $0x4800  }
0x8a: {  	[sflag:s24] =	ssyncset.done $0x0  }
0x8b: {  	[sflag:s24] =	ssyncadd.s32 $0xFFFFB800  }
0x8c: {  	[spmem:s2] =	stream.indirect.scatter.add.f32 [tilespmem:s19], [sflag:$0x1], $0x90, s14, s22, $0xb8;
	[tilespmem:$0x1FB80] =	vst v63  }
0x8d: {  	p0 =	sne.s32 s10, $0x1  }
0x8e: {  	[spmem:s2] =	stream.indirect.scatter.add.f32 [tilespmem:s23], [sflag:$0x1], $0x90, s15, s22, $0xb8;
	[tilespmem:$0x1FB80] =	vst v63  }
.Ltmp1:
0x8f: {  	_ =	swait.ge [sflag:s24], $0x4800;
	(pc) =	sbr.rel @!p0 .LBB2_5-.Ltmp1, $4  }
0x90: {  	[sflag:s24] =	ssyncset.done $0x0  }
0x91: {  	[sflag:s24] =	ssyncadd.s32 $0xFFFFB800  }
0x92: {  	s5 =	sadd.s32 $0xFFFFFFFF, s10;
	_ =	swait.ge [sflag:s24], $0x4800  }
0x93: {  	s17 =	smov.u32 s6;
	s18 =	smov.u32 s7;
	[sflag:s24] =	ssyncset.done $0x0  }
.LBB2_4:
0x94: {  	[sflag:s24] =	ssyncadd.s32 $0xFFFFB800;
	s17 =	sadd.s32 $0x80, s17;
	s18 =	sadd.s32 $0x80, s18  }
0x95: {  	[tilespmem:s3], [sflag:$0x2] =	stream.linear.gather [hbm4b:s18+s3], $0x400, $0x38;
	[tilespmem:$0x1FB80] =	vst v63  }
0x96: {  	p0 =	sne.s32 s5, $0x1;
	s5 =	sadd.s32 $0xFFFFFFFF, s5;
	_ =	swait.ge [sflag:s20], $0x400  }
0x97: {  	[sflag:s20] =	ssyncset.done $0x0  }
0x98: {  	[sflag:s20] =	ssyncadd.s32 $0xFFFFFC00  }
0x99: {  	[tilespmem:s21], [sflag:$0x2] =	stream.linear.gather [hbm4b:s17+s3], $0x400, $0x38;
	[tilespmem:$0x1FB80] =	vst v63  }
0x9a: {  	_ =	swait.ge [sflag:s20], $0x400  }
0x9b: {  	[sflag:s20] =	ssyncset.done $0x0  }
0x9c: {  	[sflag:s20] =	ssyncadd.s32 $0xFFFFFC00  }
0x9d: {  	[tilespmem:s19], [sflag:$0x1] =	stream.indirect.gather [hbm4b:s4+s22], $0x90, s3, s22, $0xb8;
	[tilespmem:$0x1FB80] =	vst v63  }
0x9e: {  	_ = 	snop  }
0x9f: {  	[tilespmem:s23], [sflag:$0x1] =	stream.indirect.gather [hbm4b:s4+s22], $0x90, s22, s22, $0xb8;
	[tilespmem:$0x1FB80] =	vst v63  }
0xa0: {  	_ =	swait.ge [sflag:s24], $0x4800  }
0xa1: {  	[sflag:s24] =	ssyncset.done $0x0  }
0xa2: {  	[sflag:s24] =	ssyncadd.s32 $0xFFFFB800  }
0xa3: {  	_ =	swait.ge [sflag:s24], $0x4800  }
0xa4: {  	[sflag:s24] =	ssyncset.done $0x0  }
0xa5: {  	[sflag:s24] =	ssyncadd.s32 $0xFFFFB800  }
0xa6: {  	[spmem:s2] =	stream.indirect.scatter.add.f32 [tilespmem:s19], [sflag:$0x1], $0x90, s21, s22, $0xb8;
	[tilespmem:$0x1FB80] =	vst v63  }
0xa7: {  	_ = 	snop  }
0xa8: {  	[spmem:s2] =	stream.indirect.scatter.add.f32 [tilespmem:s23], [sflag:$0x1], $0x90, s25, s22, $0xb8;
	[tilespmem:$0x1FB80] =	vst v63  }
0xa9: {  	_ =	swait.ge [sflag:s24], $0x4800  }
0xaa: {  	[sflag:s24] =	ssyncset.done $0x0  }
0xab: {  	[sflag:s24] =	ssyncadd.s32 $0xFFFFB800  }
0xac: {  	_ =	swait.ge [sflag:s24], $0x4800  }
0xad: {  	[sflag:s24] =	ssyncset.done $0x0  }
0xae: {  	[sflag:s24] =	ssyncadd.s32 $0xFFFFB800  }
0xaf: {  	[tilespmem:s19], [sflag:$0x1] =	stream.indirect.gather [hbm4b:s4+s22], $0x90, s26, s22, $0xb8;
	[tilespmem:$0x1FB80] =	vst v63  }
0xb0: {  	_ = 	snop  }
0xb1: {  	[tilespmem:s23], [sflag:$0x1] =	stream.indirect.gather [hbm4b:s4+s22], $0x90, s28, s22, $0xb8;
	[tilespmem:$0x1FB80] =	vst v63  }
0xb2: {  	_ =	swait.ge [sflag:s24], $0x4800  }
0xb3: {  	[sflag:s24] =	ssyncset.done $0x0  }
0xb4: {  	[sflag:s24] =	ssyncadd.s32 $0xFFFFB800  }
0xb5: {  	_ =	swait.ge [sflag:s24], $0x4800  }
0xb6: {  	[sflag:s24] =	ssyncset.done $0x0  }
0xb7: {  	[sflag:s24] =	ssyncadd.s32 $0xFFFFB800  }
0xb8: {  	[spmem:s2] =	stream.indirect.scatter.add.f32 [tilespmem:s19], [sflag:$0x1], $0x90, s29, s22, $0xb8;
	[tilespmem:$0x1FB80] =	vst v63  }
0xb9: {  	_ = 	snop  }
0xba: {  	[spmem:s2] =	stream.indirect.scatter.add.f32 [tilespmem:s23], [sflag:$0x1], $0x90, s30, s22, $0xb8;
	[tilespmem:$0x1FB80] =	vst v63  }
0xbb: {  	_ =	swait.ge [sflag:s24], $0x4800  }
0xbc: {  	[sflag:s24] =	ssyncset.done $0x0  }
0xbd: {  	[sflag:s24] =	ssyncadd.s32 $0xFFFFB800  }
0xbe: {  	_ =	swait.ge [sflag:s24], $0x4800  }
0xbf: {  	[sflag:s24] =	ssyncset.done $0x0  }
0xc0: {  	[sflag:s24] =	ssyncadd.s32 $0xFFFFB800  }
0xc1: {  	[tilespmem:s19], [sflag:$0x1] =	stream.indirect.gather [hbm4b:s4+s22], $0x90, s31, s22, $0xb8;
	[tilespmem:$0x1FB80] =	vst v63  }
0xc2: {  	_ = 	snop  }
0xc3: {  	[tilespmem:s23], [sflag:$0x1] =	stream.indirect.gather [hbm4b:s4+s22], $0x90, s0, s22, $0xb8;
	[tilespmem:$0x1FB80] =	vst v63  }
0xc4: {  	_ =	swait.ge [sflag:s24], $0x4800  }
0xc5: {  	[sflag:s24] =	ssyncset.done $0x0  }
0xc6: {  	[sflag:s24] =	ssyncadd.s32 $0xFFFFB800  }
0xc7: {  	_ =	swait.ge [sflag:s24], $0x4800  }
0xc8: {  	[sflag:s24] =	ssyncset.done $0x0  }
0xc9: {  	[sflag:s24] =	ssyncadd.s32 $0xFFFFB800  }
0xca: {  	[spmem:s2] =	stream.indirect.scatter.add.f32 [tilespmem:s19], [sflag:$0x1], $0x90, s1, s22, $0xb8;
	[tilespmem:$0x1FB80] =	vst v63  }
0xcb: {  	_ = 	snop  }
0xcc: {  	[spmem:s2] =	stream.indirect.scatter.add.f32 [tilespmem:s23], [sflag:$0x1], $0x90, s11, s22, $0xb8;
	[tilespmem:$0x1FB80] =	vst v63  }
0xcd: {  	_ =	swait.ge [sflag:s24], $0x4800  }
0xce: {  	[sflag:s24] =	ssyncset.done $0x0  }
0xcf: {  	[sflag:s24] =	ssyncadd.s32 $0xFFFFB800  }
0xd0: {  	_ =	swait.ge [sflag:s24], $0x4800  }
0xd1: {  	[sflag:s24] =	ssyncset.done $0x0  }
0xd2: {  	[sflag:s24] =	ssyncadd.s32 $0xFFFFB800  }
0xd3: {  	[tilespmem:s19], [sflag:$0x1] =	stream.indirect.gather [hbm4b:s4+s22], $0x90, s12, s22, $0xb8;
	[tilespmem:$0x1FB80] =	vst v63  }
0xd4: {  	_ = 	snop  }
0xd5: {  	[tilespmem:s23], [sflag:$0x1] =	stream.indirect.gather [hbm4b:s4+s22], $0x90, s13, s22, $0xb8;
	[tilespmem:$0x1FB80] =	vst v63  }
0xd6: {  	_ =	swait.ge [sflag:s24], $0x4800  }
0xd7: {  	[sflag:s24] =	ssyncset.done $0x0  }
0xd8: {  	[sflag:s24] =	ssyncadd.s32 $0xFFFFB800  }
0xd9: {  	_ =	swait.ge [sflag:s24], $0x4800  }
0xda: {  	[sflag:s24] =	ssyncset.done $0x0  }
0xdb: {  	[sflag:s24] =	ssyncadd.s32 $0xFFFFB800  }
0xdc: {  	[spmem:s2] =	stream.indirect.scatter.add.f32 [tilespmem:s19], [sflag:$0x1], $0x90, s14, s22, $0xb8;
	[tilespmem:$0x1FB80] =	vst v63  }
0xdd: {  	_ = 	snop  }
0xde: {  	[spmem:s2] =	stream.indirect.scatter.add.f32 [tilespmem:s23], [sflag:$0x1], $0x90, s15, s22, $0xb8;
	[tilespmem:$0x1FB80] =	vst v63  }
.Ltmp2:
0xdf: {  	_ =	swait.ge [sflag:s24], $0x4800;
	(pc) =	sbr.rel @p0 .LBB2_4-.Ltmp2, $4  }
0xe0: {  	[sflag:s24] =	ssyncset.done $0x0  }
0xe1: {  	[sflag:s24] =	ssyncadd.s32 $0xFFFFB800  }
0xe2: {  	_ =	swait.ge [sflag:s24], $0x4800  }
0xe3: {  	[sflag:s24] =	ssyncset.done $0x0  }
.LBB2_5:
0xe4: {  	[sflag:s24] =	ssyncadd.s32 $0xFFFFB800  }
0xe5: {  	[bflag:$0x0] =	sbarrier.arrive $0xFFFF  }
0xe6: {  	[tilespmem:s19], [sflag:$0x2] =	stream.linear.gather [spmem:s8], $0x4800, $0x38;
	[tilespmem:$0x1FB80] =	vst v63  }
0xe7: {  	_ =	swait.ge [sflag:s20], $0x4800  }
0xe8: {  	[sflag:s20] =	ssyncset.done $0x0  }
0xe9: {  	s5 =	rddreg [dreg:$0x6];
	[sflag:s20] =	ssyncadd.s32 $0xFFFFB800  }
0xea: {  	[hbm4b:s5+s3] =	stream.linear.scatter [tilespmem:s19], [sflag:$0x2], $0x4800, $0x38;
	[tilespmem:$0x1FB80] =	vst v63  }
0xeb: {  	_ =	swait.ge [sflag:s20], $0x4800  }
0xec: {  	[sflag:s20] =	ssyncset.done $0x0  }
0xed: {  	s18 =	smov.u32 s8;
	s8 =	rddreg [dreg:$0x3];
	[sflag:s20] =	ssyncadd.s32 $0xFFFFB800  }
0xee: {  	[tilespmem:s19], [sflag:$0x2] =	stream.linear.gather [spmem:s8], $0x4800, $0x38;
	[tilespmem:$0x1FB80] =	vst v63  }
0xef: {  	_ =	swait.ge [sflag:s20], $0x4800  }
0xf0: {  	[sflag:s20] =	ssyncset.done $0x0  }
0xf1: {  	s17 =	rddreg [dreg:$0x7];
	[sflag:s20] =	ssyncadd.s32 $0xFFFFB800  }
0xf2: {  	[hbm4b:s17+s3] =	stream.linear.scatter [tilespmem:s19], [sflag:$0x2], $0x4800, $0x38;
	[tilespmem:$0x1FB80] =	vst v63  }
0xf3: {  	_ =	swait.ge [sflag:s20], $0x4800  }
0xf4: {  	[sflag:s20] =	ssyncset.done $0x0  }
0xf5: {  	s8 =	rddreg [dreg:$0x4];
	[sflag:s20] =	ssyncadd.s32 $0xFFFFB800  }
0xf6: {  	[tilespmem:s19], [sflag:$0x2] =	stream.linear.gather [spmem:s8], $0x4800, $0x38;
	[tilespmem:$0x1FB80] =	vst v63  }
0xf7: {  	_ =	swait.ge [sflag:s20], $0x4800  }
0xf8: {  	[sflag:s20] =	ssyncset.done $0x0  }
0xf9: {  	s17 =	rddreg [dreg:$0x8];
	[sflag:s20] =	ssyncadd.s32 $0xFFFFB800  }
0xfa: {  	[hbm4b:s17+s3] =	stream.linear.scatter [tilespmem:s19], [sflag:$0x2], $0x4800, $0x38;
	[tilespmem:$0x1FB80] =	vst v63  }
0xfb: {  	_ =	swait.ge [sflag:s20], $0x4800  }
0xfc: {  	[sflag:s20] =	ssyncset.done $0x0  }
0xfd: {  	s8 =	rddreg [dreg:$0x5];
	[sflag:s20] =	ssyncadd.s32 $0xFFFFB800  }
0xfe: {  	[tilespmem:s19], [sflag:$0x2] =	stream.linear.gather [spmem:s8], $0x4800, $0x38;
	[tilespmem:$0x1FB80] =	vst v63  }
0xff: {  	_ =	swait.ge [sflag:s20], $0x4800  }
0x100: {  	[sflag:s20] =	ssyncset.done $0x0  }
0x101: {  	s17 =	rddreg [dreg:$0x9];
	[sflag:s20] =	ssyncadd.s32 $0xFFFFB800  }
0x102: {  	[hbm4b:s17+s3] =	stream.linear.scatter [tilespmem:s19], [sflag:$0x2], $0x4800, $0x38;
	[tilespmem:$0x1FB80] =	vst v63  }
0x103: {  	_ =	swait.ge [sflag:s20], $0x4800  }
0x104: {  	[sflag:s20] =	ssyncset.done $0x0  }
0x105: {  	[sflag:s20] =	ssyncadd.s32 $0xFFFFB800  }
0x106: {  	[tilespmem:s19], [sflag:$0x2] =	stream.linear.gather [spmem:s9], $0x4380, $0x38;
	[tilespmem:$0x1FB80] =	vst v63  }
0x107: {  	_ =	swait.ge [sflag:s20], $0x4380  }
0x108: {  	[sflag:s20] =	ssyncset.done $0x0  }
0x109: {  	s8 =	rddreg [dreg:$0xa];
	[sflag:s20] =	ssyncadd.s32 $0xFFFFBC80  }
0x10a: {  	[hbm4b:s8+s3] =	stream.linear.scatter [tilespmem:s19], [sflag:$0x2], $0x4380, $0x38;
	[tilespmem:$0x1FB80] =	vst v63  }
0x10b: {  	_ =	swait.ge [sflag:s20], $0x4380  }
0x10c: {  	s16 =	sadd.s32 $0x1, s16;
	s17 =	rddreg [dreg:$0xb]  }
0x10d: {  	p0 =	sne.s32 s16, s17  }
.Ltmp3:
0x10e: {  	_ = 	snop;
	(pc) =	sbr.rel @p0 .LBB2_1-.Ltmp3, $3  }
0x10f: {  	_ =	sdelay $0x1  }
0x110: {  	[sflag:s20] =	ssyncset.done $0x0  }
0x111: {  	[sflag:s20] =	ssyncadd.s32 $0xFFFFBC80  }
0x112: {  	_ =	sfence.sel $0x180000  }
0x113: {  	[bflag:$0x0] =	sbarrier.arrive $0xFFFF  }
0x114: {  	_ =	strace $0x90000047  }
0x115: {  	s0 =	stileid.u32;
	[bflag:$0x2] =	sbarrier.arrive $0xFFFF  }
0x116: {  	p0 =	sne.s32 s0, $0x0;
	s0 =	rddreg [dreg:$0x2]  }
0x117: {  	s0 =	sadd.s32 @!p0 $0x100000, s0  }
0x118: {  	[sflag:s0] =	ssyncadd.tile.s32 @!p0 $0x1;
	_ =	shalt  }
.Lfunc_end2:
_tile_overlayer_lowered:
.L_overlay_start_2:
0x119: {  	(tag) =	ssettag $0x2  }
0x11a: {  	s0 =	rddreg [dreg:$0x0];
	s2 =	stileid.u32  }
0x11b: {  	s1 =	rddreg [dreg:$0x1];
	p0 =	sne.s32 s2, $0x0  }
0x11c: {  	s3 =	rddreg [dreg:$0x2];
	[bflag:$0x3] =	sbarrier.arrive $0xFFFF;
	s2 =	simm.s32 @!p0 $0x1C02  }
0x11d: {  	[timem:s3], [sflag:s2] =	dma.local @!p0 [hbm:s0], s1  }
0x11e: {  	s0 =	simm.s32 @!p0 $0x2  }
0x11f: {  	_ =	swait.ge @!p0 [sflag:s0], s1  }
0x120: {  	s1 =	ssub.s32 @!p0 $0x0, s1;
	[sflag:s0] =	ssyncset.done @!p0 $0x0  }
0x121: {  	[sflag:s0] =	ssyncadd.s32 @!p0 s1  }
0x122: {  	[bflag:$0x3] =	sbarrier.arrive $0xFFFF  }
0x123: {  	_ =	shalt  }

</sc_bundles>
